<compile_context>
chip_gen: v7x
topology: tpu7x:2x2x1
jax: 0.10.2.dev20260603
libtpu: 0.0.44.dev20260713+nightly
codegen_flags: <defaults>
</compile_context>

<pallas_src>
import functools

import jax
import jax.numpy as jnp
from jax import lax
from jax.experimental import pallas as pl
from jax.experimental.pallas import tpu as pltpu
from jax.experimental.pallas import tpu_sc as plsc

N_NODES = 10000
N_PAD = 10240
NC = 2
NS = 16
NW = NC * NS
CH = 128
D = 64
STRIPE = N_PAD // NS
E = 320000
ECH = E // CH
RPT = ECH // NW
EXTRA = ECH - RPT * NW
NCH_MAX = RPT + 1

_mesh = plsc.VectorSubcoreMesh(
    core_axis_name="c", subcore_axis_name="s", num_cores=NC, num_subcores=NS
)

_sc_params = pltpu.CompilerParams(use_tc_tiling_on_sc=False)


def _worker(c, s):
    return c * NS + s


def _n_chunks(wid):
    return jnp.where(wid < EXTRA, RPT + 1, RPT)


def _load_my_indices(idx_hbm, idx_vmem, wid):
    pltpu.sync_copy(idx_hbm.at[pl.ds(wid * RPT, RPT)], idx_vmem.at[pl.ds(0, RPT)])

    @pl.when(wid < EXTRA)
    def _():
        pltpu.sync_copy(
            idx_hbm.at[pl.ds(NW * RPT + wid, 1)], idx_vmem.at[pl.ds(RPT, 1)]
        )


@functools.partial(
    pl.kernel,
    out_type=jax.ShapeDtypeStruct((NC, N_PAD), jnp.float32),
    mesh=_mesh,
    compiler_params=_sc_params,
    scratch_types=[
        pltpu.VMEM((NCH_MAX, 1, CH), jnp.int32),
        pltpu.VMEM((CH,), jnp.float32),
        pltpu.VMEM((STRIPE,), jnp.float32),
        pltpu.VMEM_SHARED((N_PAD,), jnp.float32),
        pltpu.SemaphoreType.DMA,
    ],
)
def _sc_degree(dst_hbm, out_hbm, didx, ones_v, zbuf, deg_sh, sem):
    c = lax.axis_index("c")
    s = lax.axis_index("s")
    wid = _worker(c, s)
    nch = _n_chunks(wid)

    def _fill(i, _):
        zbuf[pl.ds(i * 16, 16)] = jnp.zeros((16,), jnp.float32)
        return 0

    lax.fori_loop(0, STRIPE // 16, _fill, 0)
    for i in range(CH // 16):
        ones_v[pl.ds(i * 16, 16)] = jnp.ones((16,), jnp.float32)
    pltpu.sync_copy(zbuf, deg_sh.at[pl.ds(s * STRIPE, STRIPE)])
    _load_my_indices(dst_hbm, didx, wid)
    plsc.subcore_barrier()

    K = 8

    def _grp(g, _):
        for b in range(K):
            ci = g * K + b

            @pl.when(ci < nch)
            def _():
                pltpu.async_copy(ones_v, deg_sh.at[didx.at[ci, 0]], sem, add=True)

        for b in range(K):
            ci = g * K + b

            @pl.when(ci < nch)
            def _():
                pltpu.make_async_copy(ones_v, deg_sh.at[didx.at[ci, 0]], sem).wait()

        return 0

    lax.fori_loop(0, (NCH_MAX + K - 1) // K, _grp, 0)
    plsc.subcore_barrier()
    pltpu.sync_copy(
        deg_sh.at[pl.ds(s * STRIPE, STRIPE)],
        out_hbm.at[c, pl.ds(s * STRIPE, STRIPE)],
    )


MP_K = 6


@functools.partial(
    pl.kernel,
    out_type=jax.ShapeDtypeStruct((NC, N_PAD, D), jnp.float32),
    mesh=_mesh,
    compiler_params=_sc_params,
    scratch_types=[
        pltpu.VMEM((NCH_MAX, CH), jnp.int32),
        pltpu.VMEM((NCH_MAX, 1, CH), jnp.int32),
        *[pltpu.VMEM((CH, D), jnp.float32) for _ in range(MP_K)],
        pltpu.VMEM((STRIPE // 4, D), jnp.float32),
        pltpu.VMEM_SHARED((N_PAD, D), jnp.float32),
        *[pltpu.SemaphoreType.DMA for _ in range(MP_K)],
    ],
)
def _sc_mp(src_hbm, dst_hbm, feat_hbm, out_hbm, sidx, didx, *rest):
    rows = rest[:MP_K]
    zbuf = rest[MP_K]
    acc_sh = rest[MP_K + 1]
    sems = rest[MP_K + 2 :]
    c = lax.axis_index("c")
    s = lax.axis_index("s")
    wid = _worker(c, s)
    nch = _n_chunks(wid)

    def _fill(i, _):
        for f in range(D // 16):
            zbuf[i, pl.ds(f * 16, 16)] = jnp.zeros((16,), jnp.float32)
        return 0

    lax.fori_loop(0, STRIPE // 4, _fill, 0)
    for t in range(4):
        pltpu.sync_copy(
            zbuf, acc_sh.at[pl.ds(s * STRIPE + t * (STRIPE // 4), STRIPE // 4)]
        )
    _load_my_indices(src_hbm, sidx, wid)
    _load_my_indices(dst_hbm, didx, wid)
    plsc.subcore_barrier()

    for b in range(MP_K):
        pltpu.async_copy(feat_hbm.at[sidx.at[b]], rows[b], sems[b])

    def _grp(g, _):
        for b in range(MP_K):
            ci = g * MP_K + b

            @pl.when(ci < nch)
            def _():
                pltpu.make_async_copy(feat_hbm.at[sidx.at[ci]], rows[b], sems[b]).wait()
                pltpu.sync_copy(rows[b], acc_sh.at[didx.at[ci, 0]], add=True)

                @pl.when(ci + MP_K < nch)
                def _():
                    pltpu.async_copy(feat_hbm.at[sidx.at[ci + MP_K]], rows[b], sems[b])

        return 0

    lax.fori_loop(0, (NCH_MAX + MP_K - 1) // MP_K, _grp, 0)
    plsc.subcore_barrier()
    pltpu.sync_copy(
        acc_sh.at[pl.ds(s * STRIPE, STRIPE)],
        out_hbm.at[c, pl.ds(s * STRIPE, STRIPE)],
    )


DC_K = 4


@functools.partial(
    pl.kernel,
    out_type=jax.ShapeDtypeStruct((ECH, CH), jnp.float32),
    mesh=_mesh,
    compiler_params=pltpu.CompilerParams(
        use_tc_tiling_on_sc=False, needs_layout_passes=False
    ),
    scratch_types=[
        pltpu.VMEM((NCH_MAX, CH), jnp.int32),
        pltpu.VMEM((NCH_MAX, CH), jnp.int32),
        *[pltpu.VMEM((CH, D // 2), jnp.int32) for _ in range(2 * DC_K)],
        pltpu.VMEM((NCH_MAX, CH), jnp.float32),
        *[pltpu.SemaphoreType.DMA for _ in range(2 * DC_K)],
    ],
)
def _sc_decode(src_hbm, dst_hbm, z_hbm, out_hbm, sidx, didx, *rest):
    rows_s = rest[:DC_K]
    rows_d = rest[DC_K : 2 * DC_K]
    lbuf = rest[2 * DC_K]
    sem_s = rest[2 * DC_K + 1 : 2 * DC_K + 1 + DC_K]
    sem_d = rest[2 * DC_K + 1 + DC_K :]
    c = lax.axis_index("c")
    s = lax.axis_index("s")
    wid = _worker(c, s)
    nch = _n_chunks(wid)
    lane = lax.iota(jnp.int32, 16)

    _load_my_indices(src_hbm, sidx, wid)
    _load_my_indices(dst_hbm, didx, wid)

    for b in range(DC_K):
        pltpu.async_copy(z_hbm.at[sidx.at[b]], rows_s[b], sem_s[b])
        pltpu.async_copy(z_hbm.at[didx.at[b]], rows_d[b], sem_d[b])

    def _grp(g, _):
        for b in range(DC_K):
            ci = g * DC_K + b

            @pl.when(ci < nch)
            def _():
                pltpu.make_async_copy(z_hbm.at[sidx.at[ci]], rows_s[b], sem_s[b]).wait()
                pltpu.make_async_copy(z_hbm.at[didx.at[ci]], rows_d[b], sem_d[b]).wait()

                def _group16(gi, _):
                    rowi = gi * 16 + lane
                    zero = jnp.zeros((16,), jnp.float32)

                    @plsc.parallel_loop(0, D // 2, 1, unroll=4, carry=(zero, zero))
                    def _facc(w0, carry):
                        a0, a1 = carry
                        c0 = (lane + w0) & (D // 2 - 1)
                        sw = plsc.load_gather(rows_s[b], [rowi, c0])
                        dw = plsc.load_gather(rows_d[b], [rowi, c0])
                        se, so = plsc.unpack(plsc.bitcast(sw, jnp.bfloat16), format=plsc.PackFormat.INTERLEAVED)
                        de, do_ = plsc.unpack(plsc.bitcast(dw, jnp.bfloat16), format=plsc.PackFormat.INTERLEAVED)
                        a0 = a0 + se * de
                        a1 = a1 + so * do_
                        return a0, a1

                    a0, a1 = _facc
                    lbuf[ci, pl.ds(gi * 16, 16)] = a0 + a1
                    return 0

                lax.fori_loop(0, CH // 16, _group16, 0)

                @pl.when(ci + DC_K < nch)
                def _():
                    pltpu.async_copy(z_hbm.at[sidx.at[ci + DC_K]], rows_s[b], sem_s[b])
                    pltpu.async_copy(z_hbm.at[didx.at[ci + DC_K]], rows_d[b], sem_d[b])

        return 0

    lax.fori_loop(0, (NCH_MAX + DC_K - 1) // DC_K, _grp, 0)
    pltpu.sync_copy(lbuf.at[pl.ds(0, RPT)], out_hbm.at[pl.ds(wid * RPT, RPT)])

    @pl.when(wid < EXTRA)
    def _():
        pltpu.sync_copy(lbuf.at[pl.ds(RPT, 1)], out_hbm.at[pl.ds(NW * RPT + wid, 1)])


def _tc_xw_body(x_ref, w1_ref, parts_ref, xw_ref, xws_ref, dinv_ref):
    deg = parts_ref[0:1, :] + parts_ref[1:2, :] + 1.0
    dinv_col = jnp.reshape(lax.rsqrt(deg), (N_PAD, 1))[:N_NODES]
    dinv_ref[...] = dinv_col
    xw = jnp.dot(x_ref[...], w1_ref[...], preferred_element_type=jnp.float32)
    xw_ref[...] = xw
    xws_ref[...] = xw * dinv_col


def _tc_layer2_body(acc_ref, xw_ref, dinv_ref, b1_ref, w2_ref, hw_ref, hws_ref):
    accs = acc_ref[0, :N_NODES, :] + acc_ref[1, :N_NODES, :]
    dinv = dinv_ref[...]
    h = jnp.maximum((accs + dinv * xw_ref[...]) * dinv + b1_ref[...], 0.0)
    hw = jnp.dot(h, w2_ref[...], preferred_element_type=jnp.float32)
    hw_ref[...] = hw
    hws_ref[...] = hw * dinv


def _tc_z_body(acc_ref, hw_ref, dinv_ref, b2_ref, z_ref):
    accs = acc_ref[0, :N_NODES, :] + acc_ref[1, :N_NODES, :]
    dinv = dinv_ref[...]
    z = (accs + dinv * hw_ref[...]) * dinv + b2_ref[...]
    z_ref[...] = z.astype(jnp.bfloat16)


@jax.jit
def kernel(x, edge_index, W1, b1, W2, b2):
    n = x.shape[0]
    src = edge_index[0].astype(jnp.int32)
    dst = edge_index[1].astype(jnp.int32)
    src2 = src.reshape(ECH, CH)
    dst3 = dst.reshape(ECH, 1, CH)
    dst2 = dst.reshape(ECH, CH)

    deg_parts = _sc_degree(dst3)

    xw, xws, dinv_col = pl.pallas_call(
        _tc_xw_body,
        out_shape=(
            jax.ShapeDtypeStruct((n, D), jnp.float32),
            jax.ShapeDtypeStruct((n, D), jnp.float32),
            jax.ShapeDtypeStruct((n, 1), jnp.float32),
        ),
    )(x, W1, deg_parts)

    acc1 = _sc_mp(src2, dst3, xws)

    hw, hws = pl.pallas_call(
        _tc_layer2_body,
        out_shape=(
            jax.ShapeDtypeStruct((n, D), jnp.float32),
            jax.ShapeDtypeStruct((n, D), jnp.float32),
        ),
    )(acc1, xw, dinv_col, b1, W2)

    acc2 = _sc_mp(src2, dst3, hws)

    z = pl.pallas_call(
        _tc_z_body,
        out_shape=jax.ShapeDtypeStruct((n, D), jnp.bfloat16),
    )(acc2, hw, dinv_col, b2)
    z32 = jax.lax.bitcast_convert_type(z.reshape(n, D // 2, 2), jnp.int32)

    logits = _sc_decode(src2, dst2, z32)
    return logits.reshape(E)

# --- scband reference (transcript-rebuilt; emitter-appended) ---
"""Pipeline reference for scband-gcnmodel-18047452577825 (READ-ONLY COPY).

The authoritative reference and input builder live on the scoring server;
editing this copy changes nothing except your own understanding.
"""

import jax, jax.numpy as jnp
import numpy as np

N_NODES = 10000


def gcn_conv(x, edge_index, W, b, n_nodes):
    # PyG-style GCNConv: add self-loops, symmetric normalization D^-1/2 (A+I) D^-1/2 x W + b
    src = edge_index[0]
    dst = edge_index[1]
    loop = jnp.arange(n_nodes, dtype=src.dtype)
    src2 = jnp.concatenate([src, loop])
    dst2 = jnp.concatenate([dst, loop])
    deg = jnp.zeros((n_nodes,), dtype=x.dtype).at[dst2].add(1.0)
    dinv = jnp.where(deg > 0, 1.0 / jnp.sqrt(deg), 0.0)
    norm = dinv[src2] * dinv[dst2]
    xw = x @ W
    msg = xw[src2] * norm[:, None]
    out = jnp.zeros((n_nodes, W.shape[1]), dtype=x.dtype).at[dst2].add(msg)
    return out + b


def setup_inputs(seed: int = 0) -> dict:
    key = jax.random.key(seed)
    k1, k2, k3, k4, k5, k6 = jax.random.split(key, 6)
    x = jax.random.normal(k1, (N_NODES, 128), dtype=jnp.float32)
    edge_index = jax.random.randint(k2, (2, 320000), 0, N_NODES, dtype=jnp.int64)
    # glorot-ish init for GCN linear weights
    W1 = jax.random.normal(k3, (128, 64), dtype=jnp.float32) * (1.0 / np.sqrt(128))
    b1 = jnp.zeros((64,), dtype=jnp.float32)
    W2 = jax.random.normal(k4, (64, 64), dtype=jnp.float32) * (1.0 / np.sqrt(64))
    b2 = jnp.zeros((64,), dtype=jnp.float32)
    return {"x": x, "edge_index": edge_index, "W1": W1, "b1": b1, "W2": W2, "b2": b2}


def reference(x, edge_index, W1, b1, W2, b2):
    n_nodes = x.shape[0]
    # encode
    h = jax.nn.relu(gcn_conv(x, edge_index, W1, b1, n_nodes))
    z = gcn_conv(h, edge_index, W2, b2, n_nodes)
    # decode: link logits on the same edge_index
    src = edge_index[0]
    dst = edge_index[1]
    logits = jnp.sum(z[src] * z[dst], axis=-1)
    return logits

if __name__ == "__main__":
    import jax
    _d = setup_inputs()
    print(jax.jit(kernel)(*tuple(_d.values())))

</pallas_src>

<mosaic_0001>
#map = affine_map<(d0, d1) -> (0, 0)>
#map1 = affine_map<(d0, d1) -> (0, 0, 0)>
module attributes {stable_mosaic.version = 14 : i64} {
  func.func @_sc_mp(%arg0: i32, %arg1: i32, %arg2: memref<2500x128xi32, #tpu.memory_space<hbm>>, %arg3: memref<2500x1x128xi32, #tpu.memory_space<hbm>>, %arg4: memref<10000x64xf32, #tpu.memory_space<hbm>>, %arg5: memref<2x10240x64xf32, #tpu.memory_space<hbm>>, %arg6: memref<79x128xi32, #tpu.memory_space<vmem>>, %arg7: memref<79x1x128xi32, #tpu.memory_space<vmem>>, %arg8: memref<128x64xf32, #tpu.memory_space<vmem>>, %arg9: memref<128x64xf32, #tpu.memory_space<vmem>>, %arg10: memref<128x64xf32, #tpu.memory_space<vmem>>, %arg11: memref<128x64xf32, #tpu.memory_space<vmem>>, %arg12: memref<128x64xf32, #tpu.memory_space<vmem>>, %arg13: memref<128x64xf32, #tpu.memory_space<vmem>>, %arg14: memref<160x64xf32, #tpu.memory_space<vmem>>, %arg15: memref<10240x64xf32, #tpu.memory_space<vmem_shared>>, %arg16: memref<!tpu.dma_semaphore, #tpu.memory_space<semaphore_mem>>, %arg17: memref<!tpu.dma_semaphore, #tpu.memory_space<semaphore_mem>>, %arg18: memref<!tpu.dma_semaphore, #tpu.memory_space<semaphore_mem>>, %arg19: memref<!tpu.dma_semaphore, #tpu.memory_space<semaphore_mem>>, %arg20: memref<!tpu.dma_semaphore, #tpu.memory_space<semaphore_mem>>, %arg21: memref<!tpu.dma_semaphore, #tpu.memory_space<semaphore_mem>>) attributes {dimension_semantics = [#tpu.dimension_semantics<core_parallel>, #tpu.dimension_semantics<subcore_parallel>], iteration_bounds = array<i64: 2, 16>, scalar_prefetch = 0 : i64, scratch_operands = 16 : i64, tpu.core_type = #tpu.core_type<sc_vector_subcore>, window_params = [{transform_indices = #map}, {transform_indices = #map1}, {transform_indices = #map}, {transform_indices = #map1}]} {
    %mul3A = arith.constant 16 : i32
    %mul3A_0 = arith.muli %arg0, %mul3A : i32
    %add3A = arith.addi %mul3A_0, %arg1 : i32
    %lt3A = arith.constant 4 : i32
    %lt3A_1 = arith.cmpi slt, %add3A, %lt3A : i32
    %jit3A = arith.constant 79 : i32
    %jit3A_2 = arith.constant 78 : i32
    %select_n3A = arith.select %lt3A_1, %jit3A, %jit3A_2 : i32
    %scan3A = arith.constant 0 : i32
    %scan3A_3 = arith.constant 0 : i32
    %scan3A_4 = arith.constant 160 : i32
    %scan3A_5 = arith.addi %scan3A_3, %scan3A_4 : i32
    %scan3A_6 = arith.constant 1 : i32
    %scan3A_7 = scf.for %scan3A_90 = %scan3A_3 to %scan3A_5 step %scan3A_6 iter_args(%scan3A_91 = %scan3A) -> (i32)  : i32 {
      %broadcast_in_dim3A = arith.constant 0.000000e+00 : f32
      %broadcast_in_dim3A_92 = vector.broadcast %broadcast_in_dim3A : f32 to vector<16xf32>
      %swap3A = arith.index_cast %scan3A_90 : i32 to index
      %swap3A_93 = arith.constant 0 : index
      %swap3A_94 = tpu.vector_load %arg14[%swap3A, %swap3A_93] {strides = array<i32>} : memref<160x64xf32, #tpu.memory_space<vmem>>, vector<1x16xf32>,
      %swap3A_95 = vector.shape_cast %swap3A_94 : vector<1x16xf32> to vector<16xf32>
      %swap3A_96 = vector.shape_cast %broadcast_in_dim3A_92 : vector<16xf32> to vector<1x16xf32>
      tpu.vector_store %arg14[%swap3A, %swap3A_93], %swap3A_96 {strides = array<i32>} : memref<160x64xf32, #tpu.memory_space<vmem>>, vector<1x16xf32>,
      %broadcast_in_dim3A_97 = arith.constant 0.000000e+00 : f32
      %broadcast_in_dim3A_98 = vector.broadcast %broadcast_in_dim3A_97 : f32 to vector<16xf32>
      %swap3A_99 = arith.index_cast %scan3A_90 : i32 to index
      %swap3A_100 = arith.constant 16 : index
      %swap3A_101 = tpu.vector_load %arg14[%swap3A_99, %swap3A_100] {strides = array<i32>} : memref<160x64xf32, #tpu.memory_space<vmem>>, vector<1x16xf32>,
      %swap3A_102 = vector.shape_cast %swap3A_101 : vector<1x16xf32> to vector<16xf32>
      %swap3A_103 = vector.shape_cast %broadcast_in_dim3A_98 : vector<16xf32> to vector<1x16xf32>
      tpu.vector_store %arg14[%swap3A_99, %swap3A_100], %swap3A_103 {strides = array<i32>} : memref<160x64xf32, #tpu.memory_space<vmem>>, vector<1x16xf32>,
      %broadcast_in_dim3A_104 = arith.constant 0.000000e+00 : f32
      %broadcast_in_dim3A_105 = vector.broadcast %broadcast_in_dim3A_104 : f32 to vector<16xf32>
      %swap3A_106 = arith.index_cast %scan3A_90 : i32 to index
      %swap3A_107 = arith.constant 32 : index
      %swap3A_108 = tpu.vector_load %arg14[%swap3A_106, %swap3A_107] {strides = array<i32>} : memref<160x64xf32, #tpu.memory_space<vmem>>, vector<1x16xf32>,
      %swap3A_109 = vector.shape_cast %swap3A_108 : vector<1x16xf32> to vector<16xf32>
      %swap3A_110 = vector.shape_cast %broadcast_in_dim3A_105 : vector<16xf32> to vector<1x16xf32>
      tpu.vector_store %arg14[%swap3A_106, %swap3A_107], %swap3A_110 {strides = array<i32>} : memref<160x64xf32, #tpu.memory_space<vmem>>, vector<1x16xf32>,
      %broadcast_in_dim3A_111 = arith.constant 0.000000e+00 : f32
      %broadcast_in_dim3A_112 = vector.broadcast %broadcast_in_dim3A_111 : f32 to vector<16xf32>
      %swap3A_113 = arith.index_cast %scan3A_90 : i32 to index
      %swap3A_114 = arith.constant 48 : index
      %swap3A_115 = tpu.vector_load %arg14[%swap3A_113, %swap3A_114] {strides = array<i32>} : memref<160x64xf32, #tpu.memory_space<vmem>>, vector<1x16xf32>,
      %swap3A_116 = vector.shape_cast %swap3A_115 : vector<1x16xf32> to vector<16xf32>
      %swap3A_117 = vector.shape_cast %broadcast_in_dim3A_112 : vector<16xf32> to vector<1x16xf32>
      tpu.vector_store %arg14[%swap3A_113, %swap3A_114], %swap3A_117 {strides = array<i32>} : memref<160x64xf32, #tpu.memory_space<vmem>>, vector<1x16xf32>,
      %scan3A_118 = arith.constant 0 : i32
      scf.yield %scan3A_118 : i32
    }
    %scan3A_8 = arith.constant 160 : i32
    %mul3A_9 = arith.constant 640 : i32
    %mul3A_10 = arith.muli %arg1, %mul3A_9 : i32
    %add3A_11 = arith.constant 0 : i32
    %add3A_12 = arith.addi %mul3A_10, %add3A_11 : i32
    "tpu.region"() ({
      %run_scoped3A = tpu.sem_alloc : memref<!tpu.dma_semaphore, #tpu.memory_space<semaphore_mem>>
      %dma_start3A_90 = arith.constant 0 : i32
      %dma_start3A_91 = tpu.memref_slice %arg15[%add3A_12, %dma_start3A_90] : memref<10240x64xf32, #tpu.memory_space<vmem_shared>> -> memref<160x64xf32, #tpu.memory_space<vmem_shared>>
      %dma_start3A_92 = arith.constant 0 : i32
      %dma_start3A_93 = tpu.memref_slice %arg15[%add3A_12, %dma_start3A_92] : memref<10240x64xf32, #tpu.memory_space<vmem_shared>> -> memref<160x64xf32, #tpu.memory_space<vmem_shared>>
      tpu.enqueue_dma source(%arg14 : memref<160x64xf32, #tpu.memory_space<vmem>>) target(%dma_start3A_93 : memref<160x64xf32, #tpu.memory_space<vmem_shared>>) target_semaphore(%run_scoped3A : memref<!tpu.dma_semaphore, #tpu.memory_space<semaphore_mem>>)
      %dma_wait3A = arith.constant 0 : i32
      %dma_wait3A_94 = tpu.memref_slice %arg15[%add3A_12, %dma_wait3A] : memref<10240x64xf32, #tpu.memory_space<vmem_shared>> -> memref<160x64xf32, #tpu.memory_space<vmem_shared>>
      %dma_wait3A_95 = arith.constant 0 : i32
      %dma_wait3A_96 = tpu.memref_slice %arg15[%add3A_12, %dma_wait3A_95] : memref<10240x64xf32, #tpu.memory_space<vmem_shared>> -> memref<160x64xf32, #tpu.memory_space<vmem_shared>>
      tpu.wait_dma2 semaphore(%run_scoped3A : memref<!tpu.dma_semaphore, #tpu.memory_space<semaphore_mem>>) src(%arg14 : memref<160x64xf32, #tpu.memory_space<vmem>>) dst(%dma_wait3A_96 : memref<160x64xf32, #tpu.memory_space<vmem_shared>>)
      tpu.yield
    }) : () -> ()
    %mul3A_13 = arith.constant 640 : i32
    %mul3A_14 = arith.muli %arg1, %mul3A_13 : i32
    %add3A_15 = arith.constant 160 : i32
    %add3A_16 = arith.addi %mul3A_14, %add3A_15 : i32
    "tpu.region"() ({
      %run_scoped3A = tpu.sem_alloc : memref<!tpu.dma_semaphore, #tpu.memory_space<semaphore_mem>>
      %dma_start3A_90 = arith.constant 0 : i32
      %dma_start3A_91 = tpu.memref_slice %arg15[%add3A_16, %dma_start3A_90] : memref<10240x64xf32, #tpu.memory_space<vmem_shared>> -> memref<160x64xf32, #tpu.memory_space<vmem_shared>>
      %dma_start3A_92 = arith.constant 0 : i32
      %dma_start3A_93 = tpu.memref_slice %arg15[%add3A_16, %dma_start3A_92] : memref<10240x64xf32, #tpu.memory_space<vmem_shared>> -> memref<160x64xf32, #tpu.memory_space<vmem_shared>>
      tpu.enqueue_dma source(%arg14 : memref<160x64xf32, #tpu.memory_space<vmem>>) target(%dma_start3A_93 : memref<160x64xf32, #tpu.memory_space<vmem_shared>>) target_semaphore(%run_scoped3A : memref<!tpu.dma_semaphore, #tpu.memory_space<semaphore_mem>>)
      %dma_wait3A = arith.constant 0 : i32
      %dma_wait3A_94 = tpu.memref_slice %arg15[%add3A_16, %dma_wait3A] : memref<10240x64xf32, #tpu.memory_space<vmem_shared>> -> memref<160x64xf32, #tpu.memory_space<vmem_shared>>
      %dma_wait3A_95 = arith.constant 0 : i32
      %dma_wait3A_96 = tpu.memref_slice %arg15[%add3A_16, %dma_wait3A_95] : memref<10240x64xf32, #tpu.memory_space<vmem_shared>> -> memref<160x64xf32, #tpu.memory_space<vmem_shared>>
      tpu.wait_dma2 semaphore(%run_scoped3A : memref<!tpu.dma_semaphore, #tpu.memory_space<semaphore_mem>>) src(%arg14 : memref<160x64xf32, #tpu.memory_space<vmem>>) dst(%dma_wait3A_96 : memref<160x64xf32, #tpu.memory_space<vmem_shared>>)
      tpu.yield
    }) : () -> ()
    %mul3A_17 = arith.constant 640 : i32
    %mul3A_18 = arith.muli %arg1, %mul3A_17 : i32
    %add3A_19 = arith.constant 320 : i32
    %add3A_20 = arith.addi %mul3A_18, %add3A_19 : i32
    "tpu.region"() ({
      %run_scoped3A = tpu.sem_alloc : memref<!tpu.dma_semaphore, #tpu.memory_space<semaphore_mem>>
      %dma_start3A_90 = arith.constant 0 : i32
      %dma_start3A_91 = tpu.memref_slice %arg15[%add3A_20, %dma_start3A_90] : memref<10240x64xf32, #tpu.memory_space<vmem_shared>> -> memref<160x64xf32, #tpu.memory_space<vmem_shared>>
      %dma_start3A_92 = arith.constant 0 : i32
      %dma_start3A_93 = tpu.memref_slice %arg15[%add3A_20, %dma_start3A_92] : memref<10240x64xf32, #tpu.memory_space<vmem_shared>> -> memref<160x64xf32, #tpu.memory_space<vmem_shared>>
      tpu.enqueue_dma source(%arg14 : memref<160x64xf32, #tpu.memory_space<vmem>>) target(%dma_start3A_93 : memref<160x64xf32, #tpu.memory_space<vmem_shared>>) target_semaphore(%run_scoped3A : memref<!tpu.dma_semaphore, #tpu.memory_space<semaphore_mem>>)
      %dma_wait3A = arith.constant 0 : i32
      %dma_wait3A_94 = tpu.memref_slice %arg15[%add3A_20, %dma_wait3A] : memref<10240x64xf32, #tpu.memory_space<vmem_shared>> -> memref<160x64xf32, #tpu.memory_space<vmem_shared>>
      %dma_wait3A_95 = arith.constant 0 : i32
      %dma_wait3A_96 = tpu.memref_slice %arg15[%add3A_20, %dma_wait3A_95] : memref<10240x64xf32, #tpu.memory_space<vmem_shared>> -> memref<160x64xf32, #tpu.memory_space<vmem_shared>>
      tpu.wait_dma2 semaphore(%run_scoped3A : memref<!tpu.dma_semaphore, #tpu.memory_space<semaphore_mem>>) src(%arg14 : memref<160x64xf32, #tpu.memory_space<vmem>>) dst(%dma_wait3A_96 : memref<160x64xf32, #tpu.memory_space<vmem_shared>>)
      tpu.yield
    }) : () -> ()
    %mul3A_21 = arith.constant 640 : i32
    %mul3A_22 = arith.muli %arg1, %mul3A_21 : i32
    %add3A_23 = arith.constant 480 : i32
    %add3A_24 = arith.addi %mul3A_22, %add3A_23 : i32
    "tpu.region"() ({
      %run_scoped3A = tpu.sem_alloc : memref<!tpu.dma_semaphore, #tpu.memory_space<semaphore_mem>>
      %dma_start3A_90 = arith.constant 0 : i32
      %dma_start3A_91 = tpu.memref_slice %arg15[%add3A_24, %dma_start3A_90] : memref<10240x64xf32, #tpu.memory_space<vmem_shared>> -> memref<160x64xf32, #tpu.memory_space<vmem_shared>>
      %dma_start3A_92 = arith.constant 0 : i32
      %dma_start3A_93 = tpu.memref_slice %arg15[%add3A_24, %dma_start3A_92] : memref<10240x64xf32, #tpu.memory_space<vmem_shared>> -> memref<160x64xf32, #tpu.memory_space<vmem_shared>>
      tpu.enqueue_dma source(%arg14 : memref<160x64xf32, #tpu.memory_space<vmem>>) target(%dma_start3A_93 : memref<160x64xf32, #tpu.memory_space<vmem_shared>>) target_semaphore(%run_scoped3A : memref<!tpu.dma_semaphore, #tpu.memory_space<semaphore_mem>>)
      %dma_wait3A = arith.constant 0 : i32
      %dma_wait3A_94 = tpu.memref_slice %arg15[%add3A_24, %dma_wait3A] : memref<10240x64xf32, #tpu.memory_space<vmem_shared>> -> memref<160x64xf32, #tpu.memory_space<vmem_shared>>
      %dma_wait3A_95 = arith.constant 0 : i32
      %dma_wait3A_96 = tpu.memref_slice %arg15[%add3A_24, %dma_wait3A_95] : memref<10240x64xf32, #tpu.memory_space<vmem_shared>> -> memref<160x64xf32, #tpu.memory_space<vmem_shared>>
      tpu.wait_dma2 semaphore(%run_scoped3A : memref<!tpu.dma_semaphore, #tpu.memory_space<semaphore_mem>>) src(%arg14 : memref<160x64xf32, #tpu.memory_space<vmem>>) dst(%dma_wait3A_96 : memref<160x64xf32, #tpu.memory_space<vmem_shared>>)
      tpu.yield
    }) : () -> ()
    %mul3A_25 = arith.constant 78 : i32
    %mul3A_26 = arith.muli %add3A, %mul3A_25 : i32
    "tpu.region"() ({
      %run_scoped3A = tpu.sem_alloc : memref<!tpu.dma_semaphore, #tpu.memory_space<semaphore_mem>>
      %dma_start3A_90 = arith.constant 0 : i32
      %dma_start3A_91 = arith.constant 0 : i32
      %dma_start3A_92 = tpu.memref_slice %arg6[%dma_start3A_90, %dma_start3A_91] : memref<79x128xi32, #tpu.memory_space<vmem>> -> memref<78x128xi32, #tpu.memory_space<vmem>>
      %dma_start3A_93 = arith.constant 0 : i32
      %dma_start3A_94 = tpu.memref_slice %arg2[%mul3A_26, %dma_start3A_93] : memref<2500x128xi32, #tpu.memory_space<hbm>> -> memref<78x128xi32, #tpu.memory_space<hbm>>
      %dma_start3A_95 = arith.constant 0 : i32
      %dma_start3A_96 = arith.constant 0 : i32
      %dma_start3A_97 = tpu.memref_slice %arg6[%dma_start3A_95, %dma_start3A_96] : memref<79x128xi32, #tpu.memory_space<vmem>> -> memref<78x128xi32, #tpu.memory_space<vmem>>
      %dma_start3A_98 = arith.constant 0 : i32
      %dma_start3A_99 = tpu.memref_slice %arg2[%mul3A_26, %dma_start3A_98] : memref<2500x128xi32, #tpu.memory_space<hbm>> -> memref<78x128xi32, #tpu.memory_space<hbm>>
      tpu.enqueue_dma source(%dma_start3A_99 : memref<78x128xi32, #tpu.memory_space<hbm>>) target(%dma_start3A_97 : memref<78x128xi32, #tpu.memory_space<vmem>>) target_semaphore(%run_scoped3A : memref<!tpu.dma_semaphore, #tpu.memory_space<semaphore_mem>>)
      %dma_wait3A = arith.constant 0 : i32
      %dma_wait3A_100 = arith.constant 0 : i32
      %dma_wait3A_101 = tpu.memref_slice %arg6[%dma_wait3A, %dma_wait3A_100] : memref<79x128xi32, #tpu.memory_space<vmem>> -> memref<78x128xi32, #tpu.memory_space<vmem>>
      %dma_wait3A_102 = arith.constant 0 : i32
      %dma_wait3A_103 = tpu.memref_slice %arg2[%mul3A_26, %dma_wait3A_102] : memref<2500x128xi32, #tpu.memory_space<hbm>> -> memref<78x128xi32, #tpu.memory_space<hbm>>
      %dma_wait3A_104 = arith.constant 0 : i32
      %dma_wait3A_105 = arith.constant 0 : i32
      %dma_wait3A_106 = tpu.memref_slice %arg6[%dma_wait3A_104, %dma_wait3A_105] : memref<79x128xi32, #tpu.memory_space<vmem>> -> memref<78x128xi32, #tpu.memory_space<vmem>>
      %dma_wait3A_107 = arith.constant 0 : i32
      %dma_wait3A_108 = tpu.memref_slice %arg2[%mul3A_26, %dma_wait3A_107] : memref<2500x128xi32, #tpu.memory_space<hbm>> -> memref<78x128xi32, #tpu.memory_space<hbm>>
      tpu.wait_dma2 semaphore(%run_scoped3A : memref<!tpu.dma_semaphore, #tpu.memory_space<semaphore_mem>>) src(%dma_wait3A_108 : memref<78x128xi32, #tpu.memory_space<hbm>>) dst(%dma_wait3A_106 : memref<78x128xi32, #tpu.memory_space<vmem>>)
      tpu.yield
    }) : () -> ()
    %lt3A_27 = arith.constant 4 : i32
    %lt3A_28 = arith.cmpi slt, %add3A, %lt3A_27 : i32
    %convert_element_type3A = arith.extui %lt3A_28 : i1 to i32
    %cond3A = arith.constant 0 : i32
    %cond3A_29 = arith.cmpi ne, %convert_element_type3A, %cond3A : i32
    scf.if %cond3A_29 {
      %add3A_90 = arith.constant 2496 : i32
      %add3A_91 = arith.addi %add3A_90, %add3A : i32
      "tpu.region"() ({
        %run_scoped3A = tpu.sem_alloc : memref<!tpu.dma_semaphore, #tpu.memory_space<semaphore_mem>>
        %dma_start3A_92 = arith.constant 78 : i32
        %dma_start3A_93 = arith.constant 0 : i32
        %dma_start3A_94 = tpu.memref_slice %arg6[%dma_start3A_92, %dma_start3A_93] : memref<79x128xi32, #tpu.memory_space<vmem>> -> memref<1x128xi32, #tpu.memory_space<vmem>>
        %dma_start3A_95 = arith.constant 0 : i32
        %dma_start3A_96 = tpu.memref_slice %arg2[%add3A_91, %dma_start3A_95] : memref<2500x128xi32, #tpu.memory_space<hbm>> -> memref<1x128xi32, #tpu.memory_space<hbm>>
        %dma_start3A_97 = arith.constant 78 : i32
        %dma_start3A_98 = arith.constant 0 : i32
        %dma_start3A_99 = tpu.memref_slice %arg6[%dma_start3A_97, %dma_start3A_98] : memref<79x128xi32, #tpu.memory_space<vmem>> -> memref<1x128xi32, #tpu.memory_space<vmem>>
        %dma_start3A_100 = arith.constant 0 : i32
        %dma_start3A_101 = tpu.memref_slice %arg2[%add3A_91, %dma_start3A_100] : memref<2500x128xi32, #tpu.memory_space<hbm>> -> memref<1x128xi32, #tpu.memory_space<hbm>>
        tpu.enqueue_dma source(%dma_start3A_101 : memref<1x128xi32, #tpu.memory_space<hbm>>) target(%dma_start3A_99 : memref<1x128xi32, #tpu.memory_space<vmem>>) target_semaphore(%run_scoped3A : memref<!tpu.dma_semaphore, #tpu.memory_space<semaphore_mem>>)
        %dma_wait3A = arith.constant 78 : i32
        %dma_wait3A_102 = arith.constant 0 : i32
        %dma_wait3A_103 = tpu.memref_slice %arg6[%dma_wait3A, %dma_wait3A_102] : memref<79x128xi32, #tpu.memory_space<vmem>> -> memref<1x128xi32, #tpu.memory_space<vmem>>
        %dma_wait3A_104 = arith.constant 0 : i32
        %dma_wait3A_105 = tpu.memref_slice %arg2[%add3A_91, %dma_wait3A_104] : memref<2500x128xi32, #tpu.memory_space<hbm>> -> memref<1x128xi32, #tpu.memory_space<hbm>>
        %dma_wait3A_106 = arith.constant 78 : i32
        %dma_wait3A_107 = arith.constant 0 : i32
        %dma_wait3A_108 = tpu.memref_slice %arg6[%dma_wait3A_106, %dma_wait3A_107] : memref<79x128xi32, #tpu.memory_space<vmem>> -> memref<1x128xi32, #tpu.memory_space<vmem>>
        %dma_wait3A_109 = arith.constant 0 : i32
        %dma_wait3A_110 = tpu.memref_slice %arg2[%add3A_91, %dma_wait3A_109] : memref<2500x128xi32, #tpu.memory_space<hbm>> -> memref<1x128xi32, #tpu.memory_space<hbm>>
        tpu.wait_dma2 semaphore(%run_scoped3A : memref<!tpu.dma_semaphore, #tpu.memory_space<semaphore_mem>>) src(%dma_wait3A_110 : memref<1x128xi32, #tpu.memory_space<hbm>>) dst(%dma_wait3A_108 : memref<1x128xi32, #tpu.memory_space<vmem>>)
        tpu.yield
      }) : () -> ()
    } else {
    }
    %mul3A_30 = arith.constant 78 : i32
    %mul3A_31 = arith.muli %add3A, %mul3A_30 : i32
    "tpu.region"() ({
      %run_scoped3A = tpu.sem_alloc : memref<!tpu.dma_semaphore, #tpu.memory_space<semaphore_mem>>
      %dma_start3A_90 = arith.constant 0 : i32
      %dma_start3A_91 = arith.constant 0 : i32
      %dma_start3A_92 = arith.constant 0 : i32
      %dma_start3A_93 = tpu.memref_slice %arg7[%dma_start3A_90, %dma_start3A_91, %dma_start3A_92] : memref<79x1x128xi32, #tpu.memory_space<vmem>> -> memref<78x1x128xi32, #tpu.memory_space<vmem>>
      %dma_start3A_94 = arith.constant 0 : i32
      %dma_start3A_95 = arith.constant 0 : i32
      %dma_start3A_96 = tpu.memref_slice %arg3[%mul3A_31, %dma_start3A_94, %dma_start3A_95] : memref<2500x1x128xi32, #tpu.memory_space<hbm>> -> memref<78x1x128xi32, #tpu.memory_space<hbm>>
      %dma_start3A_97 = arith.constant 0 : i32
      %dma_start3A_98 = arith.constant 0 : i32
      %dma_start3A_99 = arith.constant 0 : i32
      %dma_start3A_100 = tpu.memref_slice %arg7[%dma_start3A_97, %dma_start3A_98, %dma_start3A_99] : memref<79x1x128xi32, #tpu.memory_space<vmem>> -> memref<78x1x128xi32, #tpu.memory_space<vmem>>
      %dma_start3A_101 = arith.constant 0 : i32
      %dma_start3A_102 = arith.constant 0 : i32
      %dma_start3A_103 = tpu.memref_slice %arg3[%mul3A_31, %dma_start3A_101, %dma_start3A_102] : memref<2500x1x128xi32, #tpu.memory_space<hbm>> -> memref<78x1x128xi32, #tpu.memory_space<hbm>>
      tpu.enqueue_dma source(%dma_start3A_103 : memref<78x1x128xi32, #tpu.memory_space<hbm>>) target(%dma_start3A_100 : memref<78x1x128xi32, #tpu.memory_space<vmem>>) target_semaphore(%run_scoped3A : memref<!tpu.dma_semaphore, #tpu.memory_space<semaphore_mem>>)
      %dma_wait3A = arith.constant 0 : i32
      %dma_wait3A_104 = arith.constant 0 : i32
      %dma_wait3A_105 = arith.constant 0 : i32
      %dma_wait3A_106 = tpu.memref_slice %arg7[%dma_wait3A, %dma_wait3A_104, %dma_wait3A_105] : memref<79x1x128xi32, #tpu.memory_space<vmem>> -> memref<78x1x128xi32, #tpu.memory_space<vmem>>
      %dma_wait3A_107 = arith.constant 0 : i32
      %dma_wait3A_108 = arith.constant 0 : i32
      %dma_wait3A_109 = tpu.memref_slice %arg3[%mul3A_31, %dma_wait3A_107, %dma_wait3A_108] : memref<2500x1x128xi32, #tpu.memory_space<hbm>> -> memref<78x1x128xi32, #tpu.memory_space<hbm>>
      %dma_wait3A_110 = arith.constant 0 : i32
      %dma_wait3A_111 = arith.constant 0 : i32
      %dma_wait3A_112 = arith.constant 0 : i32
      %dma_wait3A_113 = tpu.memref_slice %arg7[%dma_wait3A_110, %dma_wait3A_111, %dma_wait3A_112] : memref<79x1x128xi32, #tpu.memory_space<vmem>> -> memref<78x1x128xi32, #tpu.memory_space<vmem>>
      %dma_wait3A_114 = arith.constant 0 : i32
      %dma_wait3A_115 = arith.constant 0 : i32
      %dma_wait3A_116 = tpu.memref_slice %arg3[%mul3A_31, %dma_wait3A_114, %dma_wait3A_115] : memref<2500x1x128xi32, #tpu.memory_space<hbm>> -> memref<78x1x128xi32, #tpu.memory_space<hbm>>
      tpu.wait_dma2 semaphore(%run_scoped3A : memref<!tpu.dma_semaphore, #tpu.memory_space<semaphore_mem>>) src(%dma_wait3A_116 : memref<78x1x128xi32, #tpu.memory_space<hbm>>) dst(%dma_wait3A_113 : memref<78x1x128xi32, #tpu.memory_space<vmem>>)
      tpu.yield
    }) : () -> ()
    %lt3A_32 = arith.constant 4 : i32
    %lt3A_33 = arith.cmpi slt, %add3A, %lt3A_32 : i32
    %convert_element_type3A_34 = arith.extui %lt3A_33 : i1 to i32
    %cond3A_35 = arith.constant 0 : i32
    %cond3A_36 = arith.cmpi ne, %convert_element_type3A_34, %cond3A_35 : i32
    scf.if %cond3A_36 {
      %add3A_90 = arith.constant 2496 : i32
      %add3A_91 = arith.addi %add3A_90, %add3A : i32
      "tpu.region"() ({
        %run_scoped3A = tpu.sem_alloc : memref<!tpu.dma_semaphore, #tpu.memory_space<semaphore_mem>>
        %dma_start3A_92 = arith.constant 78 : i32
        %dma_start3A_93 = arith.constant 0 : i32
        %dma_start3A_94 = arith.constant 0 : i32
        %dma_start3A_95 = tpu.memref_slice %arg7[%dma_start3A_92, %dma_start3A_93, %dma_start3A_94] : memref<79x1x128xi32, #tpu.memory_space<vmem>> -> memref<1x1x128xi32, #tpu.memory_space<vmem>>
        %dma_start3A_96 = arith.constant 0 : i32
        %dma_start3A_97 = arith.constant 0 : i32
        %dma_start3A_98 = tpu.memref_slice %arg3[%add3A_91, %dma_start3A_96, %dma_start3A_97] : memref<2500x1x128xi32, #tpu.memory_space<hbm>> -> memref<1x1x128xi32, #tpu.memory_space<hbm>>
        %dma_start3A_99 = arith.constant 78 : i32
        %dma_start3A_100 = arith.constant 0 : i32
        %dma_start3A_101 = arith.constant 0 : i32
        %dma_start3A_102 = tpu.memref_slice %arg7[%dma_start3A_99, %dma_start3A_100, %dma_start3A_101] : memref<79x1x128xi32, #tpu.memory_space<vmem>> -> memref<1x1x128xi32, #tpu.memory_space<vmem>>
        %dma_start3A_103 = arith.constant 0 : i32
        %dma_start3A_104 = arith.constant 0 : i32
        %dma_start3A_105 = tpu.memref_slice %arg3[%add3A_91, %dma_start3A_103, %dma_start3A_104] : memref<2500x1x128xi32, #tpu.memory_space<hbm>> -> memref<1x1x128xi32, #tpu.memory_space<hbm>>
        tpu.enqueue_dma source(%dma_start3A_105 : memref<1x1x128xi32, #tpu.memory_space<hbm>>) target(%dma_start3A_102 : memref<1x1x128xi32, #tpu.memory_space<vmem>>) target_semaphore(%run_scoped3A : memref<!tpu.dma_semaphore, #tpu.memory_space<semaphore_mem>>)
        %dma_wait3A = arith.constant 78 : i32
        %dma_wait3A_106 = arith.constant 0 : i32
        %dma_wait3A_107 = arith.constant 0 : i32
        %dma_wait3A_108 = tpu.memref_slice %arg7[%dma_wait3A, %dma_wait3A_106, %dma_wait3A_107] : memref<79x1x128xi32, #tpu.memory_space<vmem>> -> memref<1x1x128xi32, #tpu.memory_space<vmem>>
        %dma_wait3A_109 = arith.constant 0 : i32
        %dma_wait3A_110 = arith.constant 0 : i32
        %dma_wait3A_111 = tpu.memref_slice %arg3[%add3A_91, %dma_wait3A_109, %dma_wait3A_110] : memref<2500x1x128xi32, #tpu.memory_space<hbm>> -> memref<1x1x128xi32, #tpu.memory_space<hbm>>
        %dma_wait3A_112 = arith.constant 78 : i32
        %dma_wait3A_113 = arith.constant 0 : i32
        %dma_wait3A_114 = arith.constant 0 : i32
        %dma_wait3A_115 = tpu.memref_slice %arg7[%dma_wait3A_112, %dma_wait3A_113, %dma_wait3A_114] : memref<79x1x128xi32, #tpu.memory_space<vmem>> -> memref<1x1x128xi32, #tpu.memory_space<vmem>>
        %dma_wait3A_116 = arith.constant 0 : i32
        %dma_wait3A_117 = arith.constant 0 : i32
        %dma_wait3A_118 = tpu.memref_slice %arg3[%add3A_91, %dma_wait3A_116, %dma_wait3A_117] : memref<2500x1x128xi32, #tpu.memory_space<hbm>> -> memref<1x1x128xi32, #tpu.memory_space<hbm>>
        tpu.wait_dma2 semaphore(%run_scoped3A : memref<!tpu.dma_semaphore, #tpu.memory_space<semaphore_mem>>) src(%dma_wait3A_118 : memref<1x1x128xi32, #tpu.memory_space<hbm>>) dst(%dma_wait3A_115 : memref<1x1x128xi32, #tpu.memory_space<vmem>>)
        tpu.yield
      }) : () -> ()
    } else {
    }
    %barrier3A = arith.constant 0 : index
    tpu.barrier barrier_id(%barrier3A)
    %dma_start3A = arith.constant 0 : i32
    %dma_start3A_37 = arith.constant 0 : i32
    %dma_start3A_38 = tpu.memref_slice %arg6[%dma_start3A, %dma_start3A_37] : memref<79x128xi32, #tpu.memory_space<vmem>> -> memref<1x128xi32, #tpu.memory_space<vmem>>
    %dma_start3A_39 = tpu.memref_squeeze %dma_start3A_38 : memref<1x128xi32, #tpu.memory_space<vmem>> -> memref<128xi32, #tpu.memory_space<vmem>>
    %dma_start3A_40 = arith.constant 0 : i32
    %dma_start3A_41 = arith.constant 0 : i32
    %dma_start3A_42 = tpu.memref_slice %arg4[%dma_start3A_40, %dma_start3A_41] : memref<10000x64xf32, #tpu.memory_space<hbm>> -> memref<10000x64xf32, #tpu.memory_space<hbm>>
    tpu.enqueue_indirect_dma source(%dma_start3A_42 : memref<10000x64xf32, #tpu.memory_space<hbm>>) target(%arg8 : memref<128x64xf32, #tpu.memory_space<vmem>>) offsets(%dma_start3A_39 : memref<128xi32, #tpu.memory_space<vmem>>) semaphore(%arg16 : memref<!tpu.dma_semaphore, #tpu.memory_space<semaphore_mem>>)
    %dma_start3A_43 = arith.constant 1 : i32
    %dma_start3A_44 = arith.constant 0 : i32
    %dma_start3A_45 = tpu.memref_slice %arg6[%dma_start3A_43, %dma_start3A_44] : memref<79x128xi32, #tpu.memory_space<vmem>> -> memref<1x128xi32, #tpu.memory_space<vmem>>
    %dma_start3A_46 = tpu.memref_squeeze %dma_start3A_45 : memref<1x128xi32, #tpu.memory_space<vmem>> -> memref<128xi32, #tpu.memory_space<vmem>>
    %dma_start3A_47 = arith.constant 0 : i32
    %dma_start3A_48 = arith.constant 0 : i32
    %dma_start3A_49 = tpu.memref_slice %arg4[%dma_start3A_47, %dma_start3A_48] : memref<10000x64xf32, #tpu.memory_space<hbm>> -> memref<10000x64xf32, #tpu.memory_space<hbm>>
    tpu.enqueue_indirect_dma source(%dma_start3A_49 : memref<10000x64xf32, #tpu.memory_space<hbm>>) target(%arg9 : memref<128x64xf32, #tpu.memory_space<vmem>>) offsets(%dma_start3A_46 : memref<128xi32, #tpu.memory_space<vmem>>) semaphore(%arg17 : memref<!tpu.dma_semaphore, #tpu.memory_space<semaphore_mem>>)
    %dma_start3A_50 = arith.constant 2 : i32
    %dma_start3A_51 = arith.constant 0 : i32
    %dma_start3A_52 = tpu.memref_slice %arg6[%dma_start3A_50, %dma_start3A_51] : memref<79x128xi32, #tpu.memory_space<vmem>> -> memref<1x128xi32, #tpu.memory_space<vmem>>
    %dma_start3A_53 = tpu.memref_squeeze %dma_start3A_52 : memref<1x128xi32, #tpu.memory_space<vmem>> -> memref<128xi32, #tpu.memory_space<vmem>>
    %dma_start3A_54 = arith.constant 0 : i32
    %dma_start3A_55 = arith.constant 0 : i32
    %dma_start3A_56 = tpu.memref_slice %arg4[%dma_start3A_54, %dma_start3A_55] : memref<10000x64xf32, #tpu.memory_space<hbm>> -> memref<10000x64xf32, #tpu.memory_space<hbm>>
    tpu.enqueue_indirect_dma source(%dma_start3A_56 : memref<10000x64xf32, #tpu.memory_space<hbm>>) target(%arg10 : memref<128x64xf32, #tpu.memory_space<vmem>>) offsets(%dma_start3A_53 : memref<128xi32, #tpu.memory_space<vmem>>) semaphore(%arg18 : memref<!tpu.dma_semaphore, #tpu.memory_space<semaphore_mem>>)
    %dma_start3A_57 = arith.constant 3 : i32
    %dma_start3A_58 = arith.constant 0 : i32
    %dma_start3A_59 = tpu.memref_slice %arg6[%dma_start3A_57, %dma_start3A_58] : memref<79x128xi32, #tpu.memory_space<vmem>> -> memref<1x128xi32, #tpu.memory_space<vmem>>
    %dma_start3A_60 = tpu.memref_squeeze %dma_start3A_59 : memref<1x128xi32, #tpu.memory_space<vmem>> -> memref<128xi32, #tpu.memory_space<vmem>>
    %dma_start3A_61 = arith.constant 0 : i32
    %dma_start3A_62 = arith.constant 0 : i32
    %dma_start3A_63 = tpu.memref_slice %arg4[%dma_start3A_61, %dma_start3A_62] : memref<10000x64xf32, #tpu.memory_space<hbm>> -> memref<10000x64xf32, #tpu.memory_space<hbm>>
    tpu.enqueue_indirect_dma source(%dma_start3A_63 : memref<10000x64xf32, #tpu.memory_space<hbm>>) target(%arg11 : memref<128x64xf32, #tpu.memory_space<vmem>>) offsets(%dma_start3A_60 : memref<128xi32, #tpu.memory_space<vmem>>) semaphore(%arg19 : memref<!tpu.dma_semaphore, #tpu.memory_space<semaphore_mem>>)
    %dma_start3A_64 = arith.constant 4 : i32
    %dma_start3A_65 = arith.constant 0 : i32
    %dma_start3A_66 = tpu.memref_slice %arg6[%dma_start3A_64, %dma_start3A_65] : memref<79x128xi32, #tpu.memory_space<vmem>> -> memref<1x128xi32, #tpu.memory_space<vmem>>
    %dma_start3A_67 = tpu.memref_squeeze %dma_start3A_66 : memref<1x128xi32, #tpu.memory_space<vmem>> -> memref<128xi32, #tpu.memory_space<vmem>>
    %dma_start3A_68 = arith.constant 0 : i32
    %dma_start3A_69 = arith.constant 0 : i32
    %dma_start3A_70 = tpu.memref_slice %arg4[%dma_start3A_68, %dma_start3A_69] : memref<10000x64xf32, #tpu.memory_space<hbm>> -> memref<10000x64xf32, #tpu.memory_space<hbm>>
    tpu.enqueue_indirect_dma source(%dma_start3A_70 : memref<10000x64xf32, #tpu.memory_space<hbm>>) target(%arg12 : memref<128x64xf32, #tpu.memory_space<vmem>>) offsets(%dma_start3A_67 : memref<128xi32, #tpu.memory_space<vmem>>) semaphore(%arg20 : memref<!tpu.dma_semaphore, #tpu.memory_space<semaphore_mem>>)
    %dma_start3A_71 = arith.constant 5 : i32
    %dma_start3A_72 = arith.constant 0 : i32
    %dma_start3A_73 = tpu.memref_slice %arg6[%dma_start3A_71, %dma_start3A_72] : memref<79x128xi32, #tpu.memory_space<vmem>> -> memref<1x128xi32, #tpu.memory_space<vmem>>
    %dma_start3A_74 = tpu.memref_squeeze %dma_start3A_73 : memref<1x128xi32, #tpu.memory_space<vmem>> -> memref<128xi32, #tpu.memory_space<vmem>>
    %dma_start3A_75 = arith.constant 0 : i32
    %dma_start3A_76 = arith.constant 0 : i32
    %dma_start3A_77 = tpu.memref_slice %arg4[%dma_start3A_75, %dma_start3A_76] : memref<10000x64xf32, #tpu.memory_space<hbm>> -> memref<10000x64xf32, #tpu.memory_space<hbm>>
    tpu.enqueue_indirect_dma source(%dma_start3A_77 : memref<10000x64xf32, #tpu.memory_space<hbm>>) target(%arg13 : memref<128x64xf32, #tpu.memory_space<vmem>>) offsets(%dma_start3A_74 : memref<128xi32, #tpu.memory_space<vmem>>) semaphore(%arg21 : memref<!tpu.dma_semaphore, #tpu.memory_space<semaphore_mem>>)
    %scan3A_78 = arith.constant 0 : i32
    %scan3A_79 = arith.constant 0 : i32
    %scan3A_80 = arith.constant 14 : i32
    %scan3A_81 = arith.addi %scan3A_79, %scan3A_80 : i32
    %scan3A_82 = arith.constant 1 : i32
    %scan3A_83 = scf.for %scan3A_90 = %scan3A_79 to %scan3A_81 step %scan3A_82 iter_args(%scan3A_91 = %scan3A_78) -> (i32)  : i32 {
      %mul3A_92 = arith.constant 6 : i32
      %mul3A_93 = arith.muli %scan3A_90, %mul3A_92 : i32
      %add3A_94 = arith.constant 0 : i32
      %add3A_95 = arith.addi %mul3A_93, %add3A_94 : i32
      %lt3A_96 = arith.cmpi slt, %add3A_95, %select_n3A : i32
      %convert_element_type3A_97 = arith.extui %lt3A_96 : i1 to i32
      %cond3A_98 = arith.constant 0 : i32
      %cond3A_99 = arith.cmpi ne, %convert_element_type3A_97, %cond3A_98 : i32
      scf.if %cond3A_99 {
        %dma_wait3A = arith.constant 0 : i32
        %dma_wait3A_141 = tpu.memref_slice %arg6[%add3A_95, %dma_wait3A] : memref<79x128xi32, #tpu.memory_space<vmem>> -> memref<1x128xi32, #tpu.memory_space<vmem>>
        %dma_wait3A_142 = tpu.memref_squeeze %dma_wait3A_141 : memref<1x128xi32, #tpu.memory_space<vmem>> -> memref<128xi32, #tpu.memory_space<vmem>>
        %dma_wait3A_143 = arith.constant 0 : i32
        %dma_wait3A_144 = arith.constant 0 : i32
        %dma_wait3A_145 = tpu.memref_slice %arg4[%dma_wait3A_143, %dma_wait3A_144] : memref<10000x64xf32, #tpu.memory_space<hbm>> -> memref<10000x64xf32, #tpu.memory_space<hbm>>
        tpu.wait_indirect_dma semaphore(%arg16 : memref<!tpu.dma_semaphore, #tpu.memory_space<semaphore_mem>>) src(%dma_wait3A_145 : memref<10000x64xf32, #tpu.memory_space<hbm>>) dst(%arg8 : memref<128x64xf32, #tpu.memory_space<vmem>>)
        %run_scoped3A = arith.constant 0 : i32
        "tpu.region"() ({
          %run_scoped3A_152 = tpu.sem_alloc : memref<!tpu.dma_semaphore, #tpu.memory_space<semaphore_mem>>
          %dma_start3A_153 = arith.constant 0 : i32
          %dma_start3A_154 = tpu.memref_slice %arg7[%add3A_95, %run_scoped3A, %dma_start3A_153] : memref<79x1x128xi32, #tpu.memory_space<vmem>> -> memref<1x1x128xi32, #tpu.memory_space<vmem>>
          %dma_start3A_155 = tpu.memref_squeeze %dma_start3A_154 : memref<1x1x128xi32, #tpu.memory_space<vmem>> -> memref<128xi32, #tpu.memory_space<vmem>>
          %dma_start3A_156 = arith.constant 0 : i32
          %dma_start3A_157 = arith.constant 0 : i32
          %dma_start3A_158 = tpu.memref_slice %arg15[%dma_start3A_156, %dma_start3A_157] : memref<10240x64xf32, #tpu.memory_space<vmem_shared>> -> memref<10240x64xf32, #tpu.memory_space<vmem_shared>>
          tpu.enqueue_indirect_dma source(%arg8 : memref<128x64xf32, #tpu.memory_space<vmem>>) target(%dma_start3A_158 : memref<10240x64xf32, #tpu.memory_space<vmem_shared>>) offsets(%dma_start3A_155 : memref<128xi32, #tpu.memory_space<vmem>>) semaphore(%run_scoped3A_152 : memref<!tpu.dma_semaphore, #tpu.memory_space<semaphore_mem>>) {add = true}
          %dma_wait3A_159 = arith.constant 0 : i32
          %dma_wait3A_160 = tpu.memref_slice %arg7[%add3A_95, %run_scoped3A, %dma_wait3A_159] : memref<79x1x128xi32, #tpu.memory_space<vmem>> -> memref<1x1x128xi32, #tpu.memory_space<vmem>>
          %dma_wait3A_161 = tpu.memref_squeeze %dma_wait3A_160 : memref<1x1x128xi32, #tpu.memory_space<vmem>> -> memref<128xi32, #tpu.memory_space<vmem>>
          %dma_wait3A_162 = arith.constant 0 : i32
          %dma_wait3A_163 = arith.constant 0 : i32
          %dma_wait3A_164 = tpu.memref_slice %arg15[%dma_wait3A_162, %dma_wait3A_163] : memref<10240x64xf32, #tpu.memory_space<vmem_shared>> -> memref<10240x64xf32, #tpu.memory_space<vmem_shared>>
          tpu.wait_indirect_dma semaphore(%run_scoped3A_152 : memref<!tpu.dma_semaphore, #tpu.memory_space<semaphore_mem>>) src(%arg8 : memref<128x64xf32, #tpu.memory_space<vmem>>) dst(%dma_wait3A_164 : memref<10240x64xf32, #tpu.memory_space<vmem_shared>>)
          tpu.yield
        }) : () -> ()
        %add3A_146 = arith.constant 6 : i32
        %add3A_147 = arith.addi %add3A_95, %add3A_146 : i32
        %lt3A_148 = arith.cmpi slt, %add3A_147, %select_n3A : i32
        %convert_element_type3A_149 = arith.extui %lt3A_148 : i1 to i32
        %cond3A_150 = arith.constant 0 : i32
        %cond3A_151 = arith.cmpi ne, %convert_element_type3A_149, %cond3A_150 : i32
        scf.if %cond3A_151 {
          %add3A_152 = arith.constant 6 : i32
          %add3A_153 = arith.addi %add3A_95, %add3A_152 : i32
          %dma_start3A_154 = arith.constant 0 : i32
          %dma_start3A_155 = tpu.memref_slice %arg6[%add3A_153, %dma_start3A_154] : memref<79x128xi32, #tpu.memory_space<vmem>> -> memref<1x128xi32, #tpu.memory_space<vmem>>
          %dma_start3A_156 = tpu.memref_squeeze %dma_start3A_155 : memref<1x128xi32, #tpu.memory_space<vmem>> -> memref<128xi32, #tpu.memory_space<vmem>>
          %dma_start3A_157 = arith.constant 0 : i32
          %dma_start3A_158 = arith.constant 0 : i32
          %dma_start3A_159 = tpu.memref_slice %arg4[%dma_start3A_157, %dma_start3A_158] : memref<10000x64xf32, #tpu.memory_space<hbm>> -> memref<10000x64xf32, #tpu.memory_space<hbm>>
          tpu.enqueue_indirect_dma source(%dma_start3A_159 : memref<10000x64xf32, #tpu.memory_space<hbm>>) target(%arg8 : memref<128x64xf32, #tpu.memory_space<vmem>>) offsets(%dma_start3A_156 : memref<128xi32, #tpu.memory_space<vmem>>) semaphore(%arg16 : memref<!tpu.dma_semaphore, #tpu.memory_space<semaphore_mem>>)
        } else {
        }
      } else {
      }
      %mul3A_100 = arith.constant 6 : i32
      %mul3A_101 = arith.muli %scan3A_90, %mul3A_100 : i32
      %add3A_102 = arith.constant 1 : i32
      %add3A_103 = arith.addi %mul3A_101, %add3A_102 : i32
      %lt3A_104 = arith.cmpi slt, %add3A_103, %select_n3A : i32
      %convert_element_type3A_105 = arith.extui %lt3A_104 : i1 to i32
      %cond3A_106 = arith.constant 0 : i32
      %cond3A_107 = arith.cmpi ne, %convert_element_type3A_105, %cond3A_106 : i32
      scf.if %cond3A_107 {
        %dma_wait3A = arith.constant 0 : i32
        %dma_wait3A_141 = tpu.memref_slice %arg6[%add3A_103, %dma_wait3A] : memref<79x128xi32, #tpu.memory_space<vmem>> -> memref<1x128xi32, #tpu.memory_space<vmem>>
        %dma_wait3A_142 = tpu.memref_squeeze %dma_wait3A_141 : memref<1x128xi32, #tpu.memory_space<vmem>> -> memref<128xi32, #tpu.memory_space<vmem>>
        %dma_wait3A_143 = arith.constant 0 : i32
        %dma_wait3A_144 = arith.constant 0 : i32
        %dma_wait3A_145 = tpu.memref_slice %arg4[%dma_wait3A_143, %dma_wait3A_144] : memref<10000x64xf32, #tpu.memory_space<hbm>> -> memref<10000x64xf32, #tpu.memory_space<hbm>>
        tpu.wait_indirect_dma semaphore(%arg17 : memref<!tpu.dma_semaphore, #tpu.memory_space<semaphore_mem>>) src(%dma_wait3A_145 : memref<10000x64xf32, #tpu.memory_space<hbm>>) dst(%arg9 : memref<128x64xf32, #tpu.memory_space<vmem>>)
        %run_scoped3A = arith.constant 0 : i32
        "tpu.region"() ({
          %run_scoped3A_152 = tpu.sem_alloc : memref<!tpu.dma_semaphore, #tpu.memory_space<semaphore_mem>>
          %dma_start3A_153 = arith.constant 0 : i32
          %dma_start3A_154 = tpu.memref_slice %arg7[%add3A_103, %run_scoped3A, %dma_start3A_153] : memref<79x1x128xi32, #tpu.memory_space<vmem>> -> memref<1x1x128xi32, #tpu.memory_space<vmem>>
          %dma_start3A_155 = tpu.memref_squeeze %dma_start3A_154 : memref<1x1x128xi32, #tpu.memory_space<vmem>> -> memref<128xi32, #tpu.memory_space<vmem>>
          %dma_start3A_156 = arith.constant 0 : i32
          %dma_start3A_157 = arith.constant 0 : i32
          %dma_start3A_158 = tpu.memref_slice %arg15[%dma_start3A_156, %dma_start3A_157] : memref<10240x64xf32, #tpu.memory_space<vmem_shared>> -> memref<10240x64xf32, #tpu.memory_space<vmem_shared>>
          tpu.enqueue_indirect_dma source(%arg9 : memref<128x64xf32, #tpu.memory_space<vmem>>) target(%dma_start3A_158 : memref<10240x64xf32, #tpu.memory_space<vmem_shared>>) offsets(%dma_start3A_155 : memref<128xi32, #tpu.memory_space<vmem>>) semaphore(%run_scoped3A_152 : memref<!tpu.dma_semaphore, #tpu.memory_space<semaphore_mem>>) {add = true}
          %dma_wait3A_159 = arith.constant 0 : i32
          %dma_wait3A_160 = tpu.memref_slice %arg7[%add3A_103, %run_scoped3A, %dma_wait3A_159] : memref<79x1x128xi32, #tpu.memory_space<vmem>> -> memref<1x1x128xi32, #tpu.memory_space<vmem>>
          %dma_wait3A_161 = tpu.memref_squeeze %dma_wait3A_160 : memref<1x1x128xi32, #tpu.memory_space<vmem>> -> memref<128xi32, #tpu.memory_space<vmem>>
          %dma_wait3A_162 = arith.constant 0 : i32
          %dma_wait3A_163 = arith.constant 0 : i32
          %dma_wait3A_164 = tpu.memref_slice %arg15[%dma_wait3A_162, %dma_wait3A_163] : memref<10240x64xf32, #tpu.memory_space<vmem_shared>> -> memref<10240x64xf32, #tpu.memory_space<vmem_shared>>
          tpu.wait_indirect_dma semaphore(%run_scoped3A_152 : memref<!tpu.dma_semaphore, #tpu.memory_space<semaphore_mem>>) src(%arg9 : memref<128x64xf32, #tpu.memory_space<vmem>>) dst(%dma_wait3A_164 : memref<10240x64xf32, #tpu.memory_space<vmem_shared>>)
          tpu.yield
        }) : () -> ()
        %add3A_146 = arith.constant 6 : i32
        %add3A_147 = arith.addi %add3A_103, %add3A_146 : i32
        %lt3A_148 = arith.cmpi slt, %add3A_147, %select_n3A : i32
        %convert_element_type3A_149 = arith.extui %lt3A_148 : i1 to i32
        %cond3A_150 = arith.constant 0 : i32
        %cond3A_151 = arith.cmpi ne, %convert_element_type3A_149, %cond3A_150 : i32
        scf.if %cond3A_151 {
          %add3A_152 = arith.constant 6 : i32
          %add3A_153 = arith.addi %add3A_103, %add3A_152 : i32
          %dma_start3A_154 = arith.constant 0 : i32
          %dma_start3A_155 = tpu.memref_slice %arg6[%add3A_153, %dma_start3A_154] : memref<79x128xi32, #tpu.memory_space<vmem>> -> memref<1x128xi32, #tpu.memory_space<vmem>>
          %dma_start3A_156 = tpu.memref_squeeze %dma_start3A_155 : memref<1x128xi32, #tpu.memory_space<vmem>> -> memref<128xi32, #tpu.memory_space<vmem>>
          %dma_start3A_157 = arith.constant 0 : i32
          %dma_start3A_158 = arith.constant 0 : i32
          %dma_start3A_159 = tpu.memref_slice %arg4[%dma_start3A_157, %dma_start3A_158] : memref<10000x64xf32, #tpu.memory_space<hbm>> -> memref<10000x64xf32, #tpu.memory_space<hbm>>
          tpu.enqueue_indirect_dma source(%dma_start3A_159 : memref<10000x64xf32, #tpu.memory_space<hbm>>) target(%arg9 : memref<128x64xf32, #tpu.memory_space<vmem>>) offsets(%dma_start3A_156 : memref<128xi32, #tpu.memory_space<vmem>>) semaphore(%arg17 : memref<!tpu.dma_semaphore, #tpu.memory_space<semaphore_mem>>)
        } else {
        }
      } else {
      }
      %mul3A_108 = arith.constant 6 : i32
      %mul3A_109 = arith.muli %scan3A_90, %mul3A_108 : i32
      %add3A_110 = arith.constant 2 : i32
      %add3A_111 = arith.addi %mul3A_109, %add3A_110 : i32
      %lt3A_112 = arith.cmpi slt, %add3A_111, %select_n3A : i32
      %convert_element_type3A_113 = arith.extui %lt3A_112 : i1 to i32
      %cond3A_114 = arith.constant 0 : i32
      %cond3A_115 = arith.cmpi ne, %convert_element_type3A_113, %cond3A_114 : i32
      scf.if %cond3A_115 {
        %dma_wait3A = arith.constant 0 : i32
        %dma_wait3A_141 = tpu.memref_slice %arg6[%add3A_111, %dma_wait3A] : memref<79x128xi32, #tpu.memory_space<vmem>> -> memref<1x128xi32, #tpu.memory_space<vmem>>
        %dma_wait3A_142 = tpu.memref_squeeze %dma_wait3A_141 : memref<1x128xi32, #tpu.memory_space<vmem>> -> memref<128xi32, #tpu.memory_space<vmem>>
        %dma_wait3A_143 = arith.constant 0 : i32
        %dma_wait3A_144 = arith.constant 0 : i32
        %dma_wait3A_145 = tpu.memref_slice %arg4[%dma_wait3A_143, %dma_wait3A_144] : memref<10000x64xf32, #tpu.memory_space<hbm>> -> memref<10000x64xf32, #tpu.memory_space<hbm>>
        tpu.wait_indirect_dma semaphore(%arg18 : memref<!tpu.dma_semaphore, #tpu.memory_space<semaphore_mem>>) src(%dma_wait3A_145 : memref<10000x64xf32, #tpu.memory_space<hbm>>) dst(%arg10 : memref<128x64xf32, #tpu.memory_space<vmem>>)
        %run_scoped3A = arith.constant 0 : i32
        "tpu.region"() ({
          %run_scoped3A_152 = tpu.sem_alloc : memref<!tpu.dma_semaphore, #tpu.memory_space<semaphore_mem>>
          %dma_start3A_153 = arith.constant 0 : i32
          %dma_start3A_154 = tpu.memref_slice %arg7[%add3A_111, %run_scoped3A, %dma_start3A_153] : memref<79x1x128xi32, #tpu.memory_space<vmem>> -> memref<1x1x128xi32, #tpu.memory_space<vmem>>
          %dma_start3A_155 = tpu.memref_squeeze %dma_start3A_154 : memref<1x1x128xi32, #tpu.memory_space<vmem>> -> memref<128xi32, #tpu.memory_space<vmem>>
          %dma_start3A_156 = arith.constant 0 : i32
          %dma_start3A_157 = arith.constant 0 : i32
          %dma_start3A_158 = tpu.memref_slice %arg15[%dma_start3A_156, %dma_start3A_157] : memref<10240x64xf32, #tpu.memory_space<vmem_shared>> -> memref<10240x64xf32, #tpu.memory_space<vmem_shared>>
          tpu.enqueue_indirect_dma source(%arg10 : memref<128x64xf32, #tpu.memory_space<vmem>>) target(%dma_start3A_158 : memref<10240x64xf32, #tpu.memory_space<vmem_shared>>) offsets(%dma_start3A_155 : memref<128xi32, #tpu.memory_space<vmem>>) semaphore(%run_scoped3A_152 : memref<!tpu.dma_semaphore, #tpu.memory_space<semaphore_mem>>) {add = true}
          %dma_wait3A_159 = arith.constant 0 : i32
          %dma_wait3A_160 = tpu.memref_slice %arg7[%add3A_111, %run_scoped3A, %dma_wait3A_159] : memref<79x1x128xi32, #tpu.memory_space<vmem>> -> memref<1x1x128xi32, #tpu.memory_space<vmem>>
          %dma_wait3A_161 = tpu.memref_squeeze %dma_wait3A_160 : memref<1x1x128xi32, #tpu.memory_space<vmem>> -> memref<128xi32, #tpu.memory_space<vmem>>
          %dma_wait3A_162 = arith.constant 0 : i32
          %dma_wait3A_163 = arith.constant 0 : i32
          %dma_wait3A_164 = tpu.memref_slice %arg15[%dma_wait3A_162, %dma_wait3A_163] : memref<10240x64xf32, #tpu.memory_space<vmem_shared>> -> memref<10240x64xf32, #tpu.memory_space<vmem_shared>>
          tpu.wait_indirect_dma semaphore(%run_scoped3A_152 : memref<!tpu.dma_semaphore, #tpu.memory_space<semaphore_mem>>) src(%arg10 : memref<128x64xf32, #tpu.memory_space<vmem>>) dst(%dma_wait3A_164 : memref<10240x64xf32, #tpu.memory_space<vmem_shared>>)
          tpu.yield
        }) : () -> ()
        %add3A_146 = arith.constant 6 : i32
        %add3A_147 = arith.addi %add3A_111, %add3A_146 : i32
        %lt3A_148 = arith.cmpi slt, %add3A_147, %select_n3A : i32
        %convert_element_type3A_149 = arith.extui %lt3A_148 : i1 to i32
        %cond3A_150 = arith.constant 0 : i32
        %cond3A_151 = arith.cmpi ne, %convert_element_type3A_149, %cond3A_150 : i32
        scf.if %cond3A_151 {
          %add3A_152 = arith.constant 6 : i32
          %add3A_153 = arith.addi %add3A_111, %add3A_152 : i32
          %dma_start3A_154 = arith.constant 0 : i32
          %dma_start3A_155 = tpu.memref_slice %arg6[%add3A_153, %dma_start3A_154] : memref<79x128xi32, #tpu.memory_space<vmem>> -> memref<1x128xi32, #tpu.memory_space<vmem>>
          %dma_start3A_156 = tpu.memref_squeeze %dma_start3A_155 : memref<1x128xi32, #tpu.memory_space<vmem>> -> memref<128xi32, #tpu.memory_space<vmem>>
          %dma_start3A_157 = arith.constant 0 : i32
          %dma_start3A_158 = arith.constant 0 : i32
          %dma_start3A_159 = tpu.memref_slice %arg4[%dma_start3A_157, %dma_start3A_158] : memref<10000x64xf32, #tpu.memory_space<hbm>> -> memref<10000x64xf32, #tpu.memory_space<hbm>>
          tpu.enqueue_indirect_dma source(%dma_start3A_159 : memref<10000x64xf32, #tpu.memory_space<hbm>>) target(%arg10 : memref<128x64xf32, #tpu.memory_space<vmem>>) offsets(%dma_start3A_156 : memref<128xi32, #tpu.memory_space<vmem>>) semaphore(%arg18 : memref<!tpu.dma_semaphore, #tpu.memory_space<semaphore_mem>>)
        } else {
        }
      } else {
      }
      %mul3A_116 = arith.constant 6 : i32
      %mul3A_117 = arith.muli %scan3A_90, %mul3A_116 : i32
      %add3A_118 = arith.constant 3 : i32
      %add3A_119 = arith.addi %mul3A_117, %add3A_118 : i32
      %lt3A_120 = arith.cmpi slt, %add3A_119, %select_n3A : i32
      %convert_element_type3A_121 = arith.extui %lt3A_120 : i1 to i32
      %cond3A_122 = arith.constant 0 : i32
      %cond3A_123 = arith.cmpi ne, %convert_element_type3A_121, %cond3A_122 : i32
      scf.if %cond3A_123 {
        %dma_wait3A = arith.constant 0 : i32
        %dma_wait3A_141 = tpu.memref_slice %arg6[%add3A_119, %dma_wait3A] : memref<79x128xi32, #tpu.memory_space<vmem>> -> memref<1x128xi32, #tpu.memory_space<vmem>>
        %dma_wait3A_142 = tpu.memref_squeeze %dma_wait3A_141 : memref<1x128xi32, #tpu.memory_space<vmem>> -> memref<128xi32, #tpu.memory_space<vmem>>
        %dma_wait3A_143 = arith.constant 0 : i32
        %dma_wait3A_144 = arith.constant 0 : i32
        %dma_wait3A_145 = tpu.memref_slice %arg4[%dma_wait3A_143, %dma_wait3A_144] : memref<10000x64xf32, #tpu.memory_space<hbm>> -> memref<10000x64xf32, #tpu.memory_space<hbm>>
        tpu.wait_indirect_dma semaphore(%arg19 : memref<!tpu.dma_semaphore, #tpu.memory_space<semaphore_mem>>) src(%dma_wait3A_145 : memref<10000x64xf32, #tpu.memory_space<hbm>>) dst(%arg11 : memref<128x64xf32, #tpu.memory_space<vmem>>)
        %run_scoped3A = arith.constant 0 : i32
        "tpu.region"() ({
          %run_scoped3A_152 = tpu.sem_alloc : memref<!tpu.dma_semaphore, #tpu.memory_space<semaphore_mem>>
          %dma_start3A_153 = arith.constant 0 : i32
          %dma_start3A_154 = tpu.memref_slice %arg7[%add3A_119, %run_scoped3A, %dma_start3A_153] : memref<79x1x128xi32, #tpu.memory_space<vmem>> -> memref<1x1x128xi32, #tpu.memory_space<vmem>>
          %dma_start3A_155 = tpu.memref_squeeze %dma_start3A_154 : memref<1x1x128xi32, #tpu.memory_space<vmem>> -> memref<128xi32, #tpu.memory_space<vmem>>
          %dma_start3A_156 = arith.constant 0 : i32
          %dma_start3A_157 = arith.constant 0 : i32
          %dma_start3A_158 = tpu.memref_slice %arg15[%dma_start3A_156, %dma_start3A_157] : memref<10240x64xf32, #tpu.memory_space<vmem_shared>> -> memref<10240x64xf32, #tpu.memory_space<vmem_shared>>
          tpu.enqueue_indirect_dma source(%arg11 : memref<128x64xf32, #tpu.memory_space<vmem>>) target(%dma_start3A_158 : memref<10240x64xf32, #tpu.memory_space<vmem_shared>>) offsets(%dma_start3A_155 : memref<128xi32, #tpu.memory_space<vmem>>) semaphore(%run_scoped3A_152 : memref<!tpu.dma_semaphore, #tpu.memory_space<semaphore_mem>>) {add = true}
          %dma_wait3A_159 = arith.constant 0 : i32
          %dma_wait3A_160 = tpu.memref_slice %arg7[%add3A_119, %run_scoped3A, %dma_wait3A_159] : memref<79x1x128xi32, #tpu.memory_space<vmem>> -> memref<1x1x128xi32, #tpu.memory_space<vmem>>
          %dma_wait3A_161 = tpu.memref_squeeze %dma_wait3A_160 : memref<1x1x128xi32, #tpu.memory_space<vmem>> -> memref<128xi32, #tpu.memory_space<vmem>>
          %dma_wait3A_162 = arith.constant 0 : i32
          %dma_wait3A_163 = arith.constant 0 : i32
          %dma_wait3A_164 = tpu.memref_slice %arg15[%dma_wait3A_162, %dma_wait3A_163] : memref<10240x64xf32, #tpu.memory_space<vmem_shared>> -> memref<10240x64xf32, #tpu.memory_space<vmem_shared>>
          tpu.wait_indirect_dma semaphore(%run_scoped3A_152 : memref<!tpu.dma_semaphore, #tpu.memory_space<semaphore_mem>>) src(%arg11 : memref<128x64xf32, #tpu.memory_space<vmem>>) dst(%dma_wait3A_164 : memref<10240x64xf32, #tpu.memory_space<vmem_shared>>)
          tpu.yield
        }) : () -> ()
        %add3A_146 = arith.constant 6 : i32
        %add3A_147 = arith.addi %add3A_119, %add3A_146 : i32
        %lt3A_148 = arith.cmpi slt, %add3A_147, %select_n3A : i32
        %convert_element_type3A_149 = arith.extui %lt3A_148 : i1 to i32
        %cond3A_150 = arith.constant 0 : i32
        %cond3A_151 = arith.cmpi ne, %convert_element_type3A_149, %cond3A_150 : i32
        scf.if %cond3A_151 {
          %add3A_152 = arith.constant 6 : i32
          %add3A_153 = arith.addi %add3A_119, %add3A_152 : i32
          %dma_start3A_154 = arith.constant 0 : i32
          %dma_start3A_155 = tpu.memref_slice %arg6[%add3A_153, %dma_start3A_154] : memref<79x128xi32, #tpu.memory_space<vmem>> -> memref<1x128xi32, #tpu.memory_space<vmem>>
          %dma_start3A_156 = tpu.memref_squeeze %dma_start3A_155 : memref<1x128xi32, #tpu.memory_space<vmem>> -> memref<128xi32, #tpu.memory_space<vmem>>
          %dma_start3A_157 = arith.constant 0 : i32
          %dma_start3A_158 = arith.constant 0 : i32
          %dma_start3A_159 = tpu.memref_slice %arg4[%dma_start3A_157, %dma_start3A_158] : memref<10000x64xf32, #tpu.memory_space<hbm>> -> memref<10000x64xf32, #tpu.memory_space<hbm>>
          tpu.enqueue_indirect_dma source(%dma_start3A_159 : memref<10000x64xf32, #tpu.memory_space<hbm>>) target(%arg11 : memref<128x64xf32, #tpu.memory_space<vmem>>) offsets(%dma_start3A_156 : memref<128xi32, #tpu.memory_space<vmem>>) semaphore(%arg19 : memref<!tpu.dma_semaphore, #tpu.memory_space<semaphore_mem>>)
        } else {
        }
      } else {
      }
      %mul3A_124 = arith.constant 6 : i32
      %mul3A_125 = arith.muli %scan3A_90, %mul3A_124 : i32
      %add3A_126 = arith.constant 4 : i32
      %add3A_127 = arith.addi %mul3A_125, %add3A_126 : i32
      %lt3A_128 = arith.cmpi slt, %add3A_127, %select_n3A : i32
      %convert_element_type3A_129 = arith.extui %lt3A_128 : i1 to i32
      %cond3A_130 = arith.constant 0 : i32
      %cond3A_131 = arith.cmpi ne, %convert_element_type3A_129, %cond3A_130 : i32
      scf.if %cond3A_131 {
        %dma_wait3A = arith.constant 0 : i32
        %dma_wait3A_141 = tpu.memref_slice %arg6[%add3A_127, %dma_wait3A] : memref<79x128xi32, #tpu.memory_space<vmem>> -> memref<1x128xi32, #tpu.memory_space<vmem>>
        %dma_wait3A_142 = tpu.memref_squeeze %dma_wait3A_141 : memref<1x128xi32, #tpu.memory_space<vmem>> -> memref<128xi32, #tpu.memory_space<vmem>>
        %dma_wait3A_143 = arith.constant 0 : i32
        %dma_wait3A_144 = arith.constant 0 : i32
        %dma_wait3A_145 = tpu.memref_slice %arg4[%dma_wait3A_143, %dma_wait3A_144] : memref<10000x64xf32, #tpu.memory_space<hbm>> -> memref<10000x64xf32, #tpu.memory_space<hbm>>
        tpu.wait_indirect_dma semaphore(%arg20 : memref<!tpu.dma_semaphore, #tpu.memory_space<semaphore_mem>>) src(%dma_wait3A_145 : memref<10000x64xf32, #tpu.memory_space<hbm>>) dst(%arg12 : memref<128x64xf32, #tpu.memory_space<vmem>>)
        %run_scoped3A = arith.constant 0 : i32
        "tpu.region"() ({
          %run_scoped3A_152 = tpu.sem_alloc : memref<!tpu.dma_semaphore, #tpu.memory_space<semaphore_mem>>
          %dma_start3A_153 = arith.constant 0 : i32
          %dma_start3A_154 = tpu.memref_slice %arg7[%add3A_127, %run_scoped3A, %dma_start3A_153] : memref<79x1x128xi32, #tpu.memory_space<vmem>> -> memref<1x1x128xi32, #tpu.memory_space<vmem>>
          %dma_start3A_155 = tpu.memref_squeeze %dma_start3A_154 : memref<1x1x128xi32, #tpu.memory_space<vmem>> -> memref<128xi32, #tpu.memory_space<vmem>>
          %dma_start3A_156 = arith.constant 0 : i32
          %dma_start3A_157 = arith.constant 0 : i32
          %dma_start3A_158 = tpu.memref_slice %arg15[%dma_start3A_156, %dma_start3A_157] : memref<10240x64xf32, #tpu.memory_space<vmem_shared>> -> memref<10240x64xf32, #tpu.memory_space<vmem_shared>>
          tpu.enqueue_indirect_dma source(%arg12 : memref<128x64xf32, #tpu.memory_space<vmem>>) target(%dma_start3A_158 : memref<10240x64xf32, #tpu.memory_space<vmem_shared>>) offsets(%dma_start3A_155 : memref<128xi32, #tpu.memory_space<vmem>>) semaphore(%run_scoped3A_152 : memref<!tpu.dma_semaphore, #tpu.memory_space<semaphore_mem>>) {add = true}
          %dma_wait3A_159 = arith.constant 0 : i32
          %dma_wait3A_160 = tpu.memref_slice %arg7[%add3A_127, %run_scoped3A, %dma_wait3A_159] : memref<79x1x128xi32, #tpu.memory_space<vmem>> -> memref<1x1x128xi32, #tpu.memory_space<vmem>>
          %dma_wait3A_161 = tpu.memref_squeeze %dma_wait3A_160 : memref<1x1x128xi32, #tpu.memory_space<vmem>> -> memref<128xi32, #tpu.memory_space<vmem>>
          %dma_wait3A_162 = arith.constant 0 : i32
          %dma_wait3A_163 = arith.constant 0 : i32
          %dma_wait3A_164 = tpu.memref_slice %arg15[%dma_wait3A_162, %dma_wait3A_163] : memref<10240x64xf32, #tpu.memory_space<vmem_shared>> -> memref<10240x64xf32, #tpu.memory_space<vmem_shared>>
          tpu.wait_indirect_dma semaphore(%run_scoped3A_152 : memref<!tpu.dma_semaphore, #tpu.memory_space<semaphore_mem>>) src(%arg12 : memref<128x64xf32, #tpu.memory_space<vmem>>) dst(%dma_wait3A_164 : memref<10240x64xf32, #tpu.memory_space<vmem_shared>>)
          tpu.yield
        }) : () -> ()
        %add3A_146 = arith.constant 6 : i32
        %add3A_147 = arith.addi %add3A_127, %add3A_146 : i32
        %lt3A_148 = arith.cmpi slt, %add3A_147, %select_n3A : i32
        %convert_element_type3A_149 = arith.extui %lt3A_148 : i1 to i32
        %cond3A_150 = arith.constant 0 : i32
        %cond3A_151 = arith.cmpi ne, %convert_element_type3A_149, %cond3A_150 : i32
        scf.if %cond3A_151 {
          %add3A_152 = arith.constant 6 : i32
          %add3A_153 = arith.addi %add3A_127, %add3A_152 : i32
          %dma_start3A_154 = arith.constant 0 : i32
          %dma_start3A_155 = tpu.memref_slice %arg6[%add3A_153, %dma_start3A_154] : memref<79x128xi32, #tpu.memory_space<vmem>> -> memref<1x128xi32, #tpu.memory_space<vmem>>
          %dma_start3A_156 = tpu.memref_squeeze %dma_start3A_155 : memref<1x128xi32, #tpu.memory_space<vmem>> -> memref<128xi32, #tpu.memory_space<vmem>>
          %dma_start3A_157 = arith.constant 0 : i32
          %dma_start3A_158 = arith.constant 0 : i32
          %dma_start3A_159 = tpu.memref_slice %arg4[%dma_start3A_157, %dma_start3A_158] : memref<10000x64xf32, #tpu.memory_space<hbm>> -> memref<10000x64xf32, #tpu.memory_space<hbm>>
          tpu.enqueue_indirect_dma source(%dma_start3A_159 : memref<10000x64xf32, #tpu.memory_space<hbm>>) target(%arg12 : memref<128x64xf32, #tpu.memory_space<vmem>>) offsets(%dma_start3A_156 : memref<128xi32, #tpu.memory_space<vmem>>) semaphore(%arg20 : memref<!tpu.dma_semaphore, #tpu.memory_space<semaphore_mem>>)
        } else {
        }
      } else {
      }
      %mul3A_132 = arith.constant 6 : i32
      %mul3A_133 = arith.muli %scan3A_90, %mul3A_132 : i32
      %add3A_134 = arith.constant 5 : i32
      %add3A_135 = arith.addi %mul3A_133, %add3A_134 : i32
      %lt3A_136 = arith.cmpi slt, %add3A_135, %select_n3A : i32
      %convert_element_type3A_137 = arith.extui %lt3A_136 : i1 to i32
      %cond3A_138 = arith.constant 0 : i32
      %cond3A_139 = arith.cmpi ne, %convert_element_type3A_137, %cond3A_138 : i32
      scf.if %cond3A_139 {
        %dma_wait3A = arith.constant 0 : i32
        %dma_wait3A_141 = tpu.memref_slice %arg6[%add3A_135, %dma_wait3A] : memref<79x128xi32, #tpu.memory_space<vmem>> -> memref<1x128xi32, #tpu.memory_space<vmem>>
        %dma_wait3A_142 = tpu.memref_squeeze %dma_wait3A_141 : memref<1x128xi32, #tpu.memory_space<vmem>> -> memref<128xi32, #tpu.memory_space<vmem>>
        %dma_wait3A_143 = arith.constant 0 : i32
        %dma_wait3A_144 = arith.constant 0 : i32
        %dma_wait3A_145 = tpu.memref_slice %arg4[%dma_wait3A_143, %dma_wait3A_144] : memref<10000x64xf32, #tpu.memory_space<hbm>> -> memref<10000x64xf32, #tpu.memory_space<hbm>>
        tpu.wait_indirect_dma semaphore(%arg21 : memref<!tpu.dma_semaphore, #tpu.memory_space<semaphore_mem>>) src(%dma_wait3A_145 : memref<10000x64xf32, #tpu.memory_space<hbm>>) dst(%arg13 : memref<128x64xf32, #tpu.memory_space<vmem>>)
        %run_scoped3A = arith.constant 0 : i32
        "tpu.region"() ({
          %run_scoped3A_152 = tpu.sem_alloc : memref<!tpu.dma_semaphore, #tpu.memory_space<semaphore_mem>>
          %dma_start3A_153 = arith.constant 0 : i32
          %dma_start3A_154 = tpu.memref_slice %arg7[%add3A_135, %run_scoped3A, %dma_start3A_153] : memref<79x1x128xi32, #tpu.memory_space<vmem>> -> memref<1x1x128xi32, #tpu.memory_space<vmem>>
          %dma_start3A_155 = tpu.memref_squeeze %dma_start3A_154 : memref<1x1x128xi32, #tpu.memory_space<vmem>> -> memref<128xi32, #tpu.memory_space<vmem>>
          %dma_start3A_156 = arith.constant 0 : i32
          %dma_start3A_157 = arith.constant 0 : i32
          %dma_start3A_158 = tpu.memref_slice %arg15[%dma_start3A_156, %dma_start3A_157] : memref<10240x64xf32, #tpu.memory_space<vmem_shared>> -> memref<10240x64xf32, #tpu.memory_space<vmem_shared>>
          tpu.enqueue_indirect_dma source(%arg13 : memref<128x64xf32, #tpu.memory_space<vmem>>) target(%dma_start3A_158 : memref<10240x64xf32, #tpu.memory_space<vmem_shared>>) offsets(%dma_start3A_155 : memref<128xi32, #tpu.memory_space<vmem>>) semaphore(%run_scoped3A_152 : memref<!tpu.dma_semaphore, #tpu.memory_space<semaphore_mem>>) {add = true}
          %dma_wait3A_159 = arith.constant 0 : i32
          %dma_wait3A_160 = tpu.memref_slice %arg7[%add3A_135, %run_scoped3A, %dma_wait3A_159] : memref<79x1x128xi32, #tpu.memory_space<vmem>> -> memref<1x1x128xi32, #tpu.memory_space<vmem>>
          %dma_wait3A_161 = tpu.memref_squeeze %dma_wait3A_160 : memref<1x1x128xi32, #tpu.memory_space<vmem>> -> memref<128xi32, #tpu.memory_space<vmem>>
          %dma_wait3A_162 = arith.constant 0 : i32
          %dma_wait3A_163 = arith.constant 0 : i32
          %dma_wait3A_164 = tpu.memref_slice %arg15[%dma_wait3A_162, %dma_wait3A_163] : memref<10240x64xf32, #tpu.memory_space<vmem_shared>> -> memref<10240x64xf32, #tpu.memory_space<vmem_shared>>
          tpu.wait_indirect_dma semaphore(%run_scoped3A_152 : memref<!tpu.dma_semaphore, #tpu.memory_space<semaphore_mem>>) src(%arg13 : memref<128x64xf32, #tpu.memory_space<vmem>>) dst(%dma_wait3A_164 : memref<10240x64xf32, #tpu.memory_space<vmem_shared>>)
          tpu.yield
        }) : () -> ()
        %add3A_146 = arith.constant 6 : i32
        %add3A_147 = arith.addi %add3A_135, %add3A_146 : i32
        %lt3A_148 = arith.cmpi slt, %add3A_147, %select_n3A : i32
        %convert_element_type3A_149 = arith.extui %lt3A_148 : i1 to i32
        %cond3A_150 = arith.constant 0 : i32
        %cond3A_151 = arith.cmpi ne, %convert_element_type3A_149, %cond3A_150 : i32
        scf.if %cond3A_151 {
          %add3A_152 = arith.constant 6 : i32
          %add3A_153 = arith.addi %add3A_135, %add3A_152 : i32
          %dma_start3A_154 = arith.constant 0 : i32
          %dma_start3A_155 = tpu.memref_slice %arg6[%add3A_153, %dma_start3A_154] : memref<79x128xi32, #tpu.memory_space<vmem>> -> memref<1x128xi32, #tpu.memory_space<vmem>>
          %dma_start3A_156 = tpu.memref_squeeze %dma_start3A_155 : memref<1x128xi32, #tpu.memory_space<vmem>> -> memref<128xi32, #tpu.memory_space<vmem>>
          %dma_start3A_157 = arith.constant 0 : i32
          %dma_start3A_158 = arith.constant 0 : i32
          %dma_start3A_159 = tpu.memref_slice %arg4[%dma_start3A_157, %dma_start3A_158] : memref<10000x64xf32, #tpu.memory_space<hbm>> -> memref<10000x64xf32, #tpu.memory_space<hbm>>
          tpu.enqueue_indirect_dma source(%dma_start3A_159 : memref<10000x64xf32, #tpu.memory_space<hbm>>) target(%arg13 : memref<128x64xf32, #tpu.memory_space<vmem>>) offsets(%dma_start3A_156 : memref<128xi32, #tpu.memory_space<vmem>>) semaphore(%arg21 : memref<!tpu.dma_semaphore, #tpu.memory_space<semaphore_mem>>)
        } else {
        }
      } else {
      }
      %scan3A_140 = arith.constant 0 : i32
      scf.yield %scan3A_140 : i32
    }
    %scan3A_84 = arith.constant 14 : i32
    %barrier3A_85 = arith.constant 0 : index
    tpu.barrier barrier_id(%barrier3A_85)
    %mul3A_86 = arith.constant 640 : i32
    %mul3A_87 = arith.muli %arg1, %mul3A_86 : i32
    %mul3A_88 = arith.constant 640 : i32
    %mul3A_89 = arith.muli %arg1, %mul3A_88 : i32
    "tpu.region"() ({
      %run_scoped3A = tpu.sem_alloc : memref<!tpu.dma_semaphore, #tpu.memory_space<semaphore_mem>>
      %dma_start3A_90 = arith.constant 0 : i32
      %dma_start3A_91 = tpu.memref_slice %arg5[%arg0, %mul3A_89, %dma_start3A_90] : memref<2x10240x64xf32, #tpu.memory_space<hbm>> -> memref<1x640x64xf32, #tpu.memory_space<hbm>>
      %dma_start3A_92 = tpu.memref_squeeze %dma_start3A_91 : memref<1x640x64xf32, #tpu.memory_space<hbm>> -> memref<640x64xf32, #tpu.memory_space<hbm>>
      %dma_start3A_93 = arith.constant 0 : i32
      %dma_start3A_94 = tpu.memref_slice %arg15[%mul3A_87, %dma_start3A_93] : memref<10240x64xf32, #tpu.memory_space<vmem_shared>> -> memref<640x64xf32, #tpu.memory_space<vmem_shared>>
      tpu.enqueue_dma source(%dma_start3A_94 : memref<640x64xf32, #tpu.memory_space<vmem_shared>>) target(%dma_start3A_92 : memref<640x64xf32, #tpu.memory_space<hbm>>) target_semaphore(%run_scoped3A : memref<!tpu.dma_semaphore, #tpu.memory_space<semaphore_mem>>)
      %dma_wait3A = arith.constant 0 : i32
      %dma_wait3A_95 = tpu.memref_slice %arg5[%arg0, %mul3A_89, %dma_wait3A] : memref<2x10240x64xf32, #tpu.memory_space<hbm>> -> memref<1x640x64xf32, #tpu.memory_space<hbm>>
      %dma_wait3A_96 = tpu.memref_squeeze %dma_wait3A_95 : memref<1x640x64xf32, #tpu.memory_space<hbm>> -> memref<640x64xf32, #tpu.memory_space<hbm>>
      %dma_wait3A_97 = arith.constant 0 : i32
      %dma_wait3A_98 = tpu.memref_slice %arg15[%mul3A_87, %dma_wait3A_97] : memref<10240x64xf32, #tpu.memory_space<vmem_shared>> -> memref<640x64xf32, #tpu.memory_space<vmem_shared>>
      tpu.wait_dma2 semaphore(%run_scoped3A : memref<!tpu.dma_semaphore, #tpu.memory_space<semaphore_mem>>) src(%dma_wait3A_98 : memref<640x64xf32, #tpu.memory_space<vmem_shared>>) dst(%dma_wait3A_96 : memref<640x64xf32, #tpu.memory_space<hbm>>)
      tpu.yield
    }) : () -> ()
    return
  }
}

#map = affine_map<(d0, d1) -> (0, 0, 0)>
#map1 = affine_map<(d0, d1) -> (0, 0)>
module attributes {stable_mosaic.version = 14 : i64} {
  func.func @_sc_degree(%arg0: i32, %arg1: i32, %arg2: memref<2500x1x128xi32, #tpu.memory_space<hbm>>, %arg3: memref<2x10240xf32, #tpu.memory_space<hbm>>, %arg4: memref<79x1x128xi32, #tpu.memory_space<vmem>>, %arg5: memref<128xf32, #tpu.memory_space<vmem>>, %arg6: memref<640xf32, #tpu.memory_space<vmem>>, %arg7: memref<10240xf32, #tpu.memory_space<vmem_shared>>, %arg8: memref<!tpu.dma_semaphore, #tpu.memory_space<semaphore_mem>>) attributes {dimension_semantics = [#tpu.dimension_semantics<core_parallel>, #tpu.dimension_semantics<subcore_parallel>], iteration_bounds = array<i64: 2, 16>, scalar_prefetch = 0 : i64, scratch_operands = 5 : i64, tpu.core_type = #tpu.core_type<sc_vector_subcore>, window_params = [{transform_indices = #map}, {transform_indices = #map1}]} {
    %mul3A = arith.constant 16 : i32
    %mul3A_0 = arith.muli %arg0, %mul3A : i32
    %add3A = arith.addi %mul3A_0, %arg1 : i32
    %lt3A = arith.constant 4 : i32
    %lt3A_1 = arith.cmpi slt, %add3A, %lt3A : i32
    %jit3A = arith.constant 79 : i32
    %jit3A_2 = arith.constant 78 : i32
    %select_n3A = arith.select %lt3A_1, %jit3A, %jit3A_2 : i32
    %scan3A = arith.constant 0 : i32
    %scan3A_3 = arith.constant 0 : i32
    %scan3A_4 = arith.constant 40 : i32
    %scan3A_5 = arith.addi %scan3A_3, %scan3A_4 : i32
    %scan3A_6 = arith.constant 1 : i32
    %scan3A_7 = scf.for %scan3A_74 = %scan3A_3 to %scan3A_5 step %scan3A_6 iter_args(%scan3A_75 = %scan3A) -> (i32)  : i32 {
      %broadcast_in_dim3A_76 = arith.constant 0.000000e+00 : f32
      %broadcast_in_dim3A_77 = vector.broadcast %broadcast_in_dim3A_76 : f32 to vector<16xf32>
      %mul3A_78 = arith.constant 16 : i32
      %mul3A_79 = arith.muli %scan3A_74, %mul3A_78 : i32
      %swap3A_80 = arith.index_cast %mul3A_79 : i32 to index
      %swap3A_81 = tpu.vector_load %arg6[%swap3A_80] {strides = array<i32>} : memref<640xf32, #tpu.memory_space<vmem>>, vector<16xf32>,
      %swap3A_82 = vector.shape_cast %swap3A_81 : vector<16xf32> to vector<16xf32>
      %swap3A_83 = vector.shape_cast %broadcast_in_dim3A_77 : vector<16xf32> to vector<16xf32>
      tpu.vector_store %arg6[%swap3A_80], %swap3A_83 {strides = array<i32>} : memref<640xf32, #tpu.memory_space<vmem>>, vector<16xf32>,
      %scan3A_84 = arith.constant 0 : i32
      scf.yield %scan3A_84 : i32
    }
    %scan3A_8 = arith.constant 40 : i32
    %broadcast_in_dim3A = arith.constant 1.000000e+00 : f32
    %broadcast_in_dim3A_9 = vector.broadcast %broadcast_in_dim3A : f32 to vector<16xf32>
    %swap3A = arith.constant 0 : index
    %swap3A_10 = tpu.vector_load %arg5[%swap3A] {strides = array<i32>} : memref<128xf32, #tpu.memory_space<vmem>>, vector<16xf32>,
    %swap3A_11 = vector.shape_cast %swap3A_10 : vector<16xf32> to vector<16xf32>
    %swap3A_12 = vector.shape_cast %broadcast_in_dim3A_9 : vector<16xf32> to vector<16xf32>
    tpu.vector_store %arg5[%swap3A], %swap3A_12 {strides = array<i32>} : memref<128xf32, #tpu.memory_space<vmem>>, vector<16xf32>,
    %broadcast_in_dim3A_13 = arith.constant 1.000000e+00 : f32
    %broadcast_in_dim3A_14 = vector.broadcast %broadcast_in_dim3A_13 : f32 to vector<16xf32>
    %swap3A_15 = arith.constant 16 : index
    %swap3A_16 = tpu.vector_load %arg5[%swap3A_15] {strides = array<i32>} : memref<128xf32, #tpu.memory_space<vmem>>, vector<16xf32>,
    %swap3A_17 = vector.shape_cast %swap3A_16 : vector<16xf32> to vector<16xf32>
    %swap3A_18 = vector.shape_cast %broadcast_in_dim3A_14 : vector<16xf32> to vector<16xf32>
    tpu.vector_store %arg5[%swap3A_15], %swap3A_18 {strides = array<i32>} : memref<128xf32, #tpu.memory_space<vmem>>, vector<16xf32>,
    %broadcast_in_dim3A_19 = arith.constant 1.000000e+00 : f32
    %broadcast_in_dim3A_20 = vector.broadcast %broadcast_in_dim3A_19 : f32 to vector<16xf32>
    %swap3A_21 = arith.constant 32 : index
    %swap3A_22 = tpu.vector_load %arg5[%swap3A_21] {strides = array<i32>} : memref<128xf32, #tpu.memory_space<vmem>>, vector<16xf32>,
    %swap3A_23 = vector.shape_cast %swap3A_22 : vector<16xf32> to vector<16xf32>
    %swap3A_24 = vector.shape_cast %broadcast_in_dim3A_20 : vector<16xf32> to vector<16xf32>
    tpu.vector_store %arg5[%swap3A_21], %swap3A_24 {strides = array<i32>} : memref<128xf32, #tpu.memory_space<vmem>>, vector<16xf32>,
    %broadcast_in_dim3A_25 = arith.constant 1.000000e+00 : f32
    %broadcast_in_dim3A_26 = vector.broadcast %broadcast_in_dim3A_25 : f32 to vector<16xf32>
    %swap3A_27 = arith.constant 48 : index
    %swap3A_28 = tpu.vector_load %arg5[%swap3A_27] {strides = array<i32>} : memref<128xf32, #tpu.memory_space<vmem>>, vector<16xf32>,
    %swap3A_29 = vector.shape_cast %swap3A_28 : vector<16xf32> to vector<16xf32>
    %swap3A_30 = vector.shape_cast %broadcast_in_dim3A_26 : vector<16xf32> to vector<16xf32>
    tpu.vector_store %arg5[%swap3A_27], %swap3A_30 {strides = array<i32>} : memref<128xf32, #tpu.memory_space<vmem>>, vector<16xf32>,
    %broadcast_in_dim3A_31 = arith.constant 1.000000e+00 : f32
    %broadcast_in_dim3A_32 = vector.broadcast %broadcast_in_dim3A_31 : f32 to vector<16xf32>
    %swap3A_33 = arith.constant 64 : index
    %swap3A_34 = tpu.vector_load %arg5[%swap3A_33] {strides = array<i32>} : memref<128xf32, #tpu.memory_space<vmem>>, vector<16xf32>,
    %swap3A_35 = vector.shape_cast %swap3A_34 : vector<16xf32> to vector<16xf32>
    %swap3A_36 = vector.shape_cast %broadcast_in_dim3A_32 : vector<16xf32> to vector<16xf32>
    tpu.vector_store %arg5[%swap3A_33], %swap3A_36 {strides = array<i32>} : memref<128xf32, #tpu.memory_space<vmem>>, vector<16xf32>,
    %broadcast_in_dim3A_37 = arith.constant 1.000000e+00 : f32
    %broadcast_in_dim3A_38 = vector.broadcast %broadcast_in_dim3A_37 : f32 to vector<16xf32>
    %swap3A_39 = arith.constant 80 : index
    %swap3A_40 = tpu.vector_load %arg5[%swap3A_39] {strides = array<i32>} : memref<128xf32, #tpu.memory_space<vmem>>, vector<16xf32>,
    %swap3A_41 = vector.shape_cast %swap3A_40 : vector<16xf32> to vector<16xf32>
    %swap3A_42 = vector.shape_cast %broadcast_in_dim3A_38 : vector<16xf32> to vector<16xf32>
    tpu.vector_store %arg5[%swap3A_39], %swap3A_42 {strides = array<i32>} : memref<128xf32, #tpu.memory_space<vmem>>, vector<16xf32>,
    %broadcast_in_dim3A_43 = arith.constant 1.000000e+00 : f32
    %broadcast_in_dim3A_44 = vector.broadcast %broadcast_in_dim3A_43 : f32 to vector<16xf32>
    %swap3A_45 = arith.constant 96 : index
    %swap3A_46 = tpu.vector_load %arg5[%swap3A_45] {strides = array<i32>} : memref<128xf32, #tpu.memory_space<vmem>>, vector<16xf32>,
    %swap3A_47 = vector.shape_cast %swap3A_46 : vector<16xf32> to vector<16xf32>
    %swap3A_48 = vector.shape_cast %broadcast_in_dim3A_44 : vector<16xf32> to vector<16xf32>
    tpu.vector_store %arg5[%swap3A_45], %swap3A_48 {strides = array<i32>} : memref<128xf32, #tpu.memory_space<vmem>>, vector<16xf32>,
    %broadcast_in_dim3A_49 = arith.constant 1.000000e+00 : f32
    %broadcast_in_dim3A_50 = vector.broadcast %broadcast_in_dim3A_49 : f32 to vector<16xf32>
    %swap3A_51 = arith.constant 112 : index
    %swap3A_52 = tpu.vector_load %arg5[%swap3A_51] {strides = array<i32>} : memref<128xf32, #tpu.memory_space<vmem>>, vector<16xf32>,
    %swap3A_53 = vector.shape_cast %swap3A_52 : vector<16xf32> to vector<16xf32>
    %swap3A_54 = vector.shape_cast %broadcast_in_dim3A_50 : vector<16xf32> to vector<16xf32>
    tpu.vector_store %arg5[%swap3A_51], %swap3A_54 {strides = array<i32>} : memref<128xf32, #tpu.memory_space<vmem>>, vector<16xf32>,
    %mul3A_55 = arith.constant 640 : i32
    %mul3A_56 = arith.muli %arg1, %mul3A_55 : i32
    "tpu.region"() ({
      %run_scoped3A = tpu.sem_alloc : memref<!tpu.dma_semaphore, #tpu.memory_space<semaphore_mem>>
      %dma_start3A = tpu.memref_slice %arg7[%mul3A_56] : memref<10240xf32, #tpu.memory_space<vmem_shared>> -> memref<640xf32, #tpu.memory_space<vmem_shared>>
      %dma_start3A_74 = tpu.memref_slice %arg7[%mul3A_56] : memref<10240xf32, #tpu.memory_space<vmem_shared>> -> memref<640xf32, #tpu.memory_space<vmem_shared>>
      tpu.enqueue_dma source(%arg6 : memref<640xf32, #tpu.memory_space<vmem>>) target(%dma_start3A_74 : memref<640xf32, #tpu.memory_space<vmem_shared>>) target_semaphore(%run_scoped3A : memref<!tpu.dma_semaphore, #tpu.memory_space<semaphore_mem>>)
      %dma_wait3A = tpu.memref_slice %arg7[%mul3A_56] : memref<10240xf32, #tpu.memory_space<vmem_shared>> -> memref<640xf32, #tpu.memory_space<vmem_shared>>
      %dma_wait3A_75 = tpu.memref_slice %arg7[%mul3A_56] : memref<10240xf32, #tpu.memory_space<vmem_shared>> -> memref<640xf32, #tpu.memory_space<vmem_shared>>
      tpu.wait_dma2 semaphore(%run_scoped3A : memref<!tpu.dma_semaphore, #tpu.memory_space<semaphore_mem>>) src(%arg6 : memref<640xf32, #tpu.memory_space<vmem>>) dst(%dma_wait3A_75 : memref<640xf32, #tpu.memory_space<vmem_shared>>)
      tpu.yield
    }) : () -> ()
    %mul3A_57 = arith.constant 78 : i32
    %mul3A_58 = arith.muli %add3A, %mul3A_57 : i32
    "tpu.region"() ({
      %run_scoped3A = tpu.sem_alloc : memref<!tpu.dma_semaphore, #tpu.memory_space<semaphore_mem>>
      %dma_start3A = arith.constant 0 : i32
      %dma_start3A_74 = arith.constant 0 : i32
      %dma_start3A_75 = arith.constant 0 : i32
      %dma_start3A_76 = tpu.memref_slice %arg4[%dma_start3A, %dma_start3A_74, %dma_start3A_75] : memref<79x1x128xi32, #tpu.memory_space<vmem>> -> memref<78x1x128xi32, #tpu.memory_space<vmem>>
      %dma_start3A_77 = arith.constant 0 : i32
      %dma_start3A_78 = arith.constant 0 : i32
      %dma_start3A_79 = tpu.memref_slice %arg2[%mul3A_58, %dma_start3A_77, %dma_start3A_78] : memref<2500x1x128xi32, #tpu.memory_space<hbm>> -> memref<78x1x128xi32, #tpu.memory_space<hbm>>
      %dma_start3A_80 = arith.constant 0 : i32
      %dma_start3A_81 = arith.constant 0 : i32
      %dma_start3A_82 = arith.constant 0 : i32
      %dma_start3A_83 = tpu.memref_slice %arg4[%dma_start3A_80, %dma_start3A_81, %dma_start3A_82] : memref<79x1x128xi32, #tpu.memory_space<vmem>> -> memref<78x1x128xi32, #tpu.memory_space<vmem>>
      %dma_start3A_84 = arith.constant 0 : i32
      %dma_start3A_85 = arith.constant 0 : i32
      %dma_start3A_86 = tpu.memref_slice %arg2[%mul3A_58, %dma_start3A_84, %dma_start3A_85] : memref<2500x1x128xi32, #tpu.memory_space<hbm>> -> memref<78x1x128xi32, #tpu.memory_space<hbm>>
      tpu.enqueue_dma source(%dma_start3A_86 : memref<78x1x128xi32, #tpu.memory_space<hbm>>) target(%dma_start3A_83 : memref<78x1x128xi32, #tpu.memory_space<vmem>>) target_semaphore(%run_scoped3A : memref<!tpu.dma_semaphore, #tpu.memory_space<semaphore_mem>>)
      %dma_wait3A = arith.constant 0 : i32
      %dma_wait3A_87 = arith.constant 0 : i32
      %dma_wait3A_88 = arith.constant 0 : i32
      %dma_wait3A_89 = tpu.memref_slice %arg4[%dma_wait3A, %dma_wait3A_87, %dma_wait3A_88] : memref<79x1x128xi32, #tpu.memory_space<vmem>> -> memref<78x1x128xi32, #tpu.memory_space<vmem>>
      %dma_wait3A_90 = arith.constant 0 : i32
      %dma_wait3A_91 = arith.constant 0 : i32
      %dma_wait3A_92 = tpu.memref_slice %arg2[%mul3A_58, %dma_wait3A_90, %dma_wait3A_91] : memref<2500x1x128xi32, #tpu.memory_space<hbm>> -> memref<78x1x128xi32, #tpu.memory_space<hbm>>
      %dma_wait3A_93 = arith.constant 0 : i32
      %dma_wait3A_94 = arith.constant 0 : i32
      %dma_wait3A_95 = arith.constant 0 : i32
      %dma_wait3A_96 = tpu.memref_slice %arg4[%dma_wait3A_93, %dma_wait3A_94, %dma_wait3A_95] : memref<79x1x128xi32, #tpu.memory_space<vmem>> -> memref<78x1x128xi32, #tpu.memory_space<vmem>>
      %dma_wait3A_97 = arith.constant 0 : i32
      %dma_wait3A_98 = arith.constant 0 : i32
      %dma_wait3A_99 = tpu.memref_slice %arg2[%mul3A_58, %dma_wait3A_97, %dma_wait3A_98] : memref<2500x1x128xi32, #tpu.memory_space<hbm>> -> memref<78x1x128xi32, #tpu.memory_space<hbm>>
      tpu.wait_dma2 semaphore(%run_scoped3A : memref<!tpu.dma_semaphore, #tpu.memory_space<semaphore_mem>>) src(%dma_wait3A_99 : memref<78x1x128xi32, #tpu.memory_space<hbm>>) dst(%dma_wait3A_96 : memref<78x1x128xi32, #tpu.memory_space<vmem>>)
      tpu.yield
    }) : () -> ()
    %lt3A_59 = arith.constant 4 : i32
    %lt3A_60 = arith.cmpi slt, %add3A, %lt3A_59 : i32
    %convert_element_type3A = arith.extui %lt3A_60 : i1 to i32
    %cond3A = arith.constant 0 : i32
    %cond3A_61 = arith.cmpi ne, %convert_element_type3A, %cond3A : i32
    scf.if %cond3A_61 {
      %add3A_74 = arith.constant 2496 : i32
      %add3A_75 = arith.addi %add3A_74, %add3A : i32
      "tpu.region"() ({
        %run_scoped3A = tpu.sem_alloc : memref<!tpu.dma_semaphore, #tpu.memory_space<semaphore_mem>>
        %dma_start3A = arith.constant 78 : i32
        %dma_start3A_76 = arith.constant 0 : i32
        %dma_start3A_77 = arith.constant 0 : i32
        %dma_start3A_78 = tpu.memref_slice %arg4[%dma_start3A, %dma_start3A_76, %dma_start3A_77] : memref<79x1x128xi32, #tpu.memory_space<vmem>> -> memref<1x1x128xi32, #tpu.memory_space<vmem>>
        %dma_start3A_79 = arith.constant 0 : i32
        %dma_start3A_80 = arith.constant 0 : i32
        %dma_start3A_81 = tpu.memref_slice %arg2[%add3A_75, %dma_start3A_79, %dma_start3A_80] : memref<2500x1x128xi32, #tpu.memory_space<hbm>> -> memref<1x1x128xi32, #tpu.memory_space<hbm>>
        %dma_start3A_82 = arith.constant 78 : i32
        %dma_start3A_83 = arith.constant 0 : i32
        %dma_start3A_84 = arith.constant 0 : i32
        %dma_start3A_85 = tpu.memref_slice %arg4[%dma_start3A_82, %dma_start3A_83, %dma_start3A_84] : memref<79x1x128xi32, #tpu.memory_space<vmem>> -> memref<1x1x128xi32, #tpu.memory_space<vmem>>
        %dma_start3A_86 = arith.constant 0 : i32
        %dma_start3A_87 = arith.constant 0 : i32
        %dma_start3A_88 = tpu.memref_slice %arg2[%add3A_75, %dma_start3A_86, %dma_start3A_87] : memref<2500x1x128xi32, #tpu.memory_space<hbm>> -> memref<1x1x128xi32, #tpu.memory_space<hbm>>
        tpu.enqueue_dma source(%dma_start3A_88 : memref<1x1x128xi32, #tpu.memory_space<hbm>>) target(%dma_start3A_85 : memref<1x1x128xi32, #tpu.memory_space<vmem>>) target_semaphore(%run_scoped3A : memref<!tpu.dma_semaphore, #tpu.memory_space<semaphore_mem>>)
        %dma_wait3A = arith.constant 78 : i32
        %dma_wait3A_89 = arith.constant 0 : i32
        %dma_wait3A_90 = arith.constant 0 : i32
        %dma_wait3A_91 = tpu.memref_slice %arg4[%dma_wait3A, %dma_wait3A_89, %dma_wait3A_90] : memref<79x1x128xi32, #tpu.memory_space<vmem>> -> memref<1x1x128xi32, #tpu.memory_space<vmem>>
        %dma_wait3A_92 = arith.constant 0 : i32
        %dma_wait3A_93 = arith.constant 0 : i32
        %dma_wait3A_94 = tpu.memref_slice %arg2[%add3A_75, %dma_wait3A_92, %dma_wait3A_93] : memref<2500x1x128xi32, #tpu.memory_space<hbm>> -> memref<1x1x128xi32, #tpu.memory_space<hbm>>
        %dma_wait3A_95 = arith.constant 78 : i32
        %dma_wait3A_96 = arith.constant 0 : i32
        %dma_wait3A_97 = arith.constant 0 : i32
        %dma_wait3A_98 = tpu.memref_slice %arg4[%dma_wait3A_95, %dma_wait3A_96, %dma_wait3A_97] : memref<79x1x128xi32, #tpu.memory_space<vmem>> -> memref<1x1x128xi32, #tpu.memory_space<vmem>>
        %dma_wait3A_99 = arith.constant 0 : i32
        %dma_wait3A_100 = arith.constant 0 : i32
        %dma_wait3A_101 = tpu.memref_slice %arg2[%add3A_75, %dma_wait3A_99, %dma_wait3A_100] : memref<2500x1x128xi32, #tpu.memory_space<hbm>> -> memref<1x1x128xi32, #tpu.memory_space<hbm>>
        tpu.wait_dma2 semaphore(%run_scoped3A : memref<!tpu.dma_semaphore, #tpu.memory_space<semaphore_mem>>) src(%dma_wait3A_101 : memref<1x1x128xi32, #tpu.memory_space<hbm>>) dst(%dma_wait3A_98 : memref<1x1x128xi32, #tpu.memory_space<vmem>>)
        tpu.yield
      }) : () -> ()
    } else {
    }
    %barrier3A = arith.constant 0 : index
    tpu.barrier barrier_id(%barrier3A)
    %scan3A_62 = arith.constant 0 : i32
    %scan3A_63 = arith.constant 0 : i32
    %scan3A_64 = arith.constant 10 : i32
    %scan3A_65 = arith.addi %scan3A_63, %scan3A_64 : i32
    %scan3A_66 = arith.constant 1 : i32
    %scan3A_67 = scf.for %scan3A_74 = %scan3A_63 to %scan3A_65 step %scan3A_66 iter_args(%scan3A_75 = %scan3A_62) -> (i32)  : i32 {
      %mul3A_76 = arith.constant 8 : i32
      %mul3A_77 = arith.muli %scan3A_74, %mul3A_76 : i32
      %add3A_78 = arith.constant 0 : i32
      %add3A_79 = arith.addi %mul3A_77, %add3A_78 : i32
      %lt3A_80 = arith.cmpi slt, %add3A_79, %select_n3A : i32
      %convert_element_type3A_81 = arith.extui %lt3A_80 : i1 to i32
      %cond3A_82 = arith.constant 0 : i32
      %cond3A_83 = arith.cmpi ne, %convert_element_type3A_81, %cond3A_82 : i32
      scf.if %cond3A_83 {
        %dma_start3A = arith.constant 0 : i32
        %dma_start3A_205 = arith.constant 0 : i32
        %dma_start3A_206 = tpu.memref_slice %arg4[%add3A_79, %dma_start3A, %dma_start3A_205] : memref<79x1x128xi32, #tpu.memory_space<vmem>> -> memref<1x1x128xi32, #tpu.memory_space<vmem>>
        %dma_start3A_207 = tpu.memref_squeeze %dma_start3A_206 : memref<1x1x128xi32, #tpu.memory_space<vmem>> -> memref<128xi32, #tpu.memory_space<vmem>>
        %dma_start3A_208 = arith.constant 0 : i32
        %dma_start3A_209 = tpu.memref_slice %arg7[%dma_start3A_208] : memref<10240xf32, #tpu.memory_space<vmem_shared>> -> memref<10240xf32, #tpu.memory_space<vmem_shared>>
        tpu.enqueue_indirect_dma source(%arg5 : memref<128xf32, #tpu.memory_space<vmem>>) target(%dma_start3A_209 : memref<10240xf32, #tpu.memory_space<vmem_shared>>) offsets(%dma_start3A_207 : memref<128xi32, #tpu.memory_space<vmem>>) semaphore(%arg8 : memref<!tpu.dma_semaphore, #tpu.memory_space<semaphore_mem>>) {add = true}
      } else {
      }
      %mul3A_84 = arith.constant 8 : i32
      %mul3A_85 = arith.muli %scan3A_74, %mul3A_84 : i32
      %add3A_86 = arith.constant 1 : i32
      %add3A_87 = arith.addi %mul3A_85, %add3A_86 : i32
      %lt3A_88 = arith.cmpi slt, %add3A_87, %select_n3A : i32
      %convert_element_type3A_89 = arith.extui %lt3A_88 : i1 to i32
      %cond3A_90 = arith.constant 0 : i32
      %cond3A_91 = arith.cmpi ne, %convert_element_type3A_89, %cond3A_90 : i32
      scf.if %cond3A_91 {
        %dma_start3A = arith.constant 0 : i32
        %dma_start3A_205 = arith.constant 0 : i32
        %dma_start3A_206 = tpu.memref_slice %arg4[%add3A_87, %dma_start3A, %dma_start3A_205] : memref<79x1x128xi32, #tpu.memory_space<vmem>> -> memref<1x1x128xi32, #tpu.memory_space<vmem>>
        %dma_start3A_207 = tpu.memref_squeeze %dma_start3A_206 : memref<1x1x128xi32, #tpu.memory_space<vmem>> -> memref<128xi32, #tpu.memory_space<vmem>>
        %dma_start3A_208 = arith.constant 0 : i32
        %dma_start3A_209 = tpu.memref_slice %arg7[%dma_start3A_208] : memref<10240xf32, #tpu.memory_space<vmem_shared>> -> memref<10240xf32, #tpu.memory_space<vmem_shared>>
        tpu.enqueue_indirect_dma source(%arg5 : memref<128xf32, #tpu.memory_space<vmem>>) target(%dma_start3A_209 : memref<10240xf32, #tpu.memory_space<vmem_shared>>) offsets(%dma_start3A_207 : memref<128xi32, #tpu.memory_space<vmem>>) semaphore(%arg8 : memref<!tpu.dma_semaphore, #tpu.memory_space<semaphore_mem>>) {add = true}
      } else {
      }
      %mul3A_92 = arith.constant 8 : i32
      %mul3A_93 = arith.muli %scan3A_74, %mul3A_92 : i32
      %add3A_94 = arith.constant 2 : i32
      %add3A_95 = arith.addi %mul3A_93, %add3A_94 : i32
      %lt3A_96 = arith.cmpi slt, %add3A_95, %select_n3A : i32
      %convert_element_type3A_97 = arith.extui %lt3A_96 : i1 to i32
      %cond3A_98 = arith.constant 0 : i32
      %cond3A_99 = arith.cmpi ne, %convert_element_type3A_97, %cond3A_98 : i32
      scf.if %cond3A_99 {
        %dma_start3A = arith.constant 0 : i32
        %dma_start3A_205 = arith.constant 0 : i32
        %dma_start3A_206 = tpu.memref_slice %arg4[%add3A_95, %dma_start3A, %dma_start3A_205] : memref<79x1x128xi32, #tpu.memory_space<vmem>> -> memref<1x1x128xi32, #tpu.memory_space<vmem>>
        %dma_start3A_207 = tpu.memref_squeeze %dma_start3A_206 : memref<1x1x128xi32, #tpu.memory_space<vmem>> -> memref<128xi32, #tpu.memory_space<vmem>>
        %dma_start3A_208 = arith.constant 0 : i32
        %dma_start3A_209 = tpu.memref_slice %arg7[%dma_start3A_208] : memref<10240xf32, #tpu.memory_space<vmem_shared>> -> memref<10240xf32, #tpu.memory_space<vmem_shared>>
        tpu.enqueue_indirect_dma source(%arg5 : memref<128xf32, #tpu.memory_space<vmem>>) target(%dma_start3A_209 : memref<10240xf32, #tpu.memory_space<vmem_shared>>) offsets(%dma_start3A_207 : memref<128xi32, #tpu.memory_space<vmem>>) semaphore(%arg8 : memref<!tpu.dma_semaphore, #tpu.memory_space<semaphore_mem>>) {add = true}
      } else {
      }
      %mul3A_100 = arith.constant 8 : i32
      %mul3A_101 = arith.muli %scan3A_74, %mul3A_100 : i32
      %add3A_102 = arith.constant 3 : i32
      %add3A_103 = arith.addi %mul3A_101, %add3A_102 : i32
      %lt3A_104 = arith.cmpi slt, %add3A_103, %select_n3A : i32
      %convert_element_type3A_105 = arith.extui %lt3A_104 : i1 to i32
      %cond3A_106 = arith.constant 0 : i32
      %cond3A_107 = arith.cmpi ne, %convert_element_type3A_105, %cond3A_106 : i32
      scf.if %cond3A_107 {
        %dma_start3A = arith.constant 0 : i32
        %dma_start3A_205 = arith.constant 0 : i32
        %dma_start3A_206 = tpu.memref_slice %arg4[%add3A_103, %dma_start3A, %dma_start3A_205] : memref<79x1x128xi32, #tpu.memory_space<vmem>> -> memref<1x1x128xi32, #tpu.memory_space<vmem>>
        %dma_start3A_207 = tpu.memref_squeeze %dma_start3A_206 : memref<1x1x128xi32, #tpu.memory_space<vmem>> -> memref<128xi32, #tpu.memory_space<vmem>>
        %dma_start3A_208 = arith.constant 0 : i32
        %dma_start3A_209 = tpu.memref_slice %arg7[%dma_start3A_208] : memref<10240xf32, #tpu.memory_space<vmem_shared>> -> memref<10240xf32, #tpu.memory_space<vmem_shared>>
        tpu.enqueue_indirect_dma source(%arg5 : memref<128xf32, #tpu.memory_space<vmem>>) target(%dma_start3A_209 : memref<10240xf32, #tpu.memory_space<vmem_shared>>) offsets(%dma_start3A_207 : memref<128xi32, #tpu.memory_space<vmem>>) semaphore(%arg8 : memref<!tpu.dma_semaphore, #tpu.memory_space<semaphore_mem>>) {add = true}
      } else {
      }
      %mul3A_108 = arith.constant 8 : i32
      %mul3A_109 = arith.muli %scan3A_74, %mul3A_108 : i32
      %add3A_110 = arith.constant 4 : i32
      %add3A_111 = arith.addi %mul3A_109, %add3A_110 : i32
      %lt3A_112 = arith.cmpi slt, %add3A_111, %select_n3A : i32
      %convert_element_type3A_113 = arith.extui %lt3A_112 : i1 to i32
      %cond3A_114 = arith.constant 0 : i32
      %cond3A_115 = arith.cmpi ne, %convert_element_type3A_113, %cond3A_114 : i32
      scf.if %cond3A_115 {
        %dma_start3A = arith.constant 0 : i32
        %dma_start3A_205 = arith.constant 0 : i32
        %dma_start3A_206 = tpu.memref_slice %arg4[%add3A_111, %dma_start3A, %dma_start3A_205] : memref<79x1x128xi32, #tpu.memory_space<vmem>> -> memref<1x1x128xi32, #tpu.memory_space<vmem>>
        %dma_start3A_207 = tpu.memref_squeeze %dma_start3A_206 : memref<1x1x128xi32, #tpu.memory_space<vmem>> -> memref<128xi32, #tpu.memory_space<vmem>>
        %dma_start3A_208 = arith.constant 0 : i32
        %dma_start3A_209 = tpu.memref_slice %arg7[%dma_start3A_208] : memref<10240xf32, #tpu.memory_space<vmem_shared>> -> memref<10240xf32, #tpu.memory_space<vmem_shared>>
        tpu.enqueue_indirect_dma source(%arg5 : memref<128xf32, #tpu.memory_space<vmem>>) target(%dma_start3A_209 : memref<10240xf32, #tpu.memory_space<vmem_shared>>) offsets(%dma_start3A_207 : memref<128xi32, #tpu.memory_space<vmem>>) semaphore(%arg8 : memref<!tpu.dma_semaphore, #tpu.memory_space<semaphore_mem>>) {add = true}
      } else {
      }
      %mul3A_116 = arith.constant 8 : i32
      %mul3A_117 = arith.muli %scan3A_74, %mul3A_116 : i32
      %add3A_118 = arith.constant 5 : i32
      %add3A_119 = arith.addi %mul3A_117, %add3A_118 : i32
      %lt3A_120 = arith.cmpi slt, %add3A_119, %select_n3A : i32
      %convert_element_type3A_121 = arith.extui %lt3A_120 : i1 to i32
      %cond3A_122 = arith.constant 0 : i32
      %cond3A_123 = arith.cmpi ne, %convert_element_type3A_121, %cond3A_122 : i32
      scf.if %cond3A_123 {
        %dma_start3A = arith.constant 0 : i32
        %dma_start3A_205 = arith.constant 0 : i32
        %dma_start3A_206 = tpu.memref_slice %arg4[%add3A_119, %dma_start3A, %dma_start3A_205] : memref<79x1x128xi32, #tpu.memory_space<vmem>> -> memref<1x1x128xi32, #tpu.memory_space<vmem>>
        %dma_start3A_207 = tpu.memref_squeeze %dma_start3A_206 : memref<1x1x128xi32, #tpu.memory_space<vmem>> -> memref<128xi32, #tpu.memory_space<vmem>>
        %dma_start3A_208 = arith.constant 0 : i32
        %dma_start3A_209 = tpu.memref_slice %arg7[%dma_start3A_208] : memref<10240xf32, #tpu.memory_space<vmem_shared>> -> memref<10240xf32, #tpu.memory_space<vmem_shared>>
        tpu.enqueue_indirect_dma source(%arg5 : memref<128xf32, #tpu.memory_space<vmem>>) target(%dma_start3A_209 : memref<10240xf32, #tpu.memory_space<vmem_shared>>) offsets(%dma_start3A_207 : memref<128xi32, #tpu.memory_space<vmem>>) semaphore(%arg8 : memref<!tpu.dma_semaphore, #tpu.memory_space<semaphore_mem>>) {add = true}
      } else {
      }
      %mul3A_124 = arith.constant 8 : i32
      %mul3A_125 = arith.muli %scan3A_74, %mul3A_124 : i32
      %add3A_126 = arith.constant 6 : i32
      %add3A_127 = arith.addi %mul3A_125, %add3A_126 : i32
      %lt3A_128 = arith.cmpi slt, %add3A_127, %select_n3A : i32
      %convert_element_type3A_129 = arith.extui %lt3A_128 : i1 to i32
      %cond3A_130 = arith.constant 0 : i32
      %cond3A_131 = arith.cmpi ne, %convert_element_type3A_129, %cond3A_130 : i32
      scf.if %cond3A_131 {
        %dma_start3A = arith.constant 0 : i32
        %dma_start3A_205 = arith.constant 0 : i32
        %dma_start3A_206 = tpu.memref_slice %arg4[%add3A_127, %dma_start3A, %dma_start3A_205] : memref<79x1x128xi32, #tpu.memory_space<vmem>> -> memref<1x1x128xi32, #tpu.memory_space<vmem>>
        %dma_start3A_207 = tpu.memref_squeeze %dma_start3A_206 : memref<1x1x128xi32, #tpu.memory_space<vmem>> -> memref<128xi32, #tpu.memory_space<vmem>>
        %dma_start3A_208 = arith.constant 0 : i32
        %dma_start3A_209 = tpu.memref_slice %arg7[%dma_start3A_208] : memref<10240xf32, #tpu.memory_space<vmem_shared>> -> memref<10240xf32, #tpu.memory_space<vmem_shared>>
        tpu.enqueue_indirect_dma source(%arg5 : memref<128xf32, #tpu.memory_space<vmem>>) target(%dma_start3A_209 : memref<10240xf32, #tpu.memory_space<vmem_shared>>) offsets(%dma_start3A_207 : memref<128xi32, #tpu.memory_space<vmem>>) semaphore(%arg8 : memref<!tpu.dma_semaphore, #tpu.memory_space<semaphore_mem>>) {add = true}
      } else {
      }
      %mul3A_132 = arith.constant 8 : i32
      %mul3A_133 = arith.muli %scan3A_74, %mul3A_132 : i32
      %add3A_134 = arith.constant 7 : i32
      %add3A_135 = arith.addi %mul3A_133, %add3A_134 : i32
      %lt3A_136 = arith.cmpi slt, %add3A_135, %select_n3A : i32
      %convert_element_type3A_137 = arith.extui %lt3A_136 : i1 to i32
      %cond3A_138 = arith.constant 0 : i32
      %cond3A_139 = arith.cmpi ne, %convert_element_type3A_137, %cond3A_138 : i32
      scf.if %cond3A_139 {
        %dma_start3A = arith.constant 0 : i32
        %dma_start3A_205 = arith.constant 0 : i32
        %dma_start3A_206 = tpu.memref_slice %arg4[%add3A_135, %dma_start3A, %dma_start3A_205] : memref<79x1x128xi32, #tpu.memory_space<vmem>> -> memref<1x1x128xi32, #tpu.memory_space<vmem>>
        %dma_start3A_207 = tpu.memref_squeeze %dma_start3A_206 : memref<1x1x128xi32, #tpu.memory_space<vmem>> -> memref<128xi32, #tpu.memory_space<vmem>>
        %dma_start3A_208 = arith.constant 0 : i32
        %dma_start3A_209 = tpu.memref_slice %arg7[%dma_start3A_208] : memref<10240xf32, #tpu.memory_space<vmem_shared>> -> memref<10240xf32, #tpu.memory_space<vmem_shared>>
        tpu.enqueue_indirect_dma source(%arg5 : memref<128xf32, #tpu.memory_space<vmem>>) target(%dma_start3A_209 : memref<10240xf32, #tpu.memory_space<vmem_shared>>) offsets(%dma_start3A_207 : memref<128xi32, #tpu.memory_space<vmem>>) semaphore(%arg8 : memref<!tpu.dma_semaphore, #tpu.memory_space<semaphore_mem>>) {add = true}
      } else {
      }
      %mul3A_140 = arith.constant 8 : i32
      %mul3A_141 = arith.muli %scan3A_74, %mul3A_140 : i32
      %add3A_142 = arith.constant 0 : i32
      %add3A_143 = arith.addi %mul3A_141, %add3A_142 : i32
      %lt3A_144 = arith.cmpi slt, %add3A_143, %select_n3A : i32
      %convert_element_type3A_145 = arith.extui %lt3A_144 : i1 to i32
      %cond3A_146 = arith.constant 0 : i32
      %cond3A_147 = arith.cmpi ne, %convert_element_type3A_145, %cond3A_146 : i32
      scf.if %cond3A_147 {
        %dma_wait3A = arith.constant 0 : i32
        %dma_wait3A_205 = arith.constant 0 : i32
        %dma_wait3A_206 = tpu.memref_slice %arg4[%add3A_143, %dma_wait3A, %dma_wait3A_205] : memref<79x1x128xi32, #tpu.memory_space<vmem>> -> memref<1x1x128xi32, #tpu.memory_space<vmem>>
        %dma_wait3A_207 = tpu.memref_squeeze %dma_wait3A_206 : memref<1x1x128xi32, #tpu.memory_space<vmem>> -> memref<128xi32, #tpu.memory_space<vmem>>
        %dma_wait3A_208 = arith.constant 0 : i32
        %dma_wait3A_209 = tpu.memref_slice %arg7[%dma_wait3A_208] : memref<10240xf32, #tpu.memory_space<vmem_shared>> -> memref<10240xf32, #tpu.memory_space<vmem_shared>>
        tpu.wait_indirect_dma semaphore(%arg8 : memref<!tpu.dma_semaphore, #tpu.memory_space<semaphore_mem>>) src(%arg5 : memref<128xf32, #tpu.memory_space<vmem>>) dst(%dma_wait3A_209 : memref<10240xf32, #tpu.memory_space<vmem_shared>>)
      } else {
      }
      %mul3A_148 = arith.constant 8 : i32
      %mul3A_149 = arith.muli %scan3A_74, %mul3A_148 : i32
      %add3A_150 = arith.constant 1 : i32
      %add3A_151 = arith.addi %mul3A_149, %add3A_150 : i32
      %lt3A_152 = arith.cmpi slt, %add3A_151, %select_n3A : i32
      %convert_element_type3A_153 = arith.extui %lt3A_152 : i1 to i32
      %cond3A_154 = arith.constant 0 : i32
      %cond3A_155 = arith.cmpi ne, %convert_element_type3A_153, %cond3A_154 : i32
      scf.if %cond3A_155 {
        %dma_wait3A = arith.constant 0 : i32
        %dma_wait3A_205 = arith.constant 0 : i32
        %dma_wait3A_206 = tpu.memref_slice %arg4[%add3A_151, %dma_wait3A, %dma_wait3A_205] : memref<79x1x128xi32, #tpu.memory_space<vmem>> -> memref<1x1x128xi32, #tpu.memory_space<vmem>>
        %dma_wait3A_207 = tpu.memref_squeeze %dma_wait3A_206 : memref<1x1x128xi32, #tpu.memory_space<vmem>> -> memref<128xi32, #tpu.memory_space<vmem>>
        %dma_wait3A_208 = arith.constant 0 : i32
        %dma_wait3A_209 = tpu.memref_slice %arg7[%dma_wait3A_208] : memref<10240xf32, #tpu.memory_space<vmem_shared>> -> memref<10240xf32, #tpu.memory_space<vmem_shared>>
        tpu.wait_indirect_dma semaphore(%arg8 : memref<!tpu.dma_semaphore, #tpu.memory_space<semaphore_mem>>) src(%arg5 : memref<128xf32, #tpu.memory_space<vmem>>) dst(%dma_wait3A_209 : memref<10240xf32, #tpu.memory_space<vmem_shared>>)
      } else {
      }
      %mul3A_156 = arith.constant 8 : i32
      %mul3A_157 = arith.muli %scan3A_74, %mul3A_156 : i32
      %add3A_158 = arith.constant 2 : i32
      %add3A_159 = arith.addi %mul3A_157, %add3A_158 : i32
      %lt3A_160 = arith.cmpi slt, %add3A_159, %select_n3A : i32
      %convert_element_type3A_161 = arith.extui %lt3A_160 : i1 to i32
      %cond3A_162 = arith.constant 0 : i32
      %cond3A_163 = arith.cmpi ne, %convert_element_type3A_161, %cond3A_162 : i32
      scf.if %cond3A_163 {
        %dma_wait3A = arith.constant 0 : i32
        %dma_wait3A_205 = arith.constant 0 : i32
        %dma_wait3A_206 = tpu.memref_slice %arg4[%add3A_159, %dma_wait3A, %dma_wait3A_205] : memref<79x1x128xi32, #tpu.memory_space<vmem>> -> memref<1x1x128xi32, #tpu.memory_space<vmem>>
        %dma_wait3A_207 = tpu.memref_squeeze %dma_wait3A_206 : memref<1x1x128xi32, #tpu.memory_space<vmem>> -> memref<128xi32, #tpu.memory_space<vmem>>
        %dma_wait3A_208 = arith.constant 0 : i32
        %dma_wait3A_209 = tpu.memref_slice %arg7[%dma_wait3A_208] : memref<10240xf32, #tpu.memory_space<vmem_shared>> -> memref<10240xf32, #tpu.memory_space<vmem_shared>>
        tpu.wait_indirect_dma semaphore(%arg8 : memref<!tpu.dma_semaphore, #tpu.memory_space<semaphore_mem>>) src(%arg5 : memref<128xf32, #tpu.memory_space<vmem>>) dst(%dma_wait3A_209 : memref<10240xf32, #tpu.memory_space<vmem_shared>>)
      } else {
      }
      %mul3A_164 = arith.constant 8 : i32
      %mul3A_165 = arith.muli %scan3A_74, %mul3A_164 : i32
      %add3A_166 = arith.constant 3 : i32
      %add3A_167 = arith.addi %mul3A_165, %add3A_166 : i32
      %lt3A_168 = arith.cmpi slt, %add3A_167, %select_n3A : i32
      %convert_element_type3A_169 = arith.extui %lt3A_168 : i1 to i32
      %cond3A_170 = arith.constant 0 : i32
      %cond3A_171 = arith.cmpi ne, %convert_element_type3A_169, %cond3A_170 : i32
      scf.if %cond3A_171 {
        %dma_wait3A = arith.constant 0 : i32
        %dma_wait3A_205 = arith.constant 0 : i32
        %dma_wait3A_206 = tpu.memref_slice %arg4[%add3A_167, %dma_wait3A, %dma_wait3A_205] : memref<79x1x128xi32, #tpu.memory_space<vmem>> -> memref<1x1x128xi32, #tpu.memory_space<vmem>>
        %dma_wait3A_207 = tpu.memref_squeeze %dma_wait3A_206 : memref<1x1x128xi32, #tpu.memory_space<vmem>> -> memref<128xi32, #tpu.memory_space<vmem>>
        %dma_wait3A_208 = arith.constant 0 : i32
        %dma_wait3A_209 = tpu.memref_slice %arg7[%dma_wait3A_208] : memref<10240xf32, #tpu.memory_space<vmem_shared>> -> memref<10240xf32, #tpu.memory_space<vmem_shared>>
        tpu.wait_indirect_dma semaphore(%arg8 : memref<!tpu.dma_semaphore, #tpu.memory_space<semaphore_mem>>) src(%arg5 : memref<128xf32, #tpu.memory_space<vmem>>) dst(%dma_wait3A_209 : memref<10240xf32, #tpu.memory_space<vmem_shared>>)
      } else {
      }
      %mul3A_172 = arith.constant 8 : i32
      %mul3A_173 = arith.muli %scan3A_74, %mul3A_172 : i32
      %add3A_174 = arith.constant 4 : i32
      %add3A_175 = arith.addi %mul3A_173, %add3A_174 : i32
      %lt3A_176 = arith.cmpi slt, %add3A_175, %select_n3A : i32
      %convert_element_type3A_177 = arith.extui %lt3A_176 : i1 to i32
      %cond3A_178 = arith.constant 0 : i32
      %cond3A_179 = arith.cmpi ne, %convert_element_type3A_177, %cond3A_178 : i32
      scf.if %cond3A_179 {
        %dma_wait3A = arith.constant 0 : i32
        %dma_wait3A_205 = arith.constant 0 : i32
        %dma_wait3A_206 = tpu.memref_slice %arg4[%add3A_175, %dma_wait3A, %dma_wait3A_205] : memref<79x1x128xi32, #tpu.memory_space<vmem>> -> memref<1x1x128xi32, #tpu.memory_space<vmem>>
        %dma_wait3A_207 = tpu.memref_squeeze %dma_wait3A_206 : memref<1x1x128xi32, #tpu.memory_space<vmem>> -> memref<128xi32, #tpu.memory_space<vmem>>
        %dma_wait3A_208 = arith.constant 0 : i32
        %dma_wait3A_209 = tpu.memref_slice %arg7[%dma_wait3A_208] : memref<10240xf32, #tpu.memory_space<vmem_shared>> -> memref<10240xf32, #tpu.memory_space<vmem_shared>>
        tpu.wait_indirect_dma semaphore(%arg8 : memref<!tpu.dma_semaphore, #tpu.memory_space<semaphore_mem>>) src(%arg5 : memref<128xf32, #tpu.memory_space<vmem>>) dst(%dma_wait3A_209 : memref<10240xf32, #tpu.memory_space<vmem_shared>>)
      } else {
      }
      %mul3A_180 = arith.constant 8 : i32
      %mul3A_181 = arith.muli %scan3A_74, %mul3A_180 : i32
      %add3A_182 = arith.constant 5 : i32
      %add3A_183 = arith.addi %mul3A_181, %add3A_182 : i32
      %lt3A_184 = arith.cmpi slt, %add3A_183, %select_n3A : i32
      %convert_element_type3A_185 = arith.extui %lt3A_184 : i1 to i32
      %cond3A_186 = arith.constant 0 : i32
      %cond3A_187 = arith.cmpi ne, %convert_element_type3A_185, %cond3A_186 : i32
      scf.if %cond3A_187 {
        %dma_wait3A = arith.constant 0 : i32
        %dma_wait3A_205 = arith.constant 0 : i32
        %dma_wait3A_206 = tpu.memref_slice %arg4[%add3A_183, %dma_wait3A, %dma_wait3A_205] : memref<79x1x128xi32, #tpu.memory_space<vmem>> -> memref<1x1x128xi32, #tpu.memory_space<vmem>>
        %dma_wait3A_207 = tpu.memref_squeeze %dma_wait3A_206 : memref<1x1x128xi32, #tpu.memory_space<vmem>> -> memref<128xi32, #tpu.memory_space<vmem>>
        %dma_wait3A_208 = arith.constant 0 : i32
        %dma_wait3A_209 = tpu.memref_slice %arg7[%dma_wait3A_208] : memref<10240xf32, #tpu.memory_space<vmem_shared>> -> memref<10240xf32, #tpu.memory_space<vmem_shared>>
        tpu.wait_indirect_dma semaphore(%arg8 : memref<!tpu.dma_semaphore, #tpu.memory_space<semaphore_mem>>) src(%arg5 : memref<128xf32, #tpu.memory_space<vmem>>) dst(%dma_wait3A_209 : memref<10240xf32, #tpu.memory_space<vmem_shared>>)
      } else {
      }
      %mul3A_188 = arith.constant 8 : i32
      %mul3A_189 = arith.muli %scan3A_74, %mul3A_188 : i32
      %add3A_190 = arith.constant 6 : i32
      %add3A_191 = arith.addi %mul3A_189, %add3A_190 : i32
      %lt3A_192 = arith.cmpi slt, %add3A_191, %select_n3A : i32
      %convert_element_type3A_193 = arith.extui %lt3A_192 : i1 to i32
      %cond3A_194 = arith.constant 0 : i32
      %cond3A_195 = arith.cmpi ne, %convert_element_type3A_193, %cond3A_194 : i32
      scf.if %cond3A_195 {
        %dma_wait3A = arith.constant 0 : i32
        %dma_wait3A_205 = arith.constant 0 : i32
        %dma_wait3A_206 = tpu.memref_slice %arg4[%add3A_191, %dma_wait3A, %dma_wait3A_205] : memref<79x1x128xi32, #tpu.memory_space<vmem>> -> memref<1x1x128xi32, #tpu.memory_space<vmem>>
        %dma_wait3A_207 = tpu.memref_squeeze %dma_wait3A_206 : memref<1x1x128xi32, #tpu.memory_space<vmem>> -> memref<128xi32, #tpu.memory_space<vmem>>
        %dma_wait3A_208 = arith.constant 0 : i32
        %dma_wait3A_209 = tpu.memref_slice %arg7[%dma_wait3A_208] : memref<10240xf32, #tpu.memory_space<vmem_shared>> -> memref<10240xf32, #tpu.memory_space<vmem_shared>>
        tpu.wait_indirect_dma semaphore(%arg8 : memref<!tpu.dma_semaphore, #tpu.memory_space<semaphore_mem>>) src(%arg5 : memref<128xf32, #tpu.memory_space<vmem>>) dst(%dma_wait3A_209 : memref<10240xf32, #tpu.memory_space<vmem_shared>>)
      } else {
      }
      %mul3A_196 = arith.constant 8 : i32
      %mul3A_197 = arith.muli %scan3A_74, %mul3A_196 : i32
      %add3A_198 = arith.constant 7 : i32
      %add3A_199 = arith.addi %mul3A_197, %add3A_198 : i32
      %lt3A_200 = arith.cmpi slt, %add3A_199, %select_n3A : i32
      %convert_element_type3A_201 = arith.extui %lt3A_200 : i1 to i32
      %cond3A_202 = arith.constant 0 : i32
      %cond3A_203 = arith.cmpi ne, %convert_element_type3A_201, %cond3A_202 : i32
      scf.if %cond3A_203 {
        %dma_wait3A = arith.constant 0 : i32
        %dma_wait3A_205 = arith.constant 0 : i32
        %dma_wait3A_206 = tpu.memref_slice %arg4[%add3A_199, %dma_wait3A, %dma_wait3A_205] : memref<79x1x128xi32, #tpu.memory_space<vmem>> -> memref<1x1x128xi32, #tpu.memory_space<vmem>>
        %dma_wait3A_207 = tpu.memref_squeeze %dma_wait3A_206 : memref<1x1x128xi32, #tpu.memory_space<vmem>> -> memref<128xi32, #tpu.memory_space<vmem>>
        %dma_wait3A_208 = arith.constant 0 : i32
        %dma_wait3A_209 = tpu.memref_slice %arg7[%dma_wait3A_208] : memref<10240xf32, #tpu.memory_space<vmem_shared>> -> memref<10240xf32, #tpu.memory_space<vmem_shared>>
        tpu.wait_indirect_dma semaphore(%arg8 : memref<!tpu.dma_semaphore, #tpu.memory_space<semaphore_mem>>) src(%arg5 : memref<128xf32, #tpu.memory_space<vmem>>) dst(%dma_wait3A_209 : memref<10240xf32, #tpu.memory_space<vmem_shared>>)
      } else {
      }
      %scan3A_204 = arith.constant 0 : i32
      scf.yield %scan3A_204 : i32
    }
    %scan3A_68 = arith.constant 10 : i32
    %barrier3A_69 = arith.constant 0 : index
    tpu.barrier barrier_id(%barrier3A_69)
    %mul3A_70 = arith.constant 640 : i32
    %mul3A_71 = arith.muli %arg1, %mul3A_70 : i32
    %mul3A_72 = arith.constant 640 : i32
    %mul3A_73 = arith.muli %arg1, %mul3A_72 : i32
    "tpu.region"() ({
      %run_scoped3A = tpu.sem_alloc : memref<!tpu.dma_semaphore, #tpu.memory_space<semaphore_mem>>
      %dma_start3A = tpu.memref_slice %arg3[%arg0, %mul3A_73] : memref<2x10240xf32, #tpu.memory_space<hbm>> -> memref<1x640xf32, #tpu.memory_space<hbm>>
      %dma_start3A_74 = tpu.memref_squeeze %dma_start3A : memref<1x640xf32, #tpu.memory_space<hbm>> -> memref<640xf32, #tpu.memory_space<hbm>>
      %dma_start3A_75 = tpu.memref_slice %arg7[%mul3A_71] : memref<10240xf32, #tpu.memory_space<vmem_shared>> -> memref<640xf32, #tpu.memory_space<vmem_shared>>
      tpu.enqueue_dma source(%dma_start3A_75 : memref<640xf32, #tpu.memory_space<vmem_shared>>) target(%dma_start3A_74 : memref<640xf32, #tpu.memory_space<hbm>>) target_semaphore(%run_scoped3A : memref<!tpu.dma_semaphore, #tpu.memory_space<semaphore_mem>>)
      %dma_wait3A = tpu.memref_slice %arg3[%arg0, %mul3A_73] : memref<2x10240xf32, #tpu.memory_space<hbm>> -> memref<1x640xf32, #tpu.memory_space<hbm>>
      %dma_wait3A_76 = tpu.memref_squeeze %dma_wait3A : memref<1x640xf32, #tpu.memory_space<hbm>> -> memref<640xf32, #tpu.memory_space<hbm>>
      %dma_wait3A_77 = tpu.memref_slice %arg7[%mul3A_71] : memref<10240xf32, #tpu.memory_space<vmem_shared>> -> memref<640xf32, #tpu.memory_space<vmem_shared>>
      tpu.wait_dma2 semaphore(%run_scoped3A : memref<!tpu.dma_semaphore, #tpu.memory_space<semaphore_mem>>) src(%dma_wait3A_77 : memref<640xf32, #tpu.memory_space<vmem_shared>>) dst(%dma_wait3A_76 : memref<640xf32, #tpu.memory_space<hbm>>)
      tpu.yield
    }) : () -> ()
    return
  }
}

#map = affine_map<(d0, d1) -> (0, 0)>
module attributes {stable_mosaic.version = 14 : i64} {
  func.func @_sc_decode(%arg0: i32, %arg1: i32, %arg2: memref<2500x128xi32, #tpu.memory_space<hbm>>, %arg3: memref<2500x128xi32, #tpu.memory_space<hbm>>, %arg4: memref<10000x32xi32, #tpu.memory_space<hbm>>, %arg5: memref<2500x128xf32, #tpu.memory_space<hbm>>, %arg6: memref<79x128xi32, #tpu.memory_space<vmem>>, %arg7: memref<79x128xi32, #tpu.memory_space<vmem>>, %arg8: memref<128x32xi32, #tpu.memory_space<vmem>>, %arg9: memref<128x32xi32, #tpu.memory_space<vmem>>, %arg10: memref<128x32xi32, #tpu.memory_space<vmem>>, %arg11: memref<128x32xi32, #tpu.memory_space<vmem>>, %arg12: memref<128x32xi32, #tpu.memory_space<vmem>>, %arg13: memref<128x32xi32, #tpu.memory_space<vmem>>, %arg14: memref<128x32xi32, #tpu.memory_space<vmem>>, %arg15: memref<128x32xi32, #tpu.memory_space<vmem>>, %arg16: memref<79x128xf32, #tpu.memory_space<vmem>>, %arg17: memref<!tpu.dma_semaphore, #tpu.memory_space<semaphore_mem>>, %arg18: memref<!tpu.dma_semaphore, #tpu.memory_space<semaphore_mem>>, %arg19: memref<!tpu.dma_semaphore, #tpu.memory_space<semaphore_mem>>, %arg20: memref<!tpu.dma_semaphore, #tpu.memory_space<semaphore_mem>>, %arg21: memref<!tpu.dma_semaphore, #tpu.memory_space<semaphore_mem>>, %arg22: memref<!tpu.dma_semaphore, #tpu.memory_space<semaphore_mem>>, %arg23: memref<!tpu.dma_semaphore, #tpu.memory_space<semaphore_mem>>, %arg24: memref<!tpu.dma_semaphore, #tpu.memory_space<semaphore_mem>>) attributes {dimension_semantics = [#tpu.dimension_semantics<core_parallel>, #tpu.dimension_semantics<subcore_parallel>], iteration_bounds = array<i64: 2, 16>, scalar_prefetch = 0 : i64, scratch_operands = 19 : i64, tpu.core_type = #tpu.core_type<sc_vector_subcore>, window_params = [{transform_indices = #map}, {transform_indices = #map}, {transform_indices = #map}, {transform_indices = #map}]} {
    %mul3A = arith.constant 16 : i32
    %mul3A_0 = arith.muli %arg0, %mul3A : i32
    %add3A = arith.addi %mul3A_0, %arg1 : i32
    %lt3A = arith.constant 4 : i32
    %lt3A_1 = arith.cmpi slt, %add3A, %lt3A : i32
    %jit3A = arith.constant 79 : i32
    %jit3A_2 = arith.constant 78 : i32
    %select_n3A = arith.select %lt3A_1, %jit3A, %jit3A_2 : i32
    %iota3A = tpu.iota {dimensions = array<i32: 0>} : vector<16xi32>
    %mul3A_3 = arith.constant 78 : i32
    %mul3A_4 = arith.muli %add3A, %mul3A_3 : i32
    "tpu.region"() ({
      %run_scoped3A = tpu.sem_alloc : memref<!tpu.dma_semaphore, #tpu.memory_space<semaphore_mem>>
      %dma_start3A_83 = arith.constant 0 : i32
      %dma_start3A_84 = arith.constant 0 : i32
      %dma_start3A_85 = tpu.memref_slice %arg6[%dma_start3A_83, %dma_start3A_84] : memref<79x128xi32, #tpu.memory_space<vmem>> -> memref<78x128xi32, #tpu.memory_space<vmem>>
      %dma_start3A_86 = arith.constant 0 : i32
      %dma_start3A_87 = tpu.memref_slice %arg2[%mul3A_4, %dma_start3A_86] : memref<2500x128xi32, #tpu.memory_space<hbm>> -> memref<78x128xi32, #tpu.memory_space<hbm>>
      %dma_start3A_88 = arith.constant 0 : i32
      %dma_start3A_89 = arith.constant 0 : i32
      %dma_start3A_90 = tpu.memref_slice %arg6[%dma_start3A_88, %dma_start3A_89] : memref<79x128xi32, #tpu.memory_space<vmem>> -> memref<78x128xi32, #tpu.memory_space<vmem>>
      %dma_start3A_91 = arith.constant 0 : i32
      %dma_start3A_92 = tpu.memref_slice %arg2[%mul3A_4, %dma_start3A_91] : memref<2500x128xi32, #tpu.memory_space<hbm>> -> memref<78x128xi32, #tpu.memory_space<hbm>>
      tpu.enqueue_dma source(%dma_start3A_92 : memref<78x128xi32, #tpu.memory_space<hbm>>) target(%dma_start3A_90 : memref<78x128xi32, #tpu.memory_space<vmem>>) target_semaphore(%run_scoped3A : memref<!tpu.dma_semaphore, #tpu.memory_space<semaphore_mem>>)
      %dma_wait3A = arith.constant 0 : i32
      %dma_wait3A_93 = arith.constant 0 : i32
      %dma_wait3A_94 = tpu.memref_slice %arg6[%dma_wait3A, %dma_wait3A_93] : memref<79x128xi32, #tpu.memory_space<vmem>> -> memref<78x128xi32, #tpu.memory_space<vmem>>
      %dma_wait3A_95 = arith.constant 0 : i32
      %dma_wait3A_96 = tpu.memref_slice %arg2[%mul3A_4, %dma_wait3A_95] : memref<2500x128xi32, #tpu.memory_space<hbm>> -> memref<78x128xi32, #tpu.memory_space<hbm>>
      %dma_wait3A_97 = arith.constant 0 : i32
      %dma_wait3A_98 = arith.constant 0 : i32
      %dma_wait3A_99 = tpu.memref_slice %arg6[%dma_wait3A_97, %dma_wait3A_98] : memref<79x128xi32, #tpu.memory_space<vmem>> -> memref<78x128xi32, #tpu.memory_space<vmem>>
      %dma_wait3A_100 = arith.constant 0 : i32
      %dma_wait3A_101 = tpu.memref_slice %arg2[%mul3A_4, %dma_wait3A_100] : memref<2500x128xi32, #tpu.memory_space<hbm>> -> memref<78x128xi32, #tpu.memory_space<hbm>>
      tpu.wait_dma2 semaphore(%run_scoped3A : memref<!tpu.dma_semaphore, #tpu.memory_space<semaphore_mem>>) src(%dma_wait3A_101 : memref<78x128xi32, #tpu.memory_space<hbm>>) dst(%dma_wait3A_99 : memref<78x128xi32, #tpu.memory_space<vmem>>)
      tpu.yield
    }) : () -> ()
    %lt3A_5 = arith.constant 4 : i32
    %lt3A_6 = arith.cmpi slt, %add3A, %lt3A_5 : i32
    %convert_element_type3A = arith.extui %lt3A_6 : i1 to i32
    %cond3A = arith.constant 0 : i32
    %cond3A_7 = arith.cmpi ne, %convert_element_type3A, %cond3A : i32
    scf.if %cond3A_7 {
      %add3A_83 = arith.constant 2496 : i32
      %add3A_84 = arith.addi %add3A_83, %add3A : i32
      "tpu.region"() ({
        %run_scoped3A = tpu.sem_alloc : memref<!tpu.dma_semaphore, #tpu.memory_space<semaphore_mem>>
        %dma_start3A_85 = arith.constant 78 : i32
        %dma_start3A_86 = arith.constant 0 : i32
        %dma_start3A_87 = tpu.memref_slice %arg6[%dma_start3A_85, %dma_start3A_86] : memref<79x128xi32, #tpu.memory_space<vmem>> -> memref<1x128xi32, #tpu.memory_space<vmem>>
        %dma_start3A_88 = arith.constant 0 : i32
        %dma_start3A_89 = tpu.memref_slice %arg2[%add3A_84, %dma_start3A_88] : memref<2500x128xi32, #tpu.memory_space<hbm>> -> memref<1x128xi32, #tpu.memory_space<hbm>>
        %dma_start3A_90 = arith.constant 78 : i32
        %dma_start3A_91 = arith.constant 0 : i32
        %dma_start3A_92 = tpu.memref_slice %arg6[%dma_start3A_90, %dma_start3A_91] : memref<79x128xi32, #tpu.memory_space<vmem>> -> memref<1x128xi32, #tpu.memory_space<vmem>>
        %dma_start3A_93 = arith.constant 0 : i32
        %dma_start3A_94 = tpu.memref_slice %arg2[%add3A_84, %dma_start3A_93] : memref<2500x128xi32, #tpu.memory_space<hbm>> -> memref<1x128xi32, #tpu.memory_space<hbm>>
        tpu.enqueue_dma source(%dma_start3A_94 : memref<1x128xi32, #tpu.memory_space<hbm>>) target(%dma_start3A_92 : memref<1x128xi32, #tpu.memory_space<vmem>>) target_semaphore(%run_scoped3A : memref<!tpu.dma_semaphore, #tpu.memory_space<semaphore_mem>>)
        %dma_wait3A = arith.constant 78 : i32
        %dma_wait3A_95 = arith.constant 0 : i32
        %dma_wait3A_96 = tpu.memref_slice %arg6[%dma_wait3A, %dma_wait3A_95] : memref<79x128xi32, #tpu.memory_space<vmem>> -> memref<1x128xi32, #tpu.memory_space<vmem>>
        %dma_wait3A_97 = arith.constant 0 : i32
        %dma_wait3A_98 = tpu.memref_slice %arg2[%add3A_84, %dma_wait3A_97] : memref<2500x128xi32, #tpu.memory_space<hbm>> -> memref<1x128xi32, #tpu.memory_space<hbm>>
        %dma_wait3A_99 = arith.constant 78 : i32
        %dma_wait3A_100 = arith.constant 0 : i32
        %dma_wait3A_101 = tpu.memref_slice %arg6[%dma_wait3A_99, %dma_wait3A_100] : memref<79x128xi32, #tpu.memory_space<vmem>> -> memref<1x128xi32, #tpu.memory_space<vmem>>
        %dma_wait3A_102 = arith.constant 0 : i32
        %dma_wait3A_103 = tpu.memref_slice %arg2[%add3A_84, %dma_wait3A_102] : memref<2500x128xi32, #tpu.memory_space<hbm>> -> memref<1x128xi32, #tpu.memory_space<hbm>>
        tpu.wait_dma2 semaphore(%run_scoped3A : memref<!tpu.dma_semaphore, #tpu.memory_space<semaphore_mem>>) src(%dma_wait3A_103 : memref<1x128xi32, #tpu.memory_space<hbm>>) dst(%dma_wait3A_101 : memref<1x128xi32, #tpu.memory_space<vmem>>)
        tpu.yield
      }) : () -> ()
    } else {
    }
    %mul3A_8 = arith.constant 78 : i32
    %mul3A_9 = arith.muli %add3A, %mul3A_8 : i32
    "tpu.region"() ({
      %run_scoped3A = tpu.sem_alloc : memref<!tpu.dma_semaphore, #tpu.memory_space<semaphore_mem>>
      %dma_start3A_83 = arith.constant 0 : i32
      %dma_start3A_84 = arith.constant 0 : i32
      %dma_start3A_85 = tpu.memref_slice %arg7[%dma_start3A_83, %dma_start3A_84] : memref<79x128xi32, #tpu.memory_space<vmem>> -> memref<78x128xi32, #tpu.memory_space<vmem>>
      %dma_start3A_86 = arith.constant 0 : i32
      %dma_start3A_87 = tpu.memref_slice %arg3[%mul3A_9, %dma_start3A_86] : memref<2500x128xi32, #tpu.memory_space<hbm>> -> memref<78x128xi32, #tpu.memory_space<hbm>>
      %dma_start3A_88 = arith.constant 0 : i32
      %dma_start3A_89 = arith.constant 0 : i32
      %dma_start3A_90 = tpu.memref_slice %arg7[%dma_start3A_88, %dma_start3A_89] : memref<79x128xi32, #tpu.memory_space<vmem>> -> memref<78x128xi32, #tpu.memory_space<vmem>>
      %dma_start3A_91 = arith.constant 0 : i32
      %dma_start3A_92 = tpu.memref_slice %arg3[%mul3A_9, %dma_start3A_91] : memref<2500x128xi32, #tpu.memory_space<hbm>> -> memref<78x128xi32, #tpu.memory_space<hbm>>
      tpu.enqueue_dma source(%dma_start3A_92 : memref<78x128xi32, #tpu.memory_space<hbm>>) target(%dma_start3A_90 : memref<78x128xi32, #tpu.memory_space<vmem>>) target_semaphore(%run_scoped3A : memref<!tpu.dma_semaphore, #tpu.memory_space<semaphore_mem>>)
      %dma_wait3A = arith.constant 0 : i32
      %dma_wait3A_93 = arith.constant 0 : i32
      %dma_wait3A_94 = tpu.memref_slice %arg7[%dma_wait3A, %dma_wait3A_93] : memref<79x128xi32, #tpu.memory_space<vmem>> -> memref<78x128xi32, #tpu.memory_space<vmem>>
      %dma_wait3A_95 = arith.constant 0 : i32
      %dma_wait3A_96 = tpu.memref_slice %arg3[%mul3A_9, %dma_wait3A_95] : memref<2500x128xi32, #tpu.memory_space<hbm>> -> memref<78x128xi32, #tpu.memory_space<hbm>>
      %dma_wait3A_97 = arith.constant 0 : i32
      %dma_wait3A_98 = arith.constant 0 : i32
      %dma_wait3A_99 = tpu.memref_slice %arg7[%dma_wait3A_97, %dma_wait3A_98] : memref<79x128xi32, #tpu.memory_space<vmem>> -> memref<78x128xi32, #tpu.memory_space<vmem>>
      %dma_wait3A_100 = arith.constant 0 : i32
      %dma_wait3A_101 = tpu.memref_slice %arg3[%mul3A_9, %dma_wait3A_100] : memref<2500x128xi32, #tpu.memory_space<hbm>> -> memref<78x128xi32, #tpu.memory_space<hbm>>
      tpu.wait_dma2 semaphore(%run_scoped3A : memref<!tpu.dma_semaphore, #tpu.memory_space<semaphore_mem>>) src(%dma_wait3A_101 : memref<78x128xi32, #tpu.memory_space<hbm>>) dst(%dma_wait3A_99 : memref<78x128xi32, #tpu.memory_space<vmem>>)
      tpu.yield
    }) : () -> ()
    %lt3A_10 = arith.constant 4 : i32
    %lt3A_11 = arith.cmpi slt, %add3A, %lt3A_10 : i32
    %convert_element_type3A_12 = arith.extui %lt3A_11 : i1 to i32
    %cond3A_13 = arith.constant 0 : i32
    %cond3A_14 = arith.cmpi ne, %convert_element_type3A_12, %cond3A_13 : i32
    scf.if %cond3A_14 {
      %add3A_83 = arith.constant 2496 : i32
      %add3A_84 = arith.addi %add3A_83, %add3A : i32
      "tpu.region"() ({
        %run_scoped3A = tpu.sem_alloc : memref<!tpu.dma_semaphore, #tpu.memory_space<semaphore_mem>>
        %dma_start3A_85 = arith.constant 78 : i32
        %dma_start3A_86 = arith.constant 0 : i32
        %dma_start3A_87 = tpu.memref_slice %arg7[%dma_start3A_85, %dma_start3A_86] : memref<79x128xi32, #tpu.memory_space<vmem>> -> memref<1x128xi32, #tpu.memory_space<vmem>>
        %dma_start3A_88 = arith.constant 0 : i32
        %dma_start3A_89 = tpu.memref_slice %arg3[%add3A_84, %dma_start3A_88] : memref<2500x128xi32, #tpu.memory_space<hbm>> -> memref<1x128xi32, #tpu.memory_space<hbm>>
        %dma_start3A_90 = arith.constant 78 : i32
        %dma_start3A_91 = arith.constant 0 : i32
        %dma_start3A_92 = tpu.memref_slice %arg7[%dma_start3A_90, %dma_start3A_91] : memref<79x128xi32, #tpu.memory_space<vmem>> -> memref<1x128xi32, #tpu.memory_space<vmem>>
        %dma_start3A_93 = arith.constant 0 : i32
        %dma_start3A_94 = tpu.memref_slice %arg3[%add3A_84, %dma_start3A_93] : memref<2500x128xi32, #tpu.memory_space<hbm>> -> memref<1x128xi32, #tpu.memory_space<hbm>>
        tpu.enqueue_dma source(%dma_start3A_94 : memref<1x128xi32, #tpu.memory_space<hbm>>) target(%dma_start3A_92 : memref<1x128xi32, #tpu.memory_space<vmem>>) target_semaphore(%run_scoped3A : memref<!tpu.dma_semaphore, #tpu.memory_space<semaphore_mem>>)
        %dma_wait3A = arith.constant 78 : i32
        %dma_wait3A_95 = arith.constant 0 : i32
        %dma_wait3A_96 = tpu.memref_slice %arg7[%dma_wait3A, %dma_wait3A_95] : memref<79x128xi32, #tpu.memory_space<vmem>> -> memref<1x128xi32, #tpu.memory_space<vmem>>
        %dma_wait3A_97 = arith.constant 0 : i32
        %dma_wait3A_98 = tpu.memref_slice %arg3[%add3A_84, %dma_wait3A_97] : memref<2500x128xi32, #tpu.memory_space<hbm>> -> memref<1x128xi32, #tpu.memory_space<hbm>>
        %dma_wait3A_99 = arith.constant 78 : i32
        %dma_wait3A_100 = arith.constant 0 : i32
        %dma_wait3A_101 = tpu.memref_slice %arg7[%dma_wait3A_99, %dma_wait3A_100] : memref<79x128xi32, #tpu.memory_space<vmem>> -> memref<1x128xi32, #tpu.memory_space<vmem>>
        %dma_wait3A_102 = arith.constant 0 : i32
        %dma_wait3A_103 = tpu.memref_slice %arg3[%add3A_84, %dma_wait3A_102] : memref<2500x128xi32, #tpu.memory_space<hbm>> -> memref<1x128xi32, #tpu.memory_space<hbm>>
        tpu.wait_dma2 semaphore(%run_scoped3A : memref<!tpu.dma_semaphore, #tpu.memory_space<semaphore_mem>>) src(%dma_wait3A_103 : memref<1x128xi32, #tpu.memory_space<hbm>>) dst(%dma_wait3A_101 : memref<1x128xi32, #tpu.memory_space<vmem>>)
        tpu.yield
      }) : () -> ()
    } else {
    }
    %dma_start3A = arith.constant 0 : i32
    %dma_start3A_15 = arith.constant 0 : i32
    %dma_start3A_16 = tpu.memref_slice %arg6[%dma_start3A, %dma_start3A_15] : memref<79x128xi32, #tpu.memory_space<vmem>> -> memref<1x128xi32, #tpu.memory_space<vmem>>
    %dma_start3A_17 = tpu.memref_squeeze %dma_start3A_16 : memref<1x128xi32, #tpu.memory_space<vmem>> -> memref<128xi32, #tpu.memory_space<vmem>>
    %dma_start3A_18 = arith.constant 0 : i32
    %dma_start3A_19 = arith.constant 0 : i32
    %dma_start3A_20 = tpu.memref_slice %arg4[%dma_start3A_18, %dma_start3A_19] : memref<10000x32xi32, #tpu.memory_space<hbm>> -> memref<10000x32xi32, #tpu.memory_space<hbm>>
    tpu.enqueue_indirect_dma source(%dma_start3A_20 : memref<10000x32xi32, #tpu.memory_space<hbm>>) target(%arg8 : memref<128x32xi32, #tpu.memory_space<vmem>>) offsets(%dma_start3A_17 : memref<128xi32, #tpu.memory_space<vmem>>) semaphore(%arg17 : memref<!tpu.dma_semaphore, #tpu.memory_space<semaphore_mem>>)
    %dma_start3A_21 = arith.constant 0 : i32
    %dma_start3A_22 = arith.constant 0 : i32
    %dma_start3A_23 = tpu.memref_slice %arg7[%dma_start3A_21, %dma_start3A_22] : memref<79x128xi32, #tpu.memory_space<vmem>> -> memref<1x128xi32, #tpu.memory_space<vmem>>
    %dma_start3A_24 = tpu.memref_squeeze %dma_start3A_23 : memref<1x128xi32, #tpu.memory_space<vmem>> -> memref<128xi32, #tpu.memory_space<vmem>>
    %dma_start3A_25 = arith.constant 0 : i32
    %dma_start3A_26 = arith.constant 0 : i32
    %dma_start3A_27 = tpu.memref_slice %arg4[%dma_start3A_25, %dma_start3A_26] : memref<10000x32xi32, #tpu.memory_space<hbm>> -> memref<10000x32xi32, #tpu.memory_space<hbm>>
    tpu.enqueue_indirect_dma source(%dma_start3A_27 : memref<10000x32xi32, #tpu.memory_space<hbm>>) target(%arg12 : memref<128x32xi32, #tpu.memory_space<vmem>>) offsets(%dma_start3A_24 : memref<128xi32, #tpu.memory_space<vmem>>) semaphore(%arg21 : memref<!tpu.dma_semaphore, #tpu.memory_space<semaphore_mem>>)
    %dma_start3A_28 = arith.constant 1 : i32
    %dma_start3A_29 = arith.constant 0 : i32
    %dma_start3A_30 = tpu.memref_slice %arg6[%dma_start3A_28, %dma_start3A_29] : memref<79x128xi32, #tpu.memory_space<vmem>> -> memref<1x128xi32, #tpu.memory_space<vmem>>
    %dma_start3A_31 = tpu.memref_squeeze %dma_start3A_30 : memref<1x128xi32, #tpu.memory_space<vmem>> -> memref<128xi32, #tpu.memory_space<vmem>>
    %dma_start3A_32 = arith.constant 0 : i32
    %dma_start3A_33 = arith.constant 0 : i32
    %dma_start3A_34 = tpu.memref_slice %arg4[%dma_start3A_32, %dma_start3A_33] : memref<10000x32xi32, #tpu.memory_space<hbm>> -> memref<10000x32xi32, #tpu.memory_space<hbm>>
    tpu.enqueue_indirect_dma source(%dma_start3A_34 : memref<10000x32xi32, #tpu.memory_space<hbm>>) target(%arg9 : memref<128x32xi32, #tpu.memory_space<vmem>>) offsets(%dma_start3A_31 : memref<128xi32, #tpu.memory_space<vmem>>) semaphore(%arg18 : memref<!tpu.dma_semaphore, #tpu.memory_space<semaphore_mem>>)
    %dma_start3A_35 = arith.constant 1 : i32
    %dma_start3A_36 = arith.constant 0 : i32
    %dma_start3A_37 = tpu.memref_slice %arg7[%dma_start3A_35, %dma_start3A_36] : memref<79x128xi32, #tpu.memory_space<vmem>> -> memref<1x128xi32, #tpu.memory_space<vmem>>
    %dma_start3A_38 = tpu.memref_squeeze %dma_start3A_37 : memref<1x128xi32, #tpu.memory_space<vmem>> -> memref<128xi32, #tpu.memory_space<vmem>>
    %dma_start3A_39 = arith.constant 0 : i32
    %dma_start3A_40 = arith.constant 0 : i32
    %dma_start3A_41 = tpu.memref_slice %arg4[%dma_start3A_39, %dma_start3A_40] : memref<10000x32xi32, #tpu.memory_space<hbm>> -> memref<10000x32xi32, #tpu.memory_space<hbm>>
    tpu.enqueue_indirect_dma source(%dma_start3A_41 : memref<10000x32xi32, #tpu.memory_space<hbm>>) target(%arg13 : memref<128x32xi32, #tpu.memory_space<vmem>>) offsets(%dma_start3A_38 : memref<128xi32, #tpu.memory_space<vmem>>) semaphore(%arg22 : memref<!tpu.dma_semaphore, #tpu.memory_space<semaphore_mem>>)
    %dma_start3A_42 = arith.constant 2 : i32
    %dma_start3A_43 = arith.constant 0 : i32
    %dma_start3A_44 = tpu.memref_slice %arg6[%dma_start3A_42, %dma_start3A_43] : memref<79x128xi32, #tpu.memory_space<vmem>> -> memref<1x128xi32, #tpu.memory_space<vmem>>
    %dma_start3A_45 = tpu.memref_squeeze %dma_start3A_44 : memref<1x128xi32, #tpu.memory_space<vmem>> -> memref<128xi32, #tpu.memory_space<vmem>>
    %dma_start3A_46 = arith.constant 0 : i32
    %dma_start3A_47 = arith.constant 0 : i32
    %dma_start3A_48 = tpu.memref_slice %arg4[%dma_start3A_46, %dma_start3A_47] : memref<10000x32xi32, #tpu.memory_space<hbm>> -> memref<10000x32xi32, #tpu.memory_space<hbm>>
    tpu.enqueue_indirect_dma source(%dma_start3A_48 : memref<10000x32xi32, #tpu.memory_space<hbm>>) target(%arg10 : memref<128x32xi32, #tpu.memory_space<vmem>>) offsets(%dma_start3A_45 : memref<128xi32, #tpu.memory_space<vmem>>) semaphore(%arg19 : memref<!tpu.dma_semaphore, #tpu.memory_space<semaphore_mem>>)
    %dma_start3A_49 = arith.constant 2 : i32
    %dma_start3A_50 = arith.constant 0 : i32
    %dma_start3A_51 = tpu.memref_slice %arg7[%dma_start3A_49, %dma_start3A_50] : memref<79x128xi32, #tpu.memory_space<vmem>> -> memref<1x128xi32, #tpu.memory_space<vmem>>
    %dma_start3A_52 = tpu.memref_squeeze %dma_start3A_51 : memref<1x128xi32, #tpu.memory_space<vmem>> -> memref<128xi32, #tpu.memory_space<vmem>>
    %dma_start3A_53 = arith.constant 0 : i32
    %dma_start3A_54 = arith.constant 0 : i32
    %dma_start3A_55 = tpu.memref_slice %arg4[%dma_start3A_53, %dma_start3A_54] : memref<10000x32xi32, #tpu.memory_space<hbm>> -> memref<10000x32xi32, #tpu.memory_space<hbm>>
    tpu.enqueue_indirect_dma source(%dma_start3A_55 : memref<10000x32xi32, #tpu.memory_space<hbm>>) target(%arg14 : memref<128x32xi32, #tpu.memory_space<vmem>>) offsets(%dma_start3A_52 : memref<128xi32, #tpu.memory_space<vmem>>) semaphore(%arg23 : memref<!tpu.dma_semaphore, #tpu.memory_space<semaphore_mem>>)
    %dma_start3A_56 = arith.constant 3 : i32
    %dma_start3A_57 = arith.constant 0 : i32
    %dma_start3A_58 = tpu.memref_slice %arg6[%dma_start3A_56, %dma_start3A_57] : memref<79x128xi32, #tpu.memory_space<vmem>> -> memref<1x128xi32, #tpu.memory_space<vmem>>
    %dma_start3A_59 = tpu.memref_squeeze %dma_start3A_58 : memref<1x128xi32, #tpu.memory_space<vmem>> -> memref<128xi32, #tpu.memory_space<vmem>>
    %dma_start3A_60 = arith.constant 0 : i32
    %dma_start3A_61 = arith.constant 0 : i32
    %dma_start3A_62 = tpu.memref_slice %arg4[%dma_start3A_60, %dma_start3A_61] : memref<10000x32xi32, #tpu.memory_space<hbm>> -> memref<10000x32xi32, #tpu.memory_space<hbm>>
    tpu.enqueue_indirect_dma source(%dma_start3A_62 : memref<10000x32xi32, #tpu.memory_space<hbm>>) target(%arg11 : memref<128x32xi32, #tpu.memory_space<vmem>>) offsets(%dma_start3A_59 : memref<128xi32, #tpu.memory_space<vmem>>) semaphore(%arg20 : memref<!tpu.dma_semaphore, #tpu.memory_space<semaphore_mem>>)
    %dma_start3A_63 = arith.constant 3 : i32
    %dma_start3A_64 = arith.constant 0 : i32
    %dma_start3A_65 = tpu.memref_slice %arg7[%dma_start3A_63, %dma_start3A_64] : memref<79x128xi32, #tpu.memory_space<vmem>> -> memref<1x128xi32, #tpu.memory_space<vmem>>
    %dma_start3A_66 = tpu.memref_squeeze %dma_start3A_65 : memref<1x128xi32, #tpu.memory_space<vmem>> -> memref<128xi32, #tpu.memory_space<vmem>>
    %dma_start3A_67 = arith.constant 0 : i32
    %dma_start3A_68 = arith.constant 0 : i32
    %dma_start3A_69 = tpu.memref_slice %arg4[%dma_start3A_67, %dma_start3A_68] : memref<10000x32xi32, #tpu.memory_space<hbm>> -> memref<10000x32xi32, #tpu.memory_space<hbm>>
    tpu.enqueue_indirect_dma source(%dma_start3A_69 : memref<10000x32xi32, #tpu.memory_space<hbm>>) target(%arg15 : memref<128x32xi32, #tpu.memory_space<vmem>>) offsets(%dma_start3A_66 : memref<128xi32, #tpu.memory_space<vmem>>) semaphore(%arg24 : memref<!tpu.dma_semaphore, #tpu.memory_space<semaphore_mem>>)
    %scan3A = arith.constant 0 : i32
    %scan3A_70 = arith.constant 0 : i32
    %scan3A_71 = arith.constant 20 : i32
    %scan3A_72 = arith.addi %scan3A_70, %scan3A_71 : i32
    %scan3A_73 = arith.constant 1 : i32
    %scan3A_74 = scf.for %scan3A_83 = %scan3A_70 to %scan3A_72 step %scan3A_73 iter_args(%scan3A_84 = %scan3A) -> (i32)  : i32 {
      %mul3A_85 = arith.constant 4 : i32
      %mul3A_86 = arith.muli %scan3A_83, %mul3A_85 : i32
      %add3A_87 = arith.constant 0 : i32
      %add3A_88 = arith.addi %mul3A_86, %add3A_87 : i32
      %lt3A_89 = arith.cmpi slt, %add3A_88, %select_n3A : i32
      %convert_element_type3A_90 = arith.extui %lt3A_89 : i1 to i32
      %cond3A_91 = arith.constant 0 : i32
      %cond3A_92 = arith.cmpi ne, %convert_element_type3A_90, %cond3A_91 : i32
      scf.if %cond3A_92 {
        %dma_wait3A = arith.constant 0 : i32
        %dma_wait3A_118 = tpu.memref_slice %arg6[%add3A_88, %dma_wait3A] : memref<79x128xi32, #tpu.memory_space<vmem>> -> memref<1x128xi32, #tpu.memory_space<vmem>>
        %dma_wait3A_119 = tpu.memref_squeeze %dma_wait3A_118 : memref<1x128xi32, #tpu.memory_space<vmem>> -> memref<128xi32, #tpu.memory_space<vmem>>
        %dma_wait3A_120 = arith.constant 0 : i32
        %dma_wait3A_121 = arith.constant 0 : i32
        %dma_wait3A_122 = tpu.memref_slice %arg4[%dma_wait3A_120, %dma_wait3A_121] : memref<10000x32xi32, #tpu.memory_space<hbm>> -> memref<10000x32xi32, #tpu.memory_space<hbm>>
        tpu.wait_indirect_dma semaphore(%arg17 : memref<!tpu.dma_semaphore, #tpu.memory_space<semaphore_mem>>) src(%dma_wait3A_122 : memref<10000x32xi32, #tpu.memory_space<hbm>>) dst(%arg8 : memref<128x32xi32, #tpu.memory_space<vmem>>)
        %dma_wait3A_123 = arith.constant 0 : i32
        %dma_wait3A_124 = tpu.memref_slice %arg7[%add3A_88, %dma_wait3A_123] : memref<79x128xi32, #tpu.memory_space<vmem>> -> memref<1x128xi32, #tpu.memory_space<vmem>>
        %dma_wait3A_125 = tpu.memref_squeeze %dma_wait3A_124 : memref<1x128xi32, #tpu.memory_space<vmem>> -> memref<128xi32, #tpu.memory_space<vmem>>
        %dma_wait3A_126 = arith.constant 0 : i32
        %dma_wait3A_127 = arith.constant 0 : i32
        %dma_wait3A_128 = tpu.memref_slice %arg4[%dma_wait3A_126, %dma_wait3A_127] : memref<10000x32xi32, #tpu.memory_space<hbm>> -> memref<10000x32xi32, #tpu.memory_space<hbm>>
        tpu.wait_indirect_dma semaphore(%arg21 : memref<!tpu.dma_semaphore, #tpu.memory_space<semaphore_mem>>) src(%dma_wait3A_128 : memref<10000x32xi32, #tpu.memory_space<hbm>>) dst(%arg12 : memref<128x32xi32, #tpu.memory_space<vmem>>)
        %scan3A_129 = arith.constant 0 : i32
        %scan3A_130 = arith.constant 0 : i32
        %scan3A_131 = arith.constant 8 : i32
        %scan3A_132 = arith.addi %scan3A_130, %scan3A_131 : i32
        %scan3A_133 = arith.constant 1 : i32
        %scan3A_134 = scf.for %scan3A_142 = %scan3A_130 to %scan3A_132 step %scan3A_133 iter_args(%scan3A_143 = %scan3A_129) -> (i32)  : i32 {
          %mul3A_144 = arith.constant 16 : i32
          %mul3A_145 = arith.muli %scan3A_142, %mul3A_144 : i32
          %add3A_146 = vector.broadcast %mul3A_145 : i32 to vector<16xi32>
          %add3A_147 = arith.addi %add3A_146, %iota3A : vector<16xi32>
          %broadcast_in_dim3A = arith.constant 0.000000e+00 : f32
          %broadcast_in_dim3A_148 = vector.broadcast %broadcast_in_dim3A : f32 to vector<16xf32>
          %parallel_loop3A = arith.constant 0 : i32
          %parallel_loop3A_149 = arith.constant 32 : i32
          %parallel_loop3A_150 = arith.constant 1 : i32
          %parallel_loop3A_151:2 = scf.for %parallel_loop3A_158 = %parallel_loop3A to %parallel_loop3A_149 step %parallel_loop3A_150 iter_args(%parallel_loop3A_159 = %broadcast_in_dim3A_148, %parallel_loop3A_160 = %broadcast_in_dim3A_148) -> (vector<16xf32>, vector<16xf32>)  : i32 {
            %parallel_loop3A_161 = vector.broadcast %parallel_loop3A_158 : i32 to vector<16xi32>
            %parallel_loop3A_162 = arith.addi %iota3A, %parallel_loop3A_161 : vector<16xi32>
            %parallel_loop3A_163 = arith.constant 31 : i32
            %parallel_loop3A_164 = vector.broadcast %parallel_loop3A_163 : i32 to vector<16xi32>
            %parallel_loop3A_165 = arith.andi %parallel_loop3A_162, %parallel_loop3A_164 : vector<16xi32>
            %parallel_loop3A_166 = tpu.vector_load_idx %arg8[%add3A_147, %parallel_loop3A_165] : memref<128x32xi32, #tpu.memory_space<vmem>>[vector<16xi32>, vector<16xi32>], vector<16xi32>,
            %parallel_loop3A_167 = tpu.vector_load_idx %arg12[%add3A_147, %parallel_loop3A_165] : memref<128x32xi32, #tpu.memory_space<vmem>>[vector<16xi32>, vector<16xi32>], vector<16xi32>,
            %parallel_loop3A_168 = vector.bitcast %parallel_loop3A_166 : vector<16xi32> to vector<32xbf16>
            %parallel_loop3A_169 = tpu.unpack_subelements %parallel_loop3A_168, 0 {pack_format = #tpu.pack_format<interleaved>} : vector<32xbf16> -> vector<16xf32>
            %parallel_loop3A_170 = tpu.unpack_subelements %parallel_loop3A_168, 1 {pack_format = #tpu.pack_format<interleaved>} : vector<32xbf16> -> vector<16xf32>
            %parallel_loop3A_171 = vector.bitcast %parallel_loop3A_167 : vector<16xi32> to vector<32xbf16>
            %parallel_loop3A_172 = tpu.unpack_subelements %parallel_loop3A_171, 0 {pack_format = #tpu.pack_format<interleaved>} : vector<32xbf16> -> vector<16xf32>
            %parallel_loop3A_173 = tpu.unpack_subelements %parallel_loop3A_171, 1 {pack_format = #tpu.pack_format<interleaved>} : vector<32xbf16> -> vector<16xf32>
            %parallel_loop3A_174 = arith.mulf %parallel_loop3A_169, %parallel_loop3A_172 : vector<16xf32>
            %parallel_loop3A_175 = arith.addf %parallel_loop3A_159, %parallel_loop3A_174 : vector<16xf32>
            %parallel_loop3A_176 = arith.mulf %parallel_loop3A_170, %parallel_loop3A_173 : vector<16xf32>
            %parallel_loop3A_177 = arith.addf %parallel_loop3A_160, %parallel_loop3A_176 : vector<16xf32>
            scf.yield %parallel_loop3A_175, %parallel_loop3A_177 : vector<16xf32>, vector<16xf32>
          } {sc.loop_unroll_factor = 4 : i64, sc.parallel_access}
          %add3A_152 = arith.addf %parallel_loop3A_151#0, %parallel_loop3A_151#1 : vector<16xf32>
          %mul3A_153 = arith.constant 16 : i32
          %mul3A_154 = arith.muli %scan3A_142, %mul3A_153 : i32
          %swap3A = arith.index_cast %add3A_88 : i32 to index
          %swap3A_155 = arith.index_cast %mul3A_154 : i32 to index
          %swap3A_156 = tpu.vector_load %arg16[%swap3A, %swap3A_155] {strides = array<i32>} : memref<79x128xf32, #tpu.memory_space<vmem>>, vector<16xf32>,
          tpu.vector_store %arg16[%swap3A, %swap3A_155], %add3A_152 {strides = array<i32>} : memref<79x128xf32, #tpu.memory_space<vmem>>, vector<16xf32>,
          %scan3A_157 = arith.constant 0 : i32
          scf.yield %scan3A_157 : i32
        }
        %scan3A_135 = arith.constant 8 : i32
        %add3A_136 = arith.constant 4 : i32
        %add3A_137 = arith.addi %add3A_88, %add3A_136 : i32
        %lt3A_138 = arith.cmpi slt, %add3A_137, %select_n3A : i32
        %convert_element_type3A_139 = arith.extui %lt3A_138 : i1 to i32
        %cond3A_140 = arith.constant 0 : i32
        %cond3A_141 = arith.cmpi ne, %convert_element_type3A_139, %cond3A_140 : i32
        scf.if %cond3A_141 {
          %add3A_142 = arith.constant 4 : i32
          %add3A_143 = arith.addi %add3A_88, %add3A_142 : i32
          %dma_start3A_144 = arith.constant 0 : i32
          %dma_start3A_145 = tpu.memref_slice %arg6[%add3A_143, %dma_start3A_144] : memref<79x128xi32, #tpu.memory_space<vmem>> -> memref<1x128xi32, #tpu.memory_space<vmem>>
          %dma_start3A_146 = tpu.memref_squeeze %dma_start3A_145 : memref<1x128xi32, #tpu.memory_space<vmem>> -> memref<128xi32, #tpu.memory_space<vmem>>
          %dma_start3A_147 = arith.constant 0 : i32
          %dma_start3A_148 = arith.constant 0 : i32
          %dma_start3A_149 = tpu.memref_slice %arg4[%dma_start3A_147, %dma_start3A_148] : memref<10000x32xi32, #tpu.memory_space<hbm>> -> memref<10000x32xi32, #tpu.memory_space<hbm>>
          tpu.enqueue_indirect_dma source(%dma_start3A_149 : memref<10000x32xi32, #tpu.memory_space<hbm>>) target(%arg8 : memref<128x32xi32, #tpu.memory_space<vmem>>) offsets(%dma_start3A_146 : memref<128xi32, #tpu.memory_space<vmem>>) semaphore(%arg17 : memref<!tpu.dma_semaphore, #tpu.memory_space<semaphore_mem>>)
          %add3A_150 = arith.constant 4 : i32
          %add3A_151 = arith.addi %add3A_88, %add3A_150 : i32
          %dma_start3A_152 = arith.constant 0 : i32
          %dma_start3A_153 = tpu.memref_slice %arg7[%add3A_151, %dma_start3A_152] : memref<79x128xi32, #tpu.memory_space<vmem>> -> memref<1x128xi32, #tpu.memory_space<vmem>>
          %dma_start3A_154 = tpu.memref_squeeze %dma_start3A_153 : memref<1x128xi32, #tpu.memory_space<vmem>> -> memref<128xi32, #tpu.memory_space<vmem>>
          %dma_start3A_155 = arith.constant 0 : i32
          %dma_start3A_156 = arith.constant 0 : i32
          %dma_start3A_157 = tpu.memref_slice %arg4[%dma_start3A_155, %dma_start3A_156] : memref<10000x32xi32, #tpu.memory_space<hbm>> -> memref<10000x32xi32, #tpu.memory_space<hbm>>
          tpu.enqueue_indirect_dma source(%dma_start3A_157 : memref<10000x32xi32, #tpu.memory_space<hbm>>) target(%arg12 : memref<128x32xi32, #tpu.memory_space<vmem>>) offsets(%dma_start3A_154 : memref<128xi32, #tpu.memory_space<vmem>>) semaphore(%arg21 : memref<!tpu.dma_semaphore, #tpu.memory_space<semaphore_mem>>)
        } else {
        }
      } else {
      }
      %mul3A_93 = arith.constant 4 : i32
      %mul3A_94 = arith.muli %scan3A_83, %mul3A_93 : i32
      %add3A_95 = arith.constant 1 : i32
      %add3A_96 = arith.addi %mul3A_94, %add3A_95 : i32
      %lt3A_97 = arith.cmpi slt, %add3A_96, %select_n3A : i32
      %convert_element_type3A_98 = arith.extui %lt3A_97 : i1 to i32
      %cond3A_99 = arith.constant 0 : i32
      %cond3A_100 = arith.cmpi ne, %convert_element_type3A_98, %cond3A_99 : i32
      scf.if %cond3A_100 {
        %dma_wait3A = arith.constant 0 : i32
        %dma_wait3A_118 = tpu.memref_slice %arg6[%add3A_96, %dma_wait3A] : memref<79x128xi32, #tpu.memory_space<vmem>> -> memref<1x128xi32, #tpu.memory_space<vmem>>
        %dma_wait3A_119 = tpu.memref_squeeze %dma_wait3A_118 : memref<1x128xi32, #tpu.memory_space<vmem>> -> memref<128xi32, #tpu.memory_space<vmem>>
        %dma_wait3A_120 = arith.constant 0 : i32
        %dma_wait3A_121 = arith.constant 0 : i32
        %dma_wait3A_122 = tpu.memref_slice %arg4[%dma_wait3A_120, %dma_wait3A_121] : memref<10000x32xi32, #tpu.memory_space<hbm>> -> memref<10000x32xi32, #tpu.memory_space<hbm>>
        tpu.wait_indirect_dma semaphore(%arg18 : memref<!tpu.dma_semaphore, #tpu.memory_space<semaphore_mem>>) src(%dma_wait3A_122 : memref<10000x32xi32, #tpu.memory_space<hbm>>) dst(%arg9 : memref<128x32xi32, #tpu.memory_space<vmem>>)
        %dma_wait3A_123 = arith.constant 0 : i32
        %dma_wait3A_124 = tpu.memref_slice %arg7[%add3A_96, %dma_wait3A_123] : memref<79x128xi32, #tpu.memory_space<vmem>> -> memref<1x128xi32, #tpu.memory_space<vmem>>
        %dma_wait3A_125 = tpu.memref_squeeze %dma_wait3A_124 : memref<1x128xi32, #tpu.memory_space<vmem>> -> memref<128xi32, #tpu.memory_space<vmem>>
        %dma_wait3A_126 = arith.constant 0 : i32
        %dma_wait3A_127 = arith.constant 0 : i32
        %dma_wait3A_128 = tpu.memref_slice %arg4[%dma_wait3A_126, %dma_wait3A_127] : memref<10000x32xi32, #tpu.memory_space<hbm>> -> memref<10000x32xi32, #tpu.memory_space<hbm>>
        tpu.wait_indirect_dma semaphore(%arg22 : memref<!tpu.dma_semaphore, #tpu.memory_space<semaphore_mem>>) src(%dma_wait3A_128 : memref<10000x32xi32, #tpu.memory_space<hbm>>) dst(%arg13 : memref<128x32xi32, #tpu.memory_space<vmem>>)
        %scan3A_129 = arith.constant 0 : i32
        %scan3A_130 = arith.constant 0 : i32
        %scan3A_131 = arith.constant 8 : i32
        %scan3A_132 = arith.addi %scan3A_130, %scan3A_131 : i32
        %scan3A_133 = arith.constant 1 : i32
        %scan3A_134 = scf.for %scan3A_142 = %scan3A_130 to %scan3A_132 step %scan3A_133 iter_args(%scan3A_143 = %scan3A_129) -> (i32)  : i32 {
          %mul3A_144 = arith.constant 16 : i32
          %mul3A_145 = arith.muli %scan3A_142, %mul3A_144 : i32
          %add3A_146 = vector.broadcast %mul3A_145 : i32 to vector<16xi32>
          %add3A_147 = arith.addi %add3A_146, %iota3A : vector<16xi32>
          %broadcast_in_dim3A = arith.constant 0.000000e+00 : f32
          %broadcast_in_dim3A_148 = vector.broadcast %broadcast_in_dim3A : f32 to vector<16xf32>
          %parallel_loop3A = arith.constant 0 : i32
          %parallel_loop3A_149 = arith.constant 32 : i32
          %parallel_loop3A_150 = arith.constant 1 : i32
          %parallel_loop3A_151:2 = scf.for %parallel_loop3A_158 = %parallel_loop3A to %parallel_loop3A_149 step %parallel_loop3A_150 iter_args(%parallel_loop3A_159 = %broadcast_in_dim3A_148, %parallel_loop3A_160 = %broadcast_in_dim3A_148) -> (vector<16xf32>, vector<16xf32>)  : i32 {
            %parallel_loop3A_161 = vector.broadcast %parallel_loop3A_158 : i32 to vector<16xi32>
            %parallel_loop3A_162 = arith.addi %iota3A, %parallel_loop3A_161 : vector<16xi32>
            %parallel_loop3A_163 = arith.constant 31 : i32
            %parallel_loop3A_164 = vector.broadcast %parallel_loop3A_163 : i32 to vector<16xi32>
            %parallel_loop3A_165 = arith.andi %parallel_loop3A_162, %parallel_loop3A_164 : vector<16xi32>
            %parallel_loop3A_166 = tpu.vector_load_idx %arg9[%add3A_147, %parallel_loop3A_165] : memref<128x32xi32, #tpu.memory_space<vmem>>[vector<16xi32>, vector<16xi32>], vector<16xi32>,
            %parallel_loop3A_167 = tpu.vector_load_idx %arg13[%add3A_147, %parallel_loop3A_165] : memref<128x32xi32, #tpu.memory_space<vmem>>[vector<16xi32>, vector<16xi32>], vector<16xi32>,
            %parallel_loop3A_168 = vector.bitcast %parallel_loop3A_166 : vector<16xi32> to vector<32xbf16>
            %parallel_loop3A_169 = tpu.unpack_subelements %parallel_loop3A_168, 0 {pack_format = #tpu.pack_format<interleaved>} : vector<32xbf16> -> vector<16xf32>
            %parallel_loop3A_170 = tpu.unpack_subelements %parallel_loop3A_168, 1 {pack_format = #tpu.pack_format<interleaved>} : vector<32xbf16> -> vector<16xf32>
            %parallel_loop3A_171 = vector.bitcast %parallel_loop3A_167 : vector<16xi32> to vector<32xbf16>
            %parallel_loop3A_172 = tpu.unpack_subelements %parallel_loop3A_171, 0 {pack_format = #tpu.pack_format<interleaved>} : vector<32xbf16> -> vector<16xf32>
            %parallel_loop3A_173 = tpu.unpack_subelements %parallel_loop3A_171, 1 {pack_format = #tpu.pack_format<interleaved>} : vector<32xbf16> -> vector<16xf32>
            %parallel_loop3A_174 = arith.mulf %parallel_loop3A_169, %parallel_loop3A_172 : vector<16xf32>
            %parallel_loop3A_175 = arith.addf %parallel_loop3A_159, %parallel_loop3A_174 : vector<16xf32>
            %parallel_loop3A_176 = arith.mulf %parallel_loop3A_170, %parallel_loop3A_173 : vector<16xf32>
            %parallel_loop3A_177 = arith.addf %parallel_loop3A_160, %parallel_loop3A_176 : vector<16xf32>
            scf.yield %parallel_loop3A_175, %parallel_loop3A_177 : vector<16xf32>, vector<16xf32>
          } {sc.loop_unroll_factor = 4 : i64, sc.parallel_access}
          %add3A_152 = arith.addf %parallel_loop3A_151#0, %parallel_loop3A_151#1 : vector<16xf32>
          %mul3A_153 = arith.constant 16 : i32
          %mul3A_154 = arith.muli %scan3A_142, %mul3A_153 : i32
          %swap3A = arith.index_cast %add3A_96 : i32 to index
          %swap3A_155 = arith.index_cast %mul3A_154 : i32 to index
          %swap3A_156 = tpu.vector_load %arg16[%swap3A, %swap3A_155] {strides = array<i32>} : memref<79x128xf32, #tpu.memory_space<vmem>>, vector<16xf32>,
          tpu.vector_store %arg16[%swap3A, %swap3A_155], %add3A_152 {strides = array<i32>} : memref<79x128xf32, #tpu.memory_space<vmem>>, vector<16xf32>,
          %scan3A_157 = arith.constant 0 : i32
          scf.yield %scan3A_157 : i32
        }
        %scan3A_135 = arith.constant 8 : i32
        %add3A_136 = arith.constant 4 : i32
        %add3A_137 = arith.addi %add3A_96, %add3A_136 : i32
        %lt3A_138 = arith.cmpi slt, %add3A_137, %select_n3A : i32
        %convert_element_type3A_139 = arith.extui %lt3A_138 : i1 to i32
        %cond3A_140 = arith.constant 0 : i32
        %cond3A_141 = arith.cmpi ne, %convert_element_type3A_139, %cond3A_140 : i32
        scf.if %cond3A_141 {
          %add3A_142 = arith.constant 4 : i32
          %add3A_143 = arith.addi %add3A_96, %add3A_142 : i32
          %dma_start3A_144 = arith.constant 0 : i32
          %dma_start3A_145 = tpu.memref_slice %arg6[%add3A_143, %dma_start3A_144] : memref<79x128xi32, #tpu.memory_space<vmem>> -> memref<1x128xi32, #tpu.memory_space<vmem>>
          %dma_start3A_146 = tpu.memref_squeeze %dma_start3A_145 : memref<1x128xi32, #tpu.memory_space<vmem>> -> memref<128xi32, #tpu.memory_space<vmem>>
          %dma_start3A_147 = arith.constant 0 : i32
          %dma_start3A_148 = arith.constant 0 : i32
          %dma_start3A_149 = tpu.memref_slice %arg4[%dma_start3A_147, %dma_start3A_148] : memref<10000x32xi32, #tpu.memory_space<hbm>> -> memref<10000x32xi32, #tpu.memory_space<hbm>>
          tpu.enqueue_indirect_dma source(%dma_start3A_149 : memref<10000x32xi32, #tpu.memory_space<hbm>>) target(%arg9 : memref<128x32xi32, #tpu.memory_space<vmem>>) offsets(%dma_start3A_146 : memref<128xi32, #tpu.memory_space<vmem>>) semaphore(%arg18 : memref<!tpu.dma_semaphore, #tpu.memory_space<semaphore_mem>>)
          %add3A_150 = arith.constant 4 : i32
          %add3A_151 = arith.addi %add3A_96, %add3A_150 : i32
          %dma_start3A_152 = arith.constant 0 : i32
          %dma_start3A_153 = tpu.memref_slice %arg7[%add3A_151, %dma_start3A_152] : memref<79x128xi32, #tpu.memory_space<vmem>> -> memref<1x128xi32, #tpu.memory_space<vmem>>
          %dma_start3A_154 = tpu.memref_squeeze %dma_start3A_153 : memref<1x128xi32, #tpu.memory_space<vmem>> -> memref<128xi32, #tpu.memory_space<vmem>>
          %dma_start3A_155 = arith.constant 0 : i32
          %dma_start3A_156 = arith.constant 0 : i32
          %dma_start3A_157 = tpu.memref_slice %arg4[%dma_start3A_155, %dma_start3A_156] : memref<10000x32xi32, #tpu.memory_space<hbm>> -> memref<10000x32xi32, #tpu.memory_space<hbm>>
          tpu.enqueue_indirect_dma source(%dma_start3A_157 : memref<10000x32xi32, #tpu.memory_space<hbm>>) target(%arg13 : memref<128x32xi32, #tpu.memory_space<vmem>>) offsets(%dma_start3A_154 : memref<128xi32, #tpu.memory_space<vmem>>) semaphore(%arg22 : memref<!tpu.dma_semaphore, #tpu.memory_space<semaphore_mem>>)
        } else {
        }
      } else {
      }
      %mul3A_101 = arith.constant 4 : i32
      %mul3A_102 = arith.muli %scan3A_83, %mul3A_101 : i32
      %add3A_103 = arith.constant 2 : i32
      %add3A_104 = arith.addi %mul3A_102, %add3A_103 : i32
      %lt3A_105 = arith.cmpi slt, %add3A_104, %select_n3A : i32
      %convert_element_type3A_106 = arith.extui %lt3A_105 : i1 to i32
      %cond3A_107 = arith.constant 0 : i32
      %cond3A_108 = arith.cmpi ne, %convert_element_type3A_106, %cond3A_107 : i32
      scf.if %cond3A_108 {
        %dma_wait3A = arith.constant 0 : i32
        %dma_wait3A_118 = tpu.memref_slice %arg6[%add3A_104, %dma_wait3A] : memref<79x128xi32, #tpu.memory_space<vmem>> -> memref<1x128xi32, #tpu.memory_space<vmem>>
        %dma_wait3A_119 = tpu.memref_squeeze %dma_wait3A_118 : memref<1x128xi32, #tpu.memory_space<vmem>> -> memref<128xi32, #tpu.memory_space<vmem>>
        %dma_wait3A_120 = arith.constant 0 : i32
        %dma_wait3A_121 = arith.constant 0 : i32
        %dma_wait3A_122 = tpu.memref_slice %arg4[%dma_wait3A_120, %dma_wait3A_121] : memref<10000x32xi32, #tpu.memory_space<hbm>> -> memref<10000x32xi32, #tpu.memory_space<hbm>>
        tpu.wait_indirect_dma semaphore(%arg19 : memref<!tpu.dma_semaphore, #tpu.memory_space<semaphore_mem>>) src(%dma_wait3A_122 : memref<10000x32xi32, #tpu.memory_space<hbm>>) dst(%arg10 : memref<128x32xi32, #tpu.memory_space<vmem>>)
        %dma_wait3A_123 = arith.constant 0 : i32
        %dma_wait3A_124 = tpu.memref_slice %arg7[%add3A_104, %dma_wait3A_123] : memref<79x128xi32, #tpu.memory_space<vmem>> -> memref<1x128xi32, #tpu.memory_space<vmem>>
        %dma_wait3A_125 = tpu.memref_squeeze %dma_wait3A_124 : memref<1x128xi32, #tpu.memory_space<vmem>> -> memref<128xi32, #tpu.memory_space<vmem>>
        %dma_wait3A_126 = arith.constant 0 : i32
        %dma_wait3A_127 = arith.constant 0 : i32
        %dma_wait3A_128 = tpu.memref_slice %arg4[%dma_wait3A_126, %dma_wait3A_127] : memref<10000x32xi32, #tpu.memory_space<hbm>> -> memref<10000x32xi32, #tpu.memory_space<hbm>>
        tpu.wait_indirect_dma semaphore(%arg23 : memref<!tpu.dma_semaphore, #tpu.memory_space<semaphore_mem>>) src(%dma_wait3A_128 : memref<10000x32xi32, #tpu.memory_space<hbm>>) dst(%arg14 : memref<128x32xi32, #tpu.memory_space<vmem>>)
        %scan3A_129 = arith.constant 0 : i32
        %scan3A_130 = arith.constant 0 : i32
        %scan3A_131 = arith.constant 8 : i32
        %scan3A_132 = arith.addi %scan3A_130, %scan3A_131 : i32
        %scan3A_133 = arith.constant 1 : i32
        %scan3A_134 = scf.for %scan3A_142 = %scan3A_130 to %scan3A_132 step %scan3A_133 iter_args(%scan3A_143 = %scan3A_129) -> (i32)  : i32 {
          %mul3A_144 = arith.constant 16 : i32
          %mul3A_145 = arith.muli %scan3A_142, %mul3A_144 : i32
          %add3A_146 = vector.broadcast %mul3A_145 : i32 to vector<16xi32>
          %add3A_147 = arith.addi %add3A_146, %iota3A : vector<16xi32>
          %broadcast_in_dim3A = arith.constant 0.000000e+00 : f32
          %broadcast_in_dim3A_148 = vector.broadcast %broadcast_in_dim3A : f32 to vector<16xf32>
          %parallel_loop3A = arith.constant 0 : i32
          %parallel_loop3A_149 = arith.constant 32 : i32
          %parallel_loop3A_150 = arith.constant 1 : i32
          %parallel_loop3A_151:2 = scf.for %parallel_loop3A_158 = %parallel_loop3A to %parallel_loop3A_149 step %parallel_loop3A_150 iter_args(%parallel_loop3A_159 = %broadcast_in_dim3A_148, %parallel_loop3A_160 = %broadcast_in_dim3A_148) -> (vector<16xf32>, vector<16xf32>)  : i32 {
            %parallel_loop3A_161 = vector.broadcast %parallel_loop3A_158 : i32 to vector<16xi32>
            %parallel_loop3A_162 = arith.addi %iota3A, %parallel_loop3A_161 : vector<16xi32>
            %parallel_loop3A_163 = arith.constant 31 : i32
            %parallel_loop3A_164 = vector.broadcast %parallel_loop3A_163 : i32 to vector<16xi32>
            %parallel_loop3A_165 = arith.andi %parallel_loop3A_162, %parallel_loop3A_164 : vector<16xi32>
            %parallel_loop3A_166 = tpu.vector_load_idx %arg10[%add3A_147, %parallel_loop3A_165] : memref<128x32xi32, #tpu.memory_space<vmem>>[vector<16xi32>, vector<16xi32>], vector<16xi32>,
            %parallel_loop3A_167 = tpu.vector_load_idx %arg14[%add3A_147, %parallel_loop3A_165] : memref<128x32xi32, #tpu.memory_space<vmem>>[vector<16xi32>, vector<16xi32>], vector<16xi32>,
            %parallel_loop3A_168 = vector.bitcast %parallel_loop3A_166 : vector<16xi32> to vector<32xbf16>
            %parallel_loop3A_169 = tpu.unpack_subelements %parallel_loop3A_168, 0 {pack_format = #tpu.pack_format<interleaved>} : vector<32xbf16> -> vector<16xf32>
            %parallel_loop3A_170 = tpu.unpack_subelements %parallel_loop3A_168, 1 {pack_format = #tpu.pack_format<interleaved>} : vector<32xbf16> -> vector<16xf32>
            %parallel_loop3A_171 = vector.bitcast %parallel_loop3A_167 : vector<16xi32> to vector<32xbf16>
            %parallel_loop3A_172 = tpu.unpack_subelements %parallel_loop3A_171, 0 {pack_format = #tpu.pack_format<interleaved>} : vector<32xbf16> -> vector<16xf32>
            %parallel_loop3A_173 = tpu.unpack_subelements %parallel_loop3A_171, 1 {pack_format = #tpu.pack_format<interleaved>} : vector<32xbf16> -> vector<16xf32>
            %parallel_loop3A_174 = arith.mulf %parallel_loop3A_169, %parallel_loop3A_172 : vector<16xf32>
            %parallel_loop3A_175 = arith.addf %parallel_loop3A_159, %parallel_loop3A_174 : vector<16xf32>
            %parallel_loop3A_176 = arith.mulf %parallel_loop3A_170, %parallel_loop3A_173 : vector<16xf32>
            %parallel_loop3A_177 = arith.addf %parallel_loop3A_160, %parallel_loop3A_176 : vector<16xf32>
            scf.yield %parallel_loop3A_175, %parallel_loop3A_177 : vector<16xf32>, vector<16xf32>
          } {sc.loop_unroll_factor = 4 : i64, sc.parallel_access}
          %add3A_152 = arith.addf %parallel_loop3A_151#0, %parallel_loop3A_151#1 : vector<16xf32>
          %mul3A_153 = arith.constant 16 : i32
          %mul3A_154 = arith.muli %scan3A_142, %mul3A_153 : i32
          %swap3A = arith.index_cast %add3A_104 : i32 to index
          %swap3A_155 = arith.index_cast %mul3A_154 : i32 to index
          %swap3A_156 = tpu.vector_load %arg16[%swap3A, %swap3A_155] {strides = array<i32>} : memref<79x128xf32, #tpu.memory_space<vmem>>, vector<16xf32>,
          tpu.vector_store %arg16[%swap3A, %swap3A_155], %add3A_152 {strides = array<i32>} : memref<79x128xf32, #tpu.memory_space<vmem>>, vector<16xf32>,
          %scan3A_157 = arith.constant 0 : i32
          scf.yield %scan3A_157 : i32
        }
        %scan3A_135 = arith.constant 8 : i32
        %add3A_136 = arith.constant 4 : i32
        %add3A_137 = arith.addi %add3A_104, %add3A_136 : i32
        %lt3A_138 = arith.cmpi slt, %add3A_137, %select_n3A : i32
        %convert_element_type3A_139 = arith.extui %lt3A_138 : i1 to i32
        %cond3A_140 = arith.constant 0 : i32
        %cond3A_141 = arith.cmpi ne, %convert_element_type3A_139, %cond3A_140 : i32
        scf.if %cond3A_141 {
          %add3A_142 = arith.constant 4 : i32
          %add3A_143 = arith.addi %add3A_104, %add3A_142 : i32
          %dma_start3A_144 = arith.constant 0 : i32
          %dma_start3A_145 = tpu.memref_slice %arg6[%add3A_143, %dma_start3A_144] : memref<79x128xi32, #tpu.memory_space<vmem>> -> memref<1x128xi32, #tpu.memory_space<vmem>>
          %dma_start3A_146 = tpu.memref_squeeze %dma_start3A_145 : memref<1x128xi32, #tpu.memory_space<vmem>> -> memref<128xi32, #tpu.memory_space<vmem>>
          %dma_start3A_147 = arith.constant 0 : i32
          %dma_start3A_148 = arith.constant 0 : i32
          %dma_start3A_149 = tpu.memref_slice %arg4[%dma_start3A_147, %dma_start3A_148] : memref<10000x32xi32, #tpu.memory_space<hbm>> -> memref<10000x32xi32, #tpu.memory_space<hbm>>
          tpu.enqueue_indirect_dma source(%dma_start3A_149 : memref<10000x32xi32, #tpu.memory_space<hbm>>) target(%arg10 : memref<128x32xi32, #tpu.memory_space<vmem>>) offsets(%dma_start3A_146 : memref<128xi32, #tpu.memory_space<vmem>>) semaphore(%arg19 : memref<!tpu.dma_semaphore, #tpu.memory_space<semaphore_mem>>)
          %add3A_150 = arith.constant 4 : i32
          %add3A_151 = arith.addi %add3A_104, %add3A_150 : i32
          %dma_start3A_152 = arith.constant 0 : i32
          %dma_start3A_153 = tpu.memref_slice %arg7[%add3A_151, %dma_start3A_152] : memref<79x128xi32, #tpu.memory_space<vmem>> -> memref<1x128xi32, #tpu.memory_space<vmem>>
          %dma_start3A_154 = tpu.memref_squeeze %dma_start3A_153 : memref<1x128xi32, #tpu.memory_space<vmem>> -> memref<128xi32, #tpu.memory_space<vmem>>
          %dma_start3A_155 = arith.constant 0 : i32
          %dma_start3A_156 = arith.constant 0 : i32
          %dma_start3A_157 = tpu.memref_slice %arg4[%dma_start3A_155, %dma_start3A_156] : memref<10000x32xi32, #tpu.memory_space<hbm>> -> memref<10000x32xi32, #tpu.memory_space<hbm>>
          tpu.enqueue_indirect_dma source(%dma_start3A_157 : memref<10000x32xi32, #tpu.memory_space<hbm>>) target(%arg14 : memref<128x32xi32, #tpu.memory_space<vmem>>) offsets(%dma_start3A_154 : memref<128xi32, #tpu.memory_space<vmem>>) semaphore(%arg23 : memref<!tpu.dma_semaphore, #tpu.memory_space<semaphore_mem>>)
        } else {
        }
      } else {
      }
      %mul3A_109 = arith.constant 4 : i32
      %mul3A_110 = arith.muli %scan3A_83, %mul3A_109 : i32
      %add3A_111 = arith.constant 3 : i32
      %add3A_112 = arith.addi %mul3A_110, %add3A_111 : i32
      %lt3A_113 = arith.cmpi slt, %add3A_112, %select_n3A : i32
      %convert_element_type3A_114 = arith.extui %lt3A_113 : i1 to i32
      %cond3A_115 = arith.constant 0 : i32
      %cond3A_116 = arith.cmpi ne, %convert_element_type3A_114, %cond3A_115 : i32
      scf.if %cond3A_116 {
        %dma_wait3A = arith.constant 0 : i32
        %dma_wait3A_118 = tpu.memref_slice %arg6[%add3A_112, %dma_wait3A] : memref<79x128xi32, #tpu.memory_space<vmem>> -> memref<1x128xi32, #tpu.memory_space<vmem>>
        %dma_wait3A_119 = tpu.memref_squeeze %dma_wait3A_118 : memref<1x128xi32, #tpu.memory_space<vmem>> -> memref<128xi32, #tpu.memory_space<vmem>>
        %dma_wait3A_120 = arith.constant 0 : i32
        %dma_wait3A_121 = arith.constant 0 : i32
        %dma_wait3A_122 = tpu.memref_slice %arg4[%dma_wait3A_120, %dma_wait3A_121] : memref<10000x32xi32, #tpu.memory_space<hbm>> -> memref<10000x32xi32, #tpu.memory_space<hbm>>
        tpu.wait_indirect_dma semaphore(%arg20 : memref<!tpu.dma_semaphore, #tpu.memory_space<semaphore_mem>>) src(%dma_wait3A_122 : memref<10000x32xi32, #tpu.memory_space<hbm>>) dst(%arg11 : memref<128x32xi32, #tpu.memory_space<vmem>>)
        %dma_wait3A_123 = arith.constant 0 : i32
        %dma_wait3A_124 = tpu.memref_slice %arg7[%add3A_112, %dma_wait3A_123] : memref<79x128xi32, #tpu.memory_space<vmem>> -> memref<1x128xi32, #tpu.memory_space<vmem>>
        %dma_wait3A_125 = tpu.memref_squeeze %dma_wait3A_124 : memref<1x128xi32, #tpu.memory_space<vmem>> -> memref<128xi32, #tpu.memory_space<vmem>>
        %dma_wait3A_126 = arith.constant 0 : i32
        %dma_wait3A_127 = arith.constant 0 : i32
        %dma_wait3A_128 = tpu.memref_slice %arg4[%dma_wait3A_126, %dma_wait3A_127] : memref<10000x32xi32, #tpu.memory_space<hbm>> -> memref<10000x32xi32, #tpu.memory_space<hbm>>
        tpu.wait_indirect_dma semaphore(%arg24 : memref<!tpu.dma_semaphore, #tpu.memory_space<semaphore_mem>>) src(%dma_wait3A_128 : memref<10000x32xi32, #tpu.memory_space<hbm>>) dst(%arg15 : memref<128x32xi32, #tpu.memory_space<vmem>>)
        %scan3A_129 = arith.constant 0 : i32
        %scan3A_130 = arith.constant 0 : i32
        %scan3A_131 = arith.constant 8 : i32
        %scan3A_132 = arith.addi %scan3A_130, %scan3A_131 : i32
        %scan3A_133 = arith.constant 1 : i32
        %scan3A_134 = scf.for %scan3A_142 = %scan3A_130 to %scan3A_132 step %scan3A_133 iter_args(%scan3A_143 = %scan3A_129) -> (i32)  : i32 {
          %mul3A_144 = arith.constant 16 : i32
          %mul3A_145 = arith.muli %scan3A_142, %mul3A_144 : i32
          %add3A_146 = vector.broadcast %mul3A_145 : i32 to vector<16xi32>
          %add3A_147 = arith.addi %add3A_146, %iota3A : vector<16xi32>
          %broadcast_in_dim3A = arith.constant 0.000000e+00 : f32
          %broadcast_in_dim3A_148 = vector.broadcast %broadcast_in_dim3A : f32 to vector<16xf32>
          %parallel_loop3A = arith.constant 0 : i32
          %parallel_loop3A_149 = arith.constant 32 : i32
          %parallel_loop3A_150 = arith.constant 1 : i32
          %parallel_loop3A_151:2 = scf.for %parallel_loop3A_158 = %parallel_loop3A to %parallel_loop3A_149 step %parallel_loop3A_150 iter_args(%parallel_loop3A_159 = %broadcast_in_dim3A_148, %parallel_loop3A_160 = %broadcast_in_dim3A_148) -> (vector<16xf32>, vector<16xf32>)  : i32 {
            %parallel_loop3A_161 = vector.broadcast %parallel_loop3A_158 : i32 to vector<16xi32>
            %parallel_loop3A_162 = arith.addi %iota3A, %parallel_loop3A_161 : vector<16xi32>
            %parallel_loop3A_163 = arith.constant 31 : i32
            %parallel_loop3A_164 = vector.broadcast %parallel_loop3A_163 : i32 to vector<16xi32>
            %parallel_loop3A_165 = arith.andi %parallel_loop3A_162, %parallel_loop3A_164 : vector<16xi32>
            %parallel_loop3A_166 = tpu.vector_load_idx %arg11[%add3A_147, %parallel_loop3A_165] : memref<128x32xi32, #tpu.memory_space<vmem>>[vector<16xi32>, vector<16xi32>], vector<16xi32>,
            %parallel_loop3A_167 = tpu.vector_load_idx %arg15[%add3A_147, %parallel_loop3A_165] : memref<128x32xi32, #tpu.memory_space<vmem>>[vector<16xi32>, vector<16xi32>], vector<16xi32>,
            %parallel_loop3A_168 = vector.bitcast %parallel_loop3A_166 : vector<16xi32> to vector<32xbf16>
            %parallel_loop3A_169 = tpu.unpack_subelements %parallel_loop3A_168, 0 {pack_format = #tpu.pack_format<interleaved>} : vector<32xbf16> -> vector<16xf32>
            %parallel_loop3A_170 = tpu.unpack_subelements %parallel_loop3A_168, 1 {pack_format = #tpu.pack_format<interleaved>} : vector<32xbf16> -> vector<16xf32>
            %parallel_loop3A_171 = vector.bitcast %parallel_loop3A_167 : vector<16xi32> to vector<32xbf16>
            %parallel_loop3A_172 = tpu.unpack_subelements %parallel_loop3A_171, 0 {pack_format = #tpu.pack_format<interleaved>} : vector<32xbf16> -> vector<16xf32>
            %parallel_loop3A_173 = tpu.unpack_subelements %parallel_loop3A_171, 1 {pack_format = #tpu.pack_format<interleaved>} : vector<32xbf16> -> vector<16xf32>
            %parallel_loop3A_174 = arith.mulf %parallel_loop3A_169, %parallel_loop3A_172 : vector<16xf32>
            %parallel_loop3A_175 = arith.addf %parallel_loop3A_159, %parallel_loop3A_174 : vector<16xf32>
            %parallel_loop3A_176 = arith.mulf %parallel_loop3A_170, %parallel_loop3A_173 : vector<16xf32>
            %parallel_loop3A_177 = arith.addf %parallel_loop3A_160, %parallel_loop3A_176 : vector<16xf32>
            scf.yield %parallel_loop3A_175, %parallel_loop3A_177 : vector<16xf32>, vector<16xf32>
          } {sc.loop_unroll_factor = 4 : i64, sc.parallel_access}
          %add3A_152 = arith.addf %parallel_loop3A_151#0, %parallel_loop3A_151#1 : vector<16xf32>
          %mul3A_153 = arith.constant 16 : i32
          %mul3A_154 = arith.muli %scan3A_142, %mul3A_153 : i32
          %swap3A = arith.index_cast %add3A_112 : i32 to index
          %swap3A_155 = arith.index_cast %mul3A_154 : i32 to index
          %swap3A_156 = tpu.vector_load %arg16[%swap3A, %swap3A_155] {strides = array<i32>} : memref<79x128xf32, #tpu.memory_space<vmem>>, vector<16xf32>,
          tpu.vector_store %arg16[%swap3A, %swap3A_155], %add3A_152 {strides = array<i32>} : memref<79x128xf32, #tpu.memory_space<vmem>>, vector<16xf32>,
          %scan3A_157 = arith.constant 0 : i32
          scf.yield %scan3A_157 : i32
        }
        %scan3A_135 = arith.constant 8 : i32
        %add3A_136 = arith.constant 4 : i32
        %add3A_137 = arith.addi %add3A_112, %add3A_136 : i32
        %lt3A_138 = arith.cmpi slt, %add3A_137, %select_n3A : i32
        %convert_element_type3A_139 = arith.extui %lt3A_138 : i1 to i32
        %cond3A_140 = arith.constant 0 : i32
        %cond3A_141 = arith.cmpi ne, %convert_element_type3A_139, %cond3A_140 : i32
        scf.if %cond3A_141 {
          %add3A_142 = arith.constant 4 : i32
          %add3A_143 = arith.addi %add3A_112, %add3A_142 : i32
          %dma_start3A_144 = arith.constant 0 : i32
          %dma_start3A_145 = tpu.memref_slice %arg6[%add3A_143, %dma_start3A_144] : memref<79x128xi32, #tpu.memory_space<vmem>> -> memref<1x128xi32, #tpu.memory_space<vmem>>
          %dma_start3A_146 = tpu.memref_squeeze %dma_start3A_145 : memref<1x128xi32, #tpu.memory_space<vmem>> -> memref<128xi32, #tpu.memory_space<vmem>>
          %dma_start3A_147 = arith.constant 0 : i32
          %dma_start3A_148 = arith.constant 0 : i32
          %dma_start3A_149 = tpu.memref_slice %arg4[%dma_start3A_147, %dma_start3A_148] : memref<10000x32xi32, #tpu.memory_space<hbm>> -> memref<10000x32xi32, #tpu.memory_space<hbm>>
          tpu.enqueue_indirect_dma source(%dma_start3A_149 : memref<10000x32xi32, #tpu.memory_space<hbm>>) target(%arg11 : memref<128x32xi32, #tpu.memory_space<vmem>>) offsets(%dma_start3A_146 : memref<128xi32, #tpu.memory_space<vmem>>) semaphore(%arg20 : memref<!tpu.dma_semaphore, #tpu.memory_space<semaphore_mem>>)
          %add3A_150 = arith.constant 4 : i32
          %add3A_151 = arith.addi %add3A_112, %add3A_150 : i32
          %dma_start3A_152 = arith.constant 0 : i32
          %dma_start3A_153 = tpu.memref_slice %arg7[%add3A_151, %dma_start3A_152] : memref<79x128xi32, #tpu.memory_space<vmem>> -> memref<1x128xi32, #tpu.memory_space<vmem>>
          %dma_start3A_154 = tpu.memref_squeeze %dma_start3A_153 : memref<1x128xi32, #tpu.memory_space<vmem>> -> memref<128xi32, #tpu.memory_space<vmem>>
          %dma_start3A_155 = arith.constant 0 : i32
          %dma_start3A_156 = arith.constant 0 : i32
          %dma_start3A_157 = tpu.memref_slice %arg4[%dma_start3A_155, %dma_start3A_156] : memref<10000x32xi32, #tpu.memory_space<hbm>> -> memref<10000x32xi32, #tpu.memory_space<hbm>>
          tpu.enqueue_indirect_dma source(%dma_start3A_157 : memref<10000x32xi32, #tpu.memory_space<hbm>>) target(%arg15 : memref<128x32xi32, #tpu.memory_space<vmem>>) offsets(%dma_start3A_154 : memref<128xi32, #tpu.memory_space<vmem>>) semaphore(%arg24 : memref<!tpu.dma_semaphore, #tpu.memory_space<semaphore_mem>>)
        } else {
        }
      } else {
      }
      %scan3A_117 = arith.constant 0 : i32
      scf.yield %scan3A_117 : i32
    }
    %scan3A_75 = arith.constant 20 : i32
    %mul3A_76 = arith.constant 78 : i32
    %mul3A_77 = arith.muli %add3A, %mul3A_76 : i32
    "tpu.region"() ({
      %run_scoped3A = tpu.sem_alloc : memref<!tpu.dma_semaphore, #tpu.memory_space<semaphore_mem>>
      %dma_start3A_83 = arith.constant 0 : i32
      %dma_start3A_84 = arith.constant 0 : i32
      %dma_start3A_85 = tpu.memref_slice %arg16[%dma_start3A_83, %dma_start3A_84] : memref<79x128xf32, #tpu.memory_space<vmem>> -> memref<78x128xf32, #tpu.memory_space<vmem>>
      %dma_start3A_86 = arith.constant 0 : i32
      %dma_start3A_87 = tpu.memref_slice %arg5[%mul3A_77, %dma_start3A_86] : memref<2500x128xf32, #tpu.memory_space<hbm>> -> memref<78x128xf32, #tpu.memory_space<hbm>>
      %dma_start3A_88 = arith.constant 0 : i32
      %dma_start3A_89 = tpu.memref_slice %arg5[%mul3A_77, %dma_start3A_88] : memref<2500x128xf32, #tpu.memory_space<hbm>> -> memref<78x128xf32, #tpu.memory_space<hbm>>
      %dma_start3A_90 = arith.constant 0 : i32
      %dma_start3A_91 = arith.constant 0 : i32
      %dma_start3A_92 = tpu.memref_slice %arg16[%dma_start3A_90, %dma_start3A_91] : memref<79x128xf32, #tpu.memory_space<vmem>> -> memref<78x128xf32, #tpu.memory_space<vmem>>
      tpu.enqueue_dma source(%dma_start3A_92 : memref<78x128xf32, #tpu.memory_space<vmem>>) target(%dma_start3A_89 : memref<78x128xf32, #tpu.memory_space<hbm>>) target_semaphore(%run_scoped3A : memref<!tpu.dma_semaphore, #tpu.memory_space<semaphore_mem>>)
      %dma_wait3A = arith.constant 0 : i32
      %dma_wait3A_93 = arith.constant 0 : i32
      %dma_wait3A_94 = tpu.memref_slice %arg16[%dma_wait3A, %dma_wait3A_93] : memref<79x128xf32, #tpu.memory_space<vmem>> -> memref<78x128xf32, #tpu.memory_space<vmem>>
      %dma_wait3A_95 = arith.constant 0 : i32
      %dma_wait3A_96 = tpu.memref_slice %arg5[%mul3A_77, %dma_wait3A_95] : memref<2500x128xf32, #tpu.memory_space<hbm>> -> memref<78x128xf32, #tpu.memory_space<hbm>>
      %dma_wait3A_97 = arith.constant 0 : i32
      %dma_wait3A_98 = tpu.memref_slice %arg5[%mul3A_77, %dma_wait3A_97] : memref<2500x128xf32, #tpu.memory_space<hbm>> -> memref<78x128xf32, #tpu.memory_space<hbm>>
      %dma_wait3A_99 = arith.constant 0 : i32
      %dma_wait3A_100 = arith.constant 0 : i32
      %dma_wait3A_101 = tpu.memref_slice %arg16[%dma_wait3A_99, %dma_wait3A_100] : memref<79x128xf32, #tpu.memory_space<vmem>> -> memref<78x128xf32, #tpu.memory_space<vmem>>
      tpu.wait_dma2 semaphore(%run_scoped3A : memref<!tpu.dma_semaphore, #tpu.memory_space<semaphore_mem>>) src(%dma_wait3A_101 : memref<78x128xf32, #tpu.memory_space<vmem>>) dst(%dma_wait3A_98 : memref<78x128xf32, #tpu.memory_space<hbm>>)
      tpu.yield
    }) : () -> ()
    %lt3A_78 = arith.constant 4 : i32
    %lt3A_79 = arith.cmpi slt, %add3A, %lt3A_78 : i32
    %convert_element_type3A_80 = arith.extui %lt3A_79 : i1 to i32
    %cond3A_81 = arith.constant 0 : i32
    %cond3A_82 = arith.cmpi ne, %convert_element_type3A_80, %cond3A_81 : i32
    scf.if %cond3A_82 {
      %add3A_83 = arith.constant 2496 : i32
      %add3A_84 = arith.addi %add3A_83, %add3A : i32
      "tpu.region"() ({
        %run_scoped3A = tpu.sem_alloc : memref<!tpu.dma_semaphore, #tpu.memory_space<semaphore_mem>>
        %dma_start3A_85 = arith.constant 78 : i32
        %dma_start3A_86 = arith.constant 0 : i32
        %dma_start3A_87 = tpu.memref_slice %arg16[%dma_start3A_85, %dma_start3A_86] : memref<79x128xf32, #tpu.memory_space<vmem>> -> memref<1x128xf32, #tpu.memory_space<vmem>>
        %dma_start3A_88 = arith.constant 0 : i32
        %dma_start3A_89 = tpu.memref_slice %arg5[%add3A_84, %dma_start3A_88] : memref<2500x128xf32, #tpu.memory_space<hbm>> -> memref<1x128xf32, #tpu.memory_space<hbm>>
        %dma_start3A_90 = arith.constant 0 : i32
        %dma_start3A_91 = tpu.memref_slice %arg5[%add3A_84, %dma_start3A_90] : memref<2500x128xf32, #tpu.memory_space<hbm>> -> memref<1x128xf32, #tpu.memory_space<hbm>>
        %dma_start3A_92 = arith.constant 78 : i32
        %dma_start3A_93 = arith.constant 0 : i32
        %dma_start3A_94 = tpu.memref_slice %arg16[%dma_start3A_92, %dma_start3A_93] : memref<79x128xf32, #tpu.memory_space<vmem>> -> memref<1x128xf32, #tpu.memory_space<vmem>>
        tpu.enqueue_dma source(%dma_start3A_94 : memref<1x128xf32, #tpu.memory_space<vmem>>) target(%dma_start3A_91 : memref<1x128xf32, #tpu.memory_space<hbm>>) target_semaphore(%run_scoped3A : memref<!tpu.dma_semaphore, #tpu.memory_space<semaphore_mem>>)
        %dma_wait3A = arith.constant 78 : i32
        %dma_wait3A_95 = arith.constant 0 : i32
        %dma_wait3A_96 = tpu.memref_slice %arg16[%dma_wait3A, %dma_wait3A_95] : memref<79x128xf32, #tpu.memory_space<vmem>> -> memref<1x128xf32, #tpu.memory_space<vmem>>
        %dma_wait3A_97 = arith.constant 0 : i32
        %dma_wait3A_98 = tpu.memref_slice %arg5[%add3A_84, %dma_wait3A_97] : memref<2500x128xf32, #tpu.memory_space<hbm>> -> memref<1x128xf32, #tpu.memory_space<hbm>>
        %dma_wait3A_99 = arith.constant 0 : i32
        %dma_wait3A_100 = tpu.memref_slice %arg5[%add3A_84, %dma_wait3A_99] : memref<2500x128xf32, #tpu.memory_space<hbm>> -> memref<1x128xf32, #tpu.memory_space<hbm>>
        %dma_wait3A_101 = arith.constant 78 : i32
        %dma_wait3A_102 = arith.constant 0 : i32
        %dma_wait3A_103 = tpu.memref_slice %arg16[%dma_wait3A_101, %dma_wait3A_102] : memref<79x128xf32, #tpu.memory_space<vmem>> -> memref<1x128xf32, #tpu.memory_space<vmem>>
        tpu.wait_dma2 semaphore(%run_scoped3A : memref<!tpu.dma_semaphore, #tpu.memory_space<semaphore_mem>>) src(%dma_wait3A_103 : memref<1x128xf32, #tpu.memory_space<vmem>>) dst(%dma_wait3A_100 : memref<1x128xf32, #tpu.memory_space<hbm>>)
        tpu.yield
      }) : () -> ()
    } else {
    }
    return
  }
}

#map = affine_map<(d0, d1) -> (0, 0)>
#map1 = affine_map<(d0, d1) -> (0, 0, 0)>
module attributes {stable_mosaic.version = 14 : i64} {
  func.func @_sc_mp(%arg0: i32, %arg1: i32, %arg2: memref<2500x128xi32, #tpu.memory_space<hbm>>, %arg3: memref<2500x1x128xi32, #tpu.memory_space<hbm>>, %arg4: memref<10000x64xf32, #tpu.memory_space<hbm>>, %arg5: memref<2x10240x64xf32, #tpu.memory_space<hbm>>, %arg6: memref<79x128xi32, #tpu.memory_space<vmem>>, %arg7: memref<79x1x128xi32, #tpu.memory_space<vmem>>, %arg8: memref<128x64xf32, #tpu.memory_space<vmem>>, %arg9: memref<128x64xf32, #tpu.memory_space<vmem>>, %arg10: memref<128x64xf32, #tpu.memory_space<vmem>>, %arg11: memref<128x64xf32, #tpu.memory_space<vmem>>, %arg12: memref<128x64xf32, #tpu.memory_space<vmem>>, %arg13: memref<128x64xf32, #tpu.memory_space<vmem>>, %arg14: memref<160x64xf32, #tpu.memory_space<vmem>>, %arg15: memref<10240x64xf32, #tpu.memory_space<vmem_shared>>, %arg16: memref<!tpu.dma_semaphore, #tpu.memory_space<semaphore_mem>>, %arg17: memref<!tpu.dma_semaphore, #tpu.memory_space<semaphore_mem>>, %arg18: memref<!tpu.dma_semaphore, #tpu.memory_space<semaphore_mem>>, %arg19: memref<!tpu.dma_semaphore, #tpu.memory_space<semaphore_mem>>, %arg20: memref<!tpu.dma_semaphore, #tpu.memory_space<semaphore_mem>>, %arg21: memref<!tpu.dma_semaphore, #tpu.memory_space<semaphore_mem>>) attributes {dimension_semantics = [#tpu.dimension_semantics<core_parallel>, #tpu.dimension_semantics<subcore_parallel>], iteration_bounds = array<i64: 2, 16>, scalar_prefetch = 0 : i64, scratch_operands = 16 : i64, tpu.core_type = #tpu.core_type<sc_vector_subcore>, window_params = [{transform_indices = #map}, {transform_indices = #map1}, {transform_indices = #map}, {transform_indices = #map1}]} {
    %mul3A = arith.constant 16 : i32
    %mul3A_0 = arith.muli %arg0, %mul3A : i32
    %add3A = arith.addi %mul3A_0, %arg1 : i32
    %lt3A = arith.constant 4 : i32
    %lt3A_1 = arith.cmpi slt, %add3A, %lt3A : i32
    %jit3A = arith.constant 79 : i32
    %jit3A_2 = arith.constant 78 : i32
    %select_n3A = arith.select %lt3A_1, %jit3A, %jit3A_2 : i32
    %scan3A = arith.constant 0 : i32
    %scan3A_3 = arith.constant 0 : i32
    %scan3A_4 = arith.constant 160 : i32
    %scan3A_5 = arith.addi %scan3A_3, %scan3A_4 : i32
    %scan3A_6 = arith.constant 1 : i32
    %scan3A_7 = scf.for %scan3A_90 = %scan3A_3 to %scan3A_5 step %scan3A_6 iter_args(%scan3A_91 = %scan3A) -> (i32)  : i32 {
      %broadcast_in_dim3A = arith.constant 0.000000e+00 : f32
      %broadcast_in_dim3A_92 = vector.broadcast %broadcast_in_dim3A : f32 to vector<16xf32>
      %swap3A = arith.index_cast %scan3A_90 : i32 to index
      %swap3A_93 = arith.constant 0 : index
      %swap3A_94 = tpu.vector_load %arg14[%swap3A, %swap3A_93] {strides = array<i32>} : memref<160x64xf32, #tpu.memory_space<vmem>>, vector<1x16xf32>,
      %swap3A_95 = vector.shape_cast %swap3A_94 : vector<1x16xf32> to vector<16xf32>
      %swap3A_96 = vector.shape_cast %broadcast_in_dim3A_92 : vector<16xf32> to vector<1x16xf32>
      tpu.vector_store %arg14[%swap3A, %swap3A_93], %swap3A_96 {strides = array<i32>} : memref<160x64xf32, #tpu.memory_space<vmem>>, vector<1x16xf32>,
      %broadcast_in_dim3A_97 = arith.constant 0.000000e+00 : f32
      %broadcast_in_dim3A_98 = vector.broadcast %broadcast_in_dim3A_97 : f32 to vector<16xf32>
      %swap3A_99 = arith.index_cast %scan3A_90 : i32 to index
      %swap3A_100 = arith.constant 16 : index
      %swap3A_101 = tpu.vector_load %arg14[%swap3A_99, %swap3A_100] {strides = array<i32>} : memref<160x64xf32, #tpu.memory_space<vmem>>, vector<1x16xf32>,
      %swap3A_102 = vector.shape_cast %swap3A_101 : vector<1x16xf32> to vector<16xf32>
      %swap3A_103 = vector.shape_cast %broadcast_in_dim3A_98 : vector<16xf32> to vector<1x16xf32>
      tpu.vector_store %arg14[%swap3A_99, %swap3A_100], %swap3A_103 {strides = array<i32>} : memref<160x64xf32, #tpu.memory_space<vmem>>, vector<1x16xf32>,
      %broadcast_in_dim3A_104 = arith.constant 0.000000e+00 : f32
      %broadcast_in_dim3A_105 = vector.broadcast %broadcast_in_dim3A_104 : f32 to vector<16xf32>
      %swap3A_106 = arith.index_cast %scan3A_90 : i32 to index
      %swap3A_107 = arith.constant 32 : index
      %swap3A_108 = tpu.vector_load %arg14[%swap3A_106, %swap3A_107] {strides = array<i32>} : memref<160x64xf32, #tpu.memory_space<vmem>>, vector<1x16xf32>,
      %swap3A_109 = vector.shape_cast %swap3A_108 : vector<1x16xf32> to vector<16xf32>
      %swap3A_110 = vector.shape_cast %broadcast_in_dim3A_105 : vector<16xf32> to vector<1x16xf32>
      tpu.vector_store %arg14[%swap3A_106, %swap3A_107], %swap3A_110 {strides = array<i32>} : memref<160x64xf32, #tpu.memory_space<vmem>>, vector<1x16xf32>,
      %broadcast_in_dim3A_111 = arith.constant 0.000000e+00 : f32
      %broadcast_in_dim3A_112 = vector.broadcast %broadcast_in_dim3A_111 : f32 to vector<16xf32>
      %swap3A_113 = arith.index_cast %scan3A_90 : i32 to index
      %swap3A_114 = arith.constant 48 : index
      %swap3A_115 = tpu.vector_load %arg14[%swap3A_113, %swap3A_114] {strides = array<i32>} : memref<160x64xf32, #tpu.memory_space<vmem>>, vector<1x16xf32>,
      %swap3A_116 = vector.shape_cast %swap3A_115 : vector<1x16xf32> to vector<16xf32>
      %swap3A_117 = vector.shape_cast %broadcast_in_dim3A_112 : vector<16xf32> to vector<1x16xf32>
      tpu.vector_store %arg14[%swap3A_113, %swap3A_114], %swap3A_117 {strides = array<i32>} : memref<160x64xf32, #tpu.memory_space<vmem>>, vector<1x16xf32>,
      %scan3A_118 = arith.constant 0 : i32
      scf.yield %scan3A_118 : i32
    }
    %scan3A_8 = arith.constant 160 : i32
    %mul3A_9 = arith.constant 640 : i32
    %mul3A_10 = arith.muli %arg1, %mul3A_9 : i32
    %add3A_11 = arith.constant 0 : i32
    %add3A_12 = arith.addi %mul3A_10, %add3A_11 : i32
    "tpu.region"() ({
      %run_scoped3A = tpu.sem_alloc : memref<!tpu.dma_semaphore, #tpu.memory_space<semaphore_mem>>
      %dma_start3A_90 = arith.constant 0 : i32
      %dma_start3A_91 = tpu.memref_slice %arg15[%add3A_12, %dma_start3A_90] : memref<10240x64xf32, #tpu.memory_space<vmem_shared>> -> memref<160x64xf32, #tpu.memory_space<vmem_shared>>
      %dma_start3A_92 = arith.constant 0 : i32
      %dma_start3A_93 = tpu.memref_slice %arg15[%add3A_12, %dma_start3A_92] : memref<10240x64xf32, #tpu.memory_space<vmem_shared>> -> memref<160x64xf32, #tpu.memory_space<vmem_shared>>
      tpu.enqueue_dma source(%arg14 : memref<160x64xf32, #tpu.memory_space<vmem>>) target(%dma_start3A_93 : memref<160x64xf32, #tpu.memory_space<vmem_shared>>) target_semaphore(%run_scoped3A : memref<!tpu.dma_semaphore, #tpu.memory_space<semaphore_mem>>)
      %dma_wait3A = arith.constant 0 : i32
      %dma_wait3A_94 = tpu.memref_slice %arg15[%add3A_12, %dma_wait3A] : memref<10240x64xf32, #tpu.memory_space<vmem_shared>> -> memref<160x64xf32, #tpu.memory_space<vmem_shared>>
      %dma_wait3A_95 = arith.constant 0 : i32
      %dma_wait3A_96 = tpu.memref_slice %arg15[%add3A_12, %dma_wait3A_95] : memref<10240x64xf32, #tpu.memory_space<vmem_shared>> -> memref<160x64xf32, #tpu.memory_space<vmem_shared>>
      tpu.wait_dma2 semaphore(%run_scoped3A : memref<!tpu.dma_semaphore, #tpu.memory_space<semaphore_mem>>) src(%arg14 : memref<160x64xf32, #tpu.memory_space<vmem>>) dst(%dma_wait3A_96 : memref<160x64xf32, #tpu.memory_space<vmem_shared>>)
      tpu.yield
    }) : () -> ()
    %mul3A_13 = arith.constant 640 : i32
    %mul3A_14 = arith.muli %arg1, %mul3A_13 : i32
    %add3A_15 = arith.constant 160 : i32
    %add3A_16 = arith.addi %mul3A_14, %add3A_15 : i32
    "tpu.region"() ({
      %run_scoped3A = tpu.sem_alloc : memref<!tpu.dma_semaphore, #tpu.memory_space<semaphore_mem>>
      %dma_start3A_90 = arith.constant 0 : i32
      %dma_start3A_91 = tpu.memref_slice %arg15[%add3A_16, %dma_start3A_90] : memref<10240x64xf32, #tpu.memory_space<vmem_shared>> -> memref<160x64xf32, #tpu.memory_space<vmem_shared>>
      %dma_start3A_92 = arith.constant 0 : i32
      %dma_start3A_93 = tpu.memref_slice %arg15[%add3A_16, %dma_start3A_92] : memref<10240x64xf32, #tpu.memory_space<vmem_shared>> -> memref<160x64xf32, #tpu.memory_space<vmem_shared>>
      tpu.enqueue_dma source(%arg14 : memref<160x64xf32, #tpu.memory_space<vmem>>) target(%dma_start3A_93 : memref<160x64xf32, #tpu.memory_space<vmem_shared>>) target_semaphore(%run_scoped3A : memref<!tpu.dma_semaphore, #tpu.memory_space<semaphore_mem>>)
      %dma_wait3A = arith.constant 0 : i32
      %dma_wait3A_94 = tpu.memref_slice %arg15[%add3A_16, %dma_wait3A] : memref<10240x64xf32, #tpu.memory_space<vmem_shared>> -> memref<160x64xf32, #tpu.memory_space<vmem_shared>>
      %dma_wait3A_95 = arith.constant 0 : i32
      %dma_wait3A_96 = tpu.memref_slice %arg15[%add3A_16, %dma_wait3A_95] : memref<10240x64xf32, #tpu.memory_space<vmem_shared>> -> memref<160x64xf32, #tpu.memory_space<vmem_shared>>
      tpu.wait_dma2 semaphore(%run_scoped3A : memref<!tpu.dma_semaphore, #tpu.memory_space<semaphore_mem>>) src(%arg14 : memref<160x64xf32, #tpu.memory_space<vmem>>) dst(%dma_wait3A_96 : memref<160x64xf32, #tpu.memory_space<vmem_shared>>)
      tpu.yield
    }) : () -> ()
    %mul3A_17 = arith.constant 640 : i32
    %mul3A_18 = arith.muli %arg1, %mul3A_17 : i32
    %add3A_19 = arith.constant 320 : i32
    %add3A_20 = arith.addi %mul3A_18, %add3A_19 : i32
    "tpu.region"() ({
      %run_scoped3A = tpu.sem_alloc : memref<!tpu.dma_semaphore, #tpu.memory_space<semaphore_mem>>
      %dma_start3A_90 = arith.constant 0 : i32
      %dma_start3A_91 = tpu.memref_slice %arg15[%add3A_20, %dma_start3A_90] : memref<10240x64xf32, #tpu.memory_space<vmem_shared>> -> memref<160x64xf32, #tpu.memory_space<vmem_shared>>
      %dma_start3A_92 = arith.constant 0 : i32
      %dma_start3A_93 = tpu.memref_slice %arg15[%add3A_20, %dma_start3A_92] : memref<10240x64xf32, #tpu.memory_space<vmem_shared>> -> memref<160x64xf32, #tpu.memory_space<vmem_shared>>
      tpu.enqueue_dma source(%arg14 : memref<160x64xf32, #tpu.memory_space<vmem>>) target(%dma_start3A_93 : memref<160x64xf32, #tpu.memory_space<vmem_shared>>) target_semaphore(%run_scoped3A : memref<!tpu.dma_semaphore, #tpu.memory_space<semaphore_mem>>)
      %dma_wait3A = arith.constant 0 : i32
      %dma_wait3A_94 = tpu.memref_slice %arg15[%add3A_20, %dma_wait3A] : memref<10240x64xf32, #tpu.memory_space<vmem_shared>> -> memref<160x64xf32, #tpu.memory_space<vmem_shared>>
      %dma_wait3A_95 = arith.constant 0 : i32
      %dma_wait3A_96 = tpu.memref_slice %arg15[%add3A_20, %dma_wait3A_95] : memref<10240x64xf32, #tpu.memory_space<vmem_shared>> -> memref<160x64xf32, #tpu.memory_space<vmem_shared>>
      tpu.wait_dma2 semaphore(%run_scoped3A : memref<!tpu.dma_semaphore, #tpu.memory_space<semaphore_mem>>) src(%arg14 : memref<160x64xf32, #tpu.memory_space<vmem>>) dst(%dma_wait3A_96 : memref<160x64xf32, #tpu.memory_space<vmem_shared>>)
      tpu.yield
    }) : () -> ()
    %mul3A_21 = arith.constant 640 : i32
    %mul3A_22 = arith.muli %arg1, %mul3A_21 : i32
    %add3A_23 = arith.constant 480 : i32
    %add3A_24 = arith.addi %mul3A_22, %add3A_23 : i32
    "tpu.region"() ({
      %run_scoped3A = tpu.sem_alloc : memref<!tpu.dma_semaphore, #tpu.memory_space<semaphore_mem>>
      %dma_start3A_90 = arith.constant 0 : i32
      %dma_start3A_91 = tpu.memref_slice %arg15[%add3A_24, %dma_start3A_90] : memref<10240x64xf32, #tpu.memory_space<vmem_shared>> -> memref<160x64xf32, #tpu.memory_space<vmem_shared>>
      %dma_start3A_92 = arith.constant 0 : i32
      %dma_start3A_93 = tpu.memref_slice %arg15[%add3A_24, %dma_start3A_92] : memref<10240x64xf32, #tpu.memory_space<vmem_shared>> -> memref<160x64xf32, #tpu.memory_space<vmem_shared>>
      tpu.enqueue_dma source(%arg14 : memref<160x64xf32, #tpu.memory_space<vmem>>) target(%dma_start3A_93 : memref<160x64xf32, #tpu.memory_space<vmem_shared>>) target_semaphore(%run_scoped3A : memref<!tpu.dma_semaphore, #tpu.memory_space<semaphore_mem>>)
      %dma_wait3A = arith.constant 0 : i32
      %dma_wait3A_94 = tpu.memref_slice %arg15[%add3A_24, %dma_wait3A] : memref<10240x64xf32, #tpu.memory_space<vmem_shared>> -> memref<160x64xf32, #tpu.memory_space<vmem_shared>>
      %dma_wait3A_95 = arith.constant 0 : i32
      %dma_wait3A_96 = tpu.memref_slice %arg15[%add3A_24, %dma_wait3A_95] : memref<10240x64xf32, #tpu.memory_space<vmem_shared>> -> memref<160x64xf32, #tpu.memory_space<vmem_shared>>
      tpu.wait_dma2 semaphore(%run_scoped3A : memref<!tpu.dma_semaphore, #tpu.memory_space<semaphore_mem>>) src(%arg14 : memref<160x64xf32, #tpu.memory_space<vmem>>) dst(%dma_wait3A_96 : memref<160x64xf32, #tpu.memory_space<vmem_shared>>)
      tpu.yield
    }) : () -> ()
    %mul3A_25 = arith.constant 78 : i32
    %mul3A_26 = arith.muli %add3A, %mul3A_25 : i32
    "tpu.region"() ({
      %run_scoped3A = tpu.sem_alloc : memref<!tpu.dma_semaphore, #tpu.memory_space<semaphore_mem>>
      %dma_start3A_90 = arith.constant 0 : i32
      %dma_start3A_91 = arith.constant 0 : i32
      %dma_start3A_92 = tpu.memref_slice %arg6[%dma_start3A_90, %dma_start3A_91] : memref<79x128xi32, #tpu.memory_space<vmem>> -> memref<78x128xi32, #tpu.memory_space<vmem>>
      %dma_start3A_93 = arith.constant 0 : i32
      %dma_start3A_94 = tpu.memref_slice %arg2[%mul3A_26, %dma_start3A_93] : memref<2500x128xi32, #tpu.memory_space<hbm>> -> memref<78x128xi32, #tpu.memory_space<hbm>>
      %dma_start3A_95 = arith.constant 0 : i32
      %dma_start3A_96 = arith.constant 0 : i32
      %dma_start3A_97 = tpu.memref_slice %arg6[%dma_start3A_95, %dma_start3A_96] : memref<79x128xi32, #tpu.memory_space<vmem>> -> memref<78x128xi32, #tpu.memory_space<vmem>>
      %dma_start3A_98 = arith.constant 0 : i32
      %dma_start3A_99 = tpu.memref_slice %arg2[%mul3A_26, %dma_start3A_98] : memref<2500x128xi32, #tpu.memory_space<hbm>> -> memref<78x128xi32, #tpu.memory_space<hbm>>
      tpu.enqueue_dma source(%dma_start3A_99 : memref<78x128xi32, #tpu.memory_space<hbm>>) target(%dma_start3A_97 : memref<78x128xi32, #tpu.memory_space<vmem>>) target_semaphore(%run_scoped3A : memref<!tpu.dma_semaphore, #tpu.memory_space<semaphore_mem>>)
      %dma_wait3A = arith.constant 0 : i32
      %dma_wait3A_100 = arith.constant 0 : i32
      %dma_wait3A_101 = tpu.memref_slice %arg6[%dma_wait3A, %dma_wait3A_100] : memref<79x128xi32, #tpu.memory_space<vmem>> -> memref<78x128xi32, #tpu.memory_space<vmem>>
      %dma_wait3A_102 = arith.constant 0 : i32
      %dma_wait3A_103 = tpu.memref_slice %arg2[%mul3A_26, %dma_wait3A_102] : memref<2500x128xi32, #tpu.memory_space<hbm>> -> memref<78x128xi32, #tpu.memory_space<hbm>>
      %dma_wait3A_104 = arith.constant 0 : i32
      %dma_wait3A_105 = arith.constant 0 : i32
      %dma_wait3A_106 = tpu.memref_slice %arg6[%dma_wait3A_104, %dma_wait3A_105] : memref<79x128xi32, #tpu.memory_space<vmem>> -> memref<78x128xi32, #tpu.memory_space<vmem>>
      %dma_wait3A_107 = arith.constant 0 : i32
      %dma_wait3A_108 = tpu.memref_slice %arg2[%mul3A_26, %dma_wait3A_107] : memref<2500x128xi32, #tpu.memory_space<hbm>> -> memref<78x128xi32, #tpu.memory_space<hbm>>
      tpu.wait_dma2 semaphore(%run_scoped3A : memref<!tpu.dma_semaphore, #tpu.memory_space<semaphore_mem>>) src(%dma_wait3A_108 : memref<78x128xi32, #tpu.memory_space<hbm>>) dst(%dma_wait3A_106 : memref<78x128xi32, #tpu.memory_space<vmem>>)
      tpu.yield
    }) : () -> ()
    %lt3A_27 = arith.constant 4 : i32
    %lt3A_28 = arith.cmpi slt, %add3A, %lt3A_27 : i32
    %convert_element_type3A = arith.extui %lt3A_28 : i1 to i32
    %cond3A = arith.constant 0 : i32
    %cond3A_29 = arith.cmpi ne, %convert_element_type3A, %cond3A : i32
    scf.if %cond3A_29 {
      %add3A_90 = arith.constant 2496 : i32
      %add3A_91 = arith.addi %add3A_90, %add3A : i32
      "tpu.region"() ({
        %run_scoped3A = tpu.sem_alloc : memref<!tpu.dma_semaphore, #tpu.memory_space<semaphore_mem>>
        %dma_start3A_92 = arith.constant 78 : i32
        %dma_start3A_93 = arith.constant 0 : i32
        %dma_start3A_94 = tpu.memref_slice %arg6[%dma_start3A_92, %dma_start3A_93] : memref<79x128xi32, #tpu.memory_space<vmem>> -> memref<1x128xi32, #tpu.memory_space<vmem>>
        %dma_start3A_95 = arith.constant 0 : i32
        %dma_start3A_96 = tpu.memref_slice %arg2[%add3A_91, %dma_start3A_95] : memref<2500x128xi32, #tpu.memory_space<hbm>> -> memref<1x128xi32, #tpu.memory_space<hbm>>
        %dma_start3A_97 = arith.constant 78 : i32
        %dma_start3A_98 = arith.constant 0 : i32
        %dma_start3A_99 = tpu.memref_slice %arg6[%dma_start3A_97, %dma_start3A_98] : memref<79x128xi32, #tpu.memory_space<vmem>> -> memref<1x128xi32, #tpu.memory_space<vmem>>
        %dma_start3A_100 = arith.constant 0 : i32
        %dma_start3A_101 = tpu.memref_slice %arg2[%add3A_91, %dma_start3A_100] : memref<2500x128xi32, #tpu.memory_space<hbm>> -> memref<1x128xi32, #tpu.memory_space<hbm>>
        tpu.enqueue_dma source(%dma_start3A_101 : memref<1x128xi32, #tpu.memory_space<hbm>>) target(%dma_start3A_99 : memref<1x128xi32, #tpu.memory_space<vmem>>) target_semaphore(%run_scoped3A : memref<!tpu.dma_semaphore, #tpu.memory_space<semaphore_mem>>)
        %dma_wait3A = arith.constant 78 : i32
        %dma_wait3A_102 = arith.constant 0 : i32
        %dma_wait3A_103 = tpu.memref_slice %arg6[%dma_wait3A, %dma_wait3A_102] : memref<79x128xi32, #tpu.memory_space<vmem>> -> memref<1x128xi32, #tpu.memory_space<vmem>>
        %dma_wait3A_104 = arith.constant 0 : i32
        %dma_wait3A_105 = tpu.memref_slice %arg2[%add3A_91, %dma_wait3A_104] : memref<2500x128xi32, #tpu.memory_space<hbm>> -> memref<1x128xi32, #tpu.memory_space<hbm>>
        %dma_wait3A_106 = arith.constant 78 : i32
        %dma_wait3A_107 = arith.constant 0 : i32
        %dma_wait3A_108 = tpu.memref_slice %arg6[%dma_wait3A_106, %dma_wait3A_107] : memref<79x128xi32, #tpu.memory_space<vmem>> -> memref<1x128xi32, #tpu.memory_space<vmem>>
        %dma_wait3A_109 = arith.constant 0 : i32
        %dma_wait3A_110 = tpu.memref_slice %arg2[%add3A_91, %dma_wait3A_109] : memref<2500x128xi32, #tpu.memory_space<hbm>> -> memref<1x128xi32, #tpu.memory_space<hbm>>
        tpu.wait_dma2 semaphore(%run_scoped3A : memref<!tpu.dma_semaphore, #tpu.memory_space<semaphore_mem>>) src(%dma_wait3A_110 : memref<1x128xi32, #tpu.memory_space<hbm>>) dst(%dma_wait3A_108 : memref<1x128xi32, #tpu.memory_space<vmem>>)
        tpu.yield
      }) : () -> ()
    } else {
    }
    %mul3A_30 = arith.constant 78 : i32
    %mul3A_31 = arith.muli %add3A, %mul3A_30 : i32
    "tpu.region"() ({
      %run_scoped3A = tpu.sem_alloc : memref<!tpu.dma_semaphore, #tpu.memory_space<semaphore_mem>>
      %dma_start3A_90 = arith.constant 0 : i32
      %dma_start3A_91 = arith.constant 0 : i32
      %dma_start3A_92 = arith.constant 0 : i32
      %dma_start3A_93 = tpu.memref_slice %arg7[%dma_start3A_90, %dma_start3A_91, %dma_start3A_92] : memref<79x1x128xi32, #tpu.memory_space<vmem>> -> memref<78x1x128xi32, #tpu.memory_space<vmem>>
      %dma_start3A_94 = arith.constant 0 : i32
      %dma_start3A_95 = arith.constant 0 : i32
      %dma_start3A_96 = tpu.memref_slice %arg3[%mul3A_31, %dma_start3A_94, %dma_start3A_95] : memref<2500x1x128xi32, #tpu.memory_space<hbm>> -> memref<78x1x128xi32, #tpu.memory_space<hbm>>
      %dma_start3A_97 = arith.constant 0 : i32
      %dma_start3A_98 = arith.constant 0 : i32
      %dma_start3A_99 = arith.constant 0 : i32
      %dma_start3A_100 = tpu.memref_slice %arg7[%dma_start3A_97, %dma_start3A_98, %dma_start3A_99] : memref<79x1x128xi32, #tpu.memory_space<vmem>> -> memref<78x1x128xi32, #tpu.memory_space<vmem>>
      %dma_start3A_101 = arith.constant 0 : i32
      %dma_start3A_102 = arith.constant 0 : i32
      %dma_start3A_103 = tpu.memref_slice %arg3[%mul3A_31, %dma_start3A_101, %dma_start3A_102] : memref<2500x1x128xi32, #tpu.memory_space<hbm>> -> memref<78x1x128xi32, #tpu.memory_space<hbm>>
      tpu.enqueue_dma source(%dma_start3A_103 : memref<78x1x128xi32, #tpu.memory_space<hbm>>) target(%dma_start3A_100 : memref<78x1x128xi32, #tpu.memory_space<vmem>>) target_semaphore(%run_scoped3A : memref<!tpu.dma_semaphore, #tpu.memory_space<semaphore_mem>>)
      %dma_wait3A = arith.constant 0 : i32
      %dma_wait3A_104 = arith.constant 0 : i32
      %dma_wait3A_105 = arith.constant 0 : i32
      %dma_wait3A_106 = tpu.memref_slice %arg7[%dma_wait3A, %dma_wait3A_104, %dma_wait3A_105] : memref<79x1x128xi32, #tpu.memory_space<vmem>> -> memref<78x1x128xi32, #tpu.memory_space<vmem>>
      %dma_wait3A_107 = arith.constant 0 : i32
      %dma_wait3A_108 = arith.constant 0 : i32
      %dma_wait3A_109 = tpu.memref_slice %arg3[%mul3A_31, %dma_wait3A_107, %dma_wait3A_108] : memref<2500x1x128xi32, #tpu.memory_space<hbm>> -> memref<78x1x128xi32, #tpu.memory_space<hbm>>
      %dma_wait3A_110 = arith.constant 0 : i32
      %dma_wait3A_111 = arith.constant 0 : i32
      %dma_wait3A_112 = arith.constant 0 : i32
      %dma_wait3A_113 = tpu.memref_slice %arg7[%dma_wait3A_110, %dma_wait3A_111, %dma_wait3A_112] : memref<79x1x128xi32, #tpu.memory_space<vmem>> -> memref<78x1x128xi32, #tpu.memory_space<vmem>>
      %dma_wait3A_114 = arith.constant 0 : i32
      %dma_wait3A_115 = arith.constant 0 : i32
      %dma_wait3A_116 = tpu.memref_slice %arg3[%mul3A_31, %dma_wait3A_114, %dma_wait3A_115] : memref<2500x1x128xi32, #tpu.memory_space<hbm>> -> memref<78x1x128xi32, #tpu.memory_space<hbm>>
      tpu.wait_dma2 semaphore(%run_scoped3A : memref<!tpu.dma_semaphore, #tpu.memory_space<semaphore_mem>>) src(%dma_wait3A_116 : memref<78x1x128xi32, #tpu.memory_space<hbm>>) dst(%dma_wait3A_113 : memref<78x1x128xi32, #tpu.memory_space<vmem>>)
      tpu.yield
    }) : () -> ()
    %lt3A_32 = arith.constant 4 : i32
    %lt3A_33 = arith.cmpi slt, %add3A, %lt3A_32 : i32
    %convert_element_type3A_34 = arith.extui %lt3A_33 : i1 to i32
    %cond3A_35 = arith.constant 0 : i32
    %cond3A_36 = arith.cmpi ne, %convert_element_type3A_34, %cond3A_35 : i32
    scf.if %cond3A_36 {
      %add3A_90 = arith.constant 2496 : i32
      %add3A_91 = arith.addi %add3A_90, %add3A : i32
      "tpu.region"() ({
        %run_scoped3A = tpu.sem_alloc : memref<!tpu.dma_semaphore, #tpu.memory_space<semaphore_mem>>
        %dma_start3A_92 = arith.constant 78 : i32
        %dma_start3A_93 = arith.constant 0 : i32
        %dma_start3A_94 = arith.constant 0 : i32
        %dma_start3A_95 = tpu.memref_slice %arg7[%dma_start3A_92, %dma_start3A_93, %dma_start3A_94] : memref<79x1x128xi32, #tpu.memory_space<vmem>> -> memref<1x1x128xi32, #tpu.memory_space<vmem>>
        %dma_start3A_96 = arith.constant 0 : i32
        %dma_start3A_97 = arith.constant 0 : i32
        %dma_start3A_98 = tpu.memref_slice %arg3[%add3A_91, %dma_start3A_96, %dma_start3A_97] : memref<2500x1x128xi32, #tpu.memory_space<hbm>> -> memref<1x1x128xi32, #tpu.memory_space<hbm>>
        %dma_start3A_99 = arith.constant 78 : i32
        %dma_start3A_100 = arith.constant 0 : i32
        %dma_start3A_101 = arith.constant 0 : i32
        %dma_start3A_102 = tpu.memref_slice %arg7[%dma_start3A_99, %dma_start3A_100, %dma_start3A_101] : memref<79x1x128xi32, #tpu.memory_space<vmem>> -> memref<1x1x128xi32, #tpu.memory_space<vmem>>
        %dma_start3A_103 = arith.constant 0 : i32
        %dma_start3A_104 = arith.constant 0 : i32
        %dma_start3A_105 = tpu.memref_slice %arg3[%add3A_91, %dma_start3A_103, %dma_start3A_104] : memref<2500x1x128xi32, #tpu.memory_space<hbm>> -> memref<1x1x128xi32, #tpu.memory_space<hbm>>
        tpu.enqueue_dma source(%dma_start3A_105 : memref<1x1x128xi32, #tpu.memory_space<hbm>>) target(%dma_start3A_102 : memref<1x1x128xi32, #tpu.memory_space<vmem>>) target_semaphore(%run_scoped3A : memref<!tpu.dma_semaphore, #tpu.memory_space<semaphore_mem>>)
        %dma_wait3A = arith.constant 78 : i32
        %dma_wait3A_106 = arith.constant 0 : i32
        %dma_wait3A_107 = arith.constant 0 : i32
        %dma_wait3A_108 = tpu.memref_slice %arg7[%dma_wait3A, %dma_wait3A_106, %dma_wait3A_107] : memref<79x1x128xi32, #tpu.memory_space<vmem>> -> memref<1x1x128xi32, #tpu.memory_space<vmem>>
        %dma_wait3A_109 = arith.constant 0 : i32
        %dma_wait3A_110 = arith.constant 0 : i32
        %dma_wait3A_111 = tpu.memref_slice %arg3[%add3A_91, %dma_wait3A_109, %dma_wait3A_110] : memref<2500x1x128xi32, #tpu.memory_space<hbm>> -> memref<1x1x128xi32, #tpu.memory_space<hbm>>
        %dma_wait3A_112 = arith.constant 78 : i32
        %dma_wait3A_113 = arith.constant 0 : i32
        %dma_wait3A_114 = arith.constant 0 : i32
        %dma_wait3A_115 = tpu.memref_slice %arg7[%dma_wait3A_112, %dma_wait3A_113, %dma_wait3A_114] : memref<79x1x128xi32, #tpu.memory_space<vmem>> -> memref<1x1x128xi32, #tpu.memory_space<vmem>>
        %dma_wait3A_116 = arith.constant 0 : i32
        %dma_wait3A_117 = arith.constant 0 : i32
        %dma_wait3A_118 = tpu.memref_slice %arg3[%add3A_91, %dma_wait3A_116, %dma_wait3A_117] : memref<2500x1x128xi32, #tpu.memory_space<hbm>> -> memref<1x1x128xi32, #tpu.memory_space<hbm>>
        tpu.wait_dma2 semaphore(%run_scoped3A : memref<!tpu.dma_semaphore, #tpu.memory_space<semaphore_mem>>) src(%dma_wait3A_118 : memref<1x1x128xi32, #tpu.memory_space<hbm>>) dst(%dma_wait3A_115 : memref<1x1x128xi32, #tpu.memory_space<vmem>>)
        tpu.yield
      }) : () -> ()
    } else {
    }
    %barrier3A = arith.constant 0 : index
    tpu.barrier barrier_id(%barrier3A)
    %dma_start3A = arith.constant 0 : i32
    %dma_start3A_37 = arith.constant 0 : i32
    %dma_start3A_38 = tpu.memref_slice %arg6[%dma_start3A, %dma_start3A_37] : memref<79x128xi32, #tpu.memory_space<vmem>> -> memref<1x128xi32, #tpu.memory_space<vmem>>
    %dma_start3A_39 = tpu.memref_squeeze %dma_start3A_38 : memref<1x128xi32, #tpu.memory_space<vmem>> -> memref<128xi32, #tpu.memory_space<vmem>>
    %dma_start3A_40 = arith.constant 0 : i32
    %dma_start3A_41 = arith.constant 0 : i32
    %dma_start3A_42 = tpu.memref_slice %arg4[%dma_start3A_40, %dma_start3A_41] : memref<10000x64xf32, #tpu.memory_space<hbm>> -> memref<10000x64xf32, #tpu.memory_space<hbm>>
    tpu.enqueue_indirect_dma source(%dma_start3A_42 : memref<10000x64xf32, #tpu.memory_space<hbm>>) target(%arg8 : memref<128x64xf32, #tpu.memory_space<vmem>>) offsets(%dma_start3A_39 : memref<128xi32, #tpu.memory_space<vmem>>) semaphore(%arg16 : memref<!tpu.dma_semaphore, #tpu.memory_space<semaphore_mem>>)
    %dma_start3A_43 = arith.constant 1 : i32
    %dma_start3A_44 = arith.constant 0 : i32
    %dma_start3A_45 = tpu.memref_slice %arg6[%dma_start3A_43, %dma_start3A_44] : memref<79x128xi32, #tpu.memory_space<vmem>> -> memref<1x128xi32, #tpu.memory_space<vmem>>
    %dma_start3A_46 = tpu.memref_squeeze %dma_start3A_45 : memref<1x128xi32, #tpu.memory_space<vmem>> -> memref<128xi32, #tpu.memory_space<vmem>>
    %dma_start3A_47 = arith.constant 0 : i32
    %dma_start3A_48 = arith.constant 0 : i32
    %dma_start3A_49 = tpu.memref_slice %arg4[%dma_start3A_47, %dma_start3A_48] : memref<10000x64xf32, #tpu.memory_space<hbm>> -> memref<10000x64xf32, #tpu.memory_space<hbm>>
    tpu.enqueue_indirect_dma source(%dma_start3A_49 : memref<10000x64xf32, #tpu.memory_space<hbm>>) target(%arg9 : memref<128x64xf32, #tpu.memory_space<vmem>>) offsets(%dma_start3A_46 : memref<128xi32, #tpu.memory_space<vmem>>) semaphore(%arg17 : memref<!tpu.dma_semaphore, #tpu.memory_space<semaphore_mem>>)
    %dma_start3A_50 = arith.constant 2 : i32
    %dma_start3A_51 = arith.constant 0 : i32
    %dma_start3A_52 = tpu.memref_slice %arg6[%dma_start3A_50, %dma_start3A_51] : memref<79x128xi32, #tpu.memory_space<vmem>> -> memref<1x128xi32, #tpu.memory_space<vmem>>
    %dma_start3A_53 = tpu.memref_squeeze %dma_start3A_52 : memref<1x128xi32, #tpu.memory_space<vmem>> -> memref<128xi32, #tpu.memory_space<vmem>>
    %dma_start3A_54 = arith.constant 0 : i32
    %dma_start3A_55 = arith.constant 0 : i32
    %dma_start3A_56 = tpu.memref_slice %arg4[%dma_start3A_54, %dma_start3A_55] : memref<10000x64xf32, #tpu.memory_space<hbm>> -> memref<10000x64xf32, #tpu.memory_space<hbm>>
    tpu.enqueue_indirect_dma source(%dma_start3A_56 : memref<10000x64xf32, #tpu.memory_space<hbm>>) target(%arg10 : memref<128x64xf32, #tpu.memory_space<vmem>>) offsets(%dma_start3A_53 : memref<128xi32, #tpu.memory_space<vmem>>) semaphore(%arg18 : memref<!tpu.dma_semaphore, #tpu.memory_space<semaphore_mem>>)
    %dma_start3A_57 = arith.constant 3 : i32
    %dma_start3A_58 = arith.constant 0 : i32
    %dma_start3A_59 = tpu.memref_slice %arg6[%dma_start3A_57, %dma_start3A_58] : memref<79x128xi32, #tpu.memory_space<vmem>> -> memref<1x128xi32, #tpu.memory_space<vmem>>
    %dma_start3A_60 = tpu.memref_squeeze %dma_start3A_59 : memref<1x128xi32, #tpu.memory_space<vmem>> -> memref<128xi32, #tpu.memory_space<vmem>>
    %dma_start3A_61 = arith.constant 0 : i32
    %dma_start3A_62 = arith.constant 0 : i32
    %dma_start3A_63 = tpu.memref_slice %arg4[%dma_start3A_61, %dma_start3A_62] : memref<10000x64xf32, #tpu.memory_space<hbm>> -> memref<10000x64xf32, #tpu.memory_space<hbm>>
    tpu.enqueue_indirect_dma source(%dma_start3A_63 : memref<10000x64xf32, #tpu.memory_space<hbm>>) target(%arg11 : memref<128x64xf32, #tpu.memory_space<vmem>>) offsets(%dma_start3A_60 : memref<128xi32, #tpu.memory_space<vmem>>) semaphore(%arg19 : memref<!tpu.dma_semaphore, #tpu.memory_space<semaphore_mem>>)
    %dma_start3A_64 = arith.constant 4 : i32
    %dma_start3A_65 = arith.constant 0 : i32
    %dma_start3A_66 = tpu.memref_slice %arg6[%dma_start3A_64, %dma_start3A_65] : memref<79x128xi32, #tpu.memory_space<vmem>> -> memref<1x128xi32, #tpu.memory_space<vmem>>
    %dma_start3A_67 = tpu.memref_squeeze %dma_start3A_66 : memref<1x128xi32, #tpu.memory_space<vmem>> -> memref<128xi32, #tpu.memory_space<vmem>>
    %dma_start3A_68 = arith.constant 0 : i32
    %dma_start3A_69 = arith.constant 0 : i32
    %dma_start3A_70 = tpu.memref_slice %arg4[%dma_start3A_68, %dma_start3A_69] : memref<10000x64xf32, #tpu.memory_space<hbm>> -> memref<10000x64xf32, #tpu.memory_space<hbm>>
    tpu.enqueue_indirect_dma source(%dma_start3A_70 : memref<10000x64xf32, #tpu.memory_space<hbm>>) target(%arg12 : memref<128x64xf32, #tpu.memory_space<vmem>>) offsets(%dma_start3A_67 : memref<128xi32, #tpu.memory_space<vmem>>) semaphore(%arg20 : memref<!tpu.dma_semaphore, #tpu.memory_space<semaphore_mem>>)
    %dma_start3A_71 = arith.constant 5 : i32
    %dma_start3A_72 = arith.constant 0 : i32
    %dma_start3A_73 = tpu.memref_slice %arg6[%dma_start3A_71, %dma_start3A_72] : memref<79x128xi32, #tpu.memory_space<vmem>> -> memref<1x128xi32, #tpu.memory_space<vmem>>
    %dma_start3A_74 = tpu.memref_squeeze %dma_start3A_73 : memref<1x128xi32, #tpu.memory_space<vmem>> -> memref<128xi32, #tpu.memory_space<vmem>>
    %dma_start3A_75 = arith.constant 0 : i32
    %dma_start3A_76 = arith.constant 0 : i32
    %dma_start3A_77 = tpu.memref_slice %arg4[%dma_start3A_75, %dma_start3A_76] : memref<10000x64xf32, #tpu.memory_space<hbm>> -> memref<10000x64xf32, #tpu.memory_space<hbm>>
    tpu.enqueue_indirect_dma source(%dma_start3A_77 : memref<10000x64xf32, #tpu.memory_space<hbm>>) target(%arg13 : memref<128x64xf32, #tpu.memory_space<vmem>>) offsets(%dma_start3A_74 : memref<128xi32, #tpu.memory_space<vmem>>) semaphore(%arg21 : memref<!tpu.dma_semaphore, #tpu.memory_space<semaphore_mem>>)
    %scan3A_78 = arith.constant 0 : i32
    %scan3A_79 = arith.constant 0 : i32
    %scan3A_80 = arith.constant 14 : i32
    %scan3A_81 = arith.addi %scan3A_79, %scan3A_80 : i32
    %scan3A_82 = arith.constant 1 : i32
    %scan3A_83 = scf.for %scan3A_90 = %scan3A_79 to %scan3A_81 step %scan3A_82 iter_args(%scan3A_91 = %scan3A_78) -> (i32)  : i32 {
      %mul3A_92 = arith.constant 6 : i32
      %mul3A_93 = arith.muli %scan3A_90, %mul3A_92 : i32
      %add3A_94 = arith.constant 0 : i32
      %add3A_95 = arith.addi %mul3A_93, %add3A_94 : i32
      %lt3A_96 = arith.cmpi slt, %add3A_95, %select_n3A : i32
      %convert_element_type3A_97 = arith.extui %lt3A_96 : i1 to i32
      %cond3A_98 = arith.constant 0 : i32
      %cond3A_99 = arith.cmpi ne, %convert_element_type3A_97, %cond3A_98 : i32
      scf.if %cond3A_99 {
        %dma_wait3A = arith.constant 0 : i32
        %dma_wait3A_141 = tpu.memref_slice %arg6[%add3A_95, %dma_wait3A] : memref<79x128xi32, #tpu.memory_space<vmem>> -> memref<1x128xi32, #tpu.memory_space<vmem>>
        %dma_wait3A_142 = tpu.memref_squeeze %dma_wait3A_141 : memref<1x128xi32, #tpu.memory_space<vmem>> -> memref<128xi32, #tpu.memory_space<vmem>>
        %dma_wait3A_143 = arith.constant 0 : i32
        %dma_wait3A_144 = arith.constant 0 : i32
        %dma_wait3A_145 = tpu.memref_slice %arg4[%dma_wait3A_143, %dma_wait3A_144] : memref<10000x64xf32, #tpu.memory_space<hbm>> -> memref<10000x64xf32, #tpu.memory_space<hbm>>
        tpu.wait_indirect_dma semaphore(%arg16 : memref<!tpu.dma_semaphore, #tpu.memory_space<semaphore_mem>>) src(%dma_wait3A_145 : memref<10000x64xf32, #tpu.memory_space<hbm>>) dst(%arg8 : memref<128x64xf32, #tpu.memory_space<vmem>>)
        %run_scoped3A = arith.constant 0 : i32
        "tpu.region"() ({
          %run_scoped3A_152 = tpu.sem_alloc : memref<!tpu.dma_semaphore, #tpu.memory_space<semaphore_mem>>
          %dma_start3A_153 = arith.constant 0 : i32
          %dma_start3A_154 = tpu.memref_slice %arg7[%add3A_95, %run_scoped3A, %dma_start3A_153] : memref<79x1x128xi32, #tpu.memory_space<vmem>> -> memref<1x1x128xi32, #tpu.memory_space<vmem>>
          %dma_start3A_155 = tpu.memref_squeeze %dma_start3A_154 : memref<1x1x128xi32, #tpu.memory_space<vmem>> -> memref<128xi32, #tpu.memory_space<vmem>>
          %dma_start3A_156 = arith.constant 0 : i32
          %dma_start3A_157 = arith.constant 0 : i32
          %dma_start3A_158 = tpu.memref_slice %arg15[%dma_start3A_156, %dma_start3A_157] : memref<10240x64xf32, #tpu.memory_space<vmem_shared>> -> memref<10240x64xf32, #tpu.memory_space<vmem_shared>>
          tpu.enqueue_indirect_dma source(%arg8 : memref<128x64xf32, #tpu.memory_space<vmem>>) target(%dma_start3A_158 : memref<10240x64xf32, #tpu.memory_space<vmem_shared>>) offsets(%dma_start3A_155 : memref<128xi32, #tpu.memory_space<vmem>>) semaphore(%run_scoped3A_152 : memref<!tpu.dma_semaphore, #tpu.memory_space<semaphore_mem>>) {add = true}
          %dma_wait3A_159 = arith.constant 0 : i32
          %dma_wait3A_160 = tpu.memref_slice %arg7[%add3A_95, %run_scoped3A, %dma_wait3A_159] : memref<79x1x128xi32, #tpu.memory_space<vmem>> -> memref<1x1x128xi32, #tpu.memory_space<vmem>>
          %dma_wait3A_161 = tpu.memref_squeeze %dma_wait3A_160 : memref<1x1x128xi32, #tpu.memory_space<vmem>> -> memref<128xi32, #tpu.memory_space<vmem>>
          %dma_wait3A_162 = arith.constant 0 : i32
          %dma_wait3A_163 = arith.constant 0 : i32
          %dma_wait3A_164 = tpu.memref_slice %arg15[%dma_wait3A_162, %dma_wait3A_163] : memref<10240x64xf32, #tpu.memory_space<vmem_shared>> -> memref<10240x64xf32, #tpu.memory_space<vmem_shared>>
          tpu.wait_indirect_dma semaphore(%run_scoped3A_152 : memref<!tpu.dma_semaphore, #tpu.memory_space<semaphore_mem>>) src(%arg8 : memref<128x64xf32, #tpu.memory_space<vmem>>) dst(%dma_wait3A_164 : memref<10240x64xf32, #tpu.memory_space<vmem_shared>>)
          tpu.yield
        }) : () -> ()
        %add3A_146 = arith.constant 6 : i32
        %add3A_147 = arith.addi %add3A_95, %add3A_146 : i32
        %lt3A_148 = arith.cmpi slt, %add3A_147, %select_n3A : i32
        %convert_element_type3A_149 = arith.extui %lt3A_148 : i1 to i32
        %cond3A_150 = arith.constant 0 : i32
        %cond3A_151 = arith.cmpi ne, %convert_element_type3A_149, %cond3A_150 : i32
        scf.if %cond3A_151 {
          %add3A_152 = arith.constant 6 : i32
          %add3A_153 = arith.addi %add3A_95, %add3A_152 : i32
          %dma_start3A_154 = arith.constant 0 : i32
          %dma_start3A_155 = tpu.memref_slice %arg6[%add3A_153, %dma_start3A_154] : memref<79x128xi32, #tpu.memory_space<vmem>> -> memref<1x128xi32, #tpu.memory_space<vmem>>
          %dma_start3A_156 = tpu.memref_squeeze %dma_start3A_155 : memref<1x128xi32, #tpu.memory_space<vmem>> -> memref<128xi32, #tpu.memory_space<vmem>>
          %dma_start3A_157 = arith.constant 0 : i32
          %dma_start3A_158 = arith.constant 0 : i32
          %dma_start3A_159 = tpu.memref_slice %arg4[%dma_start3A_157, %dma_start3A_158] : memref<10000x64xf32, #tpu.memory_space<hbm>> -> memref<10000x64xf32, #tpu.memory_space<hbm>>
          tpu.enqueue_indirect_dma source(%dma_start3A_159 : memref<10000x64xf32, #tpu.memory_space<hbm>>) target(%arg8 : memref<128x64xf32, #tpu.memory_space<vmem>>) offsets(%dma_start3A_156 : memref<128xi32, #tpu.memory_space<vmem>>) semaphore(%arg16 : memref<!tpu.dma_semaphore, #tpu.memory_space<semaphore_mem>>)
        } else {
        }
      } else {
      }
      %mul3A_100 = arith.constant 6 : i32
      %mul3A_101 = arith.muli %scan3A_90, %mul3A_100 : i32
      %add3A_102 = arith.constant 1 : i32
      %add3A_103 = arith.addi %mul3A_101, %add3A_102 : i32
      %lt3A_104 = arith.cmpi slt, %add3A_103, %select_n3A : i32
      %convert_element_type3A_105 = arith.extui %lt3A_104 : i1 to i32
      %cond3A_106 = arith.constant 0 : i32
      %cond3A_107 = arith.cmpi ne, %convert_element_type3A_105, %cond3A_106 : i32
      scf.if %cond3A_107 {
        %dma_wait3A = arith.constant 0 : i32
        %dma_wait3A_141 = tpu.memref_slice %arg6[%add3A_103, %dma_wait3A] : memref<79x128xi32, #tpu.memory_space<vmem>> -> memref<1x128xi32, #tpu.memory_space<vmem>>
        %dma_wait3A_142 = tpu.memref_squeeze %dma_wait3A_141 : memref<1x128xi32, #tpu.memory_space<vmem>> -> memref<128xi32, #tpu.memory_space<vmem>>
        %dma_wait3A_143 = arith.constant 0 : i32
        %dma_wait3A_144 = arith.constant 0 : i32
        %dma_wait3A_145 = tpu.memref_slice %arg4[%dma_wait3A_143, %dma_wait3A_144] : memref<10000x64xf32, #tpu.memory_space<hbm>> -> memref<10000x64xf32, #tpu.memory_space<hbm>>
        tpu.wait_indirect_dma semaphore(%arg17 : memref<!tpu.dma_semaphore, #tpu.memory_space<semaphore_mem>>) src(%dma_wait3A_145 : memref<10000x64xf32, #tpu.memory_space<hbm>>) dst(%arg9 : memref<128x64xf32, #tpu.memory_space<vmem>>)
        %run_scoped3A = arith.constant 0 : i32
        "tpu.region"() ({
          %run_scoped3A_152 = tpu.sem_alloc : memref<!tpu.dma_semaphore, #tpu.memory_space<semaphore_mem>>
          %dma_start3A_153 = arith.constant 0 : i32
          %dma_start3A_154 = tpu.memref_slice %arg7[%add3A_103, %run_scoped3A, %dma_start3A_153] : memref<79x1x128xi32, #tpu.memory_space<vmem>> -> memref<1x1x128xi32, #tpu.memory_space<vmem>>
          %dma_start3A_155 = tpu.memref_squeeze %dma_start3A_154 : memref<1x1x128xi32, #tpu.memory_space<vmem>> -> memref<128xi32, #tpu.memory_space<vmem>>
          %dma_start3A_156 = arith.constant 0 : i32
          %dma_start3A_157 = arith.constant 0 : i32
          %dma_start3A_158 = tpu.memref_slice %arg15[%dma_start3A_156, %dma_start3A_157] : memref<10240x64xf32, #tpu.memory_space<vmem_shared>> -> memref<10240x64xf32, #tpu.memory_space<vmem_shared>>
          tpu.enqueue_indirect_dma source(%arg9 : memref<128x64xf32, #tpu.memory_space<vmem>>) target(%dma_start3A_158 : memref<10240x64xf32, #tpu.memory_space<vmem_shared>>) offsets(%dma_start3A_155 : memref<128xi32, #tpu.memory_space<vmem>>) semaphore(%run_scoped3A_152 : memref<!tpu.dma_semaphore, #tpu.memory_space<semaphore_mem>>) {add = true}
          %dma_wait3A_159 = arith.constant 0 : i32
          %dma_wait3A_160 = tpu.memref_slice %arg7[%add3A_103, %run_scoped3A, %dma_wait3A_159] : memref<79x1x128xi32, #tpu.memory_space<vmem>> -> memref<1x1x128xi32, #tpu.memory_space<vmem>>
          %dma_wait3A_161 = tpu.memref_squeeze %dma_wait3A_160 : memref<1x1x128xi32, #tpu.memory_space<vmem>> -> memref<128xi32, #tpu.memory_space<vmem>>
          %dma_wait3A_162 = arith.constant 0 : i32
          %dma_wait3A_163 = arith.constant 0 : i32
          %dma_wait3A_164 = tpu.memref_slice %arg15[%dma_wait3A_162, %dma_wait3A_163] : memref<10240x64xf32, #tpu.memory_space<vmem_shared>> -> memref<10240x64xf32, #tpu.memory_space<vmem_shared>>
          tpu.wait_indirect_dma semaphore(%run_scoped3A_152 : memref<!tpu.dma_semaphore, #tpu.memory_space<semaphore_mem>>) src(%arg9 : memref<128x64xf32, #tpu.memory_space<vmem>>) dst(%dma_wait3A_164 : memref<10240x64xf32, #tpu.memory_space<vmem_shared>>)
          tpu.yield
        }) : () -> ()
        %add3A_146 = arith.constant 6 : i32
        %add3A_147 = arith.addi %add3A_103, %add3A_146 : i32
        %lt3A_148 = arith.cmpi slt, %add3A_147, %select_n3A : i32
        %convert_element_type3A_149 = arith.extui %lt3A_148 : i1 to i32
        %cond3A_150 = arith.constant 0 : i32
        %cond3A_151 = arith.cmpi ne, %convert_element_type3A_149, %cond3A_150 : i32
        scf.if %cond3A_151 {
          %add3A_152 = arith.constant 6 : i32
          %add3A_153 = arith.addi %add3A_103, %add3A_152 : i32
          %dma_start3A_154 = arith.constant 0 : i32
          %dma_start3A_155 = tpu.memref_slice %arg6[%add3A_153, %dma_start3A_154] : memref<79x128xi32, #tpu.memory_space<vmem>> -> memref<1x128xi32, #tpu.memory_space<vmem>>
          %dma_start3A_156 = tpu.memref_squeeze %dma_start3A_155 : memref<1x128xi32, #tpu.memory_space<vmem>> -> memref<128xi32, #tpu.memory_space<vmem>>
          %dma_start3A_157 = arith.constant 0 : i32
          %dma_start3A_158 = arith.constant 0 : i32
          %dma_start3A_159 = tpu.memref_slice %arg4[%dma_start3A_157, %dma_start3A_158] : memref<10000x64xf32, #tpu.memory_space<hbm>> -> memref<10000x64xf32, #tpu.memory_space<hbm>>
          tpu.enqueue_indirect_dma source(%dma_start3A_159 : memref<10000x64xf32, #tpu.memory_space<hbm>>) target(%arg9 : memref<128x64xf32, #tpu.memory_space<vmem>>) offsets(%dma_start3A_156 : memref<128xi32, #tpu.memory_space<vmem>>) semaphore(%arg17 : memref<!tpu.dma_semaphore, #tpu.memory_space<semaphore_mem>>)
        } else {
        }
      } else {
      }
      %mul3A_108 = arith.constant 6 : i32
      %mul3A_109 = arith.muli %scan3A_90, %mul3A_108 : i32
      %add3A_110 = arith.constant 2 : i32
      %add3A_111 = arith.addi %mul3A_109, %add3A_110 : i32
      %lt3A_112 = arith.cmpi slt, %add3A_111, %select_n3A : i32
      %convert_element_type3A_113 = arith.extui %lt3A_112 : i1 to i32
      %cond3A_114 = arith.constant 0 : i32
      %cond3A_115 = arith.cmpi ne, %convert_element_type3A_113, %cond3A_114 : i32
      scf.if %cond3A_115 {
        %dma_wait3A = arith.constant 0 : i32
        %dma_wait3A_141 = tpu.memref_slice %arg6[%add3A_111, %dma_wait3A] : memref<79x128xi32, #tpu.memory_space<vmem>> -> memref<1x128xi32, #tpu.memory_space<vmem>>
        %dma_wait3A_142 = tpu.memref_squeeze %dma_wait3A_141 : memref<1x128xi32, #tpu.memory_space<vmem>> -> memref<128xi32, #tpu.memory_space<vmem>>
        %dma_wait3A_143 = arith.constant 0 : i32
        %dma_wait3A_144 = arith.constant 0 : i32
        %dma_wait3A_145 = tpu.memref_slice %arg4[%dma_wait3A_143, %dma_wait3A_144] : memref<10000x64xf32, #tpu.memory_space<hbm>> -> memref<10000x64xf32, #tpu.memory_space<hbm>>
        tpu.wait_indirect_dma semaphore(%arg18 : memref<!tpu.dma_semaphore, #tpu.memory_space<semaphore_mem>>) src(%dma_wait3A_145 : memref<10000x64xf32, #tpu.memory_space<hbm>>) dst(%arg10 : memref<128x64xf32, #tpu.memory_space<vmem>>)
        %run_scoped3A = arith.constant 0 : i32
        "tpu.region"() ({
          %run_scoped3A_152 = tpu.sem_alloc : memref<!tpu.dma_semaphore, #tpu.memory_space<semaphore_mem>>
          %dma_start3A_153 = arith.constant 0 : i32
          %dma_start3A_154 = tpu.memref_slice %arg7[%add3A_111, %run_scoped3A, %dma_start3A_153] : memref<79x1x128xi32, #tpu.memory_space<vmem>> -> memref<1x1x128xi32, #tpu.memory_space<vmem>>
          %dma_start3A_155 = tpu.memref_squeeze %dma_start3A_154 : memref<1x1x128xi32, #tpu.memory_space<vmem>> -> memref<128xi32, #tpu.memory_space<vmem>>
          %dma_start3A_156 = arith.constant 0 : i32
          %dma_start3A_157 = arith.constant 0 : i32
          %dma_start3A_158 = tpu.memref_slice %arg15[%dma_start3A_156, %dma_start3A_157] : memref<10240x64xf32, #tpu.memory_space<vmem_shared>> -> memref<10240x64xf32, #tpu.memory_space<vmem_shared>>
          tpu.enqueue_indirect_dma source(%arg10 : memref<128x64xf32, #tpu.memory_space<vmem>>) target(%dma_start3A_158 : memref<10240x64xf32, #tpu.memory_space<vmem_shared>>) offsets(%dma_start3A_155 : memref<128xi32, #tpu.memory_space<vmem>>) semaphore(%run_scoped3A_152 : memref<!tpu.dma_semaphore, #tpu.memory_space<semaphore_mem>>) {add = true}
          %dma_wait3A_159 = arith.constant 0 : i32
          %dma_wait3A_160 = tpu.memref_slice %arg7[%add3A_111, %run_scoped3A, %dma_wait3A_159] : memref<79x1x128xi32, #tpu.memory_space<vmem>> -> memref<1x1x128xi32, #tpu.memory_space<vmem>>
          %dma_wait3A_161 = tpu.memref_squeeze %dma_wait3A_160 : memref<1x1x128xi32, #tpu.memory_space<vmem>> -> memref<128xi32, #tpu.memory_space<vmem>>
          %dma_wait3A_162 = arith.constant 0 : i32
          %dma_wait3A_163 = arith.constant 0 : i32
          %dma_wait3A_164 = tpu.memref_slice %arg15[%dma_wait3A_162, %dma_wait3A_163] : memref<10240x64xf32, #tpu.memory_space<vmem_shared>> -> memref<10240x64xf32, #tpu.memory_space<vmem_shared>>
          tpu.wait_indirect_dma semaphore(%run_scoped3A_152 : memref<!tpu.dma_semaphore, #tpu.memory_space<semaphore_mem>>) src(%arg10 : memref<128x64xf32, #tpu.memory_space<vmem>>) dst(%dma_wait3A_164 : memref<10240x64xf32, #tpu.memory_space<vmem_shared>>)
          tpu.yield
        }) : () -> ()
        %add3A_146 = arith.constant 6 : i32
        %add3A_147 = arith.addi %add3A_111, %add3A_146 : i32
        %lt3A_148 = arith.cmpi slt, %add3A_147, %select_n3A : i32
        %convert_element_type3A_149 = arith.extui %lt3A_148 : i1 to i32
        %cond3A_150 = arith.constant 0 : i32
        %cond3A_151 = arith.cmpi ne, %convert_element_type3A_149, %cond3A_150 : i32
        scf.if %cond3A_151 {
          %add3A_152 = arith.constant 6 : i32
          %add3A_153 = arith.addi %add3A_111, %add3A_152 : i32
          %dma_start3A_154 = arith.constant 0 : i32
          %dma_start3A_155 = tpu.memref_slice %arg6[%add3A_153, %dma_start3A_154] : memref<79x128xi32, #tpu.memory_space<vmem>> -> memref<1x128xi32, #tpu.memory_space<vmem>>
          %dma_start3A_156 = tpu.memref_squeeze %dma_start3A_155 : memref<1x128xi32, #tpu.memory_space<vmem>> -> memref<128xi32, #tpu.memory_space<vmem>>
          %dma_start3A_157 = arith.constant 0 : i32
          %dma_start3A_158 = arith.constant 0 : i32
          %dma_start3A_159 = tpu.memref_slice %arg4[%dma_start3A_157, %dma_start3A_158] : memref<10000x64xf32, #tpu.memory_space<hbm>> -> memref<10000x64xf32, #tpu.memory_space<hbm>>
          tpu.enqueue_indirect_dma source(%dma_start3A_159 : memref<10000x64xf32, #tpu.memory_space<hbm>>) target(%arg10 : memref<128x64xf32, #tpu.memory_space<vmem>>) offsets(%dma_start3A_156 : memref<128xi32, #tpu.memory_space<vmem>>) semaphore(%arg18 : memref<!tpu.dma_semaphore, #tpu.memory_space<semaphore_mem>>)
        } else {
        }
      } else {
      }
      %mul3A_116 = arith.constant 6 : i32
      %mul3A_117 = arith.muli %scan3A_90, %mul3A_116 : i32
      %add3A_118 = arith.constant 3 : i32
      %add3A_119 = arith.addi %mul3A_117, %add3A_118 : i32
      %lt3A_120 = arith.cmpi slt, %add3A_119, %select_n3A : i32
      %convert_element_type3A_121 = arith.extui %lt3A_120 : i1 to i32
      %cond3A_122 = arith.constant 0 : i32
      %cond3A_123 = arith.cmpi ne, %convert_element_type3A_121, %cond3A_122 : i32
      scf.if %cond3A_123 {
        %dma_wait3A = arith.constant 0 : i32
        %dma_wait3A_141 = tpu.memref_slice %arg6[%add3A_119, %dma_wait3A] : memref<79x128xi32, #tpu.memory_space<vmem>> -> memref<1x128xi32, #tpu.memory_space<vmem>>
        %dma_wait3A_142 = tpu.memref_squeeze %dma_wait3A_141 : memref<1x128xi32, #tpu.memory_space<vmem>> -> memref<128xi32, #tpu.memory_space<vmem>>
        %dma_wait3A_143 = arith.constant 0 : i32
        %dma_wait3A_144 = arith.constant 0 : i32
        %dma_wait3A_145 = tpu.memref_slice %arg4[%dma_wait3A_143, %dma_wait3A_144] : memref<10000x64xf32, #tpu.memory_space<hbm>> -> memref<10000x64xf32, #tpu.memory_space<hbm>>
        tpu.wait_indirect_dma semaphore(%arg19 : memref<!tpu.dma_semaphore, #tpu.memory_space<semaphore_mem>>) src(%dma_wait3A_145 : memref<10000x64xf32, #tpu.memory_space<hbm>>) dst(%arg11 : memref<128x64xf32, #tpu.memory_space<vmem>>)
        %run_scoped3A = arith.constant 0 : i32
        "tpu.region"() ({
          %run_scoped3A_152 = tpu.sem_alloc : memref<!tpu.dma_semaphore, #tpu.memory_space<semaphore_mem>>
          %dma_start3A_153 = arith.constant 0 : i32
          %dma_start3A_154 = tpu.memref_slice %arg7[%add3A_119, %run_scoped3A, %dma_start3A_153] : memref<79x1x128xi32, #tpu.memory_space<vmem>> -> memref<1x1x128xi32, #tpu.memory_space<vmem>>
          %dma_start3A_155 = tpu.memref_squeeze %dma_start3A_154 : memref<1x1x128xi32, #tpu.memory_space<vmem>> -> memref<128xi32, #tpu.memory_space<vmem>>
          %dma_start3A_156 = arith.constant 0 : i32
          %dma_start3A_157 = arith.constant 0 : i32
          %dma_start3A_158 = tpu.memref_slice %arg15[%dma_start3A_156, %dma_start3A_157] : memref<10240x64xf32, #tpu.memory_space<vmem_shared>> -> memref<10240x64xf32, #tpu.memory_space<vmem_shared>>
          tpu.enqueue_indirect_dma source(%arg11 : memref<128x64xf32, #tpu.memory_space<vmem>>) target(%dma_start3A_158 : memref<10240x64xf32, #tpu.memory_space<vmem_shared>>) offsets(%dma_start3A_155 : memref<128xi32, #tpu.memory_space<vmem>>) semaphore(%run_scoped3A_152 : memref<!tpu.dma_semaphore, #tpu.memory_space<semaphore_mem>>) {add = true}
          %dma_wait3A_159 = arith.constant 0 : i32
          %dma_wait3A_160 = tpu.memref_slice %arg7[%add3A_119, %run_scoped3A, %dma_wait3A_159] : memref<79x1x128xi32, #tpu.memory_space<vmem>> -> memref<1x1x128xi32, #tpu.memory_space<vmem>>
          %dma_wait3A_161 = tpu.memref_squeeze %dma_wait3A_160 : memref<1x1x128xi32, #tpu.memory_space<vmem>> -> memref<128xi32, #tpu.memory_space<vmem>>
          %dma_wait3A_162 = arith.constant 0 : i32
          %dma_wait3A_163 = arith.constant 0 : i32
          %dma_wait3A_164 = tpu.memref_slice %arg15[%dma_wait3A_162, %dma_wait3A_163] : memref<10240x64xf32, #tpu.memory_space<vmem_shared>> -> memref<10240x64xf32, #tpu.memory_space<vmem_shared>>
          tpu.wait_indirect_dma semaphore(%run_scoped3A_152 : memref<!tpu.dma_semaphore, #tpu.memory_space<semaphore_mem>>) src(%arg11 : memref<128x64xf32, #tpu.memory_space<vmem>>) dst(%dma_wait3A_164 : memref<10240x64xf32, #tpu.memory_space<vmem_shared>>)
          tpu.yield
        }) : () -> ()
        %add3A_146 = arith.constant 6 : i32
        %add3A_147 = arith.addi %add3A_119, %add3A_146 : i32
        %lt3A_148 = arith.cmpi slt, %add3A_147, %select_n3A : i32
        %convert_element_type3A_149 = arith.extui %lt3A_148 : i1 to i32
        %cond3A_150 = arith.constant 0 : i32
        %cond3A_151 = arith.cmpi ne, %convert_element_type3A_149, %cond3A_150 : i32
        scf.if %cond3A_151 {
          %add3A_152 = arith.constant 6 : i32
          %add3A_153 = arith.addi %add3A_119, %add3A_152 : i32
          %dma_start3A_154 = arith.constant 0 : i32
          %dma_start3A_155 = tpu.memref_slice %arg6[%add3A_153, %dma_start3A_154] : memref<79x128xi32, #tpu.memory_space<vmem>> -> memref<1x128xi32, #tpu.memory_space<vmem>>
          %dma_start3A_156 = tpu.memref_squeeze %dma_start3A_155 : memref<1x128xi32, #tpu.memory_space<vmem>> -> memref<128xi32, #tpu.memory_space<vmem>>
          %dma_start3A_157 = arith.constant 0 : i32
          %dma_start3A_158 = arith.constant 0 : i32
          %dma_start3A_159 = tpu.memref_slice %arg4[%dma_start3A_157, %dma_start3A_158] : memref<10000x64xf32, #tpu.memory_space<hbm>> -> memref<10000x64xf32, #tpu.memory_space<hbm>>
          tpu.enqueue_indirect_dma source(%dma_start3A_159 : memref<10000x64xf32, #tpu.memory_space<hbm>>) target(%arg11 : memref<128x64xf32, #tpu.memory_space<vmem>>) offsets(%dma_start3A_156 : memref<128xi32, #tpu.memory_space<vmem>>) semaphore(%arg19 : memref<!tpu.dma_semaphore, #tpu.memory_space<semaphore_mem>>)
        } else {
        }
      } else {
      }
      %mul3A_124 = arith.constant 6 : i32
      %mul3A_125 = arith.muli %scan3A_90, %mul3A_124 : i32
      %add3A_126 = arith.constant 4 : i32
      %add3A_127 = arith.addi %mul3A_125, %add3A_126 : i32
      %lt3A_128 = arith.cmpi slt, %add3A_127, %select_n3A : i32
      %convert_element_type3A_129 = arith.extui %lt3A_128 : i1 to i32
      %cond3A_130 = arith.constant 0 : i32
      %cond3A_131 = arith.cmpi ne, %convert_element_type3A_129, %cond3A_130 : i32
      scf.if %cond3A_131 {
        %dma_wait3A = arith.constant 0 : i32
        %dma_wait3A_141 = tpu.memref_slice %arg6[%add3A_127, %dma_wait3A] : memref<79x128xi32, #tpu.memory_space<vmem>> -> memref<1x128xi32, #tpu.memory_space<vmem>>
        %dma_wait3A_142 = tpu.memref_squeeze %dma_wait3A_141 : memref<1x128xi32, #tpu.memory_space<vmem>> -> memref<128xi32, #tpu.memory_space<vmem>>
        %dma_wait3A_143 = arith.constant 0 : i32
        %dma_wait3A_144 = arith.constant 0 : i32
        %dma_wait3A_145 = tpu.memref_slice %arg4[%dma_wait3A_143, %dma_wait3A_144] : memref<10000x64xf32, #tpu.memory_space<hbm>> -> memref<10000x64xf32, #tpu.memory_space<hbm>>
        tpu.wait_indirect_dma semaphore(%arg20 : memref<!tpu.dma_semaphore, #tpu.memory_space<semaphore_mem>>) src(%dma_wait3A_145 : memref<10000x64xf32, #tpu.memory_space<hbm>>) dst(%arg12 : memref<128x64xf32, #tpu.memory_space<vmem>>)
        %run_scoped3A = arith.constant 0 : i32
        "tpu.region"() ({
          %run_scoped3A_152 = tpu.sem_alloc : memref<!tpu.dma_semaphore, #tpu.memory_space<semaphore_mem>>
          %dma_start3A_153 = arith.constant 0 : i32
          %dma_start3A_154 = tpu.memref_slice %arg7[%add3A_127, %run_scoped3A, %dma_start3A_153] : memref<79x1x128xi32, #tpu.memory_space<vmem>> -> memref<1x1x128xi32, #tpu.memory_space<vmem>>
          %dma_start3A_155 = tpu.memref_squeeze %dma_start3A_154 : memref<1x1x128xi32, #tpu.memory_space<vmem>> -> memref<128xi32, #tpu.memory_space<vmem>>
          %dma_start3A_156 = arith.constant 0 : i32
          %dma_start3A_157 = arith.constant 0 : i32
          %dma_start3A_158 = tpu.memref_slice %arg15[%dma_start3A_156, %dma_start3A_157] : memref<10240x64xf32, #tpu.memory_space<vmem_shared>> -> memref<10240x64xf32, #tpu.memory_space<vmem_shared>>
          tpu.enqueue_indirect_dma source(%arg12 : memref<128x64xf32, #tpu.memory_space<vmem>>) target(%dma_start3A_158 : memref<10240x64xf32, #tpu.memory_space<vmem_shared>>) offsets(%dma_start3A_155 : memref<128xi32, #tpu.memory_space<vmem>>) semaphore(%run_scoped3A_152 : memref<!tpu.dma_semaphore, #tpu.memory_space<semaphore_mem>>) {add = true}
          %dma_wait3A_159 = arith.constant 0 : i32
          %dma_wait3A_160 = tpu.memref_slice %arg7[%add3A_127, %run_scoped3A, %dma_wait3A_159] : memref<79x1x128xi32, #tpu.memory_space<vmem>> -> memref<1x1x128xi32, #tpu.memory_space<vmem>>
          %dma_wait3A_161 = tpu.memref_squeeze %dma_wait3A_160 : memref<1x1x128xi32, #tpu.memory_space<vmem>> -> memref<128xi32, #tpu.memory_space<vmem>>
          %dma_wait3A_162 = arith.constant 0 : i32
          %dma_wait3A_163 = arith.constant 0 : i32
          %dma_wait3A_164 = tpu.memref_slice %arg15[%dma_wait3A_162, %dma_wait3A_163] : memref<10240x64xf32, #tpu.memory_space<vmem_shared>> -> memref<10240x64xf32, #tpu.memory_space<vmem_shared>>
          tpu.wait_indirect_dma semaphore(%run_scoped3A_152 : memref<!tpu.dma_semaphore, #tpu.memory_space<semaphore_mem>>) src(%arg12 : memref<128x64xf32, #tpu.memory_space<vmem>>) dst(%dma_wait3A_164 : memref<10240x64xf32, #tpu.memory_space<vmem_shared>>)
          tpu.yield
        }) : () -> ()
        %add3A_146 = arith.constant 6 : i32
        %add3A_147 = arith.addi %add3A_127, %add3A_146 : i32
        %lt3A_148 = arith.cmpi slt, %add3A_147, %select_n3A : i32
        %convert_element_type3A_149 = arith.extui %lt3A_148 : i1 to i32
        %cond3A_150 = arith.constant 0 : i32
        %cond3A_151 = arith.cmpi ne, %convert_element_type3A_149, %cond3A_150 : i32
        scf.if %cond3A_151 {
          %add3A_152 = arith.constant 6 : i32
          %add3A_153 = arith.addi %add3A_127, %add3A_152 : i32
          %dma_start3A_154 = arith.constant 0 : i32
          %dma_start3A_155 = tpu.memref_slice %arg6[%add3A_153, %dma_start3A_154] : memref<79x128xi32, #tpu.memory_space<vmem>> -> memref<1x128xi32, #tpu.memory_space<vmem>>
          %dma_start3A_156 = tpu.memref_squeeze %dma_start3A_155 : memref<1x128xi32, #tpu.memory_space<vmem>> -> memref<128xi32, #tpu.memory_space<vmem>>
          %dma_start3A_157 = arith.constant 0 : i32
          %dma_start3A_158 = arith.constant 0 : i32
          %dma_start3A_159 = tpu.memref_slice %arg4[%dma_start3A_157, %dma_start3A_158] : memref<10000x64xf32, #tpu.memory_space<hbm>> -> memref<10000x64xf32, #tpu.memory_space<hbm>>
          tpu.enqueue_indirect_dma source(%dma_start3A_159 : memref<10000x64xf32, #tpu.memory_space<hbm>>) target(%arg12 : memref<128x64xf32, #tpu.memory_space<vmem>>) offsets(%dma_start3A_156 : memref<128xi32, #tpu.memory_space<vmem>>) semaphore(%arg20 : memref<!tpu.dma_semaphore, #tpu.memory_space<semaphore_mem>>)
        } else {
        }
      } else {
      }
      %mul3A_132 = arith.constant 6 : i32
      %mul3A_133 = arith.muli %scan3A_90, %mul3A_132 : i32
      %add3A_134 = arith.constant 5 : i32
      %add3A_135 = arith.addi %mul3A_133, %add3A_134 : i32
      %lt3A_136 = arith.cmpi slt, %add3A_135, %select_n3A : i32
      %convert_element_type3A_137 = arith.extui %lt3A_136 : i1 to i32
      %cond3A_138 = arith.constant 0 : i32
      %cond3A_139 = arith.cmpi ne, %convert_element_type3A_137, %cond3A_138 : i32
      scf.if %cond3A_139 {
        %dma_wait3A = arith.constant 0 : i32
        %dma_wait3A_141 = tpu.memref_slice %arg6[%add3A_135, %dma_wait3A] : memref<79x128xi32, #tpu.memory_space<vmem>> -> memref<1x128xi32, #tpu.memory_space<vmem>>
        %dma_wait3A_142 = tpu.memref_squeeze %dma_wait3A_141 : memref<1x128xi32, #tpu.memory_space<vmem>> -> memref<128xi32, #tpu.memory_space<vmem>>
        %dma_wait3A_143 = arith.constant 0 : i32
        %dma_wait3A_144 = arith.constant 0 : i32
        %dma_wait3A_145 = tpu.memref_slice %arg4[%dma_wait3A_143, %dma_wait3A_144] : memref<10000x64xf32, #tpu.memory_space<hbm>> -> memref<10000x64xf32, #tpu.memory_space<hbm>>
        tpu.wait_indirect_dma semaphore(%arg21 : memref<!tpu.dma_semaphore, #tpu.memory_space<semaphore_mem>>) src(%dma_wait3A_145 : memref<10000x64xf32, #tpu.memory_space<hbm>>) dst(%arg13 : memref<128x64xf32, #tpu.memory_space<vmem>>)
        %run_scoped3A = arith.constant 0 : i32
        "tpu.region"() ({
          %run_scoped3A_152 = tpu.sem_alloc : memref<!tpu.dma_semaphore, #tpu.memory_space<semaphore_mem>>
          %dma_start3A_153 = arith.constant 0 : i32
          %dma_start3A_154 = tpu.memref_slice %arg7[%add3A_135, %run_scoped3A, %dma_start3A_153] : memref<79x1x128xi32, #tpu.memory_space<vmem>> -> memref<1x1x128xi32, #tpu.memory_space<vmem>>
          %dma_start3A_155 = tpu.memref_squeeze %dma_start3A_154 : memref<1x1x128xi32, #tpu.memory_space<vmem>> -> memref<128xi32, #tpu.memory_space<vmem>>
          %dma_start3A_156 = arith.constant 0 : i32
          %dma_start3A_157 = arith.constant 0 : i32
          %dma_start3A_158 = tpu.memref_slice %arg15[%dma_start3A_156, %dma_start3A_157] : memref<10240x64xf32, #tpu.memory_space<vmem_shared>> -> memref<10240x64xf32, #tpu.memory_space<vmem_shared>>
          tpu.enqueue_indirect_dma source(%arg13 : memref<128x64xf32, #tpu.memory_space<vmem>>) target(%dma_start3A_158 : memref<10240x64xf32, #tpu.memory_space<vmem_shared>>) offsets(%dma_start3A_155 : memref<128xi32, #tpu.memory_space<vmem>>) semaphore(%run_scoped3A_152 : memref<!tpu.dma_semaphore, #tpu.memory_space<semaphore_mem>>) {add = true}
          %dma_wait3A_159 = arith.constant 0 : i32
          %dma_wait3A_160 = tpu.memref_slice %arg7[%add3A_135, %run_scoped3A, %dma_wait3A_159] : memref<79x1x128xi32, #tpu.memory_space<vmem>> -> memref<1x1x128xi32, #tpu.memory_space<vmem>>
          %dma_wait3A_161 = tpu.memref_squeeze %dma_wait3A_160 : memref<1x1x128xi32, #tpu.memory_space<vmem>> -> memref<128xi32, #tpu.memory_space<vmem>>
          %dma_wait3A_162 = arith.constant 0 : i32
          %dma_wait3A_163 = arith.constant 0 : i32
          %dma_wait3A_164 = tpu.memref_slice %arg15[%dma_wait3A_162, %dma_wait3A_163] : memref<10240x64xf32, #tpu.memory_space<vmem_shared>> -> memref<10240x64xf32, #tpu.memory_space<vmem_shared>>
          tpu.wait_indirect_dma semaphore(%run_scoped3A_152 : memref<!tpu.dma_semaphore, #tpu.memory_space<semaphore_mem>>) src(%arg13 : memref<128x64xf32, #tpu.memory_space<vmem>>) dst(%dma_wait3A_164 : memref<10240x64xf32, #tpu.memory_space<vmem_shared>>)
          tpu.yield
        }) : () -> ()
        %add3A_146 = arith.constant 6 : i32
        %add3A_147 = arith.addi %add3A_135, %add3A_146 : i32
        %lt3A_148 = arith.cmpi slt, %add3A_147, %select_n3A : i32
        %convert_element_type3A_149 = arith.extui %lt3A_148 : i1 to i32
        %cond3A_150 = arith.constant 0 : i32
        %cond3A_151 = arith.cmpi ne, %convert_element_type3A_149, %cond3A_150 : i32
        scf.if %cond3A_151 {
          %add3A_152 = arith.constant 6 : i32
          %add3A_153 = arith.addi %add3A_135, %add3A_152 : i32
          %dma_start3A_154 = arith.constant 0 : i32
          %dma_start3A_155 = tpu.memref_slice %arg6[%add3A_153, %dma_start3A_154] : memref<79x128xi32, #tpu.memory_space<vmem>> -> memref<1x128xi32, #tpu.memory_space<vmem>>
          %dma_start3A_156 = tpu.memref_squeeze %dma_start3A_155 : memref<1x128xi32, #tpu.memory_space<vmem>> -> memref<128xi32, #tpu.memory_space<vmem>>
          %dma_start3A_157 = arith.constant 0 : i32
          %dma_start3A_158 = arith.constant 0 : i32
          %dma_start3A_159 = tpu.memref_slice %arg4[%dma_start3A_157, %dma_start3A_158] : memref<10000x64xf32, #tpu.memory_space<hbm>> -> memref<10000x64xf32, #tpu.memory_space<hbm>>
          tpu.enqueue_indirect_dma source(%dma_start3A_159 : memref<10000x64xf32, #tpu.memory_space<hbm>>) target(%arg13 : memref<128x64xf32, #tpu.memory_space<vmem>>) offsets(%dma_start3A_156 : memref<128xi32, #tpu.memory_space<vmem>>) semaphore(%arg21 : memref<!tpu.dma_semaphore, #tpu.memory_space<semaphore_mem>>)
        } else {
        }
      } else {
      }
      %scan3A_140 = arith.constant 0 : i32
      scf.yield %scan3A_140 : i32
    }
    %scan3A_84 = arith.constant 14 : i32
    %barrier3A_85 = arith.constant 0 : index
    tpu.barrier barrier_id(%barrier3A_85)
    %mul3A_86 = arith.constant 640 : i32
    %mul3A_87 = arith.muli %arg1, %mul3A_86 : i32
    %mul3A_88 = arith.constant 640 : i32
    %mul3A_89 = arith.muli %arg1, %mul3A_88 : i32
    "tpu.region"() ({
      %run_scoped3A = tpu.sem_alloc : memref<!tpu.dma_semaphore, #tpu.memory_space<semaphore_mem>>
      %dma_start3A_90 = arith.constant 0 : i32
      %dma_start3A_91 = tpu.memref_slice %arg5[%arg0, %mul3A_89, %dma_start3A_90] : memref<2x10240x64xf32, #tpu.memory_space<hbm>> -> memref<1x640x64xf32, #tpu.memory_space<hbm>>
      %dma_start3A_92 = tpu.memref_squeeze %dma_start3A_91 : memref<1x640x64xf32, #tpu.memory_space<hbm>> -> memref<640x64xf32, #tpu.memory_space<hbm>>
      %dma_start3A_93 = arith.constant 0 : i32
      %dma_start3A_94 = tpu.memref_slice %arg15[%mul3A_87, %dma_start3A_93] : memref<10240x64xf32, #tpu.memory_space<vmem_shared>> -> memref<640x64xf32, #tpu.memory_space<vmem_shared>>
      tpu.enqueue_dma source(%dma_start3A_94 : memref<640x64xf32, #tpu.memory_space<vmem_shared>>) target(%dma_start3A_92 : memref<640x64xf32, #tpu.memory_space<hbm>>) target_semaphore(%run_scoped3A : memref<!tpu.dma_semaphore, #tpu.memory_space<semaphore_mem>>)
      %dma_wait3A = arith.constant 0 : i32
      %dma_wait3A_95 = tpu.memref_slice %arg5[%arg0, %mul3A_89, %dma_wait3A] : memref<2x10240x64xf32, #tpu.memory_space<hbm>> -> memref<1x640x64xf32, #tpu.memory_space<hbm>>
      %dma_wait3A_96 = tpu.memref_squeeze %dma_wait3A_95 : memref<1x640x64xf32, #tpu.memory_space<hbm>> -> memref<640x64xf32, #tpu.memory_space<hbm>>
      %dma_wait3A_97 = arith.constant 0 : i32
      %dma_wait3A_98 = tpu.memref_slice %arg15[%mul3A_87, %dma_wait3A_97] : memref<10240x64xf32, #tpu.memory_space<vmem_shared>> -> memref<640x64xf32, #tpu.memory_space<vmem_shared>>
      tpu.wait_dma2 semaphore(%run_scoped3A : memref<!tpu.dma_semaphore, #tpu.memory_space<semaphore_mem>>) src(%dma_wait3A_98 : memref<640x64xf32, #tpu.memory_space<vmem_shared>>) dst(%dma_wait3A_96 : memref<640x64xf32, #tpu.memory_space<hbm>>)
      tpu.yield
    }) : () -> ()
    return
  }
}

module attributes {stable_mosaic.version = 14 : i64} {
  func.func @_tc_xw_body(%arg0: memref<10000x128xf32, #tpu.memory_space<vmem>>, %arg1: memref<128x64xf32, #tpu.memory_space<vmem>>, %arg2: memref<2x10240xf32, #tpu.memory_space<vmem>>, %arg3: memref<10000x64xf32, #tpu.memory_space<vmem>>, %arg4: memref<10000x64xf32, #tpu.memory_space<vmem>>, %arg5: memref<10000x1xf32, #tpu.memory_space<vmem>>) attributes {dimension_semantics = [], scalar_prefetch = 0 : i64, scratch_operands = 0 : i64, tpu.core_type = #tpu.core_type<tc>} {
    %get3A = arith.constant 0 : index
    %get3A_0 = arith.constant 0 : index
    %get3A_1 = vector.load %arg2[%get3A, %get3A_0] : memref<2x10240xf32, #tpu.memory_space<vmem>>, vector<1x10240xf32>
    %get3A_2 = arith.constant 1 : index
    %get3A_3 = arith.constant 0 : index
    %get3A_4 = vector.load %arg2[%get3A_2, %get3A_3] : memref<2x10240xf32, #tpu.memory_space<vmem>>, vector<1x10240xf32>
    %add3A = arith.addf %get3A_1, %get3A_4 : vector<1x10240xf32>
    %add3A_5 = arith.constant 1.000000e+00 : f32
    %add3A_6 = vector.broadcast %add3A_5 : f32 to vector<1x10240xf32>
    %add3A_7 = arith.addf %add3A, %add3A_6 : vector<1x10240xf32>
    %rsqrt3A = math.rsqrt %add3A_7 : vector<1x10240xf32>
    %reshape3A = vector.shape_cast %rsqrt3A : vector<1x10240xf32> to vector<10240x1xf32>
    %slice3A = vector.extract_strided_slice %reshape3A {offsets = [0, 0], sizes = [10000, 1], strides = [1, 1]} : vector<10240x1xf32> to vector<10000x1xf32>
    %swap3A = arith.constant 0 : index
    %swap3A_8 = arith.constant 0 : index
    %swap3A_9 = vector.load %arg5[%swap3A, %swap3A_8] : memref<10000x1xf32, #tpu.memory_space<vmem>>, vector<10000x1xf32>
    tpu.vector_store %arg5[%swap3A, %swap3A_8], %slice3A {strides = array<i32>} : memref<10000x1xf32, #tpu.memory_space<vmem>>, vector<10000x1xf32>,
    %get3A_10 = arith.constant 0 : index
    %get3A_11 = arith.constant 0 : index
    %get3A_12 = vector.load %arg0[%get3A_10, %get3A_11] : memref<10000x128xf32, #tpu.memory_space<vmem>>, vector<10000x128xf32>
    %get3A_13 = arith.constant 0 : index
    %get3A_14 = arith.constant 0 : index
    %get3A_15 = vector.load %arg1[%get3A_13, %get3A_14] : memref<128x64xf32, #tpu.memory_space<vmem>>, vector<128x64xf32>
    %dot_general3A = arith.constant dense<0.000000e+00> : vector<10000x64xf32>
    %dot_general3A_16 = tpu.matmul %get3A_12, %get3A_15, %dot_general3A {dimension_numbers = #tpu.dot_dimension_numbers<[1], [0], [0], [1], [0, 0, 1, 1], [], []>, transpose_lhs_hint = false} : vector<10000x128xf32>, vector<128x64xf32>, vector<10000x64xf32> -> vector<10000x64xf32>
    %swap3A_17 = arith.constant 0 : index
    %swap3A_18 = arith.constant 0 : index
    %swap3A_19 = vector.load %arg3[%swap3A_17, %swap3A_18] : memref<10000x64xf32, #tpu.memory_space<vmem>>, vector<10000x64xf32>
    tpu.vector_store %arg3[%swap3A_17, %swap3A_18], %dot_general3A_16 {strides = array<i32>} : memref<10000x64xf32, #tpu.memory_space<vmem>>, vector<10000x64xf32>,
    %mul3A = vector.broadcast %slice3A : vector<10000x1xf32> to vector<10000x64xf32>
    %mul3A_20 = arith.mulf %dot_general3A_16, %mul3A : vector<10000x64xf32>
    %swap3A_21 = arith.constant 0 : index
    %swap3A_22 = arith.constant 0 : index
    %swap3A_23 = vector.load %arg4[%swap3A_21, %swap3A_22] : memref<10000x64xf32, #tpu.memory_space<vmem>>, vector<10000x64xf32>
    tpu.vector_store %arg4[%swap3A_21, %swap3A_22], %mul3A_20 {strides = array<i32>} : memref<10000x64xf32, #tpu.memory_space<vmem>>, vector<10000x64xf32>,
    return
  }
}

module attributes {stable_mosaic.version = 14 : i64} {
  func.func @_tc_layer2_body(%arg0: memref<2x10240x64xf32, #tpu.memory_space<vmem>>, %arg1: memref<10000x64xf32, #tpu.memory_space<vmem>>, %arg2: memref<10000x1xf32, #tpu.memory_space<vmem>>, %arg3: memref<64xf32, #tpu.memory_space<vmem>>, %arg4: memref<64x64xf32, #tpu.memory_space<vmem>>, %arg5: memref<10000x64xf32, #tpu.memory_space<vmem>>, %arg6: memref<10000x64xf32, #tpu.memory_space<vmem>>) attributes {dimension_semantics = [], scalar_prefetch = 0 : i64, scratch_operands = 0 : i64, tpu.core_type = #tpu.core_type<tc>} {
    %get3A = arith.constant 0 : index
    %get3A_0 = arith.constant 0 : index
    %get3A_1 = arith.constant 0 : index
    %get3A_2 = vector.load %arg0[%get3A, %get3A_0, %get3A_1] : memref<2x10240x64xf32, #tpu.memory_space<vmem>>, vector<1x10000x64xf32>
    %get3A_3 = vector.shape_cast %get3A_2 : vector<1x10000x64xf32> to vector<10000x64xf32>
    %get3A_4 = arith.constant 1 : index
    %get3A_5 = arith.constant 0 : index
    %get3A_6 = arith.constant 0 : index
    %get3A_7 = vector.load %arg0[%get3A_4, %get3A_5, %get3A_6] : memref<2x10240x64xf32, #tpu.memory_space<vmem>>, vector<1x10000x64xf32>
    %get3A_8 = vector.shape_cast %get3A_7 : vector<1x10000x64xf32> to vector<10000x64xf32>
    %add3A = arith.addf %get3A_3, %get3A_8 : vector<10000x64xf32>
    %get3A_9 = arith.constant 0 : index
    %get3A_10 = arith.constant 0 : index
    %get3A_11 = vector.load %arg2[%get3A_9, %get3A_10] : memref<10000x1xf32, #tpu.memory_space<vmem>>, vector<10000x1xf32>
    %get3A_12 = arith.constant 0 : index
    %get3A_13 = arith.constant 0 : index
    %get3A_14 = vector.load %arg1[%get3A_12, %get3A_13] : memref<10000x64xf32, #tpu.memory_space<vmem>>, vector<10000x64xf32>
    %mul3A = vector.broadcast %get3A_11 : vector<10000x1xf32> to vector<10000x64xf32>
    %mul3A_15 = arith.mulf %mul3A, %get3A_14 : vector<10000x64xf32>
    %add3A_16 = arith.addf %add3A, %mul3A_15 : vector<10000x64xf32>
    %mul3A_17 = vector.broadcast %get3A_11 : vector<10000x1xf32> to vector<10000x64xf32>
    %mul3A_18 = arith.mulf %add3A_16, %mul3A_17 : vector<10000x64xf32>
    %get3A_19 = arith.constant 0 : index
    %get3A_20 = vector.load %arg3[%get3A_19] : memref<64xf32, #tpu.memory_space<vmem>>, vector<64xf32>
    %broadcast_in_dim3A = vector.shape_cast %get3A_20 : vector<64xf32> to vector<1x64xf32>
    %add3A_21 = vector.broadcast %broadcast_in_dim3A : vector<1x64xf32> to vector<10000x64xf32>
    %add3A_22 = arith.addf %mul3A_18, %add3A_21 : vector<10000x64xf32>
    %max3A = arith.constant 0.000000e+00 : f32
    %max3A_23 = vector.broadcast %max3A : f32 to vector<10000x64xf32>
    %max3A_24 = arith.maximumf %add3A_22, %max3A_23 : vector<10000x64xf32>
    %get3A_25 = arith.constant 0 : index
    %get3A_26 = arith.constant 0 : index
    %get3A_27 = vector.load %arg4[%get3A_25, %get3A_26] : memref<64x64xf32, #tpu.memory_space<vmem>>, vector<64x64xf32>
    %dot_general3A = arith.constant dense<0.000000e+00> : vector<10000x64xf32>
    %dot_general3A_28 = tpu.matmul %max3A_24, %get3A_27, %dot_general3A {dimension_numbers = #tpu.dot_dimension_numbers<[1], [0], [0], [1], [0, 0, 1, 1], [], []>, transpose_lhs_hint = false} : vector<10000x64xf32>, vector<64x64xf32>, vector<10000x64xf32> -> vector<10000x64xf32>
    %swap3A = arith.constant 0 : index
    %swap3A_29 = arith.constant 0 : index
    %swap3A_30 = vector.load %arg5[%swap3A, %swap3A_29] : memref<10000x64xf32, #tpu.memory_space<vmem>>, vector<10000x64xf32>
    tpu.vector_store %arg5[%swap3A, %swap3A_29], %dot_general3A_28 {strides = array<i32>} : memref<10000x64xf32, #tpu.memory_space<vmem>>, vector<10000x64xf32>,
    %mul3A_31 = vector.broadcast %get3A_11 : vector<10000x1xf32> to vector<10000x64xf32>
    %mul3A_32 = arith.mulf %dot_general3A_28, %mul3A_31 : vector<10000x64xf32>
    %swap3A_33 = arith.constant 0 : index
    %swap3A_34 = arith.constant 0 : index
    %swap3A_35 = vector.load %arg6[%swap3A_33, %swap3A_34] : memref<10000x64xf32, #tpu.memory_space<vmem>>, vector<10000x64xf32>
    tpu.vector_store %arg6[%swap3A_33, %swap3A_34], %mul3A_32 {strides = array<i32>} : memref<10000x64xf32, #tpu.memory_space<vmem>>, vector<10000x64xf32>,
    return
  }
}

module attributes {stable_mosaic.version = 14 : i64} {
  func.func @_tc_z_body(%arg0: memref<2x10240x64xf32, #tpu.memory_space<vmem>>, %arg1: memref<10000x64xf32, #tpu.memory_space<vmem>>, %arg2: memref<10000x1xf32, #tpu.memory_space<vmem>>, %arg3: memref<64xf32, #tpu.memory_space<vmem>>, %arg4: memref<10000x64xbf16, #tpu.memory_space<vmem>>) attributes {dimension_semantics = [], scalar_prefetch = 0 : i64, scratch_operands = 0 : i64, tpu.core_type = #tpu.core_type<tc>} {
    %get3A = arith.constant 0 : index
    %get3A_0 = arith.constant 0 : index
    %get3A_1 = arith.constant 0 : index
    %get3A_2 = vector.load %arg0[%get3A, %get3A_0, %get3A_1] : memref<2x10240x64xf32, #tpu.memory_space<vmem>>, vector<1x10000x64xf32>
    %get3A_3 = vector.shape_cast %get3A_2 : vector<1x10000x64xf32> to vector<10000x64xf32>
    %get3A_4 = arith.constant 1 : index
    %get3A_5 = arith.constant 0 : index
    %get3A_6 = arith.constant 0 : index
    %get3A_7 = vector.load %arg0[%get3A_4, %get3A_5, %get3A_6] : memref<2x10240x64xf32, #tpu.memory_space<vmem>>, vector<1x10000x64xf32>
    %get3A_8 = vector.shape_cast %get3A_7 : vector<1x10000x64xf32> to vector<10000x64xf32>
    %add3A = arith.addf %get3A_3, %get3A_8 : vector<10000x64xf32>
    %get3A_9 = arith.constant 0 : index
    %get3A_10 = arith.constant 0 : index
    %get3A_11 = vector.load %arg2[%get3A_9, %get3A_10] : memref<10000x1xf32, #tpu.memory_space<vmem>>, vector<10000x1xf32>
    %get3A_12 = arith.constant 0 : index
    %get3A_13 = arith.constant 0 : index
    %get3A_14 = vector.load %arg1[%get3A_12, %get3A_13] : memref<10000x64xf32, #tpu.memory_space<vmem>>, vector<10000x64xf32>
    %mul3A = vector.broadcast %get3A_11 : vector<10000x1xf32> to vector<10000x64xf32>
    %mul3A_15 = arith.mulf %mul3A, %get3A_14 : vector<10000x64xf32>
    %add3A_16 = arith.addf %add3A, %mul3A_15 : vector<10000x64xf32>
    %mul3A_17 = vector.broadcast %get3A_11 : vector<10000x1xf32> to vector<10000x64xf32>
    %mul3A_18 = arith.mulf %add3A_16, %mul3A_17 : vector<10000x64xf32>
    %get3A_19 = arith.constant 0 : index
    %get3A_20 = vector.load %arg3[%get3A_19] : memref<64xf32, #tpu.memory_space<vmem>>, vector<64xf32>
    %broadcast_in_dim3A = vector.shape_cast %get3A_20 : vector<64xf32> to vector<1x64xf32>
    %add3A_21 = vector.broadcast %broadcast_in_dim3A : vector<1x64xf32> to vector<10000x64xf32>
    %add3A_22 = arith.addf %mul3A_18, %add3A_21 : vector<10000x64xf32>
    %convert_element_type3A = arith.truncf %add3A_22 : vector<10000x64xf32> to vector<10000x64xbf16>
    %swap3A = arith.constant 0 : index
    %swap3A_23 = arith.constant 0 : index
    %swap3A_24 = vector.load %arg4[%swap3A, %swap3A_23] : memref<10000x64xbf16, #tpu.memory_space<vmem>>, vector<10000x64xbf16>
    tpu.vector_store %arg4[%swap3A, %swap3A_23], %convert_element_type3A {strides = array<i32>} : memref<10000x64xbf16, #tpu.memory_space<vmem>>, vector<10000x64xbf16>,
    return
  }
}

</mosaic_0001>

<sc_bundles>
// kernel: kernel.12.cloned.1.call-start
scs
__scs_entry_jumppad:
0x0: {  	(pc) =	sbr.rel $0x88, $3  }
0x1: {  	(tag) =	ssettag $0x0;
	lr =	simm.s32 $0x1  }
0x2: {  	[smem:$0x3F9B] =	sst lr;
	_ =	strace $0xD0000000  }
0x3: {  	_ = 	snop  }
0x4: {  	_ = 	snop  }
0x5: {  	_ = 	snop  }
0x6: {  	_ = 	snop  }
0x7: {  	_ = 	snop  }
__scs_overlays_trampoline_lowered:
0x8: {  	[smem:$0x3FAA] =	sst s0  }
0x9: {  	[smem:$0x3FAB] =	sst s1  }
0xa: {  	[smem:$0x3FAC] =	sst s2  }
0xb: {  	[smem:$0x3FAD] =	sst s3  }
0xc: {  	[smem:$0x3FAE] =	sst s4  }
0xd: {  	[smem:$0x3FAF] =	sst s5  }
0xe: {  	[smem:$0x3FB0] =	sst s6  }
0xf: {  	[smem:$0x3FB1] =	sst s7  }
0x10: {  	[smem:$0x3FB2] =	sst s8  }
0x11: {  	[smem:$0x3FB3] =	sst s9;
	s0 =	simm.s32 @!p0 $0x0  }
0x12: {  	s1 =	sld [smem:$0x3F99];
	s0 =	simm.s32 @p0 $0x1  }
0x13: {  	[smem:$0x3FB4] =	sst s0;
	s0 =	simm.s32 @!p1 $0x0  }
0x14: {  	s2 =	sld [smem:$0x3F98];
	s0 =	simm.s32 @p1 $0x1  }
0x15: {  	[smem:$0x3FB5] =	sst s0;
	s0 =	simm.s32 @!p2 $0x0  }
0x16: {  	s3 =	sld [smem:$0x3FDB];
	s0 =	simm.s32 @p2 $0x1  }
0x17: {  	s4 =	simm.s32 $0x1BF5;
	[smem:$0x3FB7] =	sst s0  }
0x18: {  	s0 =	sld [smem:$0x3F9A];
	_ =	swait.ge [sflag:s4], $0x0  }
0x19: {  	s7 =	sld [smem:$0x3F9B]  }
0x1a: {  	s8 =	sadd.s32 $0xFFFFE003, lr  }
0x1b: {  	s9 =	sadd.s32 $0xFFFFFEF7, lr;
	s5 =	simm.s32 $0xFFFFFFFF;
	p2 =	slt.u32 s8, $0xFFFFF086  }
0x1c: {  	p1 =	slt.u32 s9, $0xF7A;
	s5 =	simm.s32 @!p2 $0x0  }
0x1d: {  	s5 =	simm.s32 @p1 $0x1;
	p0 =	seq.s32 s7, s2  }
0x1e: {  	s7 =	smul.u32 @!p0 $0xF7A, s2;
	p2 =	seq.s32 @!p0 s5, $0x0  }
0x1f: {  	s9 =	smul.u32 $0xF7A, s1;
	s8 =	simm.s32 @!p0 $0x1BF5;
	p2 =	por !p2, p0  }
0x20: {  	[sflag:s8] =	ssyncset.s32 @!p0 $0xFFFFF086;
	s6 =	sadd.s32 @!p0 s3, s7;
	s7 =	simm.s32 @!p0 $0x108  }
0x21: {  	s3 =	sadd.s32 s3, s9;
	s6 =	sadd.s32 @!p0 $0x88, s6;
	s7 =	simm.s32 @p2 $0x1082  }
0x22: {  	[simem:s7], [sflag:s8] =	dma.local @!p0 [hbm:s6], $0xF7A  }
0x23: {  	s9 =	sor.u32 $0xD0000000, s2;
	s6 =	simm.s32 $0x108;
	_ =	swait.ge @!p0 [sflag:s8], $0x0  }
0x24: {  	s3 =	sadd.s32 $0x88, s3;
	s6 =	simm.s32 @!p1 $0x1082;
	[sflag:s4] =	ssyncset.s32 $0xFFFFF086  }
0x25: {  	[simem:s6], [sflag:s4] =	dma.local [hbm:s3], $0xF7A  }
0x26: {  	[smem:$0x3F9B] =	sst s1;
	(tag) =	ssettag s2;
	_ =	strace s9  }
0x27: {  	s1 =	sld [smem:$0x3FAB]  }
0x28: {  	s2 =	sld [smem:$0x3FAC]  }
0x29: {  	s4 =	sld [smem:$0x3FAE]  }
0x2a: {  	p0 =	seq.s32 s5, $0x0;
	s5 =	sld [smem:$0x3FAF]  }
0x2b: {  	s6 =	sld [smem:$0x3FB0]  }
0x2c: {  	s7 =	sld [smem:$0x3FB1]  }
0x2d: {  	s3 =	simm.s32 $0x108;
	s8 =	sld [smem:$0x3FB2]  }
0x2e: {  	s3 =	simm.s32 @!p0 $0x1082;
	s9 =	sld [smem:$0x3FB3]  }
0x2f: {  	lr =	sadd.s32 s0, s3;
	s0 =	sld [smem:$0x3FAA]  }
0x30: {  	s3 =	sld [smem:$0x3FAD]  }
0x31: {  	[smem:$0x3FB6] =	sst s10  }
0x32: {  	s10 =	sld [smem:$0x3FB4];
	_ =	sdelay $0x3  }
0x33: {  	p0 =	seq.s32 s10, $0x1;
	s10 =	sld [smem:$0x3FB6];
	_ =	sdelay $0x3  }
0x34: {  	[smem:$0x3FB6] =	sst s10  }
0x35: {  	s10 =	sld [smem:$0x3FB5];
	_ =	sdelay $0x3  }
0x36: {  	p1 =	seq.s32 s10, $0x1;
	s10 =	sld [smem:$0x3FB6];
	_ =	sdelay $0x3  }
0x37: {  	[smem:$0x3FB6] =	sst s10  }
0x38: {  	s10 =	sld [smem:$0x3FB7]  }
0x39: {  	_ = 	snop;
	(pc) =	sbr.ind lr, $3  }
0x3a: {  	_ = 	snop  }
0x3b: {  	_ = 	snop  }
0x3c: {  	p2 =	seq.s32 s10, $0x1;
	s10 =	sld [smem:$0x3FB6]  }
0x3d: {  	_ =	shalt  }
0x3e: {  	_ =	shalt  }
0x3f: {  	_ =	shalt  }
0x40: {  	_ =	shalt  }
0x41: {  	_ =	shalt  }
0x42: {  	_ =	shalt  }
0x43: {  	_ =	shalt  }
0x44: {  	_ =	shalt  }
0x45: {  	_ =	shalt  }
0x46: {  	_ =	shalt  }
0x47: {  	_ =	shalt  }
0x48: {  	_ =	shalt  }
0x49: {  	_ =	shalt  }
0x4a: {  	_ =	shalt  }
0x4b: {  	_ =	shalt  }
0x4c: {  	_ =	shalt  }
0x4d: {  	_ =	shalt  }
0x4e: {  	_ =	shalt  }
0x4f: {  	_ =	shalt  }
0x50: {  	_ =	shalt  }
0x51: {  	_ =	shalt  }
0x52: {  	_ =	shalt  }
0x53: {  	_ =	shalt  }
0x54: {  	_ =	shalt  }
0x55: {  	_ =	shalt  }
0x56: {  	_ =	shalt  }
0x57: {  	_ =	shalt  }
0x58: {  	_ =	shalt  }
0x59: {  	_ =	shalt  }
0x5a: {  	_ =	shalt  }
0x5b: {  	_ =	shalt  }
0x5c: {  	_ =	shalt  }
0x5d: {  	_ =	shalt  }
0x5e: {  	_ =	shalt  }
0x5f: {  	_ =	shalt  }
0x60: {  	_ =	shalt  }
0x61: {  	_ =	shalt  }
0x62: {  	_ =	shalt  }
0x63: {  	_ =	shalt  }
0x64: {  	_ =	shalt  }
0x65: {  	_ =	shalt  }
0x66: {  	_ =	shalt  }
0x67: {  	_ =	shalt  }
0x68: {  	_ =	shalt  }
0x69: {  	_ =	shalt  }
0x6a: {  	_ =	shalt  }
0x6b: {  	_ =	shalt  }
0x6c: {  	_ =	shalt  }
0x6d: {  	_ =	shalt  }
0x6e: {  	_ =	shalt  }
0x6f: {  	_ =	shalt  }
0x70: {  	_ =	shalt  }
0x71: {  	_ =	shalt  }
0x72: {  	_ =	shalt  }
0x73: {  	_ =	shalt  }
0x74: {  	_ =	shalt  }
0x75: {  	_ =	shalt  }
0x76: {  	_ =	shalt  }
0x77: {  	_ =	shalt  }
0x78: {  	_ =	shalt  }
0x79: {  	_ =	shalt  }
0x7a: {  	_ =	shalt  }
0x7b: {  	_ =	shalt  }
0x7c: {  	_ =	shalt  }
0x7d: {  	_ =	shalt  }
0x7e: {  	_ =	shalt  }
0x7f: {  	_ =	shalt  }
0x80: {  	_ =	shalt  }
0x81: {  	_ =	shalt  }
0x82: {  	_ =	shalt  }
0x83: {  	_ =	shalt  }
0x84: {  	_ =	shalt  }
0x85: {  	_ =	shalt  }
0x86: {  	_ =	shalt  }
0x87: {  	_ =	shalt  }
.Lfunc_end0:
.L_simem_size_0:
called_computation.1_lowered:
.L_overlay_start_0:
0x88: {  	s2 =	sld [smem:$0x3FD9]  }
0x89: {  	s3 =	sld [smem:$0x3FFE];
	_ =	sdelay $0x1  }
0x8a: {  	s1 =	srdreg.scid  }
0x8b: {  	s0 =	sand.u32 $0x1, s1  }
0x8c: {  	s17 =	sshll.u32 s0, $0xA;
	s2 =	sadd.s32 s3, s2  }
0x8d: {  	s2 =	sadd.s32 s2, s17  }
0x8e: {  	[smem:$0x3FC2] =	sst s2  }
0x8f: {  	_ = 	snop  }
0x90: {  	s2 =	sld [smem:$0x3FD0];
	(tm) =	ssettm $0x1  }
0x91: {  	s18 =	sld [smem:$0x3FFB];
	_ =	sdelay $0x3  }
0x92: {  	_ =	strace s18  }
0x93: {  	s3 =	sld [smem:$0x3FFC];
	_ =	sdelay $0x3  }
0x94: {  	_ =	strace s3  }
0x95: {  	s3 =	sld [smem:$0x3FFD];
	_ =	sdelay $0x3  }
0x96: {  	_ =	strace s3  }
0x97: {  	_ =	strace $0x8FFFFFFF  }
0x98: {  	s19 =	sld [smem:$0x3FDB];
	_ =	sdelay $0x1  }
0x99: {  	s4 =	simm.s32 $_scs_section_size  }
0x9a: {  	s5 =	simm.s32 $_size__tile_overlayer_lowered;
	s6 =	simm.s32 $_tile_overlayer_lowered  }
0x9b: {  	s22 =	simm.s32 $0x1BFF;
	s21 =	sshll.u32 s6, $0x1;
	s3 =	sadd.s32 s4, s19  }
0x9c: {  	s7 =	simm.s32 $0x0;
	s20 =	sshll.u32 s5, $0x1;
	s5 =	sadd.s32 s21, s3  }
0x9d: {  	[timem:s7], [sflag:s22] =	dma.local [hbm:s5], s20  }
0x9e: {  	_ =	swait.ge [sflag:s22], s20  }
0x9f: {  	s4 =	ssub.s32 $0x0, s20;
	[sflag:s22] =	ssyncset.done $0x0  }
0xa0: {  	[sflag:s22] =	ssyncadd.s32 s4;
	_ =	sdelay $0x1  }
0xa1: {  	s23 =	simm.s32 $0x1B8B  }
0xa2: {  	_ =	swait.ge [sflag:s23], $0x1  }
0xa3: {  	[sflag:s23] =	ssyncset.done $0x0  }
0xa4: {  	s25 =	simm.s32 $0x1B8E;
	s24 =	sld [smem:$0x3FFE];
	[sflag:s23] =	ssyncadd.s32 $0xFFFFFFFF  }
0xa5: {  	s26 =	simm.s32 $execute0_lowered;
	[smem:$0x3FD2] =	sst s25  }
0xa6: {  	s5 =	sshll.u32 s26, $0x1;
	_ =	strace $0x80000049;
	[dreg:$0x1] =	wrdreg $0xFFFFFFFF  }
0xa7: {  	s28 =	simm.s32 $_size_execute0_lowered;
	s3 =	sadd.s32 s3, s5;
	[dreg:$0x0] =	wrdreg $0x0  }
0xa8: {  	s5 =	sshll.u32 s28, $0x1;
	[dreg:$0x2] =	wrdreg s3  }
0xa9: {  	[dreg:$0x3] =	wrdreg s5  }
0xaa: {  	[dreg:$0x4] =	wrdreg $0xC0  }
0xab: {  	_ =	task [dreg:s7], $0x5FFFF  }
0xac: {  	[dreg:$0x1] =	wrdreg $0xFFFFFFFF  }
0xad: {  	[dreg:$0x0] =	wrdreg $0x60  }
0xae: {  	[dreg:$0x2] =	wrdreg s24  }
0xaf: {  	[dreg:$0x3] =	wrdreg s2  }
0xb0: {  	[dreg:$0x4] =	wrdreg $0x137000  }
0xb1: {  	[dreg:$0x5] =	wrdreg $0x9  }
0xb2: {  	_ =	task.clear_ibuf [dreg:s7], $0x6FFFF;
	_ =	strace $0x90000049  }
0xb3: {  	s29 =	simm.s32 $0x9;
	_ =	strace $0x8000004B  }
0xb4: {  	_ =	swait.ge [sflag:s29], $0x1  }
0xb5: {  	[sflag:s29] =	ssyncadd.s32 $0xFFFFFFFF  }
0xb6: {  	_ =	strace $0x9000004B  }
0xb7: {  	_ =	sfence  }
0xb8: {  	s30 =	sld [smem:$0x0];
	_ =	sdelay $0x2  }
0xb9: {  	s31 =	sshll.u32 s1, $0xD;
	s1 =	sshrl.u32 s1, $0x2  }
0xba: {  	s3 =	sand.u32 $0x4000, s31;
	s1 =	sadd.s32 s1, s30  }
0xbb: {  	s0 =	sor.u32 s3, s0;
	s1 =	sshll.u32 s1, $0x11  }
0xbc: {  	s0 =	sor.u32 s1, s0  }
0xbd: {  	s0 =	sadd.s32 $0x8F2B, s0  }
0xbe: {  	[sflag:s0] =	ssyncadd.remote.s32 $0x1  }
0xbf: {  	_ =	sfence.sel $0xFFFF  }
0xc0: {  	[dreg:$0x0] =	wrdreg $0xFFFFFFFF;
	(pc) =	sbr.abs _section_cstart, $3  }
0xc1: {  	[dreg:$0x1] =	wrdreg $0xFFFFFFFF  }
0xc2: {  	_ =	task.clear_ibuf [dreg:s7], $0x2FFFF;
	_ =	strace $0x9FFFFFFF  }
0xc3: {  	(tm) =	ssettm $0x7FFFFFFF  }
tec
execute0_lowered:
.L_overlay_start_1:
0x0: {  	(tag) =	ssettag $0x1  }
0x1: {  	s1 =	rddreg [dreg:$0x0]  }
0x2: {  	s3 =	rddreg [dreg:$0x1]  }
0x3: {  	s4 =	srdreg.scid;
	s0 =	stileid.u32  }
0x4: {  	s2 =	rddreg [dreg:$0x2];
	s7 =	simm.s32 $0x0;
	s17 =	simm.s32 $0x7  }
0x5: {  	s18 =	simm.s32 $0x80;
	s29 =	simm.s32 $0xEF00;
	s30 =	simm.s32 $0x0  }
0x6: {  	s5 =	sand.u32 $0x1, s4;
	s6 =	smul.u32 $0xA000, s0;
	[smem:$0x7FF] =	sst s7  }
0x7: {  	s12 =	sadd.s32 $0xBA00, s1;
	s10 =	smul.u32 $0x28000, s0;
	s31 =	sshll.u32 s0, $0x4  }
0x8: {  	s4 =	smul.u32 $0xA0000, s5;
	_ =	strace $0x8000004A;
	s8 =	ssub.s32 $0x2, s5  }
0x9: {  	s5 =	sshll.u32 s5, $0x4;
	s13 =	sor.u32 $0x9C00, s31;
	s9 =	sshrl.u32 s8, $0x1  }
0xa: {  	s16 =	sor.u32 s0, s5;
	s5 =	simm.s32 $0x4F;
	s26 =	sshrl.u32 s10, $0x2  }
0xb: {  	s25 =	sadd.s32 s6, s4;
	s4 =	sadd.s32 $0x15800, s1;
	s15 =	ssub.s32 s8, s9  }
0xc: {  	p0 =	slt.u32 s16, $0x4;
	s6 =	sadd.s32 s6, s2;
	s28 =	sadd.s32 s26, s2  }
0xd: {  	s11 =	smul.u32 $0x4E0, s16;
	s7 =	sshrl.u32 s25, $0x3;
	s5 =	simm.s32 @!p0 $0x4E  }
0xe: {  	s8 =	sadd.s32 $0x5000, s28;
	s9 =	sadd.s32 $0x7800, s28;
	s15 =	smax.u32 s15, $0x1  }
0xf: {  	p0 =	sgt.u32 s16, $0x3;
	s16 =	simm.s32 $0x10F00;
	s1 =	sadd.s32 s7, s1  }
0x10: {  	s7 =	sadd.s32 $0x2800, s28;
	s10 =	sadd.s32 s12, s11;
	s11 =	sadd.s32 s3, s11  }
0x11: {  	v0 =	vimm.f32 $0.0e+00;
	s12 =	sadd.s32 s12, s13;
	s13 =	sadd.s32 s3, s13;
	s14 =	sadd.s32 $0x29200, s1  }
.LBB2_1:
0x12: {  	s3 =	simm.s32 $0x100;
	s1 =	simm.s32 $0x0  }
.LBB2_2:
0x13: {  	p1 =	sne.s32 s3, $0x9F00;
	[tilespmem:s1+$0x10F30] =	vst v0;
	s19 =	smov.u32 s3;
	s3 =	sadd.s32 $0x100, s3  }
.Ltmp0:
0x14: {  	[tilespmem:s1+$0x10F20] =	vst v0;
	(pc) =	sbr.rel @p1 .LBB2_2-.Ltmp0, $3  }
0x15: {  	[tilespmem:s1+$0x10F00] =	vst v0  }
0x16: {  	[tilespmem:s1+$0x10F10] =	vst v0;
	_ =	sdelay $0x1  }
0x17: {  	s1 =	sshra.s32 s19, $0x2  }
0x18: {  	[tilespmem:s1+$0x10F30] =	vst v0  }
0x19: {  	[tilespmem:s1+$0x10F20] =	vst v0  }
0x1a: {  	[tilespmem:s1+$0x10F00] =	vst v0  }
0x1b: {  	[tilespmem:s1+$0x10F10] =	vst v0  }
0x1c: {  	[spmem:s6] =	stream.linear.scatter [tilespmem:s16], [sflag:$0x7], $0x2800, $0x38;
	[tilespmem:$0x1D700] =	vst v63  }
0x1d: {  	_ =	swait.ge [sflag:s17], $0x2800  }
0x1e: {  	[sflag:s17] =	ssyncset.done $0x0  }
0x1f: {  	[sflag:s17] =	ssyncadd.s32 $0xFFFFD800  }
0x20: {  	[spmem:s7] =	stream.linear.scatter [tilespmem:s16], [sflag:$0x7], $0x2800, $0x38;
	[tilespmem:$0x1D700] =	vst v63  }
0x21: {  	_ =	swait.ge [sflag:s17], $0x2800  }
0x22: {  	[sflag:s17] =	ssyncset.done $0x0  }
0x23: {  	[sflag:s17] =	ssyncadd.s32 $0xFFFFD800  }
0x24: {  	[spmem:s8] =	stream.linear.scatter [tilespmem:s16], [sflag:$0x7], $0x2800, $0x38;
	[tilespmem:$0x1D700] =	vst v63  }
0x25: {  	_ =	swait.ge [sflag:s17], $0x2800  }
0x26: {  	[sflag:s17] =	ssyncset.done $0x0  }
0x27: {  	[sflag:s17] =	ssyncadd.s32 $0xFFFFD800  }
0x28: {  	[spmem:s9] =	stream.linear.scatter [tilespmem:s16], [sflag:$0x7], $0x2800, $0x38;
	[tilespmem:$0x1D700] =	vst v63  }
0x29: {  	_ =	swait.ge [sflag:s17], $0x2800  }
0x2a: {  	[sflag:s17] =	ssyncset.done $0x0  }
0x2b: {  	s3 =	simm.s32 $0x0;
	[sflag:s17] =	ssyncadd.s32 $0xFFFFD800  }
0x2c: {  	[tilespmem:s3], [sflag:$0x7] =	stream.linear.gather [hbm4b:s10+s3], $0x2700, $0x38;
	[tilespmem:$0x1D700] =	vst v63  }
0x2d: {  	_ =	swait.ge [sflag:s17], $0x2700  }
0x2e: {  	[sflag:s17] =	ssyncset.done $0x0  }
0x2f: {  	s1 =	simm.s32 @p0 $0x0;
	s3 =	simm.s32 @p0 $0x2780;
	[sflag:s17] =	ssyncadd.s32 $0xFFFFD900  }
0x30: {  	[tilespmem:s3], [sflag:$0x7] =	stream.linear.gather @p0 [hbm4b:s11+s1], $0x2700, $0x38;
	[tilespmem:$0x1D700] =	vst v63  }
0x31: {  	s1 =	simm.s32 @p0 $0x7  }
0x32: {  	_ =	swait.ge @p0 [sflag:s1], $0x2700  }
0x33: {  	[sflag:s1] =	ssyncset.done @p0 $0x0  }
0x34: {  	s3 =	simm.s32 @!p0 $0x2700;
	[sflag:s1] =	ssyncadd.s32 @p0 $0xFFFFD900;
	s1 =	simm.s32 @!p0 $0x0  }
0x35: {  	[tilespmem:s3], [sflag:$0x7] =	stream.linear.gather @!p0 [hbm4b:s12+s1], $0x80, $0x38;
	[tilespmem:$0x1D700] =	vst v63  }
0x36: {  	s3 =	simm.s32 @!p0 $0x7  }
0x37: {  	_ =	swait.ge @!p0 [sflag:s3], $0x80  }
0x38: {  	[sflag:s3] =	ssyncset.done @!p0 $0x0  }
0x39: {  	s19 =	simm.s32 @!p0 $0x2780;
	[sflag:s3] =	ssyncadd.s32 @!p0 $0xFFFFFF80  }
0x3a: {  	[tilespmem:s19], [sflag:$0x7] =	stream.linear.gather @!p0 [hbm4b:s11+s1], $0x2700, $0x38;
	[tilespmem:$0x1D700] =	vst v63  }
0x3b: {  	_ =	swait.ge @!p0 [sflag:s3], $0x2700  }
0x3c: {  	[sflag:s3] =	ssyncset.done @!p0 $0x0  }
0x3d: {  	s19 =	simm.s32 @!p0 $0x4E80;
	[sflag:s3] =	ssyncadd.s32 @!p0 $0xFFFFD900  }
0x3e: {  	[tilespmem:s19], [sflag:$0x7] =	stream.linear.gather @!p0 [hbm4b:s13+s1], $0x80, $0x38;
	[tilespmem:$0x1D700] =	vst v63  }
0x3f: {  	_ =	swait.ge @!p0 [sflag:s3], $0x80  }
0x40: {  	[sflag:s3] =	ssyncset.done @!p0 $0x0  }
0x41: {  	[sflag:s3] =	ssyncadd.s32 @!p0 $0xFFFFFF80  }
0x42: {  	s31 =	simm.s32 $0x0;
	s19 =	simm.s32 $0x4F00;
	[bflag:$0x0] =	sbarrier.arrive $0xFFFF  }
0x43: {  	[tilespmem:s19], [sflag:$0x1] =	stream.indirect.gather [hbm4b:s4+s18], $0x40, s31, s18, $0xb8;
	[tilespmem:$0x1D700] =	vst v63  }
0x44: {  	s20 =	simm.s32 $0x6F00  }
0x45: {  	[tilespmem:s20], [sflag:$0x2] =	stream.indirect.gather [hbm4b:s4+s18], $0x40, s18, s18, $0xb8;
	[tilespmem:$0x1D700] =	vst v63  }
0x46: {  	s21 =	simm.s32 $0x100;
	s22 =	simm.s32 $0x8F00  }
0x47: {  	[tilespmem:s22], [sflag:$0x3] =	stream.indirect.gather [hbm4b:s4+s18], $0x40, s21, s18, $0xb8;
	[tilespmem:$0x1D700] =	vst v63  }
0x48: {  	s23 =	simm.s32 $0x180;
	s24 =	simm.s32 $0xAF00  }
0x49: {  	[tilespmem:s24], [sflag:$0x4] =	stream.indirect.gather [hbm4b:s4+s18], $0x40, s23, s18, $0xb8;
	[tilespmem:$0x1D700] =	vst v63  }
0x4a: {  	s25 =	simm.s32 $0x200;
	s26 =	simm.s32 $0xCF00;
	p1 =	sle.u32 s5, $0x0  }
0x4b: {  	[tilespmem:s26], [sflag:$0x5] =	stream.indirect.gather [hbm4b:s4+s18], $0x40, s25, s18, $0xb8;
	[tilespmem:$0x1D700] =	vst v63  }
0x4c: {  	s28 =	simm.s32 $0x280;
	s1 =	simm.s32 @!p1 $0x1  }
0x4d: {  	[tilespmem:s29], [sflag:$0x6] =	stream.indirect.gather [hbm4b:s4+s18], $0x40, s28, s18, $0xb8;
	[tilespmem:$0x1D700] =	vst v63  }
0x4e: {  	p2 =	sle.u32 @!p1 s5, $0x6;
	_ =	swait.ge @!p1 [sflag:s1], $0x2000  }
0x4f: {  	s3 =	simm.s32 @!p1 $0x7;
	s19 =	simm.s32 @!p1 $0x2780;
	[sflag:s1] =	ssyncset.done @!p1 $0x0  }
0x50: {  	s20 =	simm.s32 @!p1 $0x4F00;
	[sflag:s1] =	ssyncadd.s32 @!p1 $0xFFFFE000;
	s1 =	simm.s32 @!p1 $0x80  }
0x51: {  	[spmem:s2] =	stream.indirect.scatter.add.f32 @!p1 [tilespmem:s20], [sflag:$0x7], $0x40, s19, s1, $0xb8;
	[tilespmem:$0x1D700] =	vst v63  }
0x52: {  	p3 =	por p2, p1;
	p2 =	sle.u32 s5, $0x1;
	_ =	swait.ge @!p1 [sflag:s3], $0x2000  }
0x53: {  	s1 =	simm.s32 @!p3 $0x300;
	s19 =	simm.s32 @!p2 $0x2;
	[sflag:s3] =	ssyncset.done @!p1 $0x0  }
0x54: {  	s20 =	simm.s32 @!p3 $0x4F00;
	[sflag:s3] =	ssyncadd.s32 @!p1 $0xFFFFE000;
	s3 =	simm.s32 @!p3 $0x80  }
0x55: {  	[tilespmem:s20], [sflag:$0x1] =	stream.indirect.gather @!p3 [hbm4b:s4+s3], $0x40, s1, s3, $0xb8;
	[tilespmem:$0x1D700] =	vst v63  }
0x56: {  	s21 =	simm.s32 @!p2 $0x6F00;
	_ =	swait.ge @!p2 [sflag:s19], $0x2000  }
0x57: {  	s1 =	simm.s32 @!p2 $0x2800;
	p3 =	sle.u32 @!p2 s5, $0x7;
	[sflag:s19] =	ssyncset.done @!p2 $0x0  }
0x58: {  	s3 =	simm.s32 @!p2 $0x7;
	s20 =	simm.s32 @!p2 $0x80;
	[sflag:s19] =	ssyncadd.s32 @!p2 $0xFFFFE000  }
0x59: {  	[spmem:s2] =	stream.indirect.scatter.add.f32 @!p2 [tilespmem:s21], [sflag:$0x7], $0x40, s1, s20, $0xb8;
	[tilespmem:$0x1D700] =	vst v63  }
0x5a: {  	p1 =	sle.u32 s5, $0x2;
	p3 =	por p3, p2;
	_ =	swait.ge @!p2 [sflag:s3], $0x2000  }
0x5b: {  	s19 =	simm.s32 @!p3 $0x380;
	s1 =	simm.s32 @!p3 $0x6F00;
	[sflag:s3] =	ssyncset.done @!p2 $0x0  }
0x5c: {  	s20 =	simm.s32 @!p1 $0x3;
	[sflag:s3] =	ssyncadd.s32 @!p2 $0xFFFFE000;
	s3 =	simm.s32 @!p3 $0x80  }
0x5d: {  	[tilespmem:s1], [sflag:$0x2] =	stream.indirect.gather @!p3 [hbm4b:s4+s3], $0x40, s19, s3, $0xb8;
	[tilespmem:$0x1D700] =	vst v63  }
0x5e: {  	s21 =	simm.s32 @!p1 $0x7;
	p2 =	sle.u32 @!p1 s5, $0x8;
	_ =	swait.ge @!p1 [sflag:s20], $0x2000  }
0x5f: {  	s1 =	simm.s32 @!p1 $0x2880;
	s3 =	simm.s32 @!p1 $0x8F00;
	[sflag:s20] =	ssyncset.done @!p1 $0x0  }
0x60: {  	s19 =	simm.s32 @!p1 $0x80;
	p3 =	sle.u32 s5, $0x3;
	[sflag:s20] =	ssyncadd.s32 @!p1 $0xFFFFE000  }
0x61: {  	[spmem:s2] =	stream.indirect.scatter.add.f32 @!p1 [tilespmem:s3], [sflag:$0x7], $0x40, s1, s19, $0xb8;
	[tilespmem:$0x1D700] =	vst v63  }
0x62: {  	p2 =	por p2, p1;
	s22 =	simm.s32 @!p3 $0x4;
	_ =	swait.ge @!p1 [sflag:s21], $0x2000  }
0x63: {  	s20 =	simm.s32 @!p2 $0x80;
	s1 =	simm.s32 $0x11;
	[sflag:s21] =	ssyncset.done @!p1 $0x0  }
0x64: {  	s3 =	simm.s32 @!p2 $0x8F00;
	s19 =	simm.s32 @!p2 $0x400;
	[sflag:s21] =	ssyncadd.s32 @!p1 $0xFFFFE000  }
0x65: {  	[tilespmem:s3], [sflag:$0x3] =	stream.indirect.gather @!p2 [hbm4b:s4+s20], $0x40, s19, s20, $0xb8;
	[tilespmem:$0x1D700] =	vst v63  }
0x66: {  	p1 =	sle.u32 @!p3 s5, $0x9;
	s21 =	simm.s32 @!p3 $0x7;
	_ =	swait.ge @!p3 [sflag:s22], $0x2000  }
0x67: {  	s3 =	simm.s32 @!p3 $0x2900;
	s19 =	simm.s32 @!p3 $0x80;
	[sflag:s22] =	ssyncset.done @!p3 $0x0  }
0x68: {  	s20 =	simm.s32 @!p3 $0xAF00;
	p4 =	por p1, p3;
	[sflag:s22] =	ssyncadd.s32 @!p3 $0xFFFFE000  }
0x69: {  	[spmem:s2] =	stream.indirect.scatter.add.f32 @!p3 [tilespmem:s20], [sflag:$0x7], $0x40, s3, s19, $0xb8;
	[tilespmem:$0x1D700] =	vst v63  }
0x6a: {  	p2 =	sle.u32 s5, $0x5;
	p1 =	sle.u32 s5, $0x4;
	_ =	swait.ge @!p3 [sflag:s21], $0x2000  }
0x6b: {  	s3 =	simm.s32 @!p4 $0x480;
	s19 =	simm.s32 @!p4 $0x80;
	[sflag:s21] =	ssyncset.done @!p3 $0x0  }
0x6c: {  	s20 =	simm.s32 @!p1 $0x5;
	[sflag:s21] =	ssyncadd.s32 @!p3 $0xFFFFE000;
	s21 =	simm.s32 @!p4 $0xAF00  }
0x6d: {  	[tilespmem:s21], [sflag:$0x4] =	stream.indirect.gather @!p4 [hbm4b:s4+s19], $0x40, s3, s19, $0xb8;
	[tilespmem:$0x1D700] =	vst v63  }
0x6e: {  	s23 =	simm.s32 @!p1 $0xCF00;
	s24 =	simm.s32 @!p2 $0xEF00;
	_ =	swait.ge @!p1 [sflag:s20], $0x2000  }
0x6f: {  	s22 =	simm.s32 @!p1 $0x80;
	p3 =	sle.u32 @!p1 s5, $0xA;
	[sflag:s20] =	ssyncset.done @!p1 $0x0  }
0x70: {  	s19 =	simm.s32 @!p1 $0x2980;
	s21 =	simm.s32 @!p1 $0x7;
	[sflag:s20] =	ssyncadd.s32 @!p1 $0xFFFFE000  }
0x71: {  	[spmem:s2] =	stream.indirect.scatter.add.f32 @!p1 [tilespmem:s23], [sflag:$0x7], $0x40, s19, s22, $0xb8;
	[tilespmem:$0x1D700] =	vst v63  }
0x72: {  	s3 =	simm.s32 $0xC00;
	p3 =	por p3, p1;
	_ =	swait.ge @!p1 [sflag:s21], $0x2000  }
0x73: {  	p4 =	sle.u32 @!p2 s5, $0xB;
	s19 =	simm.s32 @!p3 $0xCF00;
	[sflag:s21] =	ssyncset.done @!p1 $0x0  }
0x74: {  	s22 =	simm.s32 @!p3 $0x500;
	[sflag:s21] =	ssyncadd.s32 @!p1 $0xFFFFE000;
	s21 =	simm.s32 @!p3 $0x80  }
0x75: {  	[tilespmem:s19], [sflag:$0x5] =	stream.indirect.gather @!p3 [hbm4b:s4+s21], $0x40, s22, s21, $0xb8;
	[tilespmem:$0x1D700] =	vst v63  }
0x76: {  	s20 =	simm.s32 @!p2 $0x7;
	s23 =	simm.s32 @!p2 $0x80;
	s22 =	simm.s32 @!p2 $0x6  }
0x77: {  	s21 =	simm.s32 @!p2 $0x2A00;
	p3 =	por p4, p2;
	_ =	swait.ge @!p2 [sflag:s22], $0x2000  }
.LBB2_4:
0x78: {  	[sflag:s22] =	ssyncset.done @!p2 $0x0;
	s25 =	sshra.s32 @!p3 s31, $0x2  }
0x79: {  	s19 =	smov.u32 s1;
	s1 =	sadd.s32 $0x6, s1;
	s31 =	smov.u32 s3  }
0x7a: {  	p1 =	sne.s32 s1, $0x5F;
	[sflag:s22] =	ssyncadd.s32 @!p2 $0xFFFFE000;
	s22 =	sadd.s32 @!p3 $0x580, s25  }
0x7b: {  	[spmem:s2] =	stream.indirect.scatter.add.f32 @!p2 [tilespmem:s24], [sflag:$0x7], $0x40, s21, s23, $0xb8;
	[tilespmem:$0x1D700] =	vst v63  }
0x7c: {  	s21 =	simm.s32 @!p3 $0x80;
	s23 =	simm.s32 @!p3 $0xEF00;
	_ =	swait.ge @!p2 [sflag:s20], $0x2000  }
0x7d: {  	[sflag:s20] =	ssyncset.done @!p2 $0x0  }
0x7e: {  	s24 =	sadd.s32 $0xFFFFFFF5, s19;
	[sflag:s20] =	ssyncadd.s32 @!p2 $0xFFFFE000  }
0x7f: {  	[tilespmem:s23], [sflag:$0x6] =	stream.indirect.gather @!p3 [hbm4b:s4+s21], $0x40, s22, s21, $0xb8;
	[tilespmem:$0x1D700] =	vst v63  }
0x80: {  	s20 =	sadd.s32 $0xFFFFFFF7, s19;
	p3 =	sge.u32 s24, s5  }
0x81: {  	s21 =	simm.s32 @!p3 $0x1;
	s22 =	sshra.s32 @!p3 s3, $0x2;
	s23 =	simm.s32 @!p3 $0x7  }
0x82: {  	s24 =	sadd.s32 @!p3 $0xFFFFFFFB, s19;
	s22 =	sadd.s32 @!p3 $0x2780, s22;
	_ =	swait.ge @!p3 [sflag:s21], $0x2000  }
0x83: {  	p2 =	sge.u32 s20, s5;
	p4 =	sge.u32 @!p3 s24, s5;
	[sflag:s21] =	ssyncset.done @!p3 $0x0  }
0x84: {  	s20 =	simm.s32 @!p3 $0x80;
	[sflag:s21] =	ssyncadd.s32 @!p3 $0xFFFFE000;
	s21 =	simm.s32 @!p3 $0x4F00  }
0x85: {  	[spmem:s2] =	stream.indirect.scatter.add.f32 @!p3 [tilespmem:s21], [sflag:$0x7], $0x40, s22, s20, $0xb8;
	[tilespmem:$0x1D700] =	vst v63  }
0x86: {  	p4 =	por p4, p3;
	s20 =	sshra.s32 @!p2 s3, $0x2;
	_ =	swait.ge @!p3 [sflag:s23], $0x2000  }
0x87: {  	s21 =	sshra.s32 @!p4 s3, $0x2;
	s22 =	sadd.s32 $0xFFFFFFF6, s19;
	[sflag:s23] =	ssyncset.done @!p3 $0x0  }
0x88: {  	s21 =	sadd.s32 @!p4 $0x300, s21;
	[sflag:s23] =	ssyncadd.s32 @!p3 $0xFFFFE000;
	p3 =	sge.u32 s22, s5  }
0x89: {  	s22 =	simm.s32 @!p4 $0x80;
	s23 =	simm.s32 @!p3 $0x2;
	s24 =	sshra.s32 @!p3 s3, $0x2  }
0x8a: {  	s25 =	simm.s32 @!p4 $0x4F00;
	s26 =	sadd.s32 @!p3 $0xFFFFFFFC, s19;
	s24 =	sadd.s32 @!p3 $0x2800, s24  }
0x8b: {  	s20 =	sadd.s32 @!p2 $0x2880, s20;
	p5 =	sge.u32 @!p3 s26, s5;
	s26 =	sadd.s32 @!p2 $0xFFFFFFFD, s19  }
0x8c: {  	[tilespmem:s25], [sflag:$0x1] =	stream.indirect.gather @!p4 [hbm4b:s4+s22], $0x40, s21, s22, $0xb8;
	[tilespmem:$0x1D700] =	vst v63  }
0x8d: {  	p5 =	por p5, p3;
	s21 =	simm.s32 @!p3 $0x7;
	_ =	swait.ge @!p3 [sflag:s23], $0x2000  }
0x8e: {  	s22 =	simm.s32 @!p3 $0x80;
	s25 =	simm.s32 @!p3 $0x6F00;
	[sflag:s23] =	ssyncset.done @!p3 $0x0  }
0x8f: {  	s28 =	simm.s32 @!p5 $0x6F00;
	[sflag:s23] =	ssyncadd.s32 @!p3 $0xFFFFE000;
	s23 =	sshra.s32 @!p5 s3, $0x2  }
0x90: {  	[spmem:s2] =	stream.indirect.scatter.add.f32 @!p3 [tilespmem:s25], [sflag:$0x7], $0x40, s24, s22, $0xb8;
	[tilespmem:$0x1D700] =	vst v63  }
0x91: {  	s22 =	sadd.s32 @!p5 $0x380, s23;
	s23 =	simm.s32 @!p2 $0x3;
	_ =	swait.ge @!p3 [sflag:s21], $0x2000  }
0x92: {  	p4 =	sge.u32 @!p2 s26, s5;
	s24 =	simm.s32 @!p2 $0x8F00;
	[sflag:s21] =	ssyncset.done @!p3 $0x0  }
0x93: {  	p4 =	por p4, p2;
	[sflag:s21] =	ssyncadd.s32 @!p3 $0xFFFFE000;
	s21 =	simm.s32 @!p5 $0x80  }
0x94: {  	[tilespmem:s28], [sflag:$0x2] =	stream.indirect.gather @!p5 [hbm4b:s4+s21], $0x40, s22, s21, $0xb8;
	[tilespmem:$0x1D700] =	vst v63  }
0x95: {  	s21 =	simm.s32 @!p2 $0x80;
	s22 =	simm.s32 @!p4 $0x8F00;
	_ =	swait.ge @!p2 [sflag:s23], $0x2000  }
0x96: {  	s26 =	sshra.s32 @!p4 s3, $0x2;
	s25 =	simm.s32 @!p2 $0x7;
	[sflag:s23] =	ssyncset.done @!p2 $0x0  }
0x97: {  	[sflag:s23] =	ssyncadd.s32 @!p2 $0xFFFFE000;
	s23 =	sadd.s32 @!p4 $0x400, s26;
	s26 =	sadd.s32 $0xFFFFFFF8, s19  }
0x98: {  	[spmem:s2] =	stream.indirect.scatter.add.f32 @!p2 [tilespmem:s24], [sflag:$0x7], $0x40, s20, s21, $0xb8;
	[tilespmem:$0x1D700] =	vst v63  }
0x99: {  	s20 =	simm.s32 @!p4 $0x80;
	p3 =	sge.u32 s26, s5;
	_ =	swait.ge @!p2 [sflag:s25], $0x2000  }
0x9a: {  	s21 =	simm.s32 @!p3 $0x4;
	s24 =	sshra.s32 @!p3 s3, $0x2;
	[sflag:s25] =	ssyncset.done @!p2 $0x0  }
0x9b: {  	s24 =	sadd.s32 @!p3 $0x2900, s24;
	[sflag:s25] =	ssyncadd.s32 @!p2 $0xFFFFE000;
	s25 =	sadd.s32 @!p3 $0xFFFFFFFE, s19  }
0x9c: {  	[tilespmem:s22], [sflag:$0x3] =	stream.indirect.gather @!p4 [hbm4b:s4+s20], $0x40, s23, s20, $0xb8;
	[tilespmem:$0x1D700] =	vst v63  }
0x9d: {  	s20 =	simm.s32 @!p3 $0x80;
	s22 =	simm.s32 @!p3 $0xAF00;
	_ =	swait.ge @!p3 [sflag:s21], $0x2000  }
0x9e: {  	s23 =	simm.s32 @!p3 $0x7;
	p2 =	sge.u32 @!p3 s25, s5;
	[sflag:s21] =	ssyncset.done @!p3 $0x0  }
0x9f: {  	p5 =	por p2, p3;
	[sflag:s21] =	ssyncadd.s32 @!p3 $0xFFFFE000;
	s21 =	sadd.s32 $0xFFFFFFFA, s19  }
0xa0: {  	s3 =	sadd.s32 $0xC00, s3;
	s25 =	sshra.s32 @!p5 s31, $0x2;
	p2 =	sge.u32 s21, s5  }
0xa1: {  	[spmem:s2] =	stream.indirect.scatter.add.f32 @!p3 [tilespmem:s22], [sflag:$0x7], $0x40, s24, s20, $0xb8;
	[tilespmem:$0x1D700] =	vst v63  }
0xa2: {  	s21 =	sadd.s32 @!p5 $0x480, s25;
	s20 =	sadd.s32 $0xFFFFFFF9, s19;
	_ =	swait.ge @!p3 [sflag:s23], $0x2000  }
0xa3: {  	s22 =	simm.s32 @!p5 $0x80;
	p4 =	sge.u32 s20, s5;
	[sflag:s23] =	ssyncset.done @!p3 $0x0  }
0xa4: {  	s20 =	sshra.s32 @!p4 s31, $0x2;
	[sflag:s23] =	ssyncadd.s32 @!p3 $0xFFFFE000;
	s23 =	simm.s32 @!p4 $0x5  }
0xa5: {  	s24 =	simm.s32 @!p5 $0xAF00;
	s25 =	sadd.s32 @!p4 $0x2980, s20;
	s20 =	sadd.s32 @!p4 $0xFFFFFFFF, s19  }
0xa6: {  	s26 =	sshra.s32 @!p2 s31, $0x2;
	p3 =	sge.u32 @!p4 s20, s5;
	s20 =	simm.s32 @!p2 $0x7  }
0xa7: {  	[tilespmem:s24], [sflag:$0x4] =	stream.indirect.gather @!p5 [hbm4b:s4+s22], $0x40, s21, s22, $0xb8;
	[tilespmem:$0x1D700] =	vst v63  }
0xa8: {  	s24 =	simm.s32 @!p4 $0x7;
	p5 =	por p3, p4;
	_ =	swait.ge @!p4 [sflag:s23], $0x2000  }
0xa9: {  	s21 =	simm.s32 @!p4 $0x80;
	s22 =	simm.s32 @!p4 $0xCF00;
	[sflag:s23] =	ssyncset.done @!p4 $0x0  }
0xaa: {  	s28 =	simm.s32 @!p5 $0xCF00;
	[sflag:s23] =	ssyncadd.s32 @!p4 $0xFFFFE000;
	s23 =	sshra.s32 @!p5 s31, $0x2  }
0xab: {  	[spmem:s2] =	stream.indirect.scatter.add.f32 @!p4 [tilespmem:s22], [sflag:$0x7], $0x40, s25, s21, $0xb8;
	[tilespmem:$0x1D700] =	vst v63  }
0xac: {  	s23 =	sadd.s32 @!p5 $0x500, s23  }
.Ltmp1:
0xad: {  	s21 =	sadd.s32 @!p2 $0x2A00, s26;
	_ =	swait.ge @!p4 [sflag:s24], $0x2000;
	(pc) =	sbr.rel @p1 .LBB2_4-.Ltmp1, $4  }
0xae: {  	p3 =	sge.u32 @!p2 s19, s5;
	s22 =	simm.s32 @!p2 $0x6;
	[sflag:s24] =	ssyncset.done @!p4 $0x0  }
0xaf: {  	s19 =	simm.s32 @!p5 $0x80;
	p3 =	por p3, p2;
	[sflag:s24] =	ssyncadd.s32 @!p4 $0xFFFFE000  }
0xb0: {  	[tilespmem:s28], [sflag:$0x5] =	stream.indirect.gather @!p5 [hbm4b:s4+s19], $0x40, s23, s19, $0xb8;
	[tilespmem:$0x1D700] =	vst v63  }
0xb1: {  	s24 =	simm.s32 @!p2 $0xEF00;
	s23 =	simm.s32 @!p2 $0x80;
	_ =	swait.ge @!p2 [sflag:s22], $0x2000  }
0xb2: {  	[sflag:s22] =	ssyncset.done @!p2 $0x0  }
0xb3: {  	s1 =	sshra.s32 @!p3 s31, $0x2;
	s3 =	simm.s32 @!p3 $0x80;
	[sflag:s22] =	ssyncadd.s32 @!p2 $0xFFFFE000  }
0xb4: {  	[spmem:s2] =	stream.indirect.scatter.add.f32 @!p2 [tilespmem:s24], [sflag:$0x7], $0x40, s21, s23, $0xb8;
	[tilespmem:$0x1D700] =	vst v63  }
0xb5: {  	s19 =	simm.s32 @!p3 $0xEF00;
	s28 =	sshll.u32 s0, $0x6;
	_ =	swait.ge @!p2 [sflag:s20], $0x2000  }
0xb6: {  	s31 =	sshrl.u32 s6, $0x3;
	s30 =	sadd.s32 $0x1, s30;
	[sflag:s20] =	ssyncset.done @!p2 $0x0  }
0xb7: {  	s1 =	sadd.s32 @!p3 $0x580, s1;
	p1 =	sne.s32 s30, s15;
	[sflag:s20] =	ssyncadd.s32 @!p2 $0xFFFFE000  }
0xb8: {  	[tilespmem:s19], [sflag:$0x6] =	stream.indirect.gather @!p3 [hbm4b:s4+s3], $0x40, s1, s3, $0xb8;
	[tilespmem:$0x1D700] =	vst v63  }
.Ltmp2:
0xb9: {  	s1 =	sor.u32 $0x1C07, s28;
	[bflag:$0x0] =	sbarrier.arrive $0xFFFF;
	(pc) =	sbr.rel @p1 .LBB2_1-.Ltmp2, $4  }
0xba: {  	[hbm:s14], [sflag:s1] =	dma.local [spmem:s31], $0x1400  }
0xbb: {  	_ =	swait.ge [sflag:s17], $0x1400  }
0xbc: {  	[sflag:s17] =	ssyncset.done $0x0  }
0xbd: {  	[sflag:s17] =	ssyncadd.s32 $0xFFFFEC00  }
0xbe: {  	_ =	sfence.sel $0x180000  }
0xbf: {  	[bflag:$0x0] =	sbarrier.arrive $0xFFFF  }
0xc0: {  	_ =	strace $0x9000004A  }
0xc1: {  	[bflag:$0x2] =	sbarrier.arrive $0xFFFF  }
0xc2: {  	p0 =	sne.s32 s0, $0x0;
	s0 =	rddreg [dreg:$0x3]  }
0xc3: {  	s0 =	sadd.s32 @!p0 $0x100000, s0  }
0xc4: {  	[sflag:s0] =	ssyncadd.tile.s32 @!p0 $0x1;
	_ =	shalt  }
.Lfunc_end2:
_tile_overlayer_lowered:
.L_overlay_start_2:
0xc5: {  	(tag) =	ssettag $0x2  }
0xc6: {  	s0 =	rddreg [dreg:$0x0];
	s2 =	stileid.u32  }
0xc7: {  	s1 =	rddreg [dreg:$0x1];
	p0 =	sne.s32 s2, $0x0  }
0xc8: {  	s3 =	rddreg [dreg:$0x2];
	[bflag:$0x3] =	sbarrier.arrive $0xFFFF;
	s2 =	simm.s32 @!p0 $0x1C07  }
0xc9: {  	[timem:s3], [sflag:s2] =	dma.local @!p0 [hbm:s0], s1  }
0xca: {  	s0 =	simm.s32 @!p0 $0x7  }
0xcb: {  	_ =	swait.ge @!p0 [sflag:s0], s1  }
0xcc: {  	s1 =	ssub.s32 @!p0 $0x0, s1;
	[sflag:s0] =	ssyncset.done @!p0 $0x0  }
0xcd: {  	[sflag:s0] =	ssyncadd.s32 @!p0 s1  }
0xce: {  	[bflag:$0x3] =	sbarrier.arrive $0xFFFF  }
0xcf: {  	_ =	shalt  }

// kernel: kernel.15.cloned.1.call-start
scs
__scs_entry_jumppad:
0x0: {  	(pc) =	sbr.rel $0x88, $3  }
0x1: {  	(tag) =	ssettag $0x0;
	lr =	simm.s32 $0x1  }
0x2: {  	[smem:$0x3F9B] =	sst lr;
	_ =	strace $0xD0000000  }
0x3: {  	_ = 	snop  }
0x4: {  	_ = 	snop  }
0x5: {  	_ = 	snop  }
0x6: {  	_ = 	snop  }
0x7: {  	_ = 	snop  }
__scs_overlays_trampoline_lowered:
0x8: {  	[smem:$0x3FAA] =	sst s0  }
0x9: {  	[smem:$0x3FAB] =	sst s1  }
0xa: {  	[smem:$0x3FAC] =	sst s2  }
0xb: {  	[smem:$0x3FAD] =	sst s3  }
0xc: {  	[smem:$0x3FAE] =	sst s4  }
0xd: {  	[smem:$0x3FAF] =	sst s5  }
0xe: {  	[smem:$0x3FB0] =	sst s6  }
0xf: {  	[smem:$0x3FB1] =	sst s7  }
0x10: {  	[smem:$0x3FB2] =	sst s8  }
0x11: {  	[smem:$0x3FB3] =	sst s9;
	s0 =	simm.s32 @!p0 $0x0  }
0x12: {  	s1 =	sld [smem:$0x3F99];
	s0 =	simm.s32 @p0 $0x1  }
0x13: {  	[smem:$0x3FB4] =	sst s0;
	s0 =	simm.s32 @!p1 $0x0  }
0x14: {  	s2 =	sld [smem:$0x3F98];
	s0 =	simm.s32 @p1 $0x1  }
0x15: {  	[smem:$0x3FB5] =	sst s0;
	s0 =	simm.s32 @!p2 $0x0  }
0x16: {  	s3 =	sld [smem:$0x3FDB];
	s0 =	simm.s32 @p2 $0x1  }
0x17: {  	s4 =	simm.s32 $0x1BF5;
	[smem:$0x3FB7] =	sst s0  }
0x18: {  	s0 =	sld [smem:$0x3F9A];
	_ =	swait.ge [sflag:s4], $0x0  }
0x19: {  	s7 =	sld [smem:$0x3F9B]  }
0x1a: {  	s8 =	sadd.s32 $0xFFFFE003, lr  }
0x1b: {  	s9 =	sadd.s32 $0xFFFFFEF7, lr;
	s5 =	simm.s32 $0xFFFFFFFF;
	p2 =	slt.u32 s8, $0xFFFFF086  }
0x1c: {  	p1 =	slt.u32 s9, $0xF7A;
	s5 =	simm.s32 @!p2 $0x0  }
0x1d: {  	s5 =	simm.s32 @p1 $0x1;
	p0 =	seq.s32 s7, s2  }
0x1e: {  	s7 =	smul.u32 @!p0 $0xF7A, s2;
	p2 =	seq.s32 @!p0 s5, $0x0  }
0x1f: {  	s9 =	smul.u32 $0xF7A, s1;
	s8 =	simm.s32 @!p0 $0x1BF5;
	p2 =	por !p2, p0  }
0x20: {  	[sflag:s8] =	ssyncset.s32 @!p0 $0xFFFFF086;
	s6 =	sadd.s32 @!p0 s3, s7;
	s7 =	simm.s32 @!p0 $0x108  }
0x21: {  	s3 =	sadd.s32 s3, s9;
	s6 =	sadd.s32 @!p0 $0x88, s6;
	s7 =	simm.s32 @p2 $0x1082  }
0x22: {  	[simem:s7], [sflag:s8] =	dma.local @!p0 [hbm:s6], $0xF7A  }
0x23: {  	s9 =	sor.u32 $0xD0000000, s2;
	s6 =	simm.s32 $0x108;
	_ =	swait.ge @!p0 [sflag:s8], $0x0  }
0x24: {  	s3 =	sadd.s32 $0x88, s3;
	s6 =	simm.s32 @!p1 $0x1082;
	[sflag:s4] =	ssyncset.s32 $0xFFFFF086  }
0x25: {  	[simem:s6], [sflag:s4] =	dma.local [hbm:s3], $0xF7A  }
0x26: {  	[smem:$0x3F9B] =	sst s1;
	(tag) =	ssettag s2;
	_ =	strace s9  }
0x27: {  	s1 =	sld [smem:$0x3FAB]  }
0x28: {  	s2 =	sld [smem:$0x3FAC]  }
0x29: {  	s4 =	sld [smem:$0x3FAE]  }
0x2a: {  	p0 =	seq.s32 s5, $0x0;
	s5 =	sld [smem:$0x3FAF]  }
0x2b: {  	s6 =	sld [smem:$0x3FB0]  }
0x2c: {  	s7 =	sld [smem:$0x3FB1]  }
0x2d: {  	s3 =	simm.s32 $0x108;
	s8 =	sld [smem:$0x3FB2]  }
0x2e: {  	s3 =	simm.s32 @!p0 $0x1082;
	s9 =	sld [smem:$0x3FB3]  }
0x2f: {  	lr =	sadd.s32 s0, s3;
	s0 =	sld [smem:$0x3FAA]  }
0x30: {  	s3 =	sld [smem:$0x3FAD]  }
0x31: {  	[smem:$0x3FB6] =	sst s10  }
0x32: {  	s10 =	sld [smem:$0x3FB4];
	_ =	sdelay $0x3  }
0x33: {  	p0 =	seq.s32 s10, $0x1;
	s10 =	sld [smem:$0x3FB6];
	_ =	sdelay $0x3  }
0x34: {  	[smem:$0x3FB6] =	sst s10  }
0x35: {  	s10 =	sld [smem:$0x3FB5];
	_ =	sdelay $0x3  }
0x36: {  	p1 =	seq.s32 s10, $0x1;
	s10 =	sld [smem:$0x3FB6];
	_ =	sdelay $0x3  }
0x37: {  	[smem:$0x3FB6] =	sst s10  }
0x38: {  	s10 =	sld [smem:$0x3FB7]  }
0x39: {  	_ = 	snop;
	(pc) =	sbr.ind lr, $3  }
0x3a: {  	_ = 	snop  }
0x3b: {  	_ = 	snop  }
0x3c: {  	p2 =	seq.s32 s10, $0x1;
	s10 =	sld [smem:$0x3FB6]  }
0x3d: {  	_ =	shalt  }
0x3e: {  	_ =	shalt  }
0x3f: {  	_ =	shalt  }
0x40: {  	_ =	shalt  }
0x41: {  	_ =	shalt  }
0x42: {  	_ =	shalt  }
0x43: {  	_ =	shalt  }
0x44: {  	_ =	shalt  }
0x45: {  	_ =	shalt  }
0x46: {  	_ =	shalt  }
0x47: {  	_ =	shalt  }
0x48: {  	_ =	shalt  }
0x49: {  	_ =	shalt  }
0x4a: {  	_ =	shalt  }
0x4b: {  	_ =	shalt  }
0x4c: {  	_ =	shalt  }
0x4d: {  	_ =	shalt  }
0x4e: {  	_ =	shalt  }
0x4f: {  	_ =	shalt  }
0x50: {  	_ =	shalt  }
0x51: {  	_ =	shalt  }
0x52: {  	_ =	shalt  }
0x53: {  	_ =	shalt  }
0x54: {  	_ =	shalt  }
0x55: {  	_ =	shalt  }
0x56: {  	_ =	shalt  }
0x57: {  	_ =	shalt  }
0x58: {  	_ =	shalt  }
0x59: {  	_ =	shalt  }
0x5a: {  	_ =	shalt  }
0x5b: {  	_ =	shalt  }
0x5c: {  	_ =	shalt  }
0x5d: {  	_ =	shalt  }
0x5e: {  	_ =	shalt  }
0x5f: {  	_ =	shalt  }
0x60: {  	_ =	shalt  }
0x61: {  	_ =	shalt  }
0x62: {  	_ =	shalt  }
0x63: {  	_ =	shalt  }
0x64: {  	_ =	shalt  }
0x65: {  	_ =	shalt  }
0x66: {  	_ =	shalt  }
0x67: {  	_ =	shalt  }
0x68: {  	_ =	shalt  }
0x69: {  	_ =	shalt  }
0x6a: {  	_ =	shalt  }
0x6b: {  	_ =	shalt  }
0x6c: {  	_ =	shalt  }
0x6d: {  	_ =	shalt  }
0x6e: {  	_ =	shalt  }
0x6f: {  	_ =	shalt  }
0x70: {  	_ =	shalt  }
0x71: {  	_ =	shalt  }
0x72: {  	_ =	shalt  }
0x73: {  	_ =	shalt  }
0x74: {  	_ =	shalt  }
0x75: {  	_ =	shalt  }
0x76: {  	_ =	shalt  }
0x77: {  	_ =	shalt  }
0x78: {  	_ =	shalt  }
0x79: {  	_ =	shalt  }
0x7a: {  	_ =	shalt  }
0x7b: {  	_ =	shalt  }
0x7c: {  	_ =	shalt  }
0x7d: {  	_ =	shalt  }
0x7e: {  	_ =	shalt  }
0x7f: {  	_ =	shalt  }
0x80: {  	_ =	shalt  }
0x81: {  	_ =	shalt  }
0x82: {  	_ =	shalt  }
0x83: {  	_ =	shalt  }
0x84: {  	_ =	shalt  }
0x85: {  	_ =	shalt  }
0x86: {  	_ =	shalt  }
0x87: {  	_ =	shalt  }
.Lfunc_end0:
.L_simem_size_0:
called_computation.2_lowered:
.L_overlay_start_0:
0x88: {  	s2 =	sld [smem:$0x3FD9]  }
0x89: {  	s3 =	sld [smem:$0x3FFE];
	_ =	sdelay $0x1  }
0x8a: {  	s1 =	srdreg.scid  }
0x8b: {  	s0 =	sand.u32 $0x1, s1  }
0x8c: {  	s17 =	sshll.u32 s0, $0xA;
	s2 =	sadd.s32 s3, s2  }
0x8d: {  	s2 =	sadd.s32 s2, s17  }
0x8e: {  	[smem:$0x3FC2] =	sst s2  }
0x8f: {  	_ = 	snop  }
0x90: {  	s2 =	sld [smem:$0x3FD0];
	(tm) =	ssettm $0x1  }
0x91: {  	s18 =	sld [smem:$0x3FFB];
	_ =	sdelay $0x3  }
0x92: {  	_ =	strace s18  }
0x93: {  	s3 =	sld [smem:$0x3FFC];
	_ =	sdelay $0x3  }
0x94: {  	_ =	strace s3  }
0x95: {  	s3 =	sld [smem:$0x3FFD];
	_ =	sdelay $0x3  }
0x96: {  	_ =	strace s3  }
0x97: {  	_ =	strace $0x8FFFFFFF  }
0x98: {  	s19 =	sld [smem:$0x3FDB];
	_ =	sdelay $0x1  }
0x99: {  	s4 =	simm.s32 $_scs_section_size  }
0x9a: {  	s5 =	simm.s32 $_size__tile_overlayer_lowered;
	s6 =	simm.s32 $_tile_overlayer_lowered  }
0x9b: {  	s22 =	simm.s32 $0x1BFF;
	s21 =	sshll.u32 s6, $0x1;
	s3 =	sadd.s32 s4, s19  }
0x9c: {  	s7 =	simm.s32 $0x0;
	s20 =	sshll.u32 s5, $0x1;
	s5 =	sadd.s32 s21, s3  }
0x9d: {  	[timem:s7], [sflag:s22] =	dma.local [hbm:s5], s20  }
0x9e: {  	_ =	swait.ge [sflag:s22], s20  }
0x9f: {  	s4 =	ssub.s32 $0x0, s20;
	[sflag:s22] =	ssyncset.done $0x0  }
0xa0: {  	[sflag:s22] =	ssyncadd.s32 s4;
	_ =	sdelay $0x1  }
0xa1: {  	s23 =	simm.s32 $0x1B8B  }
0xa2: {  	_ =	swait.ge [sflag:s23], $0x1  }
0xa3: {  	[sflag:s23] =	ssyncset.done $0x0  }
0xa4: {  	s25 =	simm.s32 $0x1B8E;
	s24 =	sld [smem:$0x3FFE];
	[sflag:s23] =	ssyncadd.s32 $0xFFFFFFFF  }
0xa5: {  	s26 =	simm.s32 $execute0_lowered;
	[smem:$0x3FD2] =	sst s25  }
0xa6: {  	s5 =	sshll.u32 s26, $0x1;
	_ =	strace $0x8000004C;
	[dreg:$0x1] =	wrdreg $0xFFFFFFFF  }
0xa7: {  	s28 =	simm.s32 $_size_execute0_lowered;
	s3 =	sadd.s32 s3, s5;
	[dreg:$0x0] =	wrdreg $0x0  }
0xa8: {  	s5 =	sshll.u32 s28, $0x1;
	[dreg:$0x2] =	wrdreg s3  }
0xa9: {  	[dreg:$0x3] =	wrdreg s5  }
0xaa: {  	[dreg:$0x4] =	wrdreg $0xC0  }
0xab: {  	_ =	task [dreg:s7], $0x5FFFF  }
0xac: {  	[dreg:$0x1] =	wrdreg $0xFFFFFFFF  }
0xad: {  	[dreg:$0x0] =	wrdreg $0x60  }
0xae: {  	[dreg:$0x2] =	wrdreg s24  }
0xaf: {  	[dreg:$0x3] =	wrdreg s2  }
0xb0: {  	[dreg:$0x4] =	wrdreg $0x137000  }
0xb1: {  	[dreg:$0x5] =	wrdreg $0x9  }
0xb2: {  	_ =	task.clear_ibuf [dreg:s7], $0x6FFFF;
	_ =	strace $0x9000004C  }
0xb3: {  	s29 =	simm.s32 $0x9;
	_ =	strace $0x8000004E  }
0xb4: {  	_ =	swait.ge [sflag:s29], $0x1  }
0xb5: {  	[sflag:s29] =	ssyncadd.s32 $0xFFFFFFFF  }
0xb6: {  	_ =	strace $0x9000004E  }
0xb7: {  	_ =	sfence  }
0xb8: {  	s30 =	sld [smem:$0x0];
	_ =	sdelay $0x2  }
0xb9: {  	s31 =	sshll.u32 s1, $0xD;
	s1 =	sshrl.u32 s1, $0x2  }
0xba: {  	s3 =	sand.u32 $0x4000, s31;
	s1 =	sadd.s32 s1, s30  }
0xbb: {  	s0 =	sor.u32 s3, s0;
	s1 =	sshll.u32 s1, $0x11  }
0xbc: {  	s0 =	sor.u32 s1, s0  }
0xbd: {  	s0 =	sadd.s32 $0x8F2B, s0  }
0xbe: {  	[sflag:s0] =	ssyncadd.remote.s32 $0x1  }
0xbf: {  	_ =	sfence.sel $0xFFFF  }
0xc0: {  	[dreg:$0x0] =	wrdreg $0xFFFFFFFF;
	(pc) =	sbr.abs _section_cstart, $3  }
0xc1: {  	[dreg:$0x1] =	wrdreg $0xFFFFFFFF  }
0xc2: {  	_ =	task.clear_ibuf [dreg:s7], $0x2FFFF;
	_ =	strace $0x9FFFFFFF  }
0xc3: {  	(tm) =	ssettm $0x7FFFFFFF  }
tec
execute0_lowered:
.L_overlay_start_1:
0x0: {  	(tag) =	ssettag $0x1  }
0x1: {  	s1 =	rddreg [dreg:$0x0]  }
0x2: {  	s3 =	rddreg [dreg:$0x1]  }
0x3: {  	s4 =	srdreg.scid;
	s0 =	stileid.u32  }
0x4: {  	s2 =	rddreg [dreg:$0x2];
	s7 =	simm.s32 $0x0;
	s17 =	simm.s32 $0x7  }
0x5: {  	s18 =	simm.s32 $0x80;
	s29 =	simm.s32 $0xEF00;
	s30 =	simm.s32 $0x0  }
0x6: {  	s5 =	sand.u32 $0x1, s4;
	s6 =	smul.u32 $0xA000, s0;
	[smem:$0x7FF] =	sst s7  }
0x7: {  	s12 =	sadd.s32 $0xBA00, s1;
	s10 =	smul.u32 $0x28000, s0;
	s31 =	sshll.u32 s0, $0x4  }
0x8: {  	s4 =	smul.u32 $0xA0000, s5;
	_ =	strace $0x8000004D;
	s8 =	ssub.s32 $0x2, s5  }
0x9: {  	s5 =	sshll.u32 s5, $0x4;
	s13 =	sor.u32 $0x9C00, s31;
	s9 =	sshrl.u32 s8, $0x1  }
0xa: {  	s16 =	sor.u32 s0, s5;
	s5 =	simm.s32 $0x4F;
	s26 =	sshrl.u32 s10, $0x2  }
0xb: {  	s25 =	sadd.s32 s6, s4;
	s4 =	sadd.s32 $0x15800, s1;
	s15 =	ssub.s32 s8, s9  }
0xc: {  	p0 =	slt.u32 s16, $0x4;
	s6 =	sadd.s32 s6, s2;
	s28 =	sadd.s32 s26, s2  }
0xd: {  	s11 =	smul.u32 $0x4E0, s16;
	s7 =	sshrl.u32 s25, $0x3;
	s5 =	simm.s32 @!p0 $0x4E  }
0xe: {  	s8 =	sadd.s32 $0x5000, s28;
	s9 =	sadd.s32 $0x7800, s28;
	s15 =	smax.u32 s15, $0x1  }
0xf: {  	p0 =	sgt.u32 s16, $0x3;
	s16 =	simm.s32 $0x10F00;
	s1 =	sadd.s32 s7, s1  }
0x10: {  	s7 =	sadd.s32 $0x2800, s28;
	s10 =	sadd.s32 s12, s11;
	s11 =	sadd.s32 s3, s11  }
0x11: {  	v0 =	vimm.f32 $0.0e+00;
	s12 =	sadd.s32 s12, s13;
	s13 =	sadd.s32 s3, s13;
	s14 =	sadd.s32 $0x29200, s1  }
.LBB2_1:
0x12: {  	s3 =	simm.s32 $0x100;
	s1 =	simm.s32 $0x0  }
.LBB2_2:
0x13: {  	p1 =	sne.s32 s3, $0x9F00;
	[tilespmem:s1+$0x10F30] =	vst v0;
	s19 =	smov.u32 s3;
	s3 =	sadd.s32 $0x100, s3  }
.Ltmp0:
0x14: {  	[tilespmem:s1+$0x10F20] =	vst v0;
	(pc) =	sbr.rel @p1 .LBB2_2-.Ltmp0, $3  }
0x15: {  	[tilespmem:s1+$0x10F00] =	vst v0  }
0x16: {  	[tilespmem:s1+$0x10F10] =	vst v0;
	_ =	sdelay $0x1  }
0x17: {  	s1 =	sshra.s32 s19, $0x2  }
0x18: {  	[tilespmem:s1+$0x10F30] =	vst v0  }
0x19: {  	[tilespmem:s1+$0x10F20] =	vst v0  }
0x1a: {  	[tilespmem:s1+$0x10F00] =	vst v0  }
0x1b: {  	[tilespmem:s1+$0x10F10] =	vst v0  }
0x1c: {  	[spmem:s6] =	stream.linear.scatter [tilespmem:s16], [sflag:$0x7], $0x2800, $0x38;
	[tilespmem:$0x1D700] =	vst v63  }
0x1d: {  	_ =	swait.ge [sflag:s17], $0x2800  }
0x1e: {  	[sflag:s17] =	ssyncset.done $0x0  }
0x1f: {  	[sflag:s17] =	ssyncadd.s32 $0xFFFFD800  }
0x20: {  	[spmem:s7] =	stream.linear.scatter [tilespmem:s16], [sflag:$0x7], $0x2800, $0x38;
	[tilespmem:$0x1D700] =	vst v63  }
0x21: {  	_ =	swait.ge [sflag:s17], $0x2800  }
0x22: {  	[sflag:s17] =	ssyncset.done $0x0  }
0x23: {  	[sflag:s17] =	ssyncadd.s32 $0xFFFFD800  }
0x24: {  	[spmem:s8] =	stream.linear.scatter [tilespmem:s16], [sflag:$0x7], $0x2800, $0x38;
	[tilespmem:$0x1D700] =	vst v63  }
0x25: {  	_ =	swait.ge [sflag:s17], $0x2800  }
0x26: {  	[sflag:s17] =	ssyncset.done $0x0  }
0x27: {  	[sflag:s17] =	ssyncadd.s32 $0xFFFFD800  }
0x28: {  	[spmem:s9] =	stream.linear.scatter [tilespmem:s16], [sflag:$0x7], $0x2800, $0x38;
	[tilespmem:$0x1D700] =	vst v63  }
0x29: {  	_ =	swait.ge [sflag:s17], $0x2800  }
0x2a: {  	[sflag:s17] =	ssyncset.done $0x0  }
0x2b: {  	s3 =	simm.s32 $0x0;
	[sflag:s17] =	ssyncadd.s32 $0xFFFFD800  }
0x2c: {  	[tilespmem:s3], [sflag:$0x7] =	stream.linear.gather [hbm4b:s10+s3], $0x2700, $0x38;
	[tilespmem:$0x1D700] =	vst v63  }
0x2d: {  	_ =	swait.ge [sflag:s17], $0x2700  }
0x2e: {  	[sflag:s17] =	ssyncset.done $0x0  }
0x2f: {  	s1 =	simm.s32 @p0 $0x0;
	s3 =	simm.s32 @p0 $0x2780;
	[sflag:s17] =	ssyncadd.s32 $0xFFFFD900  }
0x30: {  	[tilespmem:s3], [sflag:$0x7] =	stream.linear.gather @p0 [hbm4b:s11+s1], $0x2700, $0x38;
	[tilespmem:$0x1D700] =	vst v63  }
0x31: {  	s1 =	simm.s32 @p0 $0x7  }
0x32: {  	_ =	swait.ge @p0 [sflag:s1], $0x2700  }
0x33: {  	[sflag:s1] =	ssyncset.done @p0 $0x0  }
0x34: {  	s3 =	simm.s32 @!p0 $0x2700;
	[sflag:s1] =	ssyncadd.s32 @p0 $0xFFFFD900;
	s1 =	simm.s32 @!p0 $0x0  }
0x35: {  	[tilespmem:s3], [sflag:$0x7] =	stream.linear.gather @!p0 [hbm4b:s12+s1], $0x80, $0x38;
	[tilespmem:$0x1D700] =	vst v63  }
0x36: {  	s3 =	simm.s32 @!p0 $0x7  }
0x37: {  	_ =	swait.ge @!p0 [sflag:s3], $0x80  }
0x38: {  	[sflag:s3] =	ssyncset.done @!p0 $0x0  }
0x39: {  	s19 =	simm.s32 @!p0 $0x2780;
	[sflag:s3] =	ssyncadd.s32 @!p0 $0xFFFFFF80  }
0x3a: {  	[tilespmem:s19], [sflag:$0x7] =	stream.linear.gather @!p0 [hbm4b:s11+s1], $0x2700, $0x38;
	[tilespmem:$0x1D700] =	vst v63  }
0x3b: {  	_ =	swait.ge @!p0 [sflag:s3], $0x2700  }
0x3c: {  	[sflag:s3] =	ssyncset.done @!p0 $0x0  }
0x3d: {  	s19 =	simm.s32 @!p0 $0x4E80;
	[sflag:s3] =	ssyncadd.s32 @!p0 $0xFFFFD900  }
0x3e: {  	[tilespmem:s19], [sflag:$0x7] =	stream.linear.gather @!p0 [hbm4b:s13+s1], $0x80, $0x38;
	[tilespmem:$0x1D700] =	vst v63  }
0x3f: {  	_ =	swait.ge @!p0 [sflag:s3], $0x80  }
0x40: {  	[sflag:s3] =	ssyncset.done @!p0 $0x0  }
0x41: {  	[sflag:s3] =	ssyncadd.s32 @!p0 $0xFFFFFF80  }
0x42: {  	s31 =	simm.s32 $0x0;
	s19 =	simm.s32 $0x4F00;
	[bflag:$0x0] =	sbarrier.arrive $0xFFFF  }
0x43: {  	[tilespmem:s19], [sflag:$0x1] =	stream.indirect.gather [hbm4b:s4+s18], $0x40, s31, s18, $0xb8;
	[tilespmem:$0x1D700] =	vst v63  }
0x44: {  	s20 =	simm.s32 $0x6F00  }
0x45: {  	[tilespmem:s20], [sflag:$0x2] =	stream.indirect.gather [hbm4b:s4+s18], $0x40, s18, s18, $0xb8;
	[tilespmem:$0x1D700] =	vst v63  }
0x46: {  	s21 =	simm.s32 $0x100;
	s22 =	simm.s32 $0x8F00  }
0x47: {  	[tilespmem:s22], [sflag:$0x3] =	stream.indirect.gather [hbm4b:s4+s18], $0x40, s21, s18, $0xb8;
	[tilespmem:$0x1D700] =	vst v63  }
0x48: {  	s23 =	simm.s32 $0x180;
	s24 =	simm.s32 $0xAF00  }
0x49: {  	[tilespmem:s24], [sflag:$0x4] =	stream.indirect.gather [hbm4b:s4+s18], $0x40, s23, s18, $0xb8;
	[tilespmem:$0x1D700] =	vst v63  }
0x4a: {  	s25 =	simm.s32 $0x200;
	s26 =	simm.s32 $0xCF00;
	p1 =	sle.u32 s5, $0x0  }
0x4b: {  	[tilespmem:s26], [sflag:$0x5] =	stream.indirect.gather [hbm4b:s4+s18], $0x40, s25, s18, $0xb8;
	[tilespmem:$0x1D700] =	vst v63  }
0x4c: {  	s28 =	simm.s32 $0x280;
	s1 =	simm.s32 @!p1 $0x1  }
0x4d: {  	[tilespmem:s29], [sflag:$0x6] =	stream.indirect.gather [hbm4b:s4+s18], $0x40, s28, s18, $0xb8;
	[tilespmem:$0x1D700] =	vst v63  }
0x4e: {  	p2 =	sle.u32 @!p1 s5, $0x6;
	_ =	swait.ge @!p1 [sflag:s1], $0x2000  }
0x4f: {  	s3 =	simm.s32 @!p1 $0x7;
	s19 =	simm.s32 @!p1 $0x2780;
	[sflag:s1] =	ssyncset.done @!p1 $0x0  }
0x50: {  	s20 =	simm.s32 @!p1 $0x4F00;
	[sflag:s1] =	ssyncadd.s32 @!p1 $0xFFFFE000;
	s1 =	simm.s32 @!p1 $0x80  }
0x51: {  	[spmem:s2] =	stream.indirect.scatter.add.f32 @!p1 [tilespmem:s20], [sflag:$0x7], $0x40, s19, s1, $0xb8;
	[tilespmem:$0x1D700] =	vst v63  }
0x52: {  	p3 =	por p2, p1;
	p2 =	sle.u32 s5, $0x1;
	_ =	swait.ge @!p1 [sflag:s3], $0x2000  }
0x53: {  	s1 =	simm.s32 @!p3 $0x300;
	s19 =	simm.s32 @!p2 $0x2;
	[sflag:s3] =	ssyncset.done @!p1 $0x0  }
0x54: {  	s20 =	simm.s32 @!p3 $0x4F00;
	[sflag:s3] =	ssyncadd.s32 @!p1 $0xFFFFE000;
	s3 =	simm.s32 @!p3 $0x80  }
0x55: {  	[tilespmem:s20], [sflag:$0x1] =	stream.indirect.gather @!p3 [hbm4b:s4+s3], $0x40, s1, s3, $0xb8;
	[tilespmem:$0x1D700] =	vst v63  }
0x56: {  	s21 =	simm.s32 @!p2 $0x6F00;
	_ =	swait.ge @!p2 [sflag:s19], $0x2000  }
0x57: {  	s1 =	simm.s32 @!p2 $0x2800;
	p3 =	sle.u32 @!p2 s5, $0x7;
	[sflag:s19] =	ssyncset.done @!p2 $0x0  }
0x58: {  	s3 =	simm.s32 @!p2 $0x7;
	s20 =	simm.s32 @!p2 $0x80;
	[sflag:s19] =	ssyncadd.s32 @!p2 $0xFFFFE000  }
0x59: {  	[spmem:s2] =	stream.indirect.scatter.add.f32 @!p2 [tilespmem:s21], [sflag:$0x7], $0x40, s1, s20, $0xb8;
	[tilespmem:$0x1D700] =	vst v63  }
0x5a: {  	p1 =	sle.u32 s5, $0x2;
	p3 =	por p3, p2;
	_ =	swait.ge @!p2 [sflag:s3], $0x2000  }
0x5b: {  	s19 =	simm.s32 @!p3 $0x380;
	s1 =	simm.s32 @!p3 $0x6F00;
	[sflag:s3] =	ssyncset.done @!p2 $0x0  }
0x5c: {  	s20 =	simm.s32 @!p1 $0x3;
	[sflag:s3] =	ssyncadd.s32 @!p2 $0xFFFFE000;
	s3 =	simm.s32 @!p3 $0x80  }
0x5d: {  	[tilespmem:s1], [sflag:$0x2] =	stream.indirect.gather @!p3 [hbm4b:s4+s3], $0x40, s19, s3, $0xb8;
	[tilespmem:$0x1D700] =	vst v63  }
0x5e: {  	s21 =	simm.s32 @!p1 $0x7;
	p2 =	sle.u32 @!p1 s5, $0x8;
	_ =	swait.ge @!p1 [sflag:s20], $0x2000  }
0x5f: {  	s1 =	simm.s32 @!p1 $0x2880;
	s3 =	simm.s32 @!p1 $0x8F00;
	[sflag:s20] =	ssyncset.done @!p1 $0x0  }
0x60: {  	s19 =	simm.s32 @!p1 $0x80;
	p3 =	sle.u32 s5, $0x3;
	[sflag:s20] =	ssyncadd.s32 @!p1 $0xFFFFE000  }
0x61: {  	[spmem:s2] =	stream.indirect.scatter.add.f32 @!p1 [tilespmem:s3], [sflag:$0x7], $0x40, s1, s19, $0xb8;
	[tilespmem:$0x1D700] =	vst v63  }
0x62: {  	p2 =	por p2, p1;
	s22 =	simm.s32 @!p3 $0x4;
	_ =	swait.ge @!p1 [sflag:s21], $0x2000  }
0x63: {  	s20 =	simm.s32 @!p2 $0x80;
	s1 =	simm.s32 $0x11;
	[sflag:s21] =	ssyncset.done @!p1 $0x0  }
0x64: {  	s3 =	simm.s32 @!p2 $0x8F00;
	s19 =	simm.s32 @!p2 $0x400;
	[sflag:s21] =	ssyncadd.s32 @!p1 $0xFFFFE000  }
0x65: {  	[tilespmem:s3], [sflag:$0x3] =	stream.indirect.gather @!p2 [hbm4b:s4+s20], $0x40, s19, s20, $0xb8;
	[tilespmem:$0x1D700] =	vst v63  }
0x66: {  	p1 =	sle.u32 @!p3 s5, $0x9;
	s21 =	simm.s32 @!p3 $0x7;
	_ =	swait.ge @!p3 [sflag:s22], $0x2000  }
0x67: {  	s3 =	simm.s32 @!p3 $0x2900;
	s19 =	simm.s32 @!p3 $0x80;
	[sflag:s22] =	ssyncset.done @!p3 $0x0  }
0x68: {  	s20 =	simm.s32 @!p3 $0xAF00;
	p4 =	por p1, p3;
	[sflag:s22] =	ssyncadd.s32 @!p3 $0xFFFFE000  }
0x69: {  	[spmem:s2] =	stream.indirect.scatter.add.f32 @!p3 [tilespmem:s20], [sflag:$0x7], $0x40, s3, s19, $0xb8;
	[tilespmem:$0x1D700] =	vst v63  }
0x6a: {  	p2 =	sle.u32 s5, $0x5;
	p1 =	sle.u32 s5, $0x4;
	_ =	swait.ge @!p3 [sflag:s21], $0x2000  }
0x6b: {  	s3 =	simm.s32 @!p4 $0x480;
	s19 =	simm.s32 @!p4 $0x80;
	[sflag:s21] =	ssyncset.done @!p3 $0x0  }
0x6c: {  	s20 =	simm.s32 @!p1 $0x5;
	[sflag:s21] =	ssyncadd.s32 @!p3 $0xFFFFE000;
	s21 =	simm.s32 @!p4 $0xAF00  }
0x6d: {  	[tilespmem:s21], [sflag:$0x4] =	stream.indirect.gather @!p4 [hbm4b:s4+s19], $0x40, s3, s19, $0xb8;
	[tilespmem:$0x1D700] =	vst v63  }
0x6e: {  	s23 =	simm.s32 @!p1 $0xCF00;
	s24 =	simm.s32 @!p2 $0xEF00;
	_ =	swait.ge @!p1 [sflag:s20], $0x2000  }
0x6f: {  	s22 =	simm.s32 @!p1 $0x80;
	p3 =	sle.u32 @!p1 s5, $0xA;
	[sflag:s20] =	ssyncset.done @!p1 $0x0  }
0x70: {  	s19 =	simm.s32 @!p1 $0x2980;
	s21 =	simm.s32 @!p1 $0x7;
	[sflag:s20] =	ssyncadd.s32 @!p1 $0xFFFFE000  }
0x71: {  	[spmem:s2] =	stream.indirect.scatter.add.f32 @!p1 [tilespmem:s23], [sflag:$0x7], $0x40, s19, s22, $0xb8;
	[tilespmem:$0x1D700] =	vst v63  }
0x72: {  	s3 =	simm.s32 $0xC00;
	p3 =	por p3, p1;
	_ =	swait.ge @!p1 [sflag:s21], $0x2000  }
0x73: {  	p4 =	sle.u32 @!p2 s5, $0xB;
	s19 =	simm.s32 @!p3 $0xCF00;
	[sflag:s21] =	ssyncset.done @!p1 $0x0  }
0x74: {  	s22 =	simm.s32 @!p3 $0x500;
	[sflag:s21] =	ssyncadd.s32 @!p1 $0xFFFFE000;
	s21 =	simm.s32 @!p3 $0x80  }
0x75: {  	[tilespmem:s19], [sflag:$0x5] =	stream.indirect.gather @!p3 [hbm4b:s4+s21], $0x40, s22, s21, $0xb8;
	[tilespmem:$0x1D700] =	vst v63  }
0x76: {  	s20 =	simm.s32 @!p2 $0x7;
	s23 =	simm.s32 @!p2 $0x80;
	s22 =	simm.s32 @!p2 $0x6  }
0x77: {  	s21 =	simm.s32 @!p2 $0x2A00;
	p3 =	por p4, p2;
	_ =	swait.ge @!p2 [sflag:s22], $0x2000  }
.LBB2_4:
0x78: {  	[sflag:s22] =	ssyncset.done @!p2 $0x0;
	s25 =	sshra.s32 @!p3 s31, $0x2  }
0x79: {  	s19 =	smov.u32 s1;
	s1 =	sadd.s32 $0x6, s1;
	s31 =	smov.u32 s3  }
0x7a: {  	p1 =	sne.s32 s1, $0x5F;
	[sflag:s22] =	ssyncadd.s32 @!p2 $0xFFFFE000;
	s22 =	sadd.s32 @!p3 $0x580, s25  }
0x7b: {  	[spmem:s2] =	stream.indirect.scatter.add.f32 @!p2 [tilespmem:s24], [sflag:$0x7], $0x40, s21, s23, $0xb8;
	[tilespmem:$0x1D700] =	vst v63  }
0x7c: {  	s21 =	simm.s32 @!p3 $0x80;
	s23 =	simm.s32 @!p3 $0xEF00;
	_ =	swait.ge @!p2 [sflag:s20], $0x2000  }
0x7d: {  	[sflag:s20] =	ssyncset.done @!p2 $0x0  }
0x7e: {  	s24 =	sadd.s32 $0xFFFFFFF5, s19;
	[sflag:s20] =	ssyncadd.s32 @!p2 $0xFFFFE000  }
0x7f: {  	[tilespmem:s23], [sflag:$0x6] =	stream.indirect.gather @!p3 [hbm4b:s4+s21], $0x40, s22, s21, $0xb8;
	[tilespmem:$0x1D700] =	vst v63  }
0x80: {  	s20 =	sadd.s32 $0xFFFFFFF7, s19;
	p3 =	sge.u32 s24, s5  }
0x81: {  	s21 =	simm.s32 @!p3 $0x1;
	s22 =	sshra.s32 @!p3 s3, $0x2;
	s23 =	simm.s32 @!p3 $0x7  }
0x82: {  	s24 =	sadd.s32 @!p3 $0xFFFFFFFB, s19;
	s22 =	sadd.s32 @!p3 $0x2780, s22;
	_ =	swait.ge @!p3 [sflag:s21], $0x2000  }
0x83: {  	p2 =	sge.u32 s20, s5;
	p4 =	sge.u32 @!p3 s24, s5;
	[sflag:s21] =	ssyncset.done @!p3 $0x0  }
0x84: {  	s20 =	simm.s32 @!p3 $0x80;
	[sflag:s21] =	ssyncadd.s32 @!p3 $0xFFFFE000;
	s21 =	simm.s32 @!p3 $0x4F00  }
0x85: {  	[spmem:s2] =	stream.indirect.scatter.add.f32 @!p3 [tilespmem:s21], [sflag:$0x7], $0x40, s22, s20, $0xb8;
	[tilespmem:$0x1D700] =	vst v63  }
0x86: {  	p4 =	por p4, p3;
	s20 =	sshra.s32 @!p2 s3, $0x2;
	_ =	swait.ge @!p3 [sflag:s23], $0x2000  }
0x87: {  	s21 =	sshra.s32 @!p4 s3, $0x2;
	s22 =	sadd.s32 $0xFFFFFFF6, s19;
	[sflag:s23] =	ssyncset.done @!p3 $0x0  }
0x88: {  	s21 =	sadd.s32 @!p4 $0x300, s21;
	[sflag:s23] =	ssyncadd.s32 @!p3 $0xFFFFE000;
	p3 =	sge.u32 s22, s5  }
0x89: {  	s22 =	simm.s32 @!p4 $0x80;
	s23 =	simm.s32 @!p3 $0x2;
	s24 =	sshra.s32 @!p3 s3, $0x2  }
0x8a: {  	s25 =	simm.s32 @!p4 $0x4F00;
	s26 =	sadd.s32 @!p3 $0xFFFFFFFC, s19;
	s24 =	sadd.s32 @!p3 $0x2800, s24  }
0x8b: {  	s20 =	sadd.s32 @!p2 $0x2880, s20;
	p5 =	sge.u32 @!p3 s26, s5;
	s26 =	sadd.s32 @!p2 $0xFFFFFFFD, s19  }
0x8c: {  	[tilespmem:s25], [sflag:$0x1] =	stream.indirect.gather @!p4 [hbm4b:s4+s22], $0x40, s21, s22, $0xb8;
	[tilespmem:$0x1D700] =	vst v63  }
0x8d: {  	p5 =	por p5, p3;
	s21 =	simm.s32 @!p3 $0x7;
	_ =	swait.ge @!p3 [sflag:s23], $0x2000  }
0x8e: {  	s22 =	simm.s32 @!p3 $0x80;
	s25 =	simm.s32 @!p3 $0x6F00;
	[sflag:s23] =	ssyncset.done @!p3 $0x0  }
0x8f: {  	s28 =	simm.s32 @!p5 $0x6F00;
	[sflag:s23] =	ssyncadd.s32 @!p3 $0xFFFFE000;
	s23 =	sshra.s32 @!p5 s3, $0x2  }
0x90: {  	[spmem:s2] =	stream.indirect.scatter.add.f32 @!p3 [tilespmem:s25], [sflag:$0x7], $0x40, s24, s22, $0xb8;
	[tilespmem:$0x1D700] =	vst v63  }
0x91: {  	s22 =	sadd.s32 @!p5 $0x380, s23;
	s23 =	simm.s32 @!p2 $0x3;
	_ =	swait.ge @!p3 [sflag:s21], $0x2000  }
0x92: {  	p4 =	sge.u32 @!p2 s26, s5;
	s24 =	simm.s32 @!p2 $0x8F00;
	[sflag:s21] =	ssyncset.done @!p3 $0x0  }
0x93: {  	p4 =	por p4, p2;
	[sflag:s21] =	ssyncadd.s32 @!p3 $0xFFFFE000;
	s21 =	simm.s32 @!p5 $0x80  }
0x94: {  	[tilespmem:s28], [sflag:$0x2] =	stream.indirect.gather @!p5 [hbm4b:s4+s21], $0x40, s22, s21, $0xb8;
	[tilespmem:$0x1D700] =	vst v63  }
0x95: {  	s21 =	simm.s32 @!p2 $0x80;
	s22 =	simm.s32 @!p4 $0x8F00;
	_ =	swait.ge @!p2 [sflag:s23], $0x2000  }
0x96: {  	s26 =	sshra.s32 @!p4 s3, $0x2;
	s25 =	simm.s32 @!p2 $0x7;
	[sflag:s23] =	ssyncset.done @!p2 $0x0  }
0x97: {  	[sflag:s23] =	ssyncadd.s32 @!p2 $0xFFFFE000;
	s23 =	sadd.s32 @!p4 $0x400, s26;
	s26 =	sadd.s32 $0xFFFFFFF8, s19  }
0x98: {  	[spmem:s2] =	stream.indirect.scatter.add.f32 @!p2 [tilespmem:s24], [sflag:$0x7], $0x40, s20, s21, $0xb8;
	[tilespmem:$0x1D700] =	vst v63  }
0x99: {  	s20 =	simm.s32 @!p4 $0x80;
	p3 =	sge.u32 s26, s5;
	_ =	swait.ge @!p2 [sflag:s25], $0x2000  }
0x9a: {  	s21 =	simm.s32 @!p3 $0x4;
	s24 =	sshra.s32 @!p3 s3, $0x2;
	[sflag:s25] =	ssyncset.done @!p2 $0x0  }
0x9b: {  	s24 =	sadd.s32 @!p3 $0x2900, s24;
	[sflag:s25] =	ssyncadd.s32 @!p2 $0xFFFFE000;
	s25 =	sadd.s32 @!p3 $0xFFFFFFFE, s19  }
0x9c: {  	[tilespmem:s22], [sflag:$0x3] =	stream.indirect.gather @!p4 [hbm4b:s4+s20], $0x40, s23, s20, $0xb8;
	[tilespmem:$0x1D700] =	vst v63  }
0x9d: {  	s20 =	simm.s32 @!p3 $0x80;
	s22 =	simm.s32 @!p3 $0xAF00;
	_ =	swait.ge @!p3 [sflag:s21], $0x2000  }
0x9e: {  	s23 =	simm.s32 @!p3 $0x7;
	p2 =	sge.u32 @!p3 s25, s5;
	[sflag:s21] =	ssyncset.done @!p3 $0x0  }
0x9f: {  	p5 =	por p2, p3;
	[sflag:s21] =	ssyncadd.s32 @!p3 $0xFFFFE000;
	s21 =	sadd.s32 $0xFFFFFFFA, s19  }
0xa0: {  	s3 =	sadd.s32 $0xC00, s3;
	s25 =	sshra.s32 @!p5 s31, $0x2;
	p2 =	sge.u32 s21, s5  }
0xa1: {  	[spmem:s2] =	stream.indirect.scatter.add.f32 @!p3 [tilespmem:s22], [sflag:$0x7], $0x40, s24, s20, $0xb8;
	[tilespmem:$0x1D700] =	vst v63  }
0xa2: {  	s21 =	sadd.s32 @!p5 $0x480, s25;
	s20 =	sadd.s32 $0xFFFFFFF9, s19;
	_ =	swait.ge @!p3 [sflag:s23], $0x2000  }
0xa3: {  	s22 =	simm.s32 @!p5 $0x80;
	p4 =	sge.u32 s20, s5;
	[sflag:s23] =	ssyncset.done @!p3 $0x0  }
0xa4: {  	s20 =	sshra.s32 @!p4 s31, $0x2;
	[sflag:s23] =	ssyncadd.s32 @!p3 $0xFFFFE000;
	s23 =	simm.s32 @!p4 $0x5  }
0xa5: {  	s24 =	simm.s32 @!p5 $0xAF00;
	s25 =	sadd.s32 @!p4 $0x2980, s20;
	s20 =	sadd.s32 @!p4 $0xFFFFFFFF, s19  }
0xa6: {  	s26 =	sshra.s32 @!p2 s31, $0x2;
	p3 =	sge.u32 @!p4 s20, s5;
	s20 =	simm.s32 @!p2 $0x7  }
0xa7: {  	[tilespmem:s24], [sflag:$0x4] =	stream.indirect.gather @!p5 [hbm4b:s4+s22], $0x40, s21, s22, $0xb8;
	[tilespmem:$0x1D700] =	vst v63  }
0xa8: {  	s24 =	simm.s32 @!p4 $0x7;
	p5 =	por p3, p4;
	_ =	swait.ge @!p4 [sflag:s23], $0x2000  }
0xa9: {  	s21 =	simm.s32 @!p4 $0x80;
	s22 =	simm.s32 @!p4 $0xCF00;
	[sflag:s23] =	ssyncset.done @!p4 $0x0  }
0xaa: {  	s28 =	simm.s32 @!p5 $0xCF00;
	[sflag:s23] =	ssyncadd.s32 @!p4 $0xFFFFE000;
	s23 =	sshra.s32 @!p5 s31, $0x2  }
0xab: {  	[spmem:s2] =	stream.indirect.scatter.add.f32 @!p4 [tilespmem:s22], [sflag:$0x7], $0x40, s25, s21, $0xb8;
	[tilespmem:$0x1D700] =	vst v63  }
0xac: {  	s23 =	sadd.s32 @!p5 $0x500, s23  }
.Ltmp1:
0xad: {  	s21 =	sadd.s32 @!p2 $0x2A00, s26;
	_ =	swait.ge @!p4 [sflag:s24], $0x2000;
	(pc) =	sbr.rel @p1 .LBB2_4-.Ltmp1, $4  }
0xae: {  	p3 =	sge.u32 @!p2 s19, s5;
	s22 =	simm.s32 @!p2 $0x6;
	[sflag:s24] =	ssyncset.done @!p4 $0x0  }
0xaf: {  	s19 =	simm.s32 @!p5 $0x80;
	p3 =	por p3, p2;
	[sflag:s24] =	ssyncadd.s32 @!p4 $0xFFFFE000  }
0xb0: {  	[tilespmem:s28], [sflag:$0x5] =	stream.indirect.gather @!p5 [hbm4b:s4+s19], $0x40, s23, s19, $0xb8;
	[tilespmem:$0x1D700] =	vst v63  }
0xb1: {  	s24 =	simm.s32 @!p2 $0xEF00;
	s23 =	simm.s32 @!p2 $0x80;
	_ =	swait.ge @!p2 [sflag:s22], $0x2000  }
0xb2: {  	[sflag:s22] =	ssyncset.done @!p2 $0x0  }
0xb3: {  	s1 =	sshra.s32 @!p3 s31, $0x2;
	s3 =	simm.s32 @!p3 $0x80;
	[sflag:s22] =	ssyncadd.s32 @!p2 $0xFFFFE000  }
0xb4: {  	[spmem:s2] =	stream.indirect.scatter.add.f32 @!p2 [tilespmem:s24], [sflag:$0x7], $0x40, s21, s23, $0xb8;
	[tilespmem:$0x1D700] =	vst v63  }
0xb5: {  	s19 =	simm.s32 @!p3 $0xEF00;
	s28 =	sshll.u32 s0, $0x6;
	_ =	swait.ge @!p2 [sflag:s20], $0x2000  }
0xb6: {  	s31 =	sshrl.u32 s6, $0x3;
	s30 =	sadd.s32 $0x1, s30;
	[sflag:s20] =	ssyncset.done @!p2 $0x0  }
0xb7: {  	s1 =	sadd.s32 @!p3 $0x580, s1;
	p1 =	sne.s32 s30, s15;
	[sflag:s20] =	ssyncadd.s32 @!p2 $0xFFFFE000  }
0xb8: {  	[tilespmem:s19], [sflag:$0x6] =	stream.indirect.gather @!p3 [hbm4b:s4+s3], $0x40, s1, s3, $0xb8;
	[tilespmem:$0x1D700] =	vst v63  }
.Ltmp2:
0xb9: {  	s1 =	sor.u32 $0x1C07, s28;
	[bflag:$0x0] =	sbarrier.arrive $0xFFFF;
	(pc) =	sbr.rel @p1 .LBB2_1-.Ltmp2, $4  }
0xba: {  	[hbm:s14], [sflag:s1] =	dma.local [spmem:s31], $0x1400  }
0xbb: {  	_ =	swait.ge [sflag:s17], $0x1400  }
0xbc: {  	[sflag:s17] =	ssyncset.done $0x0  }
0xbd: {  	[sflag:s17] =	ssyncadd.s32 $0xFFFFEC00  }
0xbe: {  	_ =	sfence.sel $0x180000  }
0xbf: {  	[bflag:$0x0] =	sbarrier.arrive $0xFFFF  }
0xc0: {  	_ =	strace $0x9000004D  }
0xc1: {  	[bflag:$0x2] =	sbarrier.arrive $0xFFFF  }
0xc2: {  	p0 =	sne.s32 s0, $0x0;
	s0 =	rddreg [dreg:$0x3]  }
0xc3: {  	s0 =	sadd.s32 @!p0 $0x100000, s0  }
0xc4: {  	[sflag:s0] =	ssyncadd.tile.s32 @!p0 $0x1;
	_ =	shalt  }
.Lfunc_end2:
_tile_overlayer_lowered:
.L_overlay_start_2:
0xc5: {  	(tag) =	ssettag $0x2  }
0xc6: {  	s0 =	rddreg [dreg:$0x0];
	s2 =	stileid.u32  }
0xc7: {  	s1 =	rddreg [dreg:$0x1];
	p0 =	sne.s32 s2, $0x0  }
0xc8: {  	s3 =	rddreg [dreg:$0x2];
	[bflag:$0x3] =	sbarrier.arrive $0xFFFF;
	s2 =	simm.s32 @!p0 $0x1C07  }
0xc9: {  	[timem:s3], [sflag:s2] =	dma.local @!p0 [hbm:s0], s1  }
0xca: {  	s0 =	simm.s32 @!p0 $0x7  }
0xcb: {  	_ =	swait.ge @!p0 [sflag:s0], s1  }
0xcc: {  	s1 =	ssub.s32 @!p0 $0x0, s1;
	[sflag:s0] =	ssyncset.done @!p0 $0x0  }
0xcd: {  	[sflag:s0] =	ssyncadd.s32 @!p0 s1  }
0xce: {  	[bflag:$0x3] =	sbarrier.arrive $0xFFFF  }
0xcf: {  	_ =	shalt  }

// kernel: kernel.18.cloned.1.call-start
scs
__scs_entry_jumppad:
0x0: {  	(pc) =	sbr.rel $0x88, $3  }
0x1: {  	(tag) =	ssettag $0x0;
	lr =	simm.s32 $0x1  }
0x2: {  	[smem:$0x3F9B] =	sst lr;
	_ =	strace $0xD0000000  }
0x3: {  	_ = 	snop  }
0x4: {  	_ = 	snop  }
0x5: {  	_ = 	snop  }
0x6: {  	_ = 	snop  }
0x7: {  	_ = 	snop  }
__scs_overlays_trampoline_lowered:
0x8: {  	[smem:$0x3FAA] =	sst s0  }
0x9: {  	[smem:$0x3FAB] =	sst s1  }
0xa: {  	[smem:$0x3FAC] =	sst s2  }
0xb: {  	[smem:$0x3FAD] =	sst s3  }
0xc: {  	[smem:$0x3FAE] =	sst s4  }
0xd: {  	[smem:$0x3FAF] =	sst s5  }
0xe: {  	[smem:$0x3FB0] =	sst s6  }
0xf: {  	[smem:$0x3FB1] =	sst s7  }
0x10: {  	[smem:$0x3FB2] =	sst s8  }
0x11: {  	[smem:$0x3FB3] =	sst s9;
	s0 =	simm.s32 @!p0 $0x0  }
0x12: {  	s1 =	sld [smem:$0x3F99];
	s0 =	simm.s32 @p0 $0x1  }
0x13: {  	[smem:$0x3FB4] =	sst s0;
	s0 =	simm.s32 @!p1 $0x0  }
0x14: {  	s2 =	sld [smem:$0x3F98];
	s0 =	simm.s32 @p1 $0x1  }
0x15: {  	[smem:$0x3FB5] =	sst s0;
	s0 =	simm.s32 @!p2 $0x0  }
0x16: {  	s3 =	sld [smem:$0x3FDB];
	s0 =	simm.s32 @p2 $0x1  }
0x17: {  	s4 =	simm.s32 $0x1BF5;
	[smem:$0x3FB7] =	sst s0  }
0x18: {  	s0 =	sld [smem:$0x3F9A];
	_ =	swait.ge [sflag:s4], $0x0  }
0x19: {  	s7 =	sld [smem:$0x3F9B]  }
0x1a: {  	s8 =	sadd.s32 $0xFFFFE003, lr  }
0x1b: {  	s9 =	sadd.s32 $0xFFFFFEF7, lr;
	s5 =	simm.s32 $0xFFFFFFFF;
	p2 =	slt.u32 s8, $0xFFFFF086  }
0x1c: {  	p1 =	slt.u32 s9, $0xF7A;
	s5 =	simm.s32 @!p2 $0x0  }
0x1d: {  	s5 =	simm.s32 @p1 $0x1;
	p0 =	seq.s32 s7, s2  }
0x1e: {  	s7 =	smul.u32 @!p0 $0xF7A, s2;
	p2 =	seq.s32 @!p0 s5, $0x0  }
0x1f: {  	s9 =	smul.u32 $0xF7A, s1;
	s8 =	simm.s32 @!p0 $0x1BF5;
	p2 =	por !p2, p0  }
0x20: {  	[sflag:s8] =	ssyncset.s32 @!p0 $0xFFFFF086;
	s6 =	sadd.s32 @!p0 s3, s7;
	s7 =	simm.s32 @!p0 $0x108  }
0x21: {  	s3 =	sadd.s32 s3, s9;
	s6 =	sadd.s32 @!p0 $0x88, s6;
	s7 =	simm.s32 @p2 $0x1082  }
0x22: {  	[simem:s7], [sflag:s8] =	dma.local @!p0 [hbm:s6], $0xF7A  }
0x23: {  	s9 =	sor.u32 $0xD0000000, s2;
	s6 =	simm.s32 $0x108;
	_ =	swait.ge @!p0 [sflag:s8], $0x0  }
0x24: {  	s3 =	sadd.s32 $0x88, s3;
	s6 =	simm.s32 @!p1 $0x1082;
	[sflag:s4] =	ssyncset.s32 $0xFFFFF086  }
0x25: {  	[simem:s6], [sflag:s4] =	dma.local [hbm:s3], $0xF7A  }
0x26: {  	[smem:$0x3F9B] =	sst s1;
	(tag) =	ssettag s2;
	_ =	strace s9  }
0x27: {  	s1 =	sld [smem:$0x3FAB]  }
0x28: {  	s2 =	sld [smem:$0x3FAC]  }
0x29: {  	s4 =	sld [smem:$0x3FAE]  }
0x2a: {  	p0 =	seq.s32 s5, $0x0;
	s5 =	sld [smem:$0x3FAF]  }
0x2b: {  	s6 =	sld [smem:$0x3FB0]  }
0x2c: {  	s7 =	sld [smem:$0x3FB1]  }
0x2d: {  	s3 =	simm.s32 $0x108;
	s8 =	sld [smem:$0x3FB2]  }
0x2e: {  	s3 =	simm.s32 @!p0 $0x1082;
	s9 =	sld [smem:$0x3FB3]  }
0x2f: {  	lr =	sadd.s32 s0, s3;
	s0 =	sld [smem:$0x3FAA]  }
0x30: {  	s3 =	sld [smem:$0x3FAD]  }
0x31: {  	[smem:$0x3FB6] =	sst s10  }
0x32: {  	s10 =	sld [smem:$0x3FB4];
	_ =	sdelay $0x3  }
0x33: {  	p0 =	seq.s32 s10, $0x1;
	s10 =	sld [smem:$0x3FB6];
	_ =	sdelay $0x3  }
0x34: {  	[smem:$0x3FB6] =	sst s10  }
0x35: {  	s10 =	sld [smem:$0x3FB5];
	_ =	sdelay $0x3  }
0x36: {  	p1 =	seq.s32 s10, $0x1;
	s10 =	sld [smem:$0x3FB6];
	_ =	sdelay $0x3  }
0x37: {  	[smem:$0x3FB6] =	sst s10  }
0x38: {  	s10 =	sld [smem:$0x3FB7]  }
0x39: {  	_ = 	snop;
	(pc) =	sbr.ind lr, $3  }
0x3a: {  	_ = 	snop  }
0x3b: {  	_ = 	snop  }
0x3c: {  	p2 =	seq.s32 s10, $0x1;
	s10 =	sld [smem:$0x3FB6]  }
0x3d: {  	_ =	shalt  }
0x3e: {  	_ =	shalt  }
0x3f: {  	_ =	shalt  }
0x40: {  	_ =	shalt  }
0x41: {  	_ =	shalt  }
0x42: {  	_ =	shalt  }
0x43: {  	_ =	shalt  }
0x44: {  	_ =	shalt  }
0x45: {  	_ =	shalt  }
0x46: {  	_ =	shalt  }
0x47: {  	_ =	shalt  }
0x48: {  	_ =	shalt  }
0x49: {  	_ =	shalt  }
0x4a: {  	_ =	shalt  }
0x4b: {  	_ =	shalt  }
0x4c: {  	_ =	shalt  }
0x4d: {  	_ =	shalt  }
0x4e: {  	_ =	shalt  }
0x4f: {  	_ =	shalt  }
0x50: {  	_ =	shalt  }
0x51: {  	_ =	shalt  }
0x52: {  	_ =	shalt  }
0x53: {  	_ =	shalt  }
0x54: {  	_ =	shalt  }
0x55: {  	_ =	shalt  }
0x56: {  	_ =	shalt  }
0x57: {  	_ =	shalt  }
0x58: {  	_ =	shalt  }
0x59: {  	_ =	shalt  }
0x5a: {  	_ =	shalt  }
0x5b: {  	_ =	shalt  }
0x5c: {  	_ =	shalt  }
0x5d: {  	_ =	shalt  }
0x5e: {  	_ =	shalt  }
0x5f: {  	_ =	shalt  }
0x60: {  	_ =	shalt  }
0x61: {  	_ =	shalt  }
0x62: {  	_ =	shalt  }
0x63: {  	_ =	shalt  }
0x64: {  	_ =	shalt  }
0x65: {  	_ =	shalt  }
0x66: {  	_ =	shalt  }
0x67: {  	_ =	shalt  }
0x68: {  	_ =	shalt  }
0x69: {  	_ =	shalt  }
0x6a: {  	_ =	shalt  }
0x6b: {  	_ =	shalt  }
0x6c: {  	_ =	shalt  }
0x6d: {  	_ =	shalt  }
0x6e: {  	_ =	shalt  }
0x6f: {  	_ =	shalt  }
0x70: {  	_ =	shalt  }
0x71: {  	_ =	shalt  }
0x72: {  	_ =	shalt  }
0x73: {  	_ =	shalt  }
0x74: {  	_ =	shalt  }
0x75: {  	_ =	shalt  }
0x76: {  	_ =	shalt  }
0x77: {  	_ =	shalt  }
0x78: {  	_ =	shalt  }
0x79: {  	_ =	shalt  }
0x7a: {  	_ =	shalt  }
0x7b: {  	_ =	shalt  }
0x7c: {  	_ =	shalt  }
0x7d: {  	_ =	shalt  }
0x7e: {  	_ =	shalt  }
0x7f: {  	_ =	shalt  }
0x80: {  	_ =	shalt  }
0x81: {  	_ =	shalt  }
0x82: {  	_ =	shalt  }
0x83: {  	_ =	shalt  }
0x84: {  	_ =	shalt  }
0x85: {  	_ =	shalt  }
0x86: {  	_ =	shalt  }
0x87: {  	_ =	shalt  }
.Lfunc_end0:
.L_simem_size_0:
called_computation.3_lowered:
.L_overlay_start_0:
0x88: {  	s2 =	sld [smem:$0x3FD9]  }
0x89: {  	s3 =	sld [smem:$0x3FFE];
	_ =	sdelay $0x1  }
0x8a: {  	s1 =	srdreg.scid  }
0x8b: {  	s0 =	sand.u32 $0x1, s1  }
0x8c: {  	s17 =	sshll.u32 s0, $0xA;
	s2 =	sadd.s32 s3, s2  }
0x8d: {  	s2 =	sadd.s32 s2, s17  }
0x8e: {  	[smem:$0x3FC2] =	sst s2  }
0x8f: {  	_ = 	snop  }
0x90: {  	s2 =	sld [smem:$0x3FD0];
	(tm) =	ssettm $0x1  }
0x91: {  	s18 =	sld [smem:$0x3FFB];
	_ =	sdelay $0x3  }
0x92: {  	_ =	strace s18  }
0x93: {  	s3 =	sld [smem:$0x3FFC];
	_ =	sdelay $0x3  }
0x94: {  	_ =	strace s3  }
0x95: {  	s3 =	sld [smem:$0x3FFD];
	_ =	sdelay $0x3  }
0x96: {  	_ =	strace s3  }
0x97: {  	_ =	strace $0x8FFFFFFF  }
0x98: {  	s19 =	sld [smem:$0x3FDB];
	_ =	sdelay $0x1  }
0x99: {  	s4 =	simm.s32 $_scs_section_size  }
0x9a: {  	s5 =	simm.s32 $_size__tile_overlayer_lowered;
	s6 =	simm.s32 $_tile_overlayer_lowered  }
0x9b: {  	s22 =	simm.s32 $0x1BFF;
	s21 =	sshll.u32 s6, $0x1;
	s3 =	sadd.s32 s4, s19  }
0x9c: {  	s7 =	simm.s32 $0x0;
	s20 =	sshll.u32 s5, $0x1;
	s5 =	sadd.s32 s21, s3  }
0x9d: {  	[timem:s7], [sflag:s22] =	dma.local [hbm:s5], s20  }
0x9e: {  	_ =	swait.ge [sflag:s22], s20  }
0x9f: {  	s4 =	ssub.s32 $0x0, s20;
	[sflag:s22] =	ssyncset.done $0x0  }
0xa0: {  	[sflag:s22] =	ssyncadd.s32 s4;
	_ =	sdelay $0x1  }
0xa1: {  	s23 =	simm.s32 $0x1B8B  }
0xa2: {  	_ =	swait.ge [sflag:s23], $0x1  }
0xa3: {  	[sflag:s23] =	ssyncset.done $0x0  }
0xa4: {  	s25 =	simm.s32 $0x1B8E;
	s24 =	sld [smem:$0x3FFE];
	[sflag:s23] =	ssyncadd.s32 $0xFFFFFFFF  }
0xa5: {  	s26 =	simm.s32 $execute0_lowered;
	[smem:$0x3FD2] =	sst s25  }
0xa6: {  	s5 =	sshll.u32 s26, $0x1;
	_ =	strace $0x8000004F;
	[dreg:$0x1] =	wrdreg $0xFFFFFFFF  }
0xa7: {  	s28 =	simm.s32 $_size_execute0_lowered;
	s3 =	sadd.s32 s3, s5;
	[dreg:$0x0] =	wrdreg $0x0  }
0xa8: {  	s5 =	sshll.u32 s28, $0x1;
	[dreg:$0x2] =	wrdreg s3  }
0xa9: {  	[dreg:$0x3] =	wrdreg s5  }
0xaa: {  	[dreg:$0x4] =	wrdreg $0xC0  }
0xab: {  	_ =	task [dreg:s7], $0x5FFFF  }
0xac: {  	[dreg:$0x1] =	wrdreg $0xFFFFFFFF  }
0xad: {  	[dreg:$0x0] =	wrdreg $0x60  }
0xae: {  	[dreg:$0x2] =	wrdreg s24  }
0xaf: {  	[dreg:$0x3] =	wrdreg s2  }
0xb0: {  	[dreg:$0x4] =	wrdreg $0x9  }
0xb1: {  	_ =	task.clear_ibuf [dreg:s7], $0x5FFFF;
	_ =	strace $0x9000004F  }
0xb2: {  	s29 =	simm.s32 $0x9;
	_ =	strace $0x80000051  }
0xb3: {  	_ =	swait.ge [sflag:s29], $0x1  }
0xb4: {  	[sflag:s29] =	ssyncadd.s32 $0xFFFFFFFF  }
0xb5: {  	_ =	strace $0x90000051  }
0xb6: {  	_ =	sfence  }
0xb7: {  	s30 =	sld [smem:$0x0];
	_ =	sdelay $0x2  }
0xb8: {  	s31 =	sshll.u32 s1, $0xD;
	s1 =	sshrl.u32 s1, $0x2  }
0xb9: {  	s3 =	sand.u32 $0x4000, s31;
	s1 =	sadd.s32 s1, s30  }
0xba: {  	s0 =	sor.u32 s3, s0;
	s1 =	sshll.u32 s1, $0x11  }
0xbb: {  	s0 =	sor.u32 s1, s0  }
0xbc: {  	s0 =	sadd.s32 $0x8F2B, s0  }
0xbd: {  	[sflag:s0] =	ssyncadd.remote.s32 $0x1  }
0xbe: {  	_ =	sfence.sel $0xFFFF  }
0xbf: {  	[dreg:$0x0] =	wrdreg $0xFFFFFFFF;
	(pc) =	sbr.abs _section_cstart, $3  }
0xc0: {  	[dreg:$0x1] =	wrdreg $0xFFFFFFFF  }
0xc1: {  	_ =	task.clear_ibuf [dreg:s7], $0x2FFFF;
	_ =	strace $0x9FFFFFFF  }
0xc2: {  	(tm) =	ssettm $0x7FFFFFFF  }
0xc3: {  	_ =	shalt  }
tec
execute0_lowered:
.L_overlay_start_1:
0x0: {  	(tag) =	ssettag $0x1  }
0x1: {  	s0 =	rddreg [dreg:$0x0]  }
0x2: {  	s2 =	rddreg [dreg:$0x1];
	s22 =	simm.s32 $0x0  }
0x3: {  	s3 =	srdreg.scid;
	s1 =	stileid.u32;
	s12 =	simm.s32 $0x9  }
0x4: {  	s13 =	simm.s32 $0x80;
	s14 =	simm.s32 $0x4F00;
	s16 =	simm.s32 $0x8F00  }
0x5: {  	s17 =	simm.s32 $0x5F00;
	s28 =	simm.s32 $0xBF00;
	s29 =	simm.s32 $0x1  }
0x6: {  	s30 =	simm.s32 $0x5;
	s31 =	simm.s32 $0x2;
	s15 =	simm.s32 $0x7  }
0x7: {  	s18 =	simm.s32 $0x4;
	[smem:$0x7FF] =	sst s22;
	s5 =	sadd.s32 $0xBA00, s0  }
0x8: {  	s7 =	sadd.s32 $0x1C00, s0;
	s3 =	sand.u32 $0x1, s3;
	s10 =	sshll.u32 s1, $0x4  }
0x9: {  	_ =	strace $0x80000050;
	s6 =	ssub.s32 $0x2, s3;
	s4 =	sshll.u32 s3, $0x4  }
0xa: {  	s3 =	sadd.s32 $0x15800, s0;
	s11 =	sor.u32 $0x9C00, s10;
	s24 =	sadd.s32 s10, s2  }
0xb: {  	s19 =	sshrl.u32 s6, $0x1;
	s8 =	sor.u32 s1, s4;
	s4 =	simm.s32 $0x4F  }
0xc: {  	s21 =	sadd.s32 s5, s11;
	s23 =	sadd.s32 s7, s11;
	s26 =	sadd.s32 $0x9C00, s24  }
0xd: {  	s24 =	simm.s32 $0x0;
	p0 =	slt.u32 s8, $0x4;
	[dreg:$0x4] =	wrdreg s21  }
0xe: {  	s9 =	smul.u32 $0x4E0, s8;
	s0 =	ssub.s32 s6, s19;
	[dreg:$0x5] =	wrdreg s23  }
0xf: {  	[dreg:$0x7] =	wrdreg s26;
	s19 =	simm.s32 $0x9F00;
	s21 =	simm.s32 $0x6F00  }
.Ltmp0:
0x10: {  	s23 =	simm.s32 $0xAF00;
	s4 =	simm.s32 @!p0 $0x4E;
	(pc) =	sbr.rel .LBB2_1-.Ltmp0, $4  }
0x11: {  	s0 =	smax.u32 s0, $0x1;
	p0 =	sgt.u32 s8, $0x3;
	s20 =	sadd.s32 s5, s9  }
0x12: {  	s6 =	sadd.s32 s7, s9;
	s25 =	sadd.s32 s2, s9;
	[dreg:$0x8] =	wrdreg s0  }
0x13: {  	v0 =	vlaneseq.u32;
	s0 =	simm.s32 $0x6;
	s2 =	simm.s32 $0x3;
	[dreg:$0x3] =	wrdreg s20  }
0x14: {  	v1 =	vmul.u32 $0x20, v0;
	[dreg:$0x6] =	wrdreg s25;
	s25 =	simm.s32 $0x7F00;
	s20 =	simm.s32 $0x8  }
.LBB2_23:
0x15: {  	s22 =	simm.s32 $0x0;
	s1 =	rddreg [dreg:$0x6];
	s5 =	simm.s32 $0xCF00  }
0x16: {  	[hbm4b:s1+s22] =	stream.linear.scatter [tilespmem:s5], [sflag:$0x9], $0x2700, $0x38;
	[tilespmem:$0xF680] =	vst v63  }
0x17: {  	_ =	swait.ge [sflag:s12], $0x2700  }
0x18: {  	s1 =	simm.s32 @!p0 $0x0;
	[sflag:s12] =	ssyncset.done $0x0  }
0x19: {  	s5 =	simm.s32 @!p0 $0xF600;
	s7 =	rddreg [dreg:$0x7];
	[sflag:s12] =	ssyncadd.s32 $0xFFFFD900  }
0x1a: {  	[hbm4b:s7+s1] =	stream.linear.scatter @!p0 [tilespmem:s5], [sflag:$0x9], $0x80, $0x38;
	[tilespmem:$0xF680] =	vst v63  }
0x1b: {  	s1 =	simm.s32 @!p0 $0x9  }
0x1c: {  	_ =	swait.ge @!p0 [sflag:s1], $0x80  }
0x1d: {  	s24 =	sadd.s32 $0x1, s24;
	s26 =	rddreg [dreg:$0x8]  }
0x1e: {  	p1 =	sne.s32 s24, s26  }
.Ltmp1:
0x1f: {  	_ = 	snop;
	(pc) =	sbr.rel @!p1 .LBB2_24-.Ltmp1, $3  }
0x20: {  	_ =	sdelay $0x1  }
0x21: {  	[sflag:s1] =	ssyncset.done @!p0 $0x0  }
0x22: {  	[sflag:s1] =	ssyncadd.s32 @!p0 $0xFFFFFF80  }
.LBB2_1:
0x23: {  	s1 =	rddreg [dreg:$0x3]  }
0x24: {  	[tilespmem:s22], [sflag:$0x9] =	stream.linear.gather [hbm4b:s1+s22], $0x2700, $0x38;
	[tilespmem:$0xF680] =	vst v63  }
0x25: {  	_ =	swait.ge [sflag:s12], $0x2700  }
0x26: {  	[sflag:s12] =	ssyncset.done $0x0  }
0x27: {  	s5 =	simm.s32 @p0 $0x0;
	s7 =	simm.s32 @p0 $0x2780;
	[sflag:s12] =	ssyncadd.s32 $0xFFFFD900  }
0x28: {  	[tilespmem:s7], [sflag:$0x9] =	stream.linear.gather @p0 [hbm4b:s6+s5], $0x2700, $0x38;
	[tilespmem:$0xF680] =	vst v63  }
0x29: {  	s5 =	simm.s32 @p0 $0x9  }
0x2a: {  	_ =	swait.ge @p0 [sflag:s5], $0x2700  }
0x2b: {  	s7 =	simm.s32 @!p0 $0x2700;
	[sflag:s5] =	ssyncset.done @p0 $0x0  }
0x2c: {  	s1 =	rddreg [dreg:$0x4];
	[sflag:s5] =	ssyncadd.s32 @p0 $0xFFFFD900;
	s5 =	simm.s32 @!p0 $0x0  }
0x2d: {  	[tilespmem:s7], [sflag:$0x9] =	stream.linear.gather @!p0 [hbm4b:s1+s5], $0x80, $0x38;
	[tilespmem:$0xF680] =	vst v63  }
0x2e: {  	s7 =	simm.s32 @!p0 $0x9  }
0x2f: {  	_ =	swait.ge @!p0 [sflag:s7], $0x80  }
0x30: {  	[sflag:s7] =	ssyncset.done @!p0 $0x0  }
0x31: {  	s8 =	simm.s32 @!p0 $0x2780;
	[sflag:s7] =	ssyncadd.s32 @!p0 $0xFFFFFF80  }
0x32: {  	[tilespmem:s8], [sflag:$0x9] =	stream.linear.gather @!p0 [hbm4b:s6+s5], $0x2700, $0x38;
	[tilespmem:$0xF680] =	vst v63  }
0x33: {  	_ =	swait.ge @!p0 [sflag:s7], $0x2700  }
0x34: {  	[sflag:s7] =	ssyncset.done @!p0 $0x0  }
0x35: {  	s8 =	simm.s32 @!p0 $0x4E80;
	s1 =	rddreg [dreg:$0x5];
	[sflag:s7] =	ssyncadd.s32 @!p0 $0xFFFFD900  }
0x36: {  	[tilespmem:s8], [sflag:$0x9] =	stream.linear.gather @!p0 [hbm4b:s1+s5], $0x80, $0x38;
	[tilespmem:$0xF680] =	vst v63  }
0x37: {  	_ =	swait.ge @!p0 [sflag:s7], $0x80  }
0x38: {  	[sflag:s7] =	ssyncset.done @!p0 $0x0  }
0x39: {  	[sflag:s7] =	ssyncadd.s32 @!p0 $0xFFFFFF80  }
0x3a: {  	[tilespmem:s14], [sflag:$0x1] =	stream.indirect.gather [hbm4b:s3+s13], $0x20, s22, s13, $0xb8;
	[tilespmem:$0xF680] =	vst v63  }
0x3b: {  	s8 =	simm.s32 $0x2780  }
0x3c: {  	[tilespmem:s16], [sflag:$0x5] =	stream.indirect.gather [hbm4b:s3+s13], $0x20, s8, s13, $0xb8;
	[tilespmem:$0xF680] =	vst v63  }
0x3d: {  	_ = 	snop  }
0x3e: {  	[tilespmem:s17], [sflag:$0x2] =	stream.indirect.gather [hbm4b:s3+s13], $0x20, s13, s13, $0xb8;
	[tilespmem:$0xF680] =	vst v63  }
0x3f: {  	s9 =	simm.s32 $0x2800  }
0x40: {  	[tilespmem:s19], [sflag:$0x6] =	stream.indirect.gather [hbm4b:s3+s13], $0x20, s9, s13, $0xb8;
	[tilespmem:$0xF680] =	vst v63  }
0x41: {  	s10 =	simm.s32 $0x100  }
0x42: {  	[tilespmem:s21], [sflag:$0x3] =	stream.indirect.gather [hbm4b:s3+s13], $0x20, s10, s13, $0xb8;
	[tilespmem:$0xF680] =	vst v63  }
0x43: {  	s11 =	simm.s32 $0x2880  }
0x44: {  	[tilespmem:s23], [sflag:$0x7] =	stream.indirect.gather [hbm4b:s3+s13], $0x20, s11, s13, $0xb8;
	[tilespmem:$0xF680] =	vst v63  }
.Ltmp2:
0x45: {  	s22 =	simm.s32 $0x180;
	(pc) =	sbr.rel .LBB2_2-.Ltmp2, $4  }
0x46: {  	[tilespmem:s25], [sflag:$0x4] =	stream.indirect.gather [hbm4b:s3+s13], $0x20, s22, s13, $0xb8;
	[tilespmem:$0xF680] =	vst v63  }
0x47: {  	s26 =	simm.s32 $0x2900  }
0x48: {  	[tilespmem:s28], [sflag:$0x8] =	stream.indirect.gather [hbm4b:s3+s13], $0x20, s26, s13, $0xb8;
	[tilespmem:$0xF680] =	vst v63  }
0x49: {  	s26 =	simm.s32 $0x0  }
.LBB2_22:
0x4a: {  	s26 =	sadd.s32 $0x1, s26  }
0x4b: {  	p1 =	sne.s32 s26, $0x14  }
.Ltmp3:
0x4c: {  	_ = 	snop;
	(pc) =	sbr.rel @!p1 .LBB2_23-.Ltmp3, $1  }
0x4d: {  	_ =	sdelay $0x3  }
.LBB2_2:
0x4e: {  	_ =	swait.ge [sflag:s29], $0x1000  }
0x4f: {  	[sflag:s29] =	ssyncset.done $0x0  }
0x50: {  	s5 =	sshll.u32 s26, $0xB;
	[sflag:s29] =	ssyncadd.s32 $0xFFFFF000  }
0x51: {  	s5 =	sshra.s32 s5, $0x2;
	_ =	swait.ge [sflag:s30], $0x1000  }
0x52: {  	s22 =	sshll.u32 s26, $0x2;
	s8 =	sadd.s32 $0xCF00, s5;
	[sflag:s30] =	ssyncset.done $0x0  }
0x53: {  	s7 =	simm.s32 $0x0;
	v2 =	vmov s8;
	s8 =	simm.s32 $0x0;
	[sflag:s30] =	ssyncadd.s32 $0xFFFFF000  }
.LBB2_3:
0x54: {  	s9 =	sshll.u32 s8, $0x4  }
0x55: {  	v3 =	vmov s9  }
0x56: {  	v4 =	vadd.s32 s7, v0;
	v3 =	vshll.u32 v3, $0x5  }
0x57: {  	s10 =	simm.s32 $0x3;
	v4 =	vand.u32 $0x1F, v4;
	v3 =	vor.u32 v1, v3  }
0x58: {  	v5 =	vadd.s32 s10, v0;
	v4 =	vor.u32 v3, v4  }
0x59: {  	s1 =	simm.s32 $0x2;
	v5 =	vand.u32 $0x1F, v5  }
0x5a: {  	s11 =	simm.s32 $0x1;
	v6 =	vadd.s32 s1, v0;
	v5 =	vor.u32 v3, v5  }
0x5b: {  	v7 =	vadd.s32 s11, v0;
	v6 =	vand.u32 $0x1F, v6  }
0x5c: {  	v7 =	vand.u32 $0x1F, v7;
	v8 =	vor.u32 v3, v6  }
0x5d: {  	v11 =	vor.u32 v3, v7;
	v12 =	vld.idx.msk [tilespmem:v4+s14+$0x0], $0xffff  }
0x5e: {  	v13 =	vld.idx.msk [tilespmem:v4+s16+$0x0], $0xffff  }
0x5f: {  	v7 =	vld.idx.msk [tilespmem:v5+s14+$0x0], $0xffff  }
0x60: {  	s1 =	simm.s32 $0x7;
	v4 =	vld.idx.msk [tilespmem:v5+s16+$0x0], $0xffff  }
0x61: {  	v10 =	vimm.f32 $0.0e+00;
	s11 =	simm.s32 $0x4;
	s10 =	simm.s32 $0x6;
	v14 =	vadd.s32 s1, v0;
	s1 =	simm.s32 $0x5;
	v6 =	vld.idx.msk [tilespmem:v8+s14+$0x0], $0xffff  }
0x62: {  	v15 =	vadd.s32 s10, v0;
	v16 =	vadd.s32 s1, v0;
	v5 =	vadd.s32 s11, v0;
	v18 =	vld.idx.msk [tilespmem:v11+s14+$0x0], $0xffff  }
0x63: {  	v17 =	vand.u32 $0x1F, v14;
	v9 =	vld.idx.msk [tilespmem:v8+s16+$0x0], $0xffff;
	v8 =	vand.u32 $0x1F, v16;
	v5 =	vand.u32 $0x1F, v5  }
0x64: {  	v22 =	vld.idx.msk [tilespmem:v11+s16+$0x0], $0xffff;
	v11 =	vand.u32 $0x1F, v15;
	v14 =	vor.u32 v3, v5;
	v5 =	vor.u32 v3, v8  }
0x65: {  	v8 =	vor.u32 v3, v11;
	v11 =	vor.u32 v3, v17;
	v15 =	vunpack.i.u.bf16.f32 v12  }
0x66: {  	v19 =	vunpack.i.l.bf16.f32 v12;
	v20 =	vunpack.i.u.bf16.f32 v13;
	v21 =	vunpack.i.l.bf16.f32 v13  }
0x67: {  	v12 =	vunpack.i.l.bf16.f32 v7;
	v13 =	vunpack.i.l.bf16.f32 v4;
	v23 =	vunpack.i.l.bf16.f32 v18  }
0x68: {  	v16 =	vunpack.i.l.bf16.f32 v6;
	v17 =	vunpack.i.l.bf16.f32 v9;
	v19 =	vmul.f32 v21, v19  }
0x69: {  	v20 =	vmul.f32 v20, v15;
	v15 =	vunpack.i.l.bf16.f32 v22;
	v21 =	vunpack.i.u.bf16.f32 v18  }
0x6a: {  	s10 =	simm.s32 $0x8;
	v22 =	vunpack.i.u.bf16.f32 v22;
	v18 =	vmul.f32 v15, v23;
	v15 =	vimm.f32 $0.0e+00  }
.LBB2_4:
0x6b: {  	p1 =	slt.u32 s10, $0x1C;
	v23 =	vld.idx.msk [tilespmem:v14+s14+$0x0], $0xffff;
	v10 =	vadd.f32 v19, v10;
	v15 =	vadd.f32 v20, v15;
	v19 =	vmul.f32 v22, v21  }
0x6c: {  	v6 =	vunpack.i.u.bf16.f32 v6;
	v9 =	vunpack.i.u.bf16.f32 v9;
	v20 =	vld.idx.msk [tilespmem:v14+s16+$0x0], $0xffff;
	v14 =	vmul.f32 v17, v16  }
0x6d: {  	v9 =	vmul.f32 v9, v6;
	v16 =	vld.idx.msk [tilespmem:v11+s14+$0x0], $0xffff;
	v10 =	vadd.f32 v18, v10;
	v15 =	vadd.f32 v19, v15  }
0x6e: {  	v7 =	vunpack.i.u.bf16.f32 v7;
	v17 =	vunpack.i.u.bf16.f32 v4;
	v4 =	vld.idx.msk [tilespmem:v11+s16+$0x0], $0xffff;
	v11 =	vmul.f32 v13, v12  }
0x6f: {  	s11 =	sadd.s32 $0x3, s10;
	v7 =	vmul.f32 v17, v7;
	v6 =	vld.idx.msk [tilespmem:v8+s14+$0x0], $0xffff;
	v10 =	vadd.f32 v14, v10;
	v12 =	vadd.f32 v9, v15  }
0x70: {  	s1 =	sadd.s32 $0x2, s10;
	v13 =	vadd.s32 s10, v0;
	v14 =	vadd.s32 s11, v0;
	v9 =	vld.idx.msk [tilespmem:v8+s16+$0x0], $0xffff  }
0x71: {  	s11 =	sadd.s32 $0x1, s10;
	v8 =	vadd.s32 s1, v0;
	v18 =	vld.idx.msk [tilespmem:v5+s14+$0x0], $0xffff;
	v10 =	vadd.f32 v11, v10;
	v15 =	vadd.f32 v7, v12  }
0x72: {  	v13 =	vand.u32 $0x1F, v13;
	v11 =	vadd.s32 s11, v0;
	v12 =	vand.u32 $0x1F, v14;
	v22 =	vld.idx.msk [tilespmem:v5+s16+$0x0], $0xffff  }
0x73: {  	v14 =	vor.u32 v3, v13;
	v8 =	vand.u32 $0x1F, v8;
	v5 =	vand.u32 $0x1F, v11;
	v7 =	vmovc v16  }
0x74: {  	v8 =	vor.u32 v3, v8;
	v11 =	vor.u32 v3, v12;
	v5 =	vor.u32 v3, v5  }
.Ltmp4:
0x75: {  	v21 =	vunpack.i.u.bf16.f32 v23;
	v19 =	vunpack.i.l.bf16.f32 v23;
	v23 =	vunpack.i.u.bf16.f32 v20;
	(pc) =	sbr.rel @p1 .LBB2_4-.Ltmp4, $4  }
0x76: {  	v20 =	vunpack.i.l.bf16.f32 v20;
	v12 =	vunpack.i.l.bf16.f32 v7;
	v13 =	vunpack.i.l.bf16.f32 v4  }
0x77: {  	v16 =	vunpack.i.l.bf16.f32 v6;
	v17 =	vunpack.i.l.bf16.f32 v9;
	v24 =	vunpack.i.l.bf16.f32 v18  }
0x78: {  	v19 =	vmul.f32 v20, v19;
	v20 =	vmul.f32 v23, v21;
	v23 =	vunpack.i.l.bf16.f32 v22  }
0x79: {  	s10 =	sadd.s32 $0x4, s10;
	v21 =	vunpack.i.u.bf16.f32 v18;
	v22 =	vunpack.i.u.bf16.f32 v22;
	v18 =	vmul.f32 v23, v24  }
0x7a: {  	_ =	sdelay $0x3  }
0x7b: {  	v3 =	vld.idx.msk [tilespmem:v14+s14+$0x0], $0xffff  }
0x7c: {  	v39 =	vld.idx.msk [tilespmem:v14+s16+$0x0], $0xffff  }
0x7d: {  	v41 =	vld.idx.msk [tilespmem:v11+s14+$0x0], $0xffff  }
0x7e: {  	v42 =	vld.idx.msk [tilespmem:v11+s16+$0x0], $0xffff  }
0x7f: {  	v10 =	vadd.f32 v19, v10;
	v15 =	vadd.f32 v20, v15;
	v43 =	vld.idx.msk [tilespmem:v8+s14+$0x0], $0xffff  }
0x80: {  	v40 =	vmul.f32 v22, v21;
	v6 =	vunpack.i.u.bf16.f32 v6;
	v9 =	vunpack.i.u.bf16.f32 v9;
	v44 =	vld.idx.msk [tilespmem:v8+s16+$0x0], $0xffff  }
0x81: {  	v16 =	vmul.f32 v17, v16;
	v7 =	vunpack.i.u.bf16.f32 v7;
	v45 =	vld.idx.msk [tilespmem:v5+s14+$0x0], $0xffff;
	v10 =	vadd.f32 v18, v10  }
0x82: {  	v4 =	vunpack.i.u.bf16.f32 v4;
	v46 =	vld.idx.msk [tilespmem:v5+s16+$0x0], $0xffff;
	v6 =	vmul.f32 v9, v6;
	v15 =	vadd.f32 v40, v15  }
0x83: {  	v12 =	vmul.f32 v13, v12;
	v4 =	vmul.f32 v4, v7;
	v10 =	vadd.f32 v16, v10  }
0x84: {  	v6 =	vadd.f32 v6, v15;
	v47 =	vunpack.i.u.bf16.f32 v3;
	v3 =	vunpack.i.l.bf16.f32 v3  }
0x85: {  	v48 =	vunpack.i.u.bf16.f32 v39;
	v49 =	vunpack.i.l.bf16.f32 v39;
	v50 =	vunpack.i.l.bf16.f32 v41  }
0x86: {  	v51 =	vunpack.i.l.bf16.f32 v42;
	v52 =	vunpack.i.l.bf16.f32 v45;
	v53 =	vunpack.i.l.bf16.f32 v43  }
0x87: {  	v54 =	vunpack.i.l.bf16.f32 v44;
	v55 =	vunpack.i.l.bf16.f32 v46;
	v10 =	vadd.f32 v12, v10  }
0x88: {  	v4 =	vadd.f32 v4, v6;
	v3 =	vmul.f32 v49, v3;
	v6 =	vmul.f32 v48, v47  }
0x89: {  	v7 =	vunpack.i.u.bf16.f32 v45;
	v5 =	vunpack.i.u.bf16.f32 v46;
	v12 =	vmul.f32 v55, v52  }
0x8a: {  	v5 =	vmul.f32 v5, v7;
	v3 =	vadd.f32 v3, v10;
	v4 =	vadd.f32 v6, v4  }
0x8b: {  	v56 =	vunpack.i.u.bf16.f32 v43;
	v57 =	vunpack.i.u.bf16.f32 v44;
	v58 =	vmul.f32 v54, v53  }
0x8c: {  	v59 =	vmul.f32 v57, v56;
	v3 =	vadd.f32 v12, v3;
	v4 =	vadd.f32 v5, v4  }
0x8d: {  	v60 =	vunpack.i.u.bf16.f32 v41;
	v61 =	vunpack.i.u.bf16.f32 v42;
	v62 =	vmul.f32 v51, v50  }
0x8e: {  	s8 =	sadd.s32 $0x1, s8;
	v63 =	vmul.f32 v61, v60;
	v3 =	vadd.f32 v58, v3;
	v4 =	vadd.f32 v59, v4  }
0x8f: {  	p1 =	sne.s32 s8, $0x8  }
.Ltmp5:
0x90: {  	v3 =	vadd.f32 v62, v3;
	v4 =	vadd.f32 v63, v4;
	(pc) =	sbr.rel @p1 .LBB2_3-.Ltmp5, $3  }
0x91: {  	_ = 	snop  }
0x92: {  	v3 =	vadd.f32 v4, v3;
	_ =	sdelay $0x1  }
0x93: {  	[tilespmem:v2+s9+$0x0 ss:$0x1] =	vst.idx.msk $0xffff, v3  }
0x94: {  	s1 =	sadd.s32 $0x4, s22  }
0x95: {  	p1 =	sge.u32 s1, s4  }
0x96: {  	s1 =	sshll.u32 @!p1 s1, $0x7;
	s7 =	simm.s32 @!p1 $0x80;
	s8 =	simm.s32 @!p1 $0x4F00  }
0x97: {  	[tilespmem:s8], [sflag:$0x1] =	stream.indirect.gather @!p1 [hbm4b:s3+s7], $0x20, s1, s7, $0xb8;
	[tilespmem:$0xF680] =	vst v63  }
0x98: {  	s1 =	sadd.s32 @!p1 $0x2780, s1;
	s8 =	simm.s32 @!p1 $0x8F00  }
0x99: {  	[tilespmem:s8], [sflag:$0x5] =	stream.indirect.gather @!p1 [hbm4b:s3+s7], $0x20, s1, s7, $0xb8;
	[tilespmem:$0xF680] =	vst v63  }
0x9a: {  	_ =	swait.ge [sflag:s31], $0x1000  }
0x9b: {  	[sflag:s31] =	ssyncset.done $0x0  }
0x9c: {  	[sflag:s31] =	ssyncadd.s32 $0xFFFFF000  }
0x9d: {  	_ =	swait.ge [sflag:s0], $0x1000  }
0x9e: {  	s11 =	sadd.s32 $0xCF80, s5;
	[sflag:s0] =	ssyncset.done $0x0  }
0x9f: {  	s5 =	simm.s32 $0x0;
	v2 =	vmov s11;
	s7 =	simm.s32 $0x0;
	[sflag:s0] =	ssyncadd.s32 $0xFFFFF000  }
.LBB2_7:
0xa0: {  	s8 =	sshll.u32 s7, $0x4  }
0xa1: {  	v3 =	vmov s8  }
0xa2: {  	v4 =	vadd.s32 s5, v0;
	v3 =	vshll.u32 v3, $0x5  }
0xa3: {  	s1 =	simm.s32 $0x3;
	v4 =	vand.u32 $0x1F, v4;
	v3 =	vor.u32 v1, v3  }
0xa4: {  	v5 =	vadd.s32 s1, v0;
	v4 =	vor.u32 v3, v4  }
0xa5: {  	s11 =	simm.s32 $0x2;
	v5 =	vand.u32 $0x1F, v5  }
0xa6: {  	s9 =	simm.s32 $0x1;
	v6 =	vadd.s32 s11, v0;
	v5 =	vor.u32 v3, v5  }
0xa7: {  	v7 =	vadd.s32 s9, v0;
	v6 =	vand.u32 $0x1F, v6  }
0xa8: {  	v7 =	vand.u32 $0x1F, v7;
	v8 =	vor.u32 v3, v6  }
0xa9: {  	v11 =	vor.u32 v3, v7;
	v12 =	vld.idx.msk [tilespmem:v4+s17+$0x0], $0xffff  }
0xaa: {  	v13 =	vld.idx.msk [tilespmem:v4+s19+$0x0], $0xffff  }
0xab: {  	v7 =	vld.idx.msk [tilespmem:v5+s17+$0x0], $0xffff  }
0xac: {  	s11 =	simm.s32 $0x7;
	v4 =	vld.idx.msk [tilespmem:v5+s19+$0x0], $0xffff  }
0xad: {  	s10 =	simm.s32 $0x4;
	v10 =	vimm.f32 $0.0e+00;
	v14 =	vadd.s32 s11, v0;
	s11 =	simm.s32 $0x5;
	v6 =	vld.idx.msk [tilespmem:v8+s17+$0x0], $0xffff  }
0xae: {  	v16 =	vadd.s32 s11, v0;
	v17 =	vand.u32 $0x1F, v14;
	v5 =	vadd.s32 s10, v0;
	s10 =	simm.s32 $0x6;
	v18 =	vld.idx.msk [tilespmem:v11+s17+$0x0], $0xffff  }
0xaf: {  	v9 =	vld.idx.msk [tilespmem:v8+s19+$0x0], $0xffff;
	v8 =	vand.u32 $0x1F, v16;
	v15 =	vadd.s32 s10, v0;
	v5 =	vand.u32 $0x1F, v5  }
0xb0: {  	v22 =	vld.idx.msk [tilespmem:v11+s19+$0x0], $0xffff;
	v14 =	vor.u32 v3, v5;
	v11 =	vand.u32 $0x1F, v15;
	v5 =	vor.u32 v3, v8  }
0xb1: {  	v8 =	vor.u32 v3, v11;
	v11 =	vor.u32 v3, v17;
	v15 =	vunpack.i.u.bf16.f32 v12  }
0xb2: {  	v19 =	vunpack.i.l.bf16.f32 v12;
	v20 =	vunpack.i.u.bf16.f32 v13;
	v21 =	vunpack.i.l.bf16.f32 v13  }
0xb3: {  	v12 =	vunpack.i.l.bf16.f32 v7;
	v13 =	vunpack.i.l.bf16.f32 v4;
	v23 =	vunpack.i.l.bf16.f32 v18  }
0xb4: {  	v16 =	vunpack.i.l.bf16.f32 v6;
	v17 =	vunpack.i.l.bf16.f32 v9;
	v19 =	vmul.f32 v21, v19  }
0xb5: {  	v20 =	vmul.f32 v20, v15;
	v15 =	vunpack.i.l.bf16.f32 v22;
	v21 =	vunpack.i.u.bf16.f32 v18  }
0xb6: {  	s9 =	simm.s32 $0x8;
	v22 =	vunpack.i.u.bf16.f32 v22;
	v18 =	vmul.f32 v15, v23;
	v15 =	vimm.f32 $0.0e+00  }
.LBB2_8:
0xb7: {  	p1 =	slt.u32 s9, $0x1C;
	v23 =	vld.idx.msk [tilespmem:v14+s17+$0x0], $0xffff;
	v10 =	vadd.f32 v19, v10;
	v15 =	vadd.f32 v20, v15;
	v19 =	vmul.f32 v22, v21  }
0xb8: {  	v6 =	vunpack.i.u.bf16.f32 v6;
	v9 =	vunpack.i.u.bf16.f32 v9;
	v20 =	vld.idx.msk [tilespmem:v14+s19+$0x0], $0xffff;
	v14 =	vmul.f32 v17, v16  }
0xb9: {  	v9 =	vmul.f32 v9, v6;
	v16 =	vld.idx.msk [tilespmem:v11+s17+$0x0], $0xffff;
	v10 =	vadd.f32 v18, v10;
	v15 =	vadd.f32 v19, v15  }
0xba: {  	v7 =	vunpack.i.u.bf16.f32 v7;
	v17 =	vunpack.i.u.bf16.f32 v4;
	v4 =	vld.idx.msk [tilespmem:v11+s19+$0x0], $0xffff;
	v11 =	vmul.f32 v13, v12  }
0xbb: {  	s1 =	sadd.s32 $0x3, s9;
	v7 =	vmul.f32 v17, v7;
	v6 =	vld.idx.msk [tilespmem:v8+s17+$0x0], $0xffff;
	v10 =	vadd.f32 v14, v10;
	v12 =	vadd.f32 v9, v15  }
0xbc: {  	s10 =	sadd.s32 $0x2, s9;
	v13 =	vadd.s32 s9, v0;
	v14 =	vadd.s32 s1, v0;
	v9 =	vld.idx.msk [tilespmem:v8+s19+$0x0], $0xffff  }
0xbd: {  	s1 =	sadd.s32 $0x1, s9;
	v8 =	vadd.s32 s10, v0;
	v18 =	vld.idx.msk [tilespmem:v5+s17+$0x0], $0xffff;
	v10 =	vadd.f32 v11, v10;
	v15 =	vadd.f32 v7, v12  }
0xbe: {  	v13 =	vand.u32 $0x1F, v13;
	v11 =	vadd.s32 s1, v0;
	v12 =	vand.u32 $0x1F, v14;
	v22 =	vld.idx.msk [tilespmem:v5+s19+$0x0], $0xffff  }
0xbf: {  	v14 =	vor.u32 v3, v13;
	v8 =	vand.u32 $0x1F, v8;
	v5 =	vand.u32 $0x1F, v11;
	v7 =	vmovc v16  }
0xc0: {  	v8 =	vor.u32 v3, v8;
	v11 =	vor.u32 v3, v12;
	v5 =	vor.u32 v3, v5  }
.Ltmp6:
0xc1: {  	v21 =	vunpack.i.u.bf16.f32 v23;
	v19 =	vunpack.i.l.bf16.f32 v23;
	v23 =	vunpack.i.u.bf16.f32 v20;
	(pc) =	sbr.rel @p1 .LBB2_8-.Ltmp6, $4  }
0xc2: {  	v20 =	vunpack.i.l.bf16.f32 v20;
	v12 =	vunpack.i.l.bf16.f32 v7;
	v13 =	vunpack.i.l.bf16.f32 v4  }
0xc3: {  	v16 =	vunpack.i.l.bf16.f32 v6;
	v17 =	vunpack.i.l.bf16.f32 v9;
	v24 =	vunpack.i.l.bf16.f32 v18  }
0xc4: {  	v19 =	vmul.f32 v20, v19;
	v20 =	vmul.f32 v23, v21;
	v23 =	vunpack.i.l.bf16.f32 v22  }
0xc5: {  	s9 =	sadd.s32 $0x4, s9;
	v21 =	vunpack.i.u.bf16.f32 v18;
	v22 =	vunpack.i.u.bf16.f32 v22;
	v18 =	vmul.f32 v23, v24  }
0xc6: {  	_ =	sdelay $0x3  }
0xc7: {  	v3 =	vld.idx.msk [tilespmem:v14+s17+$0x0], $0xffff  }
0xc8: {  	v39 =	vld.idx.msk [tilespmem:v14+s19+$0x0], $0xffff  }
0xc9: {  	v41 =	vld.idx.msk [tilespmem:v11+s17+$0x0], $0xffff  }
0xca: {  	v42 =	vld.idx.msk [tilespmem:v11+s19+$0x0], $0xffff  }
0xcb: {  	v10 =	vadd.f32 v19, v10;
	v15 =	vadd.f32 v20, v15;
	v43 =	vld.idx.msk [tilespmem:v8+s17+$0x0], $0xffff  }
0xcc: {  	v40 =	vmul.f32 v22, v21;
	v6 =	vunpack.i.u.bf16.f32 v6;
	v9 =	vunpack.i.u.bf16.f32 v9;
	v44 =	vld.idx.msk [tilespmem:v8+s19+$0x0], $0xffff  }
0xcd: {  	v16 =	vmul.f32 v17, v16;
	v7 =	vunpack.i.u.bf16.f32 v7;
	v45 =	vld.idx.msk [tilespmem:v5+s17+$0x0], $0xffff;
	v10 =	vadd.f32 v18, v10  }
0xce: {  	v4 =	vunpack.i.u.bf16.f32 v4;
	v46 =	vld.idx.msk [tilespmem:v5+s19+$0x0], $0xffff;
	v6 =	vmul.f32 v9, v6;
	v15 =	vadd.f32 v40, v15  }
0xcf: {  	v12 =	vmul.f32 v13, v12;
	v4 =	vmul.f32 v4, v7;
	v10 =	vadd.f32 v16, v10  }
0xd0: {  	v6 =	vadd.f32 v6, v15;
	v47 =	vunpack.i.u.bf16.f32 v3;
	v3 =	vunpack.i.l.bf16.f32 v3  }
0xd1: {  	v48 =	vunpack.i.u.bf16.f32 v39;
	v49 =	vunpack.i.l.bf16.f32 v39;
	v50 =	vunpack.i.l.bf16.f32 v41  }
0xd2: {  	v51 =	vunpack.i.l.bf16.f32 v42;
	v52 =	vunpack.i.l.bf16.f32 v45;
	v53 =	vunpack.i.l.bf16.f32 v43  }
0xd3: {  	v54 =	vunpack.i.l.bf16.f32 v44;
	v55 =	vunpack.i.l.bf16.f32 v46;
	v10 =	vadd.f32 v12, v10  }
0xd4: {  	v4 =	vadd.f32 v4, v6;
	v3 =	vmul.f32 v49, v3;
	v6 =	vmul.f32 v48, v47  }
0xd5: {  	v7 =	vunpack.i.u.bf16.f32 v45;
	v5 =	vunpack.i.u.bf16.f32 v46;
	v12 =	vmul.f32 v55, v52  }
0xd6: {  	v5 =	vmul.f32 v5, v7;
	v3 =	vadd.f32 v3, v10;
	v4 =	vadd.f32 v6, v4  }
0xd7: {  	v56 =	vunpack.i.u.bf16.f32 v43;
	v57 =	vunpack.i.u.bf16.f32 v44;
	v58 =	vmul.f32 v54, v53  }
0xd8: {  	v59 =	vmul.f32 v57, v56;
	v3 =	vadd.f32 v12, v3;
	v4 =	vadd.f32 v5, v4  }
0xd9: {  	v60 =	vunpack.i.u.bf16.f32 v41;
	v61 =	vunpack.i.u.bf16.f32 v42;
	v62 =	vmul.f32 v51, v50  }
0xda: {  	s7 =	sadd.s32 $0x1, s7;
	v63 =	vmul.f32 v61, v60;
	v3 =	vadd.f32 v58, v3;
	v4 =	vadd.f32 v59, v4  }
0xdb: {  	p1 =	sne.s32 s7, $0x8  }
.Ltmp7:
0xdc: {  	v3 =	vadd.f32 v62, v3;
	v4 =	vadd.f32 v63, v4;
	(pc) =	sbr.rel @p1 .LBB2_7-.Ltmp7, $3  }
0xdd: {  	_ = 	snop  }
0xde: {  	v3 =	vadd.f32 v4, v3;
	_ =	sdelay $0x1  }
0xdf: {  	[tilespmem:v2+s8+$0x0 ss:$0x1] =	vst.idx.msk $0xffff, v3  }
0xe0: {  	s1 =	sadd.s32 $0x5, s22  }
0xe1: {  	p1 =	sge.u32 s1, s4  }
0xe2: {  	s1 =	sshll.u32 @!p1 s1, $0x7;
	s5 =	simm.s32 @!p1 $0x80;
	s7 =	simm.s32 @!p1 $0x5F00  }
0xe3: {  	[tilespmem:s7], [sflag:$0x2] =	stream.indirect.gather @!p1 [hbm4b:s3+s5], $0x20, s1, s5, $0xb8;
	[tilespmem:$0xF680] =	vst v63  }
0xe4: {  	s1 =	sadd.s32 @!p1 $0x2780, s1;
	s7 =	simm.s32 @!p1 $0x9F00  }
0xe5: {  	[tilespmem:s7], [sflag:$0x6] =	stream.indirect.gather @!p1 [hbm4b:s3+s5], $0x20, s1, s5, $0xb8;
	[tilespmem:$0xF680] =	vst v63  }
0xe6: {  	s5 =	sor.u32 $0x2, s22  }
0xe7: {  	p1 =	sge.u32 s5, s4  }
.Ltmp8:
0xe8: {  	_ = 	snop;
	(pc) =	sbr.rel @p1 .LBB2_16-.Ltmp8, $1  }
0xe9: {  	_ =	sdelay $0x3  }
0xea: {  	_ =	swait.ge [sflag:s2], $0x1000  }
0xeb: {  	[sflag:s2] =	ssyncset.done $0x0  }
0xec: {  	s1 =	sshll.u32 s5, $0x7;
	[sflag:s2] =	ssyncadd.s32 $0xFFFFF000  }
0xed: {  	s1 =	sand.u32 $0x3FFFFF80, s1;
	_ =	swait.ge [sflag:s15], $0x1000  }
0xee: {  	s1 =	sadd.s32 $0xCF00, s1;
	[sflag:s15] =	ssyncset.done $0x0  }
0xef: {  	s5 =	simm.s32 $0x0;
	s7 =	simm.s32 $0x0;
	v2 =	vmov s1;
	[sflag:s15] =	ssyncadd.s32 $0xFFFFF000  }
.LBB2_12:
0xf0: {  	s8 =	sshll.u32 s7, $0x4  }
0xf1: {  	v3 =	vmov s8  }
0xf2: {  	v4 =	vadd.s32 s5, v0;
	v3 =	vshll.u32 v3, $0x5  }
0xf3: {  	s1 =	simm.s32 $0x3;
	v4 =	vand.u32 $0x1F, v4;
	v3 =	vor.u32 v1, v3  }
0xf4: {  	v5 =	vadd.s32 s1, v0;
	v4 =	vor.u32 v3, v4  }
0xf5: {  	s11 =	simm.s32 $0x2;
	v5 =	vand.u32 $0x1F, v5  }
0xf6: {  	s9 =	simm.s32 $0x1;
	v6 =	vadd.s32 s11, v0;
	v5 =	vor.u32 v3, v5  }
0xf7: {  	v7 =	vadd.s32 s9, v0;
	v6 =	vand.u32 $0x1F, v6  }
0xf8: {  	v7 =	vand.u32 $0x1F, v7;
	v8 =	vor.u32 v3, v6  }
0xf9: {  	v11 =	vor.u32 v3, v7;
	v12 =	vld.idx.msk [tilespmem:v4+s21+$0x0], $0xffff  }
0xfa: {  	v13 =	vld.idx.msk [tilespmem:v4+s23+$0x0], $0xffff  }
0xfb: {  	v7 =	vld.idx.msk [tilespmem:v5+s21+$0x0], $0xffff  }
0xfc: {  	s11 =	simm.s32 $0x7;
	v4 =	vld.idx.msk [tilespmem:v5+s23+$0x0], $0xffff  }
0xfd: {  	s10 =	simm.s32 $0x4;
	v10 =	vimm.f32 $0.0e+00;
	v14 =	vadd.s32 s11, v0;
	s11 =	simm.s32 $0x5;
	v6 =	vld.idx.msk [tilespmem:v8+s21+$0x0], $0xffff  }
0xfe: {  	v16 =	vadd.s32 s11, v0;
	v17 =	vand.u32 $0x1F, v14;
	v5 =	vadd.s32 s10, v0;
	s10 =	simm.s32 $0x6;
	v18 =	vld.idx.msk [tilespmem:v11+s21+$0x0], $0xffff  }
0xff: {  	v9 =	vld.idx.msk [tilespmem:v8+s23+$0x0], $0xffff;
	v8 =	vand.u32 $0x1F, v16;
	v15 =	vadd.s32 s10, v0;
	v5 =	vand.u32 $0x1F, v5  }
0x100: {  	v22 =	vld.idx.msk [tilespmem:v11+s23+$0x0], $0xffff;
	v14 =	vor.u32 v3, v5;
	v11 =	vand.u32 $0x1F, v15;
	v5 =	vor.u32 v3, v8  }
0x101: {  	v8 =	vor.u32 v3, v11;
	v11 =	vor.u32 v3, v17;
	v15 =	vunpack.i.u.bf16.f32 v12  }
0x102: {  	v19 =	vunpack.i.l.bf16.f32 v12;
	v20 =	vunpack.i.u.bf16.f32 v13;
	v21 =	vunpack.i.l.bf16.f32 v13  }
0x103: {  	v12 =	vunpack.i.l.bf16.f32 v7;
	v13 =	vunpack.i.l.bf16.f32 v4;
	v23 =	vunpack.i.l.bf16.f32 v18  }
0x104: {  	v16 =	vunpack.i.l.bf16.f32 v6;
	v17 =	vunpack.i.l.bf16.f32 v9;
	v19 =	vmul.f32 v21, v19  }
0x105: {  	v20 =	vmul.f32 v20, v15;
	v15 =	vunpack.i.l.bf16.f32 v22;
	v21 =	vunpack.i.u.bf16.f32 v18  }
0x106: {  	s9 =	simm.s32 $0x8;
	v22 =	vunpack.i.u.bf16.f32 v22;
	v18 =	vmul.f32 v15, v23;
	v15 =	vimm.f32 $0.0e+00  }
.LBB2_13:
0x107: {  	p1 =	slt.u32 s9, $0x1C;
	v23 =	vld.idx.msk [tilespmem:v14+s21+$0x0], $0xffff;
	v10 =	vadd.f32 v19, v10;
	v15 =	vadd.f32 v20, v15;
	v19 =	vmul.f32 v22, v21  }
0x108: {  	v6 =	vunpack.i.u.bf16.f32 v6;
	v9 =	vunpack.i.u.bf16.f32 v9;
	v20 =	vld.idx.msk [tilespmem:v14+s23+$0x0], $0xffff;
	v14 =	vmul.f32 v17, v16  }
0x109: {  	v9 =	vmul.f32 v9, v6;
	v16 =	vld.idx.msk [tilespmem:v11+s21+$0x0], $0xffff;
	v10 =	vadd.f32 v18, v10;
	v15 =	vadd.f32 v19, v15  }
0x10a: {  	v7 =	vunpack.i.u.bf16.f32 v7;
	v17 =	vunpack.i.u.bf16.f32 v4;
	v4 =	vld.idx.msk [tilespmem:v11+s23+$0x0], $0xffff;
	v11 =	vmul.f32 v13, v12  }
0x10b: {  	s1 =	sadd.s32 $0x3, s9;
	v7 =	vmul.f32 v17, v7;
	v6 =	vld.idx.msk [tilespmem:v8+s21+$0x0], $0xffff;
	v10 =	vadd.f32 v14, v10;
	v12 =	vadd.f32 v9, v15  }
0x10c: {  	s10 =	sadd.s32 $0x2, s9;
	v13 =	vadd.s32 s9, v0;
	v14 =	vadd.s32 s1, v0;
	v9 =	vld.idx.msk [tilespmem:v8+s23+$0x0], $0xffff  }
0x10d: {  	s1 =	sadd.s32 $0x1, s9;
	v8 =	vadd.s32 s10, v0;
	v18 =	vld.idx.msk [tilespmem:v5+s21+$0x0], $0xffff;
	v10 =	vadd.f32 v11, v10;
	v15 =	vadd.f32 v7, v12  }
0x10e: {  	v13 =	vand.u32 $0x1F, v13;
	v11 =	vadd.s32 s1, v0;
	v12 =	vand.u32 $0x1F, v14;
	v22 =	vld.idx.msk [tilespmem:v5+s23+$0x0], $0xffff  }
0x10f: {  	v14 =	vor.u32 v3, v13;
	v8 =	vand.u32 $0x1F, v8;
	v5 =	vand.u32 $0x1F, v11;
	v7 =	vmovc v16  }
0x110: {  	v8 =	vor.u32 v3, v8;
	v11 =	vor.u32 v3, v12;
	v5 =	vor.u32 v3, v5  }
.Ltmp9:
0x111: {  	v21 =	vunpack.i.u.bf16.f32 v23;
	v19 =	vunpack.i.l.bf16.f32 v23;
	v23 =	vunpack.i.u.bf16.f32 v20;
	(pc) =	sbr.rel @p1 .LBB2_13-.Ltmp9, $4  }
0x112: {  	v20 =	vunpack.i.l.bf16.f32 v20;
	v12 =	vunpack.i.l.bf16.f32 v7;
	v13 =	vunpack.i.l.bf16.f32 v4  }
0x113: {  	v16 =	vunpack.i.l.bf16.f32 v6;
	v17 =	vunpack.i.l.bf16.f32 v9;
	v24 =	vunpack.i.l.bf16.f32 v18  }
0x114: {  	v19 =	vmul.f32 v20, v19;
	v20 =	vmul.f32 v23, v21;
	v23 =	vunpack.i.l.bf16.f32 v22  }
0x115: {  	s9 =	sadd.s32 $0x4, s9;
	v21 =	vunpack.i.u.bf16.f32 v18;
	v22 =	vunpack.i.u.bf16.f32 v22;
	v18 =	vmul.f32 v23, v24  }
0x116: {  	_ =	sdelay $0x3  }
0x117: {  	v3 =	vld.idx.msk [tilespmem:v14+s21+$0x0], $0xffff  }
0x118: {  	v39 =	vld.idx.msk [tilespmem:v14+s23+$0x0], $0xffff  }
0x119: {  	v41 =	vld.idx.msk [tilespmem:v11+s21+$0x0], $0xffff  }
0x11a: {  	v42 =	vld.idx.msk [tilespmem:v11+s23+$0x0], $0xffff  }
0x11b: {  	v10 =	vadd.f32 v19, v10;
	v15 =	vadd.f32 v20, v15;
	v43 =	vld.idx.msk [tilespmem:v8+s21+$0x0], $0xffff  }
0x11c: {  	v40 =	vmul.f32 v22, v21;
	v6 =	vunpack.i.u.bf16.f32 v6;
	v9 =	vunpack.i.u.bf16.f32 v9;
	v44 =	vld.idx.msk [tilespmem:v8+s23+$0x0], $0xffff  }
0x11d: {  	v16 =	vmul.f32 v17, v16;
	v7 =	vunpack.i.u.bf16.f32 v7;
	v45 =	vld.idx.msk [tilespmem:v5+s21+$0x0], $0xffff;
	v10 =	vadd.f32 v18, v10  }
0x11e: {  	v4 =	vunpack.i.u.bf16.f32 v4;
	v46 =	vld.idx.msk [tilespmem:v5+s23+$0x0], $0xffff;
	v6 =	vmul.f32 v9, v6;
	v15 =	vadd.f32 v40, v15  }
0x11f: {  	v12 =	vmul.f32 v13, v12;
	v4 =	vmul.f32 v4, v7;
	v10 =	vadd.f32 v16, v10  }
0x120: {  	v6 =	vadd.f32 v6, v15;
	v47 =	vunpack.i.u.bf16.f32 v3;
	v3 =	vunpack.i.l.bf16.f32 v3  }
0x121: {  	v48 =	vunpack.i.u.bf16.f32 v39;
	v49 =	vunpack.i.l.bf16.f32 v39;
	v50 =	vunpack.i.l.bf16.f32 v41  }
0x122: {  	v51 =	vunpack.i.l.bf16.f32 v42;
	v52 =	vunpack.i.l.bf16.f32 v45;
	v53 =	vunpack.i.l.bf16.f32 v43  }
0x123: {  	v54 =	vunpack.i.l.bf16.f32 v44;
	v55 =	vunpack.i.l.bf16.f32 v46;
	v10 =	vadd.f32 v12, v10  }
0x124: {  	v4 =	vadd.f32 v4, v6;
	v3 =	vmul.f32 v49, v3;
	v6 =	vmul.f32 v48, v47  }
0x125: {  	v7 =	vunpack.i.u.bf16.f32 v45;
	v5 =	vunpack.i.u.bf16.f32 v46;
	v12 =	vmul.f32 v55, v52  }
0x126: {  	v5 =	vmul.f32 v5, v7;
	v3 =	vadd.f32 v3, v10;
	v4 =	vadd.f32 v6, v4  }
0x127: {  	v56 =	vunpack.i.u.bf16.f32 v43;
	v57 =	vunpack.i.u.bf16.f32 v44;
	v58 =	vmul.f32 v54, v53  }
0x128: {  	v59 =	vmul.f32 v57, v56;
	v3 =	vadd.f32 v12, v3;
	v4 =	vadd.f32 v5, v4  }
0x129: {  	v60 =	vunpack.i.u.bf16.f32 v41;
	v61 =	vunpack.i.u.bf16.f32 v42;
	v62 =	vmul.f32 v51, v50  }
0x12a: {  	s7 =	sadd.s32 $0x1, s7;
	v63 =	vmul.f32 v61, v60;
	v3 =	vadd.f32 v58, v3;
	v4 =	vadd.f32 v59, v4  }
0x12b: {  	p1 =	sne.s32 s7, $0x8  }
.Ltmp10:
0x12c: {  	v3 =	vadd.f32 v62, v3;
	v4 =	vadd.f32 v63, v4;
	(pc) =	sbr.rel @p1 .LBB2_12-.Ltmp10, $3  }
0x12d: {  	_ = 	snop  }
0x12e: {  	v3 =	vadd.f32 v4, v3;
	_ =	sdelay $0x1  }
0x12f: {  	[tilespmem:v2+s8+$0x0 ss:$0x1] =	vst.idx.msk $0xffff, v3  }
0x130: {  	s1 =	sadd.s32 $0x6, s22  }
0x131: {  	p1 =	sge.u32 s1, s4  }
0x132: {  	s1 =	sshll.u32 @!p1 s1, $0x7;
	s5 =	simm.s32 @!p1 $0x80;
	s7 =	simm.s32 @!p1 $0x6F00  }
0x133: {  	[tilespmem:s7], [sflag:$0x3] =	stream.indirect.gather @!p1 [hbm4b:s3+s5], $0x20, s1, s5, $0xb8;
	[tilespmem:$0xF680] =	vst v63  }
0x134: {  	s1 =	sadd.s32 @!p1 $0x2780, s1;
	s7 =	simm.s32 @!p1 $0xAF00  }
0x135: {  	[tilespmem:s7], [sflag:$0x7] =	stream.indirect.gather @!p1 [hbm4b:s3+s5], $0x20, s1, s5, $0xb8;
	[tilespmem:$0xF680] =	vst v63  }
.LBB2_16:
0x136: {  	s5 =	sor.u32 $0x3, s22  }
0x137: {  	p1 =	sge.u32 s5, s4  }
.Ltmp11:
0x138: {  	_ = 	snop;
	(pc) =	sbr.rel @p1 .LBB2_22-.Ltmp11, $1  }
0x139: {  	_ =	sdelay $0x3  }
0x13a: {  	_ =	swait.ge [sflag:s18], $0x1000  }
0x13b: {  	[sflag:s18] =	ssyncset.done $0x0  }
0x13c: {  	s1 =	sshll.u32 s5, $0x7;
	[sflag:s18] =	ssyncadd.s32 $0xFFFFF000  }
0x13d: {  	s1 =	sand.u32 $0x3FFFFF80, s1;
	_ =	swait.ge [sflag:s20], $0x1000  }
0x13e: {  	s1 =	sadd.s32 $0xCF00, s1;
	[sflag:s20] =	ssyncset.done $0x0  }
0x13f: {  	s5 =	simm.s32 $0x0;
	s7 =	simm.s32 $0x0;
	v2 =	vmov s1;
	[sflag:s20] =	ssyncadd.s32 $0xFFFFF000  }
.LBB2_18:
0x140: {  	s8 =	sshll.u32 s7, $0x4  }
0x141: {  	v3 =	vmov s8  }
0x142: {  	v4 =	vadd.s32 s5, v0;
	v3 =	vshll.u32 v3, $0x5  }
0x143: {  	s1 =	simm.s32 $0x3;
	v4 =	vand.u32 $0x1F, v4;
	v3 =	vor.u32 v1, v3  }
0x144: {  	v5 =	vadd.s32 s1, v0;
	v4 =	vor.u32 v3, v4  }
0x145: {  	s11 =	simm.s32 $0x2;
	v5 =	vand.u32 $0x1F, v5  }
0x146: {  	s9 =	simm.s32 $0x1;
	v6 =	vadd.s32 s11, v0;
	v5 =	vor.u32 v3, v5  }
0x147: {  	v7 =	vadd.s32 s9, v0;
	v6 =	vand.u32 $0x1F, v6  }
0x148: {  	v7 =	vand.u32 $0x1F, v7;
	v8 =	vor.u32 v3, v6  }
0x149: {  	v11 =	vor.u32 v3, v7;
	v12 =	vld.idx.msk [tilespmem:v4+s25+$0x0], $0xffff  }
0x14a: {  	v13 =	vld.idx.msk [tilespmem:v4+s28+$0x0], $0xffff  }
0x14b: {  	v7 =	vld.idx.msk [tilespmem:v5+s25+$0x0], $0xffff  }
0x14c: {  	s11 =	simm.s32 $0x7;
	v4 =	vld.idx.msk [tilespmem:v5+s28+$0x0], $0xffff  }
0x14d: {  	s10 =	simm.s32 $0x4;
	v10 =	vimm.f32 $0.0e+00;
	v14 =	vadd.s32 s11, v0;
	s11 =	simm.s32 $0x5;
	v6 =	vld.idx.msk [tilespmem:v8+s25+$0x0], $0xffff  }
0x14e: {  	v16 =	vadd.s32 s11, v0;
	v17 =	vand.u32 $0x1F, v14;
	v5 =	vadd.s32 s10, v0;
	s10 =	simm.s32 $0x6;
	v18 =	vld.idx.msk [tilespmem:v11+s25+$0x0], $0xffff  }
0x14f: {  	v9 =	vld.idx.msk [tilespmem:v8+s28+$0x0], $0xffff;
	v8 =	vand.u32 $0x1F, v16;
	v15 =	vadd.s32 s10, v0;
	v5 =	vand.u32 $0x1F, v5  }
0x150: {  	v22 =	vld.idx.msk [tilespmem:v11+s28+$0x0], $0xffff;
	v14 =	vor.u32 v3, v5;
	v11 =	vand.u32 $0x1F, v15;
	v5 =	vor.u32 v3, v8  }
0x151: {  	v8 =	vor.u32 v3, v11;
	v11 =	vor.u32 v3, v17;
	v15 =	vunpack.i.u.bf16.f32 v12  }
0x152: {  	v19 =	vunpack.i.l.bf16.f32 v12;
	v20 =	vunpack.i.u.bf16.f32 v13;
	v21 =	vunpack.i.l.bf16.f32 v13  }
0x153: {  	v12 =	vunpack.i.l.bf16.f32 v7;
	v13 =	vunpack.i.l.bf16.f32 v4;
	v23 =	vunpack.i.l.bf16.f32 v18  }
0x154: {  	v16 =	vunpack.i.l.bf16.f32 v6;
	v17 =	vunpack.i.l.bf16.f32 v9;
	v19 =	vmul.f32 v21, v19  }
0x155: {  	v20 =	vmul.f32 v20, v15;
	v15 =	vunpack.i.l.bf16.f32 v22;
	v21 =	vunpack.i.u.bf16.f32 v18  }
0x156: {  	s9 =	simm.s32 $0x8;
	v22 =	vunpack.i.u.bf16.f32 v22;
	v18 =	vmul.f32 v15, v23;
	v15 =	vimm.f32 $0.0e+00  }
.LBB2_19:
0x157: {  	p1 =	slt.u32 s9, $0x1C;
	v23 =	vld.idx.msk [tilespmem:v14+s25+$0x0], $0xffff;
	v10 =	vadd.f32 v19, v10;
	v15 =	vadd.f32 v20, v15;
	v19 =	vmul.f32 v22, v21  }
0x158: {  	v6 =	vunpack.i.u.bf16.f32 v6;
	v9 =	vunpack.i.u.bf16.f32 v9;
	v20 =	vld.idx.msk [tilespmem:v14+s28+$0x0], $0xffff;
	v14 =	vmul.f32 v17, v16  }
0x159: {  	v9 =	vmul.f32 v9, v6;
	v16 =	vld.idx.msk [tilespmem:v11+s25+$0x0], $0xffff;
	v10 =	vadd.f32 v18, v10;
	v15 =	vadd.f32 v19, v15  }
0x15a: {  	v7 =	vunpack.i.u.bf16.f32 v7;
	v17 =	vunpack.i.u.bf16.f32 v4;
	v4 =	vld.idx.msk [tilespmem:v11+s28+$0x0], $0xffff;
	v11 =	vmul.f32 v13, v12  }
0x15b: {  	s1 =	sadd.s32 $0x3, s9;
	v7 =	vmul.f32 v17, v7;
	v6 =	vld.idx.msk [tilespmem:v8+s25+$0x0], $0xffff;
	v10 =	vadd.f32 v14, v10;
	v12 =	vadd.f32 v9, v15  }
0x15c: {  	s10 =	sadd.s32 $0x2, s9;
	v13 =	vadd.s32 s9, v0;
	v14 =	vadd.s32 s1, v0;
	v9 =	vld.idx.msk [tilespmem:v8+s28+$0x0], $0xffff  }
0x15d: {  	s1 =	sadd.s32 $0x1, s9;
	v8 =	vadd.s32 s10, v0;
	v18 =	vld.idx.msk [tilespmem:v5+s25+$0x0], $0xffff;
	v10 =	vadd.f32 v11, v10;
	v15 =	vadd.f32 v7, v12  }
0x15e: {  	v13 =	vand.u32 $0x1F, v13;
	v11 =	vadd.s32 s1, v0;
	v12 =	vand.u32 $0x1F, v14;
	v22 =	vld.idx.msk [tilespmem:v5+s28+$0x0], $0xffff  }
0x15f: {  	v14 =	vor.u32 v3, v13;
	v8 =	vand.u32 $0x1F, v8;
	v5 =	vand.u32 $0x1F, v11;
	v7 =	vmovc v16  }
0x160: {  	v8 =	vor.u32 v3, v8;
	v11 =	vor.u32 v3, v12;
	v5 =	vor.u32 v3, v5  }
.Ltmp12:
0x161: {  	v21 =	vunpack.i.u.bf16.f32 v23;
	v19 =	vunpack.i.l.bf16.f32 v23;
	v23 =	vunpack.i.u.bf16.f32 v20;
	(pc) =	sbr.rel @p1 .LBB2_19-.Ltmp12, $4  }
0x162: {  	v20 =	vunpack.i.l.bf16.f32 v20;
	v12 =	vunpack.i.l.bf16.f32 v7;
	v13 =	vunpack.i.l.bf16.f32 v4  }
0x163: {  	v16 =	vunpack.i.l.bf16.f32 v6;
	v17 =	vunpack.i.l.bf16.f32 v9;
	v24 =	vunpack.i.l.bf16.f32 v18  }
0x164: {  	v19 =	vmul.f32 v20, v19;
	v20 =	vmul.f32 v23, v21;
	v23 =	vunpack.i.l.bf16.f32 v22  }
0x165: {  	s9 =	sadd.s32 $0x4, s9;
	v21 =	vunpack.i.u.bf16.f32 v18;
	v22 =	vunpack.i.u.bf16.f32 v22;
	v18 =	vmul.f32 v23, v24  }
0x166: {  	_ =	sdelay $0x3  }
0x167: {  	v3 =	vld.idx.msk [tilespmem:v14+s25+$0x0], $0xffff  }
0x168: {  	v39 =	vld.idx.msk [tilespmem:v14+s28+$0x0], $0xffff  }
0x169: {  	v41 =	vld.idx.msk [tilespmem:v11+s25+$0x0], $0xffff  }
0x16a: {  	v42 =	vld.idx.msk [tilespmem:v11+s28+$0x0], $0xffff  }
0x16b: {  	v10 =	vadd.f32 v19, v10;
	v15 =	vadd.f32 v20, v15;
	v43 =	vld.idx.msk [tilespmem:v8+s25+$0x0], $0xffff  }
0x16c: {  	v40 =	vmul.f32 v22, v21;
	v6 =	vunpack.i.u.bf16.f32 v6;
	v9 =	vunpack.i.u.bf16.f32 v9;
	v44 =	vld.idx.msk [tilespmem:v8+s28+$0x0], $0xffff  }
0x16d: {  	v16 =	vmul.f32 v17, v16;
	v7 =	vunpack.i.u.bf16.f32 v7;
	v45 =	vld.idx.msk [tilespmem:v5+s25+$0x0], $0xffff;
	v10 =	vadd.f32 v18, v10  }
0x16e: {  	v4 =	vunpack.i.u.bf16.f32 v4;
	v46 =	vld.idx.msk [tilespmem:v5+s28+$0x0], $0xffff;
	v6 =	vmul.f32 v9, v6;
	v15 =	vadd.f32 v40, v15  }
0x16f: {  	v12 =	vmul.f32 v13, v12;
	v4 =	vmul.f32 v4, v7;
	v10 =	vadd.f32 v16, v10  }
0x170: {  	v6 =	vadd.f32 v6, v15;
	v47 =	vunpack.i.u.bf16.f32 v3;
	v3 =	vunpack.i.l.bf16.f32 v3  }
0x171: {  	v48 =	vunpack.i.u.bf16.f32 v39;
	v49 =	vunpack.i.l.bf16.f32 v39;
	v50 =	vunpack.i.l.bf16.f32 v41  }
0x172: {  	v51 =	vunpack.i.l.bf16.f32 v42;
	v52 =	vunpack.i.l.bf16.f32 v45;
	v53 =	vunpack.i.l.bf16.f32 v43  }
0x173: {  	v54 =	vunpack.i.l.bf16.f32 v44;
	v55 =	vunpack.i.l.bf16.f32 v46;
	v10 =	vadd.f32 v12, v10  }
0x174: {  	v4 =	vadd.f32 v4, v6;
	v3 =	vmul.f32 v49, v3;
	v6 =	vmul.f32 v48, v47  }
0x175: {  	v7 =	vunpack.i.u.bf16.f32 v45;
	v5 =	vunpack.i.u.bf16.f32 v46;
	v12 =	vmul.f32 v55, v52  }
0x176: {  	v5 =	vmul.f32 v5, v7;
	v3 =	vadd.f32 v3, v10;
	v4 =	vadd.f32 v6, v4  }
0x177: {  	v56 =	vunpack.i.u.bf16.f32 v43;
	v57 =	vunpack.i.u.bf16.f32 v44;
	v58 =	vmul.f32 v54, v53  }
0x178: {  	v59 =	vmul.f32 v57, v56;
	v3 =	vadd.f32 v12, v3;
	v4 =	vadd.f32 v5, v4  }
0x179: {  	v60 =	vunpack.i.u.bf16.f32 v41;
	v61 =	vunpack.i.u.bf16.f32 v42;
	v62 =	vmul.f32 v51, v50  }
0x17a: {  	s7 =	sadd.s32 $0x1, s7;
	v63 =	vmul.f32 v61, v60;
	v3 =	vadd.f32 v58, v3;
	v4 =	vadd.f32 v59, v4  }
0x17b: {  	p1 =	sne.s32 s7, $0x8  }
.Ltmp13:
0x17c: {  	v3 =	vadd.f32 v62, v3;
	v4 =	vadd.f32 v63, v4;
	(pc) =	sbr.rel @p1 .LBB2_18-.Ltmp13, $3  }
0x17d: {  	_ = 	snop  }
0x17e: {  	v3 =	vadd.f32 v4, v3;
	_ =	sdelay $0x1  }
0x17f: {  	[tilespmem:v2+s8+$0x0 ss:$0x1] =	vst.idx.msk $0xffff, v3  }
0x180: {  	s1 =	sadd.s32 $0x7, s22  }
.Ltmp14:
0x181: {  	p1 =	sge.u32 s1, s4;
	(pc) =	sbr.rel .LBB2_22-.Ltmp14, $4  }
0x182: {  	s1 =	sshll.u32 @!p1 s1, $0x7;
	s5 =	simm.s32 @!p1 $0x80;
	s7 =	simm.s32 @!p1 $0x7F00  }
0x183: {  	[tilespmem:s7], [sflag:$0x4] =	stream.indirect.gather @!p1 [hbm4b:s3+s5], $0x20, s1, s5, $0xb8;
	[tilespmem:$0xF680] =	vst v63  }
0x184: {  	s1 =	sadd.s32 @!p1 $0x2780, s1;
	s7 =	simm.s32 @!p1 $0xBF00  }
0x185: {  	[tilespmem:s7], [sflag:$0x8] =	stream.indirect.gather @!p1 [hbm4b:s3+s5], $0x20, s1, s5, $0xb8;
	[tilespmem:$0xF680] =	vst v63  }
.LBB2_24:
0x186: {  	_ =	sfence.sel $0x180000  }
0x187: {  	[bflag:$0x0] =	sbarrier.arrive $0xFFFF  }
0x188: {  	_ =	strace $0x90000050  }
0x189: {  	s0 =	stileid.u32;
	[bflag:$0x2] =	sbarrier.arrive $0xFFFF  }
0x18a: {  	p0 =	sne.s32 s0, $0x0;
	s0 =	rddreg [dreg:$0x2]  }
0x18b: {  	s0 =	sadd.s32 @!p0 $0x100000, s0  }
0x18c: {  	[sflag:s0] =	ssyncadd.tile.s32 @!p0 $0x1;
	_ =	shalt  }
.Lfunc_end2:
_tile_overlayer_lowered:
.L_overlay_start_2:
0x18d: {  	(tag) =	ssettag $0x2  }
0x18e: {  	s0 =	rddreg [dreg:$0x0];
	s2 =	stileid.u32  }
0x18f: {  	s1 =	rddreg [dreg:$0x1];
	p0 =	sne.s32 s2, $0x0  }
0x190: {  	s3 =	rddreg [dreg:$0x2];
	[bflag:$0x3] =	sbarrier.arrive $0xFFFF;
	s2 =	simm.s32 @!p0 $0x1C09  }
0x191: {  	[timem:s3], [sflag:s2] =	dma.local @!p0 [hbm:s0], s1  }
0x192: {  	s0 =	simm.s32 @!p0 $0x9  }
0x193: {  	_ =	swait.ge @!p0 [sflag:s0], s1  }
0x194: {  	s1 =	ssub.s32 @!p0 $0x0, s1;
	[sflag:s0] =	ssyncset.done @!p0 $0x0  }
0x195: {  	[sflag:s0] =	ssyncadd.s32 @!p0 s1  }
0x196: {  	[bflag:$0x3] =	sbarrier.arrive $0xFFFF  }
0x197: {  	_ =	shalt  }

// kernel: kernel.9.cloned.1.call-start
scs
__scs_entry_jumppad:
0x0: {  	(pc) =	sbr.rel $0x88, $3  }
0x1: {  	(tag) =	ssettag $0x0;
	lr =	simm.s32 $0x1  }
0x2: {  	[smem:$0x3F9B] =	sst lr;
	_ =	strace $0xD0000000  }
0x3: {  	_ = 	snop  }
0x4: {  	_ = 	snop  }
0x5: {  	_ = 	snop  }
0x6: {  	_ = 	snop  }
0x7: {  	_ = 	snop  }
__scs_overlays_trampoline_lowered:
0x8: {  	[smem:$0x3FAA] =	sst s0  }
0x9: {  	[smem:$0x3FAB] =	sst s1  }
0xa: {  	[smem:$0x3FAC] =	sst s2  }
0xb: {  	[smem:$0x3FAD] =	sst s3  }
0xc: {  	[smem:$0x3FAE] =	sst s4  }
0xd: {  	[smem:$0x3FAF] =	sst s5  }
0xe: {  	[smem:$0x3FB0] =	sst s6  }
0xf: {  	[smem:$0x3FB1] =	sst s7  }
0x10: {  	[smem:$0x3FB2] =	sst s8  }
0x11: {  	[smem:$0x3FB3] =	sst s9;
	s0 =	simm.s32 @!p0 $0x0  }
0x12: {  	s1 =	sld [smem:$0x3F99];
	s0 =	simm.s32 @p0 $0x1  }
0x13: {  	[smem:$0x3FB4] =	sst s0;
	s0 =	simm.s32 @!p1 $0x0  }
0x14: {  	s2 =	sld [smem:$0x3F98];
	s0 =	simm.s32 @p1 $0x1  }
0x15: {  	[smem:$0x3FB5] =	sst s0;
	s0 =	simm.s32 @!p2 $0x0  }
0x16: {  	s3 =	sld [smem:$0x3FDB];
	s0 =	simm.s32 @p2 $0x1  }
0x17: {  	s4 =	simm.s32 $0x1BF5;
	[smem:$0x3FB7] =	sst s0  }
0x18: {  	s0 =	sld [smem:$0x3F9A];
	_ =	swait.ge [sflag:s4], $0x0  }
0x19: {  	s7 =	sld [smem:$0x3F9B]  }
0x1a: {  	s8 =	sadd.s32 $0xFFFFE003, lr  }
0x1b: {  	s9 =	sadd.s32 $0xFFFFFEF7, lr;
	s5 =	simm.s32 $0xFFFFFFFF;
	p2 =	slt.u32 s8, $0xFFFFF086  }
0x1c: {  	p1 =	slt.u32 s9, $0xF7A;
	s5 =	simm.s32 @!p2 $0x0  }
0x1d: {  	s5 =	simm.s32 @p1 $0x1;
	p0 =	seq.s32 s7, s2  }
0x1e: {  	s7 =	smul.u32 @!p0 $0xF7A, s2;
	p2 =	seq.s32 @!p0 s5, $0x0  }
0x1f: {  	s9 =	smul.u32 $0xF7A, s1;
	s8 =	simm.s32 @!p0 $0x1BF5;
	p2 =	por !p2, p0  }
0x20: {  	[sflag:s8] =	ssyncset.s32 @!p0 $0xFFFFF086;
	s6 =	sadd.s32 @!p0 s3, s7;
	s7 =	simm.s32 @!p0 $0x108  }
0x21: {  	s3 =	sadd.s32 s3, s9;
	s6 =	sadd.s32 @!p0 $0x88, s6;
	s7 =	simm.s32 @p2 $0x1082  }
0x22: {  	[simem:s7], [sflag:s8] =	dma.local @!p0 [hbm:s6], $0xF7A  }
0x23: {  	s9 =	sor.u32 $0xD0000000, s2;
	s6 =	simm.s32 $0x108;
	_ =	swait.ge @!p0 [sflag:s8], $0x0  }
0x24: {  	s3 =	sadd.s32 $0x88, s3;
	s6 =	simm.s32 @!p1 $0x1082;
	[sflag:s4] =	ssyncset.s32 $0xFFFFF086  }
0x25: {  	[simem:s6], [sflag:s4] =	dma.local [hbm:s3], $0xF7A  }
0x26: {  	[smem:$0x3F9B] =	sst s1;
	(tag) =	ssettag s2;
	_ =	strace s9  }
0x27: {  	s1 =	sld [smem:$0x3FAB]  }
0x28: {  	s2 =	sld [smem:$0x3FAC]  }
0x29: {  	s4 =	sld [smem:$0x3FAE]  }
0x2a: {  	p0 =	seq.s32 s5, $0x0;
	s5 =	sld [smem:$0x3FAF]  }
0x2b: {  	s6 =	sld [smem:$0x3FB0]  }
0x2c: {  	s7 =	sld [smem:$0x3FB1]  }
0x2d: {  	s3 =	simm.s32 $0x108;
	s8 =	sld [smem:$0x3FB2]  }
0x2e: {  	s3 =	simm.s32 @!p0 $0x1082;
	s9 =	sld [smem:$0x3FB3]  }
0x2f: {  	lr =	sadd.s32 s0, s3;
	s0 =	sld [smem:$0x3FAA]  }
0x30: {  	s3 =	sld [smem:$0x3FAD]  }
0x31: {  	[smem:$0x3FB6] =	sst s10  }
0x32: {  	s10 =	sld [smem:$0x3FB4];
	_ =	sdelay $0x3  }
0x33: {  	p0 =	seq.s32 s10, $0x1;
	s10 =	sld [smem:$0x3FB6];
	_ =	sdelay $0x3  }
0x34: {  	[smem:$0x3FB6] =	sst s10  }
0x35: {  	s10 =	sld [smem:$0x3FB5];
	_ =	sdelay $0x3  }
0x36: {  	p1 =	seq.s32 s10, $0x1;
	s10 =	sld [smem:$0x3FB6];
	_ =	sdelay $0x3  }
0x37: {  	[smem:$0x3FB6] =	sst s10  }
0x38: {  	s10 =	sld [smem:$0x3FB7]  }
0x39: {  	_ = 	snop;
	(pc) =	sbr.ind lr, $3  }
0x3a: {  	_ = 	snop  }
0x3b: {  	_ = 	snop  }
0x3c: {  	p2 =	seq.s32 s10, $0x1;
	s10 =	sld [smem:$0x3FB6]  }
0x3d: {  	_ =	shalt  }
0x3e: {  	_ =	shalt  }
0x3f: {  	_ =	shalt  }
0x40: {  	_ =	shalt  }
0x41: {  	_ =	shalt  }
0x42: {  	_ =	shalt  }
0x43: {  	_ =	shalt  }
0x44: {  	_ =	shalt  }
0x45: {  	_ =	shalt  }
0x46: {  	_ =	shalt  }
0x47: {  	_ =	shalt  }
0x48: {  	_ =	shalt  }
0x49: {  	_ =	shalt  }
0x4a: {  	_ =	shalt  }
0x4b: {  	_ =	shalt  }
0x4c: {  	_ =	shalt  }
0x4d: {  	_ =	shalt  }
0x4e: {  	_ =	shalt  }
0x4f: {  	_ =	shalt  }
0x50: {  	_ =	shalt  }
0x51: {  	_ =	shalt  }
0x52: {  	_ =	shalt  }
0x53: {  	_ =	shalt  }
0x54: {  	_ =	shalt  }
0x55: {  	_ =	shalt  }
0x56: {  	_ =	shalt  }
0x57: {  	_ =	shalt  }
0x58: {  	_ =	shalt  }
0x59: {  	_ =	shalt  }
0x5a: {  	_ =	shalt  }
0x5b: {  	_ =	shalt  }
0x5c: {  	_ =	shalt  }
0x5d: {  	_ =	shalt  }
0x5e: {  	_ =	shalt  }
0x5f: {  	_ =	shalt  }
0x60: {  	_ =	shalt  }
0x61: {  	_ =	shalt  }
0x62: {  	_ =	shalt  }
0x63: {  	_ =	shalt  }
0x64: {  	_ =	shalt  }
0x65: {  	_ =	shalt  }
0x66: {  	_ =	shalt  }
0x67: {  	_ =	shalt  }
0x68: {  	_ =	shalt  }
0x69: {  	_ =	shalt  }
0x6a: {  	_ =	shalt  }
0x6b: {  	_ =	shalt  }
0x6c: {  	_ =	shalt  }
0x6d: {  	_ =	shalt  }
0x6e: {  	_ =	shalt  }
0x6f: {  	_ =	shalt  }
0x70: {  	_ =	shalt  }
0x71: {  	_ =	shalt  }
0x72: {  	_ =	shalt  }
0x73: {  	_ =	shalt  }
0x74: {  	_ =	shalt  }
0x75: {  	_ =	shalt  }
0x76: {  	_ =	shalt  }
0x77: {  	_ =	shalt  }
0x78: {  	_ =	shalt  }
0x79: {  	_ =	shalt  }
0x7a: {  	_ =	shalt  }
0x7b: {  	_ =	shalt  }
0x7c: {  	_ =	shalt  }
0x7d: {  	_ =	shalt  }
0x7e: {  	_ =	shalt  }
0x7f: {  	_ =	shalt  }
0x80: {  	_ =	shalt  }
0x81: {  	_ =	shalt  }
0x82: {  	_ =	shalt  }
0x83: {  	_ =	shalt  }
0x84: {  	_ =	shalt  }
0x85: {  	_ =	shalt  }
0x86: {  	_ =	shalt  }
0x87: {  	_ =	shalt  }
.Lfunc_end0:
.L_simem_size_0:
called_computation_lowered:
.L_overlay_start_0:
0x88: {  	s2 =	sld [smem:$0x3FD9]  }
0x89: {  	s3 =	sld [smem:$0x3FFE];
	_ =	sdelay $0x1  }
0x8a: {  	s1 =	srdreg.scid  }
0x8b: {  	s0 =	sand.u32 $0x1, s1  }
0x8c: {  	s17 =	sshll.u32 s0, $0xA;
	s2 =	sadd.s32 s3, s2  }
0x8d: {  	s2 =	sadd.s32 s2, s17  }
0x8e: {  	[smem:$0x3FC2] =	sst s2  }
0x8f: {  	_ = 	snop  }
0x90: {  	s2 =	sld [smem:$0x3FD0];
	(tm) =	ssettm $0x1  }
0x91: {  	s18 =	sld [smem:$0x3FFB];
	_ =	sdelay $0x3  }
0x92: {  	_ =	strace s18  }
0x93: {  	s3 =	sld [smem:$0x3FFC];
	_ =	sdelay $0x3  }
0x94: {  	_ =	strace s3  }
0x95: {  	s3 =	sld [smem:$0x3FFD];
	_ =	sdelay $0x3  }
0x96: {  	_ =	strace s3  }
0x97: {  	_ =	strace $0x8FFFFFFF  }
0x98: {  	s19 =	sld [smem:$0x3FDB];
	_ =	sdelay $0x1  }
0x99: {  	s4 =	simm.s32 $_scs_section_size  }
0x9a: {  	s5 =	simm.s32 $_size__tile_overlayer_lowered;
	s6 =	simm.s32 $_tile_overlayer_lowered  }
0x9b: {  	s22 =	simm.s32 $0x1BFF;
	s21 =	sshll.u32 s6, $0x1;
	s3 =	sadd.s32 s4, s19  }
0x9c: {  	s7 =	simm.s32 $0x0;
	s20 =	sshll.u32 s5, $0x1;
	s5 =	sadd.s32 s21, s3  }
0x9d: {  	[timem:s7], [sflag:s22] =	dma.local [hbm:s5], s20  }
0x9e: {  	_ =	swait.ge [sflag:s22], s20  }
0x9f: {  	s4 =	ssub.s32 $0x0, s20;
	[sflag:s22] =	ssyncset.done $0x0  }
0xa0: {  	[sflag:s22] =	ssyncadd.s32 s4;
	_ =	sdelay $0x1  }
0xa1: {  	s23 =	simm.s32 $0x1B8B  }
0xa2: {  	_ =	swait.ge [sflag:s23], $0x1  }
0xa3: {  	[sflag:s23] =	ssyncset.done $0x0  }
0xa4: {  	s25 =	simm.s32 $0x1B8E;
	s24 =	sld [smem:$0x3FFE];
	[sflag:s23] =	ssyncadd.s32 $0xFFFFFFFF  }
0xa5: {  	s26 =	simm.s32 $execute0_lowered;
	[smem:$0x3FD2] =	sst s25  }
0xa6: {  	s5 =	sshll.u32 s26, $0x1;
	_ =	strace $0x80000046;
	[dreg:$0x1] =	wrdreg $0xFFFFFFFF  }
0xa7: {  	s28 =	simm.s32 $_size_execute0_lowered;
	s3 =	sadd.s32 s3, s5;
	[dreg:$0x0] =	wrdreg $0x0  }
0xa8: {  	s5 =	sshll.u32 s28, $0x1;
	[dreg:$0x2] =	wrdreg s3  }
0xa9: {  	[dreg:$0x3] =	wrdreg s5  }
0xaa: {  	[dreg:$0x4] =	wrdreg $0xC0  }
0xab: {  	_ =	task [dreg:s7], $0x5FFFF  }
0xac: {  	[dreg:$0x1] =	wrdreg $0xFFFFFFFF  }
0xad: {  	[dreg:$0x0] =	wrdreg $0x60  }
0xae: {  	[dreg:$0x2] =	wrdreg s2  }
0xaf: {  	[dreg:$0x3] =	wrdreg s24  }
0xb0: {  	[dreg:$0x4] =	wrdreg $0x2A800  }
0xb1: {  	[dreg:$0x5] =	wrdreg $0x9  }
0xb2: {  	_ =	task.clear_ibuf [dreg:s7], $0x6FFFF;
	_ =	strace $0x90000046  }
0xb3: {  	s29 =	simm.s32 $0x9;
	_ =	strace $0x80000048  }
0xb4: {  	_ =	swait.ge [sflag:s29], $0x1  }
0xb5: {  	[sflag:s29] =	ssyncadd.s32 $0xFFFFFFFF  }
0xb6: {  	_ =	strace $0x90000048  }
0xb7: {  	_ =	sfence  }
0xb8: {  	s30 =	sld [smem:$0x0];
	_ =	sdelay $0x2  }
0xb9: {  	s31 =	sshll.u32 s1, $0xD;
	s1 =	sshrl.u32 s1, $0x2  }
0xba: {  	s3 =	sand.u32 $0x4000, s31;
	s1 =	sadd.s32 s1, s30  }
0xbb: {  	s0 =	sor.u32 s3, s0;
	s1 =	sshll.u32 s1, $0x11  }
0xbc: {  	s0 =	sor.u32 s1, s0  }
0xbd: {  	s0 =	sadd.s32 $0x8F2B, s0  }
0xbe: {  	[sflag:s0] =	ssyncadd.remote.s32 $0x1  }
0xbf: {  	_ =	sfence.sel $0xFFFF  }
0xc0: {  	[dreg:$0x0] =	wrdreg $0xFFFFFFFF;
	(pc) =	sbr.abs _section_cstart, $3  }
0xc1: {  	[dreg:$0x1] =	wrdreg $0xFFFFFFFF  }
0xc2: {  	_ =	task.clear_ibuf [dreg:s7], $0x2FFFF;
	_ =	strace $0x9FFFFFFF  }
0xc3: {  	(tm) =	ssettm $0x7FFFFFFF  }
tec
execute0_lowered:
.L_overlay_start_1:
0x0: {  	(tag) =	ssettag $0x1  }
0x1: {  	s5 =	rddreg [dreg:$0x0]  }
0x2: {  	s4 =	rddreg [dreg:$0x1];
	s1 =	srdreg.scid  }
0x3: {  	s0 =	stileid.u32;
	s2 =	rddreg [dreg:$0x2]  }
0x4: {  	s3 =	simm.s32 $0x0;
	s13 =	simm.s32 $0x1;
	s14 =	simm.s32 $0x2400  }
0x5: {  	s15 =	simm.s32 $0x2480;
	s16 =	simm.s32 $0x2500;
	s17 =	simm.s32 $0x2580  }
0x6: {  	s18 =	simm.s32 $0x2600;
	s19 =	simm.s32 $0x2680;
	s22 =	simm.s32 $0x0  }
0x7: {  	s6 =	sand.u32 $0x1, s1;
	s7 =	smul.u32 $0x280, s0;
	s1 =	rddreg [dreg:$0x3]  }
0x8: {  	[smem:$0x7FF] =	sst s3;
	s12 =	sshll.u32 s0, $0x4;
	s20 =	sshll.u32 s0, $0x6  }
0x9: {  	s8 =	smul.u32 $0x2800, s6;
	_ =	strace $0x80000047;
	s9 =	sshll.u32 s6, $0x4  }
0xa: {  	s6 =	ssub.s32 $0x2, s6;
	s31 =	sadd.s32 s12, s5;
	s12 =	simm.s32 $0x2780  }
0xb: {  	s20 =	sor.u32 $0x1C02, s20;
	s9 =	sor.u32 s0, s9;
	s10 =	sshrl.u32 s6, $0x1  }
0xc: {  	s8 =	sadd.s32 s7, s8;
	s11 =	smul.u32 $0x4E0, s9;
	s10 =	ssub.s32 s6, s10  }
0xd: {  	s6 =	sadd.s32 $0x9C00, s31;
	p0 =	sgt.u32 s9, $0x3;
	s8 =	sshrl.u32 s8, $0x3  }
0xe: {  	s9 =	simm.s32 $0x2800;
	s8 =	sadd.s32 s8, s4;
	s4 =	sadd.s32 s7, s2  }
0xf: {  	s5 =	sadd.s32 s5, s11;
	s11 =	simm.s32 $0x80;
	s7 =	sadd.s32 $0x1200, s8  }
0x10: {  	v0 =	vimm.f32 $0.0e+00;
	v1 =	vimm.f32 $1.000000000e+00;
	s8 =	smax.u32 s10, $0x1;
	s10 =	simm.s32 $0x2;
	s21 =	sshrl.u32 s4, $0x3  }
.LBB2_1:
0x11: {  	[tilespmem:$0x2800] =	vst v0  }
0x12: {  	[tilespmem:$0x2810] =	vst v0  }
0x13: {  	[tilespmem:$0x2820] =	vst v0  }
0x14: {  	[tilespmem:$0x2830] =	vst v0  }
0x15: {  	[tilespmem:$0x2840] =	vst v0  }
0x16: {  	[tilespmem:$0x2850] =	vst v0  }
0x17: {  	[tilespmem:$0x2860] =	vst v0  }
0x18: {  	[tilespmem:$0x2870] =	vst v0  }
0x19: {  	[tilespmem:$0x2880] =	vst v0  }
0x1a: {  	[tilespmem:$0x2890] =	vst v0  }
0x1b: {  	[tilespmem:$0x28A0] =	vst v0  }
0x1c: {  	[tilespmem:$0x28B0] =	vst v0  }
0x1d: {  	[tilespmem:$0x28C0] =	vst v0  }
0x1e: {  	[tilespmem:$0x28D0] =	vst v0  }
0x1f: {  	[tilespmem:$0x28E0] =	vst v0  }
0x20: {  	[tilespmem:$0x28F0] =	vst v0  }
0x21: {  	[tilespmem:$0x2900] =	vst v0  }
0x22: {  	[tilespmem:$0x2910] =	vst v0  }
0x23: {  	[tilespmem:$0x2920] =	vst v0  }
0x24: {  	[tilespmem:$0x2930] =	vst v0  }
0x25: {  	[tilespmem:$0x2940] =	vst v0  }
0x26: {  	[tilespmem:$0x2950] =	vst v0  }
0x27: {  	[tilespmem:$0x2960] =	vst v0  }
0x28: {  	[tilespmem:$0x2970] =	vst v0  }
0x29: {  	[tilespmem:$0x2980] =	vst v0  }
0x2a: {  	[tilespmem:$0x2990] =	vst v0  }
0x2b: {  	[tilespmem:$0x29A0] =	vst v0  }
0x2c: {  	[tilespmem:$0x29B0] =	vst v0  }
0x2d: {  	[tilespmem:$0x29C0] =	vst v0  }
0x2e: {  	[tilespmem:$0x29D0] =	vst v0  }
0x2f: {  	[tilespmem:$0x29E0] =	vst v0  }
0x30: {  	[tilespmem:$0x29F0] =	vst v0  }
0x31: {  	[tilespmem:$0x2A00] =	vst v0  }
0x32: {  	[tilespmem:$0x2A10] =	vst v0  }
0x33: {  	[tilespmem:$0x2A20] =	vst v0  }
0x34: {  	[tilespmem:$0x2A30] =	vst v0  }
0x35: {  	[tilespmem:$0x2A40] =	vst v0  }
0x36: {  	[tilespmem:$0x2A50] =	vst v0  }
0x37: {  	[tilespmem:$0x2A60] =	vst v0  }
0x38: {  	[tilespmem:$0x2A70] =	vst v0  }
0x39: {  	[tilespmem:$0x2780] =	vst v1  }
0x3a: {  	[tilespmem:$0x2790] =	vst v1  }
0x3b: {  	[tilespmem:$0x27A0] =	vst v1  }
0x3c: {  	[tilespmem:$0x27B0] =	vst v1  }
0x3d: {  	[tilespmem:$0x27C0] =	vst v1  }
0x3e: {  	[tilespmem:$0x27D0] =	vst v1  }
0x3f: {  	[tilespmem:$0x27E0] =	vst v1  }
0x40: {  	[tilespmem:$0x27F0] =	vst v1  }
0x41: {  	[spmem:s4] =	stream.linear.scatter [tilespmem:s9], [sflag:$0x2], $0x280, $0x38;
	[tilespmem:$0x2D00] =	vst v63  }
0x42: {  	_ =	swait.ge [sflag:s10], $0x280  }
0x43: {  	[sflag:s10] =	ssyncset.done $0x0  }
0x44: {  	[sflag:s10] =	ssyncadd.s32 $0xFFFFFD80  }
0x45: {  	[tilespmem:s3], [sflag:$0x2] =	stream.linear.gather [hbm4b:s5+s3], $0x2700, $0x38;
	[tilespmem:$0x2D00] =	vst v63  }
0x46: {  	_ =	swait.ge [sflag:s10], $0x2700  }
0x47: {  	[sflag:s10] =	ssyncset.done $0x0  }
0x48: {  	s23 =	simm.s32 @!p0 $0x0;
	s24 =	simm.s32 @!p0 $0x2700;
	[sflag:s10] =	ssyncadd.s32 $0xFFFFD900  }
0x49: {  	[tilespmem:s24], [sflag:$0x2] =	stream.linear.gather @!p0 [hbm4b:s6+s23], $0x80, $0x38;
	[tilespmem:$0x2D00] =	vst v63  }
0x4a: {  	s23 =	simm.s32 @!p0 $0x2  }
0x4b: {  	_ =	swait.ge @!p0 [sflag:s23], $0x80  }
0x4c: {  	[sflag:s23] =	ssyncset.done @!p0 $0x0  }
0x4d: {  	[sflag:s23] =	ssyncadd.s32 @!p0 $0xFFFFFF80  }
0x4e: {  	s31 =	simm.s32 $0x0;
	[bflag:$0x0] =	sbarrier.arrive $0xFFFF  }
0x4f: {  	[spmem:s2] =	stream.indirect.scatter.add.f32 [tilespmem:s12], [sflag:$0x1], $0x1, s31, s11, $0xb8;
	[tilespmem:$0x2D00] =	vst v63  }
0x50: {  	s24 =	simm.s32 $0x80  }
0x51: {  	[spmem:s2] =	stream.indirect.scatter.add.f32 [tilespmem:s12], [sflag:$0x1], $0x1, s24, s11, $0xb8;
	[tilespmem:$0x2D00] =	vst v63  }
0x52: {  	s25 =	simm.s32 $0x100  }
0x53: {  	[spmem:s2] =	stream.indirect.scatter.add.f32 [tilespmem:s12], [sflag:$0x1], $0x1, s25, s11, $0xb8;
	[tilespmem:$0x2D00] =	vst v63  }
0x54: {  	s26 =	simm.s32 $0x180  }
0x55: {  	[spmem:s2] =	stream.indirect.scatter.add.f32 [tilespmem:s12], [sflag:$0x1], $0x1, s26, s11, $0xb8;
	[tilespmem:$0x2D00] =	vst v63  }
0x56: {  	s28 =	simm.s32 $0x200  }
0x57: {  	[spmem:s2] =	stream.indirect.scatter.add.f32 [tilespmem:s12], [sflag:$0x1], $0x1, s28, s11, $0xb8;
	[tilespmem:$0x2D00] =	vst v63  }
0x58: {  	s29 =	simm.s32 $0x280  }
0x59: {  	[spmem:s2] =	stream.indirect.scatter.add.f32 [tilespmem:s12], [sflag:$0x1], $0x1, s29, s11, $0xb8;
	[tilespmem:$0x2D00] =	vst v63  }
0x5a: {  	s30 =	simm.s32 $0x300  }
0x5b: {  	[spmem:s2] =	stream.indirect.scatter.add.f32 [tilespmem:s12], [sflag:$0x1], $0x1, s30, s11, $0xb8;
	[tilespmem:$0x2D00] =	vst v63  }
0x5c: {  	s31 =	simm.s32 $0x380  }
0x5d: {  	[spmem:s2] =	stream.indirect.scatter.add.f32 [tilespmem:s12], [sflag:$0x1], $0x1, s31, s11, $0xb8;
	[tilespmem:$0x2D00] =	vst v63  }
0x5e: {  	_ =	swait.ge [sflag:s13], $0x80  }
0x5f: {  	[sflag:s13] =	ssyncset.done $0x0  }
0x60: {  	[sflag:s13] =	ssyncadd.s32 $0xFFFFFF80  }
0x61: {  	_ =	swait.ge [sflag:s13], $0x80  }
0x62: {  	[sflag:s13] =	ssyncset.done $0x0  }
0x63: {  	[sflag:s13] =	ssyncadd.s32 $0xFFFFFF80  }
0x64: {  	_ =	swait.ge [sflag:s13], $0x80  }
0x65: {  	[sflag:s13] =	ssyncset.done $0x0  }
0x66: {  	[sflag:s13] =	ssyncadd.s32 $0xFFFFFF80  }
0x67: {  	_ =	swait.ge [sflag:s13], $0x80  }
0x68: {  	[sflag:s13] =	ssyncset.done $0x0  }
0x69: {  	[sflag:s13] =	ssyncadd.s32 $0xFFFFFF80  }
0x6a: {  	_ =	swait.ge [sflag:s13], $0x80  }
0x6b: {  	[sflag:s13] =	ssyncset.done $0x0  }
0x6c: {  	[sflag:s13] =	ssyncadd.s32 $0xFFFFFF80  }
0x6d: {  	_ =	swait.ge [sflag:s13], $0x80  }
0x6e: {  	[sflag:s13] =	ssyncset.done $0x0  }
0x6f: {  	[sflag:s13] =	ssyncadd.s32 $0xFFFFFF80  }
0x70: {  	_ =	swait.ge [sflag:s13], $0x80  }
0x71: {  	[sflag:s13] =	ssyncset.done $0x0  }
0x72: {  	[sflag:s13] =	ssyncadd.s32 $0xFFFFFF80  }
0x73: {  	_ =	swait.ge [sflag:s13], $0x80  }
0x74: {  	s23 =	simm.s32 $0x1000;
	s25 =	simm.s32 $0x2000;
	[sflag:s13] =	ssyncset.done $0x0  }
.LBB2_2:
0x75: {  	s26 =	sshra.s32 s23, $0x2  }
0x76: {  	[sflag:s13] =	ssyncadd.s32 $0xFFFFFF80;
	s23 =	smov.u32 s25;
	s24 =	sadd.s32 $0x1000, s25  }
0x77: {  	[spmem:s2] =	stream.indirect.scatter.add.f32 [tilespmem:s12], [sflag:$0x1], $0x1, s26, s11, $0xb8;
	[tilespmem:$0x2D00] =	vst v63  }
0x78: {  	p1 =	sne.s32 s25, $0x8000;
	s25 =	sadd.s32 $0x80, s26  }
0x79: {  	[spmem:s2] =	stream.indirect.scatter.add.f32 [tilespmem:s12], [sflag:$0x1], $0x1, s25, s11, $0xb8;
	[tilespmem:$0x2D00] =	vst v63  }
0x7a: {  	s25 =	sadd.s32 $0x100, s26  }
0x7b: {  	[spmem:s2] =	stream.indirect.scatter.add.f32 [tilespmem:s12], [sflag:$0x1], $0x1, s25, s11, $0xb8;
	[tilespmem:$0x2D00] =	vst v63  }
0x7c: {  	s25 =	sadd.s32 $0x180, s26  }
0x7d: {  	[spmem:s2] =	stream.indirect.scatter.add.f32 [tilespmem:s12], [sflag:$0x1], $0x1, s25, s11, $0xb8;
	[tilespmem:$0x2D00] =	vst v63  }
0x7e: {  	s25 =	sadd.s32 $0x200, s26  }
0x7f: {  	[spmem:s2] =	stream.indirect.scatter.add.f32 [tilespmem:s12], [sflag:$0x1], $0x1, s25, s11, $0xb8;
	[tilespmem:$0x2D00] =	vst v63  }
0x80: {  	s25 =	sadd.s32 $0x280, s26  }
0x81: {  	[spmem:s2] =	stream.indirect.scatter.add.f32 [tilespmem:s12], [sflag:$0x1], $0x1, s25, s11, $0xb8;
	[tilespmem:$0x2D00] =	vst v63  }
0x82: {  	s25 =	sadd.s32 $0x300, s26  }
0x83: {  	[spmem:s2] =	stream.indirect.scatter.add.f32 [tilespmem:s12], [sflag:$0x1], $0x1, s25, s11, $0xb8;
	[tilespmem:$0x2D00] =	vst v63  }
0x84: {  	s25 =	sadd.s32 $0x380, s26  }
0x85: {  	[spmem:s2] =	stream.indirect.scatter.add.f32 [tilespmem:s12], [sflag:$0x1], $0x1, s25, s11, $0xb8;
	[tilespmem:$0x2D00] =	vst v63  }
0x86: {  	_ =	swait.ge [sflag:s13], $0x80  }
0x87: {  	[sflag:s13] =	ssyncset.done $0x0  }
0x88: {  	[sflag:s13] =	ssyncadd.s32 $0xFFFFFF80  }
0x89: {  	_ =	swait.ge [sflag:s13], $0x80  }
0x8a: {  	[sflag:s13] =	ssyncset.done $0x0  }
0x8b: {  	[sflag:s13] =	ssyncadd.s32 $0xFFFFFF80  }
0x8c: {  	_ =	swait.ge [sflag:s13], $0x80  }
0x8d: {  	[sflag:s13] =	ssyncset.done $0x0  }
0x8e: {  	[sflag:s13] =	ssyncadd.s32 $0xFFFFFF80  }
0x8f: {  	_ =	swait.ge [sflag:s13], $0x80  }
0x90: {  	[sflag:s13] =	ssyncset.done $0x0  }
0x91: {  	[sflag:s13] =	ssyncadd.s32 $0xFFFFFF80  }
0x92: {  	_ =	swait.ge [sflag:s13], $0x80  }
0x93: {  	[sflag:s13] =	ssyncset.done $0x0  }
0x94: {  	[sflag:s13] =	ssyncadd.s32 $0xFFFFFF80  }
0x95: {  	_ =	swait.ge [sflag:s13], $0x80  }
0x96: {  	[sflag:s13] =	ssyncset.done $0x0  }
0x97: {  	[sflag:s13] =	ssyncadd.s32 $0xFFFFFF80  }
.Ltmp0:
0x98: {  	_ =	swait.ge [sflag:s13], $0x80;
	(pc) =	sbr.rel @p1 .LBB2_2-.Ltmp0, $4  }
0x99: {  	[sflag:s13] =	ssyncset.done $0x0  }
0x9a: {  	[sflag:s13] =	ssyncadd.s32 $0xFFFFFF80  }
0x9b: {  	_ =	swait.ge [sflag:s13], $0x80  }
0x9c: {  	s25 =	smov.u32 s24;
	[sflag:s13] =	ssyncset.done $0x0  }
0x9d: {  	s23 =	sshra.s32 s23, $0x2;
	[sflag:s13] =	ssyncadd.s32 $0xFFFFFF80  }
0x9e: {  	[spmem:s2] =	stream.indirect.scatter.add.f32 [tilespmem:s12], [sflag:$0x1], $0x1, s23, s11, $0xb8;
	[tilespmem:$0x2D00] =	vst v63  }
0x9f: {  	s24 =	sadd.s32 $0x80, s23  }
0xa0: {  	[spmem:s2] =	stream.indirect.scatter.add.f32 [tilespmem:s12], [sflag:$0x1], $0x1, s24, s11, $0xb8;
	[tilespmem:$0x2D00] =	vst v63  }
0xa1: {  	s26 =	sadd.s32 $0x100, s23  }
0xa2: {  	[spmem:s2] =	stream.indirect.scatter.add.f32 [tilespmem:s12], [sflag:$0x1], $0x1, s26, s11, $0xb8;
	[tilespmem:$0x2D00] =	vst v63  }
0xa3: {  	s28 =	sadd.s32 $0x180, s23  }
0xa4: {  	[spmem:s2] =	stream.indirect.scatter.add.f32 [tilespmem:s12], [sflag:$0x1], $0x1, s28, s11, $0xb8;
	[tilespmem:$0x2D00] =	vst v63  }
0xa5: {  	s29 =	sadd.s32 $0x200, s23  }
0xa6: {  	[spmem:s2] =	stream.indirect.scatter.add.f32 [tilespmem:s12], [sflag:$0x1], $0x1, s29, s11, $0xb8;
	[tilespmem:$0x2D00] =	vst v63  }
0xa7: {  	s30 =	sadd.s32 $0x280, s23  }
0xa8: {  	[spmem:s2] =	stream.indirect.scatter.add.f32 [tilespmem:s12], [sflag:$0x1], $0x1, s30, s11, $0xb8;
	[tilespmem:$0x2D00] =	vst v63  }
0xa9: {  	s31 =	sadd.s32 $0x300, s23  }
0xaa: {  	[spmem:s2] =	stream.indirect.scatter.add.f32 [tilespmem:s12], [sflag:$0x1], $0x1, s31, s11, $0xb8;
	[tilespmem:$0x2D00] =	vst v63  }
0xab: {  	s23 =	sadd.s32 $0x380, s23  }
0xac: {  	[spmem:s2] =	stream.indirect.scatter.add.f32 [tilespmem:s12], [sflag:$0x1], $0x1, s23, s11, $0xb8;
	[tilespmem:$0x2D00] =	vst v63  }
0xad: {  	_ =	swait.ge [sflag:s13], $0x80  }
0xae: {  	[sflag:s13] =	ssyncset.done $0x0  }
0xaf: {  	[sflag:s13] =	ssyncadd.s32 $0xFFFFFF80  }
0xb0: {  	_ =	swait.ge [sflag:s13], $0x80  }
0xb1: {  	[sflag:s13] =	ssyncset.done $0x0  }
0xb2: {  	[sflag:s13] =	ssyncadd.s32 $0xFFFFFF80  }
0xb3: {  	_ =	swait.ge [sflag:s13], $0x80  }
0xb4: {  	[sflag:s13] =	ssyncset.done $0x0  }
0xb5: {  	[sflag:s13] =	ssyncadd.s32 $0xFFFFFF80  }
0xb6: {  	_ =	swait.ge [sflag:s13], $0x80  }
0xb7: {  	[sflag:s13] =	ssyncset.done $0x0  }
0xb8: {  	[sflag:s13] =	ssyncadd.s32 $0xFFFFFF80  }
0xb9: {  	_ =	swait.ge [sflag:s13], $0x80  }
0xba: {  	[sflag:s13] =	ssyncset.done $0x0  }
0xbb: {  	[sflag:s13] =	ssyncadd.s32 $0xFFFFFF80  }
0xbc: {  	_ =	swait.ge [sflag:s13], $0x80  }
0xbd: {  	[sflag:s13] =	ssyncset.done $0x0  }
0xbe: {  	[sflag:s13] =	ssyncadd.s32 $0xFFFFFF80  }
0xbf: {  	_ =	swait.ge [sflag:s13], $0x80  }
0xc0: {  	[sflag:s13] =	ssyncset.done $0x0  }
0xc1: {  	[sflag:s13] =	ssyncadd.s32 $0xFFFFFF80  }
0xc2: {  	_ =	swait.ge [sflag:s13], $0x80  }
0xc3: {  	[sflag:s13] =	ssyncset.done $0x0  }
0xc4: {  	[sflag:s13] =	ssyncadd.s32 $0xFFFFFF80  }
0xc5: {  	[spmem:s2] =	stream.indirect.scatter.add.f32 [tilespmem:s12], [sflag:$0x1], $0x1, s14, s11, $0xb8;
	[tilespmem:$0x2D00] =	vst v63  }
0xc6: {  	_ = 	snop  }
0xc7: {  	[spmem:s2] =	stream.indirect.scatter.add.f32 [tilespmem:s12], [sflag:$0x1], $0x1, s15, s11, $0xb8;
	[tilespmem:$0x2D00] =	vst v63  }
0xc8: {  	_ = 	snop  }
0xc9: {  	[spmem:s2] =	stream.indirect.scatter.add.f32 [tilespmem:s12], [sflag:$0x1], $0x1, s16, s11, $0xb8;
	[tilespmem:$0x2D00] =	vst v63  }
0xca: {  	_ = 	snop  }
0xcb: {  	[spmem:s2] =	stream.indirect.scatter.add.f32 [tilespmem:s12], [sflag:$0x1], $0x1, s17, s11, $0xb8;
	[tilespmem:$0x2D00] =	vst v63  }
0xcc: {  	_ = 	snop  }
0xcd: {  	[spmem:s2] =	stream.indirect.scatter.add.f32 [tilespmem:s12], [sflag:$0x1], $0x1, s18, s11, $0xb8;
	[tilespmem:$0x2D00] =	vst v63  }
0xce: {  	_ = 	snop  }
0xcf: {  	[spmem:s2] =	stream.indirect.scatter.add.f32 [tilespmem:s12], [sflag:$0x1], $0x1, s19, s11, $0xb8;
	[tilespmem:$0x2D00] =	vst v63  }
0xd0: {  	s25 =	simm.s32 @!p0 $0x2780;
	s24 =	simm.s32 @!p0 $0x2700;
	s23 =	simm.s32 @!p0 $0x80  }
0xd1: {  	[spmem:s2] =	stream.indirect.scatter.add.f32 @!p0 [tilespmem:s25], [sflag:$0x1], $0x1, s24, s23, $0xb8;
	[tilespmem:$0x2D00] =	vst v63  }
0xd2: {  	_ =	swait.ge [sflag:s13], $0x80  }
0xd3: {  	[sflag:s13] =	ssyncset.done $0x0  }
0xd4: {  	[sflag:s13] =	ssyncadd.s32 $0xFFFFFF80  }
0xd5: {  	_ =	swait.ge [sflag:s13], $0x80  }
0xd6: {  	[sflag:s13] =	ssyncset.done $0x0  }
0xd7: {  	[sflag:s13] =	ssyncadd.s32 $0xFFFFFF80  }
0xd8: {  	_ =	swait.ge [sflag:s13], $0x80  }
0xd9: {  	[sflag:s13] =	ssyncset.done $0x0  }
0xda: {  	[sflag:s13] =	ssyncadd.s32 $0xFFFFFF80  }
0xdb: {  	_ =	swait.ge [sflag:s13], $0x80  }
0xdc: {  	[sflag:s13] =	ssyncset.done $0x0  }
0xdd: {  	[sflag:s13] =	ssyncadd.s32 $0xFFFFFF80  }
0xde: {  	_ =	swait.ge [sflag:s13], $0x80  }
0xdf: {  	[sflag:s13] =	ssyncset.done $0x0  }
0xe0: {  	[sflag:s13] =	ssyncadd.s32 $0xFFFFFF80  }
0xe1: {  	_ =	swait.ge [sflag:s13], $0x80  }
0xe2: {  	[sflag:s13] =	ssyncset.done $0x0  }
0xe3: {  	s23 =	simm.s32 @!p0 $0x1;
	[sflag:s13] =	ssyncadd.s32 $0xFFFFFF80  }
0xe4: {  	_ =	swait.ge @!p0 [sflag:s23], $0x80  }
0xe5: {  	s22 =	sadd.s32 $0x1, s22;
	[sflag:s23] =	ssyncset.done @!p0 $0x0  }
0xe6: {  	p1 =	sne.s32 s22, s8;
	[sflag:s23] =	ssyncadd.s32 @!p0 $0xFFFFFF80  }
.Ltmp1:
0xe7: {  	[bflag:$0x0] =	sbarrier.arrive $0xFFFF;
	(pc) =	sbr.rel @p1 .LBB2_1-.Ltmp1, $4  }
0xe8: {  	[hbm:s7], [sflag:s20] =	dma.local [spmem:s21], $0x50  }
0xe9: {  	_ =	swait.ge [sflag:s10], $0x50  }
0xea: {  	[sflag:s10] =	ssyncset.done $0x0  }
0xeb: {  	[sflag:s10] =	ssyncadd.s32 $0xFFFFFFB0  }
0xec: {  	_ =	sfence.sel $0x180000  }
0xed: {  	[bflag:$0x0] =	sbarrier.arrive $0xFFFF  }
0xee: {  	p0 =	sne.s32 s0, $0x0;
	_ =	strace $0x90000047  }
0xef: {  	s0 =	sadd.s32 @!p0 $0x100000, s1;
	[bflag:$0x2] =	sbarrier.arrive $0xFFFF  }
0xf0: {  	[sflag:s0] =	ssyncadd.tile.s32 @!p0 $0x1;
	_ =	shalt  }
.Lfunc_end2:
_tile_overlayer_lowered:
.L_overlay_start_2:
0xf1: {  	(tag) =	ssettag $0x2  }
0xf2: {  	s0 =	rddreg [dreg:$0x0];
	s2 =	stileid.u32  }
0xf3: {  	s1 =	rddreg [dreg:$0x1];
	p0 =	sne.s32 s2, $0x0  }
0xf4: {  	s3 =	rddreg [dreg:$0x2];
	[bflag:$0x3] =	sbarrier.arrive $0xFFFF;
	s2 =	simm.s32 @!p0 $0x1C02  }
0xf5: {  	[timem:s3], [sflag:s2] =	dma.local @!p0 [hbm:s0], s1  }
0xf6: {  	s0 =	simm.s32 @!p0 $0x2  }
0xf7: {  	_ =	swait.ge @!p0 [sflag:s0], s1  }
0xf8: {  	s1 =	ssub.s32 @!p0 $0x0, s1;
	[sflag:s0] =	ssyncset.done @!p0 $0x0  }
0xf9: {  	[sflag:s0] =	ssyncadd.s32 @!p0 s1  }
0xfa: {  	[bflag:$0x3] =	sbarrier.arrive $0xFFFF  }
0xfb: {  	_ =	shalt  }

</sc_bundles>
